<compile_context>
chip_gen: v7x
topology: tpu7x:2x2x1
jax: 0.10.2.dev20260603
libtpu: 0.0.44.dev20260713+nightly
codegen_flags: <defaults>
</compile_context>

<pallas_src>
import jax
import jax.numpy as jnp
from jax import lax
from jax.experimental import pallas as pl
from jax.experimental.pallas import tpu as pltpu
from jax.experimental.pallas import tpu_sc as plsc

N_ATOMS = 10000
N_PAIRS = 320000
C = 128
H = C // 2
NSUB = 16
EDGES_PER_SUB = N_PAIRS // NSUB
K = 16
CPB = 5
BK = K * CPB
NBLK = EDGES_PER_SUB // BK
NCHUNK = EDGES_PER_SUB // K
ROWS_PER_SUB = N_ATOMS // NSUB
WB = 5
NWB = ROWS_PER_SUB // WB


def _sc_call(i2d, j2d, p3h0, p3h1, i1r, d3):
    mesh = plsc.VectorSubcoreMesh(core_axis_name="c", subcore_axis_name="s")

    def body(i2d_hbm, j2d_hbm, p3h0_hbm, p3h1_hbm, i1r_hbm, d3_hbm,
             ph_out, dot_out,
             acc,
             rows0, rows1, i1h0, i1h1,
             iblk0, iblk1, jblk0, jblk1, d3blk,
             siidx0, siidx1,
             sixb0, sixb1, sdat0, sdat1, ssc0, ssc1):
        c = lax.axis_index("c")
        s = lax.axis_index("s")
        rows = (rows0, rows1)
        i1h = (i1h0, i1h1)
        iblk = (iblk0, iblk1)
        jblk = (jblk0, jblk1)
        siidx = (siidx0, siidx1)
        sixb = (sixb0, sixb1)
        sdat = (sdat0, sdat1)
        ssc = (ssc0, ssc1)

        def issue_blk(B, bp):
            row = s * NBLK + B
            pltpu.async_copy(i2d_hbm.at[row], iblk[bp], sixb[bp])
            pltpu.async_copy(j2d_hbm.at[row], jblk[bp], sixb[bp])

        def wait_blk(bp):
            pltpu.make_async_copy(i2d_hbm.at[0], iblk[bp], sixb[bp]).wait()
            pltpu.make_async_copy(j2d_hbm.at[0], jblk[bp], sixb[bp]).wait()

        def issue_data(n, p, bp, u):
            e0 = (s * NCHUNK + n) * K
            jslice = jblk[bp].at[u]

            @pl.when(c == 0)
            def _():
                pltpu.async_copy(p3h0_hbm.at[jslice], rows[p], sdat[p])

            @pl.when(c == 1)
            def _():
                pltpu.async_copy(p3h1_hbm.at[jslice], rows[p], sdat[p])

            pltpu.async_copy(i1r_hbm.at[pl.ds(e0, K), c], i1h[p], sdat[p])

        def wait_data(p):
            @pl.when(c == 0)
            def _():
                pltpu.make_async_copy(
                    p3h0_hbm.at[jblk0.at[0]], rows[p],
                    sdat[p]).wait()

            @pl.when(c == 1)
            def _():
                pltpu.make_async_copy(
                    p3h1_hbm.at[jblk0.at[0]], rows[p],
                    sdat[p]).wait()

            pltpu.make_async_copy(
                i1r_hbm.at[pl.ds(0, K), c], i1h[p], sdat[p]).wait()

        def wait_scatter(p):
            pltpu.make_async_copy(rows[p], acc.at[siidx[p]], ssc[p]).wait()

        def compute(p, u):
            rv = rows[p]
            iv = i1h[p]

            def edge(k, ecarry):
                ws = [iv[k, pl.ds(b * 16, 16)] for b in range(4)]
                kk = jnp.full((16,), u * K + k, jnp.int32)
                for x in range(3):
                    dsc = plsc.load_gather(
                        d3blk, [kk, jnp.full((16,), x, jnp.int32)])
                    for b in range(4):
                        r = rv[k, x, pl.ds(b * 16, 16)]
                        rv[k, x, pl.ds(b * 16, 16)] = ws[b] * (r + dsc)
                return ecarry
            lax.fori_loop(0, K, edge, 0)

        def sub(B, u, bp):
            n = B * CPB + u
            p = (u + bp) & 1
            q = 1 - p

            if u == 0:
                @pl.when(n >= 1)
                def _():
                    wait_scatter(q)
            else:
                wait_scatter(q)

            if u < CPB - 1:
                issue_data(n + 1, q, bp, u + 1)
            else:
                @pl.when(n < NCHUNK - 1)
                def _():
                    wait_blk(1 - bp)
                    issue_data(n + 1, q, 1 - bp, 0)

            wait_data(p)
            compute(p, u)
            siidx[p][pl.ds(0, K)] = iblk[bp][u, pl.ds(0, K)]
            pltpu.async_copy(rows[p], acc.at[siidx[p]], ssc[p], add=True)

        def block(B, bp):
            pltpu.sync_copy(d3_hbm.at[pl.ds((s * NBLK + B) * BK, BK)], d3blk)
            for u in range(CPB):
                sub(B, u, bp)

            @pl.when(B + 2 <= NBLK - 1)
            def _():
                issue_blk(B + 2, bp)

        def zrow(k, carry):
            for x in range(3):
                for b in range(4):
                    rows0[k, x, pl.ds(b * 16, 16)] = jnp.zeros((16,), jnp.float32)
            return carry
        lax.fori_loop(0, K, zrow, 0)

        def zblk(t, carry):
            pltpu.sync_copy(rows0, acc.at[pl.ds(s * ROWS_PER_SUB + t * K, K)])
            return carry
        lax.fori_loop(0, ROWS_PER_SUB // K, zblk, 0)
        pltpu.sync_copy(rows0.at[pl.ds(0, 1)],
                        acc.at[pl.ds(s * ROWS_PER_SUB + 624, 1)])
        plsc.subcore_barrier()

        issue_blk(0, 0)
        issue_blk(1, 1)
        wait_blk(0)
        issue_data(0, 0, 0, 0)

        def pipe(G, carry):
            block(2 * G, 0)
            block(2 * G + 1, 1)
            return carry
        lax.fori_loop(0, NBLK // 2, pipe, 0)
        wait_scatter(1)
        plsc.subcore_barrier()

        def wblk(t, carry):
            r0 = s * ROWS_PER_SUB + t * WB
            pltpu.sync_copy(acc.at[pl.ds(r0, WB)], rows0.at[pl.ds(0, WB)])
            pltpu.sync_copy(rows0.at[pl.ds(0, WB)], ph_out.at[c, pl.ds(r0, WB)])

            def drow(k, kcarry):
                for b in range(4):
                    a0 = rows0[k, 0, pl.ds(b * 16, 16)]
                    a1 = rows0[k, 1, pl.ds(b * 16, 16)]
                    a2 = rows0[k, 2, pl.ds(b * 16, 16)]
                    i1h0[k, pl.ds(b * 16, 16)] = a0 * a0 + a1 * a1 + a2 * a2
                return kcarry
            lax.fori_loop(0, WB, drow, 0)
            pltpu.sync_copy(i1h0.at[pl.ds(0, WB)], dot_out.at[c, pl.ds(r0, WB)])
            return carry
        lax.fori_loop(0, NWB, wblk, 0)

    fn = pl.kernel(
        body,
        out_type=(
            jax.ShapeDtypeStruct((2, N_ATOMS, 3, H), jnp.float32),
            jax.ShapeDtypeStruct((2, N_ATOMS, H), jnp.float32),
        ),
        mesh=mesh,
        compiler_params=pltpu.CompilerParams(
            use_tc_tiling_on_sc=False, needs_layout_passes=False),
        scratch_types=(
            pltpu.VMEM_SHARED((N_ATOMS, 3, H), jnp.float32),
            pltpu.VMEM((K, 3, H), jnp.float32),
            pltpu.VMEM((K, 3, H), jnp.float32),
            pltpu.VMEM((K, H), jnp.float32),
            pltpu.VMEM((K, H), jnp.float32),
            pltpu.VMEM((CPB, K), jnp.int32),
            pltpu.VMEM((CPB, K), jnp.int32),
            pltpu.VMEM((CPB, K), jnp.int32),
            pltpu.VMEM((CPB, K), jnp.int32),
            pltpu.VMEM((BK, 3), jnp.float32),
            pltpu.VMEM((K,), jnp.int32),
            pltpu.VMEM((K,), jnp.int32),
            pltpu.SemaphoreType.DMA,
            pltpu.SemaphoreType.DMA,
            pltpu.SemaphoreType.DMA,
            pltpu.SemaphoreType.DMA,
            pltpu.SemaphoreType.DMA,
            pltpu.SemaphoreType.DMA,
        ),
    )
    return fn(i2d, j2d, p3h0, p3h1, i1r, d3)


def kernel(ind_2, p3, i1, d3):
    i2d = ind_2[:, 0].reshape(N_PAIRS // BK, CPB, K)
    j2d = ind_2[:, 1].reshape(N_PAIRS // BK, CPB, K)
    p3h0 = p3[:, :, :H]
    p3h1 = p3[:, :, H:]
    i1r = i1.reshape(N_PAIRS, 2, H)
    ph, dt = _sc_call(i2d, j2d, p3h0, p3h1, i1r, d3)
    p3_new = jnp.concatenate([ph[0], ph[1]], axis=-1)
    dotted = jnp.concatenate([dt[0], dt[1]], axis=-1)
    return (p3_new, dotted)

# --- scband reference (transcript-rebuilt; emitter-appended) ---
"""Pipeline reference for scband-equivar-layer-torch-5196910428400 (READ-ONLY COPY).

The authoritative reference and input builder live on the scoring server;
editing this copy changes nothing except your own understanding.
"""

import jax, jax.numpy as jnp
import numpy as np

N_ATOMS = 10000
N_PAIRS = 320000
C = 128


def setup_inputs(seed: int = 0) -> dict:
    key = jax.random.key(seed)
    k1, k2, k3, k4 = jax.random.split(key, 4)
    ind_2 = jax.random.randint(k1, (N_PAIRS, 2), 0, N_ATOMS, dtype=jnp.int32)
    p3 = jax.random.normal(k2, (N_ATOMS, 3, C), dtype=jnp.float32)
    i1 = jax.random.normal(k3, (N_PAIRS, C), dtype=jnp.float32)
    d3 = jax.random.normal(k4, (N_PAIRS, 3), dtype=jnp.float32)
    return {"ind_2": ind_2, "p3": p3, "i1": i1, "d3": d3}


def reference(ind_2, p3, i1, d3):
    # PIXLayer: gather j-side atom tensor to pairs
    i = ind_2[:, 0]
    j = ind_2[:, 1]
    ix = jnp.take(p3, j, axis=0)            # (E, 3, C)
    # ScaleLayer: multiply by pair gate i1 along channel dim
    ix = ix * i1[:, None, :]                # (E, 3, C)
    # lift_dir: add direction-lifted gated message
    ix = ix + d3[:, :, None] * i1[:, None, :]
    # IPLayerEq: scatter-add onto receiver atoms i
    p3_new = jnp.zeros((p3.shape[0], ix.shape[1], ix.shape[2]), dtype=ix.dtype)
    p3_new = p3_new.at[i].add(ix)           # (N, 3, C)
    # pp is Identity (pp_nodes=[])
    # DotLayer: einsum('ixr,ixr->ir')
    dotted = jnp.einsum('ixr,ixr->ir', p3_new, p3_new)
    return (p3_new, dotted)

if __name__ == "__main__":
    import jax
    _d = setup_inputs()
    print(jax.jit(kernel)(*tuple(_d.values())))

</pallas_src>

<mosaic_0001>
#map = affine_map<(d0, d1) -> (0, 0, 0)>
#map1 = affine_map<(d0, d1) -> (0, 0)>
#map2 = affine_map<(d0, d1) -> (0, 0, 0, 0)>
module attributes {stable_mosaic.version = 14 : i64} {
  func.func @body(%arg0: i32, %arg1: i32, %arg2: memref<4000x5x16xi32, #tpu.memory_space<hbm>>, %arg3: memref<4000x5x16xi32, #tpu.memory_space<hbm>>, %arg4: memref<10000x3x64xf32, #tpu.memory_space<hbm>>, %arg5: memref<10000x3x64xf32, #tpu.memory_space<hbm>>, %arg6: memref<320000x2x64xf32, #tpu.memory_space<hbm>>, %arg7: memref<320000x3xf32, #tpu.memory_space<hbm>>, %arg8: memref<2x10000x3x64xf32, #tpu.memory_space<hbm>>, %arg9: memref<2x10000x64xf32, #tpu.memory_space<hbm>>, %arg10: memref<10000x3x64xf32, #tpu.memory_space<vmem_shared>>, %arg11: memref<16x3x64xf32, #tpu.memory_space<vmem>>, %arg12: memref<16x3x64xf32, #tpu.memory_space<vmem>>, %arg13: memref<16x64xf32, #tpu.memory_space<vmem>>, %arg14: memref<16x64xf32, #tpu.memory_space<vmem>>, %arg15: memref<5x16xi32, #tpu.memory_space<vmem>>, %arg16: memref<5x16xi32, #tpu.memory_space<vmem>>, %arg17: memref<5x16xi32, #tpu.memory_space<vmem>>, %arg18: memref<5x16xi32, #tpu.memory_space<vmem>>, %arg19: memref<80x3xf32, #tpu.memory_space<vmem>>, %arg20: memref<16xi32, #tpu.memory_space<vmem>>, %arg21: memref<16xi32, #tpu.memory_space<vmem>>, %arg22: memref<!tpu.dma_semaphore, #tpu.memory_space<semaphore_mem>>, %arg23: memref<!tpu.dma_semaphore, #tpu.memory_space<semaphore_mem>>, %arg24: memref<!tpu.dma_semaphore, #tpu.memory_space<semaphore_mem>>, %arg25: memref<!tpu.dma_semaphore, #tpu.memory_space<semaphore_mem>>, %arg26: memref<!tpu.dma_semaphore, #tpu.memory_space<semaphore_mem>>, %arg27: memref<!tpu.dma_semaphore, #tpu.memory_space<semaphore_mem>>) attributes {dimension_semantics = [#tpu.dimension_semantics<core_parallel>, #tpu.dimension_semantics<subcore_parallel>], iteration_bounds = array<i64: 2, 16>, scalar_prefetch = 0 : i64, scratch_operands = 18 : i64, tpu.core_type = #tpu.core_type<sc_vector_subcore>, window_params = [{transform_indices = #map}, {transform_indices = #map}, {transform_indices = #map}, {transform_indices = #map}, {transform_indices = #map}, {transform_indices = #map1}, {transform_indices = #map2}, {transform_indices = #map}]} {
    %scan3A = arith.constant 0 : i32
    %scan3A_0 = arith.constant 0 : i32
    %scan3A_1 = arith.constant 16 : i32
    %scan3A_2 = arith.addi %scan3A_0, %scan3A_1 : i32
    %scan3A_3 = arith.constant 1 : i32
    scf.for %scan3A_107 = %scan3A_0 to %scan3A_2 step %scan3A_3  : i32 {
      %broadcast_in_dim3A = arith.constant 0.000000e+00 : f32
      %broadcast_in_dim3A_108 = vector.broadcast %broadcast_in_dim3A : f32 to vector<16xf32>
      %swap3A = arith.constant 0 : i32
      %swap3A_109 = arith.index_cast %scan3A_107 : i32 to index
      %swap3A_110 = arith.index_cast %swap3A : i32 to index
      %swap3A_111 = arith.constant 0 : index
      %swap3A_112 = tpu.vector_load %arg11[%swap3A_109, %swap3A_110, %swap3A_111] {strides = array<i32>} : memref<16x3x64xf32, #tpu.memory_space<vmem>>, vector<16xf32>,
      tpu.vector_store %arg11[%swap3A_109, %swap3A_110, %swap3A_111], %broadcast_in_dim3A_108 {strides = array<i32>} : memref<16x3x64xf32, #tpu.memory_space<vmem>>, vector<16xf32>,
      %broadcast_in_dim3A_113 = arith.constant 0.000000e+00 : f32
      %broadcast_in_dim3A_114 = vector.broadcast %broadcast_in_dim3A_113 : f32 to vector<16xf32>
      %swap3A_115 = arith.constant 0 : i32
      %swap3A_116 = arith.index_cast %scan3A_107 : i32 to index
      %swap3A_117 = arith.index_cast %swap3A_115 : i32 to index
      %swap3A_118 = arith.constant 16 : index
      %swap3A_119 = tpu.vector_load %arg11[%swap3A_116, %swap3A_117, %swap3A_118] {strides = array<i32>} : memref<16x3x64xf32, #tpu.memory_space<vmem>>, vector<16xf32>,
      tpu.vector_store %arg11[%swap3A_116, %swap3A_117, %swap3A_118], %broadcast_in_dim3A_114 {strides = array<i32>} : memref<16x3x64xf32, #tpu.memory_space<vmem>>, vector<16xf32>,
      %broadcast_in_dim3A_120 = arith.constant 0.000000e+00 : f32
      %broadcast_in_dim3A_121 = vector.broadcast %broadcast_in_dim3A_120 : f32 to vector<16xf32>
      %swap3A_122 = arith.constant 0 : i32
      %swap3A_123 = arith.index_cast %scan3A_107 : i32 to index
      %swap3A_124 = arith.index_cast %swap3A_122 : i32 to index
      %swap3A_125 = arith.constant 32 : index
      %swap3A_126 = tpu.vector_load %arg11[%swap3A_123, %swap3A_124, %swap3A_125] {strides = array<i32>} : memref<16x3x64xf32, #tpu.memory_space<vmem>>, vector<16xf32>,
      tpu.vector_store %arg11[%swap3A_123, %swap3A_124, %swap3A_125], %broadcast_in_dim3A_121 {strides = array<i32>} : memref<16x3x64xf32, #tpu.memory_space<vmem>>, vector<16xf32>,
      %broadcast_in_dim3A_127 = arith.constant 0.000000e+00 : f32
      %broadcast_in_dim3A_128 = vector.broadcast %broadcast_in_dim3A_127 : f32 to vector<16xf32>
      %swap3A_129 = arith.constant 0 : i32
      %swap3A_130 = arith.index_cast %scan3A_107 : i32 to index
      %swap3A_131 = arith.index_cast %swap3A_129 : i32 to index
      %swap3A_132 = arith.constant 48 : index
      %swap3A_133 = tpu.vector_load %arg11[%swap3A_130, %swap3A_131, %swap3A_132] {strides = array<i32>} : memref<16x3x64xf32, #tpu.memory_space<vmem>>, vector<16xf32>,
      tpu.vector_store %arg11[%swap3A_130, %swap3A_131, %swap3A_132], %broadcast_in_dim3A_128 {strides = array<i32>} : memref<16x3x64xf32, #tpu.memory_space<vmem>>, vector<16xf32>,
      %broadcast_in_dim3A_134 = arith.constant 0.000000e+00 : f32
      %broadcast_in_dim3A_135 = vector.broadcast %broadcast_in_dim3A_134 : f32 to vector<16xf32>
      %swap3A_136 = arith.constant 1 : i32
      %swap3A_137 = arith.index_cast %scan3A_107 : i32 to index
      %swap3A_138 = arith.index_cast %swap3A_136 : i32 to index
      %swap3A_139 = arith.constant 0 : index
      %swap3A_140 = tpu.vector_load %arg11[%swap3A_137, %swap3A_138, %swap3A_139] {strides = array<i32>} : memref<16x3x64xf32, #tpu.memory_space<vmem>>, vector<16xf32>,
      tpu.vector_store %arg11[%swap3A_137, %swap3A_138, %swap3A_139], %broadcast_in_dim3A_135 {strides = array<i32>} : memref<16x3x64xf32, #tpu.memory_space<vmem>>, vector<16xf32>,
      %broadcast_in_dim3A_141 = arith.constant 0.000000e+00 : f32
      %broadcast_in_dim3A_142 = vector.broadcast %broadcast_in_dim3A_141 : f32 to vector<16xf32>
      %swap3A_143 = arith.constant 1 : i32
      %swap3A_144 = arith.index_cast %scan3A_107 : i32 to index
      %swap3A_145 = arith.index_cast %swap3A_143 : i32 to index
      %swap3A_146 = arith.constant 16 : index
      %swap3A_147 = tpu.vector_load %arg11[%swap3A_144, %swap3A_145, %swap3A_146] {strides = array<i32>} : memref<16x3x64xf32, #tpu.memory_space<vmem>>, vector<16xf32>,
      tpu.vector_store %arg11[%swap3A_144, %swap3A_145, %swap3A_146], %broadcast_in_dim3A_142 {strides = array<i32>} : memref<16x3x64xf32, #tpu.memory_space<vmem>>, vector<16xf32>,
      %broadcast_in_dim3A_148 = arith.constant 0.000000e+00 : f32
      %broadcast_in_dim3A_149 = vector.broadcast %broadcast_in_dim3A_148 : f32 to vector<16xf32>
      %swap3A_150 = arith.constant 1 : i32
      %swap3A_151 = arith.index_cast %scan3A_107 : i32 to index
      %swap3A_152 = arith.index_cast %swap3A_150 : i32 to index
      %swap3A_153 = arith.constant 32 : index
      %swap3A_154 = tpu.vector_load %arg11[%swap3A_151, %swap3A_152, %swap3A_153] {strides = array<i32>} : memref<16x3x64xf32, #tpu.memory_space<vmem>>, vector<16xf32>,
      tpu.vector_store %arg11[%swap3A_151, %swap3A_152, %swap3A_153], %broadcast_in_dim3A_149 {strides = array<i32>} : memref<16x3x64xf32, #tpu.memory_space<vmem>>, vector<16xf32>,
      %broadcast_in_dim3A_155 = arith.constant 0.000000e+00 : f32
      %broadcast_in_dim3A_156 = vector.broadcast %broadcast_in_dim3A_155 : f32 to vector<16xf32>
      %swap3A_157 = arith.constant 1 : i32
      %swap3A_158 = arith.index_cast %scan3A_107 : i32 to index
      %swap3A_159 = arith.index_cast %swap3A_157 : i32 to index
      %swap3A_160 = arith.constant 48 : index
      %swap3A_161 = tpu.vector_load %arg11[%swap3A_158, %swap3A_159, %swap3A_160] {strides = array<i32>} : memref<16x3x64xf32, #tpu.memory_space<vmem>>, vector<16xf32>,
      tpu.vector_store %arg11[%swap3A_158, %swap3A_159, %swap3A_160], %broadcast_in_dim3A_156 {strides = array<i32>} : memref<16x3x64xf32, #tpu.memory_space<vmem>>, vector<16xf32>,
      %broadcast_in_dim3A_162 = arith.constant 0.000000e+00 : f32
      %broadcast_in_dim3A_163 = vector.broadcast %broadcast_in_dim3A_162 : f32 to vector<16xf32>
      %swap3A_164 = arith.constant 2 : i32
      %swap3A_165 = arith.index_cast %scan3A_107 : i32 to index
      %swap3A_166 = arith.index_cast %swap3A_164 : i32 to index
      %swap3A_167 = arith.constant 0 : index
      %swap3A_168 = tpu.vector_load %arg11[%swap3A_165, %swap3A_166, %swap3A_167] {strides = array<i32>} : memref<16x3x64xf32, #tpu.memory_space<vmem>>, vector<16xf32>,
      tpu.vector_store %arg11[%swap3A_165, %swap3A_166, %swap3A_167], %broadcast_in_dim3A_163 {strides = array<i32>} : memref<16x3x64xf32, #tpu.memory_space<vmem>>, vector<16xf32>,
      %broadcast_in_dim3A_169 = arith.constant 0.000000e+00 : f32
      %broadcast_in_dim3A_170 = vector.broadcast %broadcast_in_dim3A_169 : f32 to vector<16xf32>
      %swap3A_171 = arith.constant 2 : i32
      %swap3A_172 = arith.index_cast %scan3A_107 : i32 to index
      %swap3A_173 = arith.index_cast %swap3A_171 : i32 to index
      %swap3A_174 = arith.constant 16 : index
      %swap3A_175 = tpu.vector_load %arg11[%swap3A_172, %swap3A_173, %swap3A_174] {strides = array<i32>} : memref<16x3x64xf32, #tpu.memory_space<vmem>>, vector<16xf32>,
      tpu.vector_store %arg11[%swap3A_172, %swap3A_173, %swap3A_174], %broadcast_in_dim3A_170 {strides = array<i32>} : memref<16x3x64xf32, #tpu.memory_space<vmem>>, vector<16xf32>,
      %broadcast_in_dim3A_176 = arith.constant 0.000000e+00 : f32
      %broadcast_in_dim3A_177 = vector.broadcast %broadcast_in_dim3A_176 : f32 to vector<16xf32>
      %swap3A_178 = arith.constant 2 : i32
      %swap3A_179 = arith.index_cast %scan3A_107 : i32 to index
      %swap3A_180 = arith.index_cast %swap3A_178 : i32 to index
      %swap3A_181 = arith.constant 32 : index
      %swap3A_182 = tpu.vector_load %arg11[%swap3A_179, %swap3A_180, %swap3A_181] {strides = array<i32>} : memref<16x3x64xf32, #tpu.memory_space<vmem>>, vector<16xf32>,
      tpu.vector_store %arg11[%swap3A_179, %swap3A_180, %swap3A_181], %broadcast_in_dim3A_177 {strides = array<i32>} : memref<16x3x64xf32, #tpu.memory_space<vmem>>, vector<16xf32>,
      %broadcast_in_dim3A_183 = arith.constant 0.000000e+00 : f32
      %broadcast_in_dim3A_184 = vector.broadcast %broadcast_in_dim3A_183 : f32 to vector<16xf32>
      %swap3A_185 = arith.constant 2 : i32
      %swap3A_186 = arith.index_cast %scan3A_107 : i32 to index
      %swap3A_187 = arith.index_cast %swap3A_185 : i32 to index
      %swap3A_188 = arith.constant 48 : index
      %swap3A_189 = tpu.vector_load %arg11[%swap3A_186, %swap3A_187, %swap3A_188] {strides = array<i32>} : memref<16x3x64xf32, #tpu.memory_space<vmem>>, vector<16xf32>,
      tpu.vector_store %arg11[%swap3A_186, %swap3A_187, %swap3A_188], %broadcast_in_dim3A_184 {strides = array<i32>} : memref<16x3x64xf32, #tpu.memory_space<vmem>>, vector<16xf32>,
    }
    %scan3A_4 = arith.constant 16 : i32
    %scan3A_5 = arith.constant 0 : i32
    %scan3A_6 = arith.constant 0 : i32
    %scan3A_7 = arith.constant 39 : i32
    %scan3A_8 = arith.addi %scan3A_6, %scan3A_7 : i32
    %scan3A_9 = arith.constant 1 : i32
    scf.for %scan3A_107 = %scan3A_6 to %scan3A_8 step %scan3A_9  : i32 {
      %mul3A_108 = arith.constant 625 : i32
      %mul3A_109 = arith.muli %arg1, %mul3A_108 : i32
      %mul3A_110 = arith.constant 16 : i32
      %mul3A_111 = arith.muli %scan3A_107, %mul3A_110 : i32
      %add3A_112 = arith.addi %mul3A_109, %mul3A_111 : i32
      "tpu.region"() ({
        %run_scoped3A = tpu.sem_alloc : memref<!tpu.dma_semaphore, #tpu.memory_space<semaphore_mem>>
        %dma_start3A_113 = arith.constant 0 : i32
        %dma_start3A_114 = arith.constant 0 : i32
        %dma_start3A_115 = tpu.memref_slice %arg10[%add3A_112, %dma_start3A_113, %dma_start3A_114] : memref<10000x3x64xf32, #tpu.memory_space<vmem_shared>> -> memref<16x3x64xf32, #tpu.memory_space<vmem_shared>>
        %dma_start3A_116 = arith.constant 0 : i32
        %dma_start3A_117 = arith.constant 0 : i32
        %dma_start3A_118 = tpu.memref_slice %arg10[%add3A_112, %dma_start3A_116, %dma_start3A_117] : memref<10000x3x64xf32, #tpu.memory_space<vmem_shared>> -> memref<16x3x64xf32, #tpu.memory_space<vmem_shared>>
        tpu.enqueue_dma source(%arg11 : memref<16x3x64xf32, #tpu.memory_space<vmem>>) target(%dma_start3A_118 : memref<16x3x64xf32, #tpu.memory_space<vmem_shared>>) target_semaphore(%run_scoped3A : memref<!tpu.dma_semaphore, #tpu.memory_space<semaphore_mem>>)
        %dma_wait3A_119 = arith.constant 0 : i32
        %dma_wait3A_120 = arith.constant 0 : i32
        %dma_wait3A_121 = tpu.memref_slice %arg10[%add3A_112, %dma_wait3A_119, %dma_wait3A_120] : memref<10000x3x64xf32, #tpu.memory_space<vmem_shared>> -> memref<16x3x64xf32, #tpu.memory_space<vmem_shared>>
        %dma_wait3A_122 = arith.constant 0 : i32
        %dma_wait3A_123 = arith.constant 0 : i32
        %dma_wait3A_124 = tpu.memref_slice %arg10[%add3A_112, %dma_wait3A_122, %dma_wait3A_123] : memref<10000x3x64xf32, #tpu.memory_space<vmem_shared>> -> memref<16x3x64xf32, #tpu.memory_space<vmem_shared>>
        tpu.wait_dma2 semaphore(%run_scoped3A : memref<!tpu.dma_semaphore, #tpu.memory_space<semaphore_mem>>) src(%arg11 : memref<16x3x64xf32, #tpu.memory_space<vmem>>) dst(%dma_wait3A_124 : memref<16x3x64xf32, #tpu.memory_space<vmem_shared>>)
        tpu.yield
      }) : () -> ()
    }
    %scan3A_10 = arith.constant 39 : i32
    %mul3A = arith.constant 625 : i32
    %mul3A_11 = arith.muli %arg1, %mul3A : i32
    %add3A = arith.constant 624 : i32
    %add3A_12 = arith.addi %mul3A_11, %add3A : i32
    "tpu.region"() ({
      %run_scoped3A = tpu.sem_alloc : memref<!tpu.dma_semaphore, #tpu.memory_space<semaphore_mem>>
      %dma_start3A_107 = arith.constant 0 : i32
      %dma_start3A_108 = arith.constant 0 : i32
      %dma_start3A_109 = arith.constant 0 : i32
      %dma_start3A_110 = tpu.memref_slice %arg11[%dma_start3A_107, %dma_start3A_108, %dma_start3A_109] : memref<16x3x64xf32, #tpu.memory_space<vmem>> -> memref<1x3x64xf32, #tpu.memory_space<vmem>>
      %dma_start3A_111 = arith.constant 0 : i32
      %dma_start3A_112 = arith.constant 0 : i32
      %dma_start3A_113 = tpu.memref_slice %arg10[%add3A_12, %dma_start3A_111, %dma_start3A_112] : memref<10000x3x64xf32, #tpu.memory_space<vmem_shared>> -> memref<1x3x64xf32, #tpu.memory_space<vmem_shared>>
      %dma_start3A_114 = arith.constant 0 : i32
      %dma_start3A_115 = arith.constant 0 : i32
      %dma_start3A_116 = tpu.memref_slice %arg10[%add3A_12, %dma_start3A_114, %dma_start3A_115] : memref<10000x3x64xf32, #tpu.memory_space<vmem_shared>> -> memref<1x3x64xf32, #tpu.memory_space<vmem_shared>>
      %dma_start3A_117 = arith.constant 0 : i32
      %dma_start3A_118 = arith.constant 0 : i32
      %dma_start3A_119 = arith.constant 0 : i32
      %dma_start3A_120 = tpu.memref_slice %arg11[%dma_start3A_117, %dma_start3A_118, %dma_start3A_119] : memref<16x3x64xf32, #tpu.memory_space<vmem>> -> memref<1x3x64xf32, #tpu.memory_space<vmem>>
      tpu.enqueue_dma source(%dma_start3A_120 : memref<1x3x64xf32, #tpu.memory_space<vmem>>) target(%dma_start3A_116 : memref<1x3x64xf32, #tpu.memory_space<vmem_shared>>) target_semaphore(%run_scoped3A : memref<!tpu.dma_semaphore, #tpu.memory_space<semaphore_mem>>)
      %dma_wait3A_121 = arith.constant 0 : i32
      %dma_wait3A_122 = arith.constant 0 : i32
      %dma_wait3A_123 = arith.constant 0 : i32
      %dma_wait3A_124 = tpu.memref_slice %arg11[%dma_wait3A_121, %dma_wait3A_122, %dma_wait3A_123] : memref<16x3x64xf32, #tpu.memory_space<vmem>> -> memref<1x3x64xf32, #tpu.memory_space<vmem>>
      %dma_wait3A_125 = arith.constant 0 : i32
      %dma_wait3A_126 = arith.constant 0 : i32
      %dma_wait3A_127 = tpu.memref_slice %arg10[%add3A_12, %dma_wait3A_125, %dma_wait3A_126] : memref<10000x3x64xf32, #tpu.memory_space<vmem_shared>> -> memref<1x3x64xf32, #tpu.memory_space<vmem_shared>>
      %dma_wait3A_128 = arith.constant 0 : i32
      %dma_wait3A_129 = arith.constant 0 : i32
      %dma_wait3A_130 = tpu.memref_slice %arg10[%add3A_12, %dma_wait3A_128, %dma_wait3A_129] : memref<10000x3x64xf32, #tpu.memory_space<vmem_shared>> -> memref<1x3x64xf32, #tpu.memory_space<vmem_shared>>
      %dma_wait3A_131 = arith.constant 0 : i32
      %dma_wait3A_132 = arith.constant 0 : i32
      %dma_wait3A_133 = arith.constant 0 : i32
      %dma_wait3A_134 = tpu.memref_slice %arg11[%dma_wait3A_131, %dma_wait3A_132, %dma_wait3A_133] : memref<16x3x64xf32, #tpu.memory_space<vmem>> -> memref<1x3x64xf32, #tpu.memory_space<vmem>>
      tpu.wait_dma2 semaphore(%run_scoped3A : memref<!tpu.dma_semaphore, #tpu.memory_space<semaphore_mem>>) src(%dma_wait3A_134 : memref<1x3x64xf32, #tpu.memory_space<vmem>>) dst(%dma_wait3A_130 : memref<1x3x64xf32, #tpu.memory_space<vmem_shared>>)
      tpu.yield
    }) : () -> ()
    %barrier3A = arith.constant 0 : index
    tpu.barrier barrier_id(%barrier3A)
    %mul3A_13 = arith.constant 250 : i32
    %mul3A_14 = arith.muli %arg1, %mul3A_13 : i32
    %add3A_15 = arith.constant 0 : i32
    %add3A_16 = arith.addi %mul3A_14, %add3A_15 : i32
    %dma_start3A = arith.constant 0 : i32
    %dma_start3A_17 = arith.constant 0 : i32
    %dma_start3A_18 = tpu.memref_slice %arg2[%add3A_16, %dma_start3A, %dma_start3A_17] : memref<4000x5x16xi32, #tpu.memory_space<hbm>> -> memref<1x5x16xi32, #tpu.memory_space<hbm>>
    %dma_start3A_19 = tpu.memref_squeeze %dma_start3A_18 : memref<1x5x16xi32, #tpu.memory_space<hbm>> -> memref<5x16xi32, #tpu.memory_space<hbm>>
    %dma_start3A_20 = arith.constant 0 : i32
    %dma_start3A_21 = arith.constant 0 : i32
    %dma_start3A_22 = tpu.memref_slice %arg2[%add3A_16, %dma_start3A_20, %dma_start3A_21] : memref<4000x5x16xi32, #tpu.memory_space<hbm>> -> memref<1x5x16xi32, #tpu.memory_space<hbm>>
    %dma_start3A_23 = tpu.memref_squeeze %dma_start3A_22 : memref<1x5x16xi32, #tpu.memory_space<hbm>> -> memref<5x16xi32, #tpu.memory_space<hbm>>
    tpu.enqueue_dma source(%dma_start3A_23 : memref<5x16xi32, #tpu.memory_space<hbm>>) target(%arg15 : memref<5x16xi32, #tpu.memory_space<vmem>>) target_semaphore(%arg22 : memref<!tpu.dma_semaphore, #tpu.memory_space<semaphore_mem>>)
    %dma_start3A_24 = arith.constant 0 : i32
    %dma_start3A_25 = arith.constant 0 : i32
    %dma_start3A_26 = tpu.memref_slice %arg3[%add3A_16, %dma_start3A_24, %dma_start3A_25] : memref<4000x5x16xi32, #tpu.memory_space<hbm>> -> memref<1x5x16xi32, #tpu.memory_space<hbm>>
    %dma_start3A_27 = tpu.memref_squeeze %dma_start3A_26 : memref<1x5x16xi32, #tpu.memory_space<hbm>> -> memref<5x16xi32, #tpu.memory_space<hbm>>
    %dma_start3A_28 = arith.constant 0 : i32
    %dma_start3A_29 = arith.constant 0 : i32
    %dma_start3A_30 = tpu.memref_slice %arg3[%add3A_16, %dma_start3A_28, %dma_start3A_29] : memref<4000x5x16xi32, #tpu.memory_space<hbm>> -> memref<1x5x16xi32, #tpu.memory_space<hbm>>
    %dma_start3A_31 = tpu.memref_squeeze %dma_start3A_30 : memref<1x5x16xi32, #tpu.memory_space<hbm>> -> memref<5x16xi32, #tpu.memory_space<hbm>>
    tpu.enqueue_dma source(%dma_start3A_31 : memref<5x16xi32, #tpu.memory_space<hbm>>) target(%arg17 : memref<5x16xi32, #tpu.memory_space<vmem>>) target_semaphore(%arg22 : memref<!tpu.dma_semaphore, #tpu.memory_space<semaphore_mem>>)
    %mul3A_32 = arith.constant 250 : i32
    %mul3A_33 = arith.muli %arg1, %mul3A_32 : i32
    %add3A_34 = arith.constant 1 : i32
    %add3A_35 = arith.addi %mul3A_33, %add3A_34 : i32
    %dma_start3A_36 = arith.constant 0 : i32
    %dma_start3A_37 = arith.constant 0 : i32
    %dma_start3A_38 = tpu.memref_slice %arg2[%add3A_35, %dma_start3A_36, %dma_start3A_37] : memref<4000x5x16xi32, #tpu.memory_space<hbm>> -> memref<1x5x16xi32, #tpu.memory_space<hbm>>
    %dma_start3A_39 = tpu.memref_squeeze %dma_start3A_38 : memref<1x5x16xi32, #tpu.memory_space<hbm>> -> memref<5x16xi32, #tpu.memory_space<hbm>>
    %dma_start3A_40 = arith.constant 0 : i32
    %dma_start3A_41 = arith.constant 0 : i32
    %dma_start3A_42 = tpu.memref_slice %arg2[%add3A_35, %dma_start3A_40, %dma_start3A_41] : memref<4000x5x16xi32, #tpu.memory_space<hbm>> -> memref<1x5x16xi32, #tpu.memory_space<hbm>>
    %dma_start3A_43 = tpu.memref_squeeze %dma_start3A_42 : memref<1x5x16xi32, #tpu.memory_space<hbm>> -> memref<5x16xi32, #tpu.memory_space<hbm>>
    tpu.enqueue_dma source(%dma_start3A_43 : memref<5x16xi32, #tpu.memory_space<hbm>>) target(%arg16 : memref<5x16xi32, #tpu.memory_space<vmem>>) target_semaphore(%arg23 : memref<!tpu.dma_semaphore, #tpu.memory_space<semaphore_mem>>)
    %dma_start3A_44 = arith.constant 0 : i32
    %dma_start3A_45 = arith.constant 0 : i32
    %dma_start3A_46 = tpu.memref_slice %arg3[%add3A_35, %dma_start3A_44, %dma_start3A_45] : memref<4000x5x16xi32, #tpu.memory_space<hbm>> -> memref<1x5x16xi32, #tpu.memory_space<hbm>>
    %dma_start3A_47 = tpu.memref_squeeze %dma_start3A_46 : memref<1x5x16xi32, #tpu.memory_space<hbm>> -> memref<5x16xi32, #tpu.memory_space<hbm>>
    %dma_start3A_48 = arith.constant 0 : i32
    %dma_start3A_49 = arith.constant 0 : i32
    %dma_start3A_50 = tpu.memref_slice %arg3[%add3A_35, %dma_start3A_48, %dma_start3A_49] : memref<4000x5x16xi32, #tpu.memory_space<hbm>> -> memref<1x5x16xi32, #tpu.memory_space<hbm>>
    %dma_start3A_51 = tpu.memref_squeeze %dma_start3A_50 : memref<1x5x16xi32, #tpu.memory_space<hbm>> -> memref<5x16xi32, #tpu.memory_space<hbm>>
    tpu.enqueue_dma source(%dma_start3A_51 : memref<5x16xi32, #tpu.memory_space<hbm>>) target(%arg18 : memref<5x16xi32, #tpu.memory_space<vmem>>) target_semaphore(%arg23 : memref<!tpu.dma_semaphore, #tpu.memory_space<semaphore_mem>>)
    %dma_wait3A = arith.constant 0 : i32
    %dma_wait3A_52 = arith.constant 0 : i32
    %dma_wait3A_53 = arith.constant 0 : i32
    %dma_wait3A_54 = tpu.memref_slice %arg2[%dma_wait3A, %dma_wait3A_52, %dma_wait3A_53] : memref<4000x5x16xi32, #tpu.memory_space<hbm>> -> memref<1x5x16xi32, #tpu.memory_space<hbm>>
    %dma_wait3A_55 = tpu.memref_squeeze %dma_wait3A_54 : memref<1x5x16xi32, #tpu.memory_space<hbm>> -> memref<5x16xi32, #tpu.memory_space<hbm>>
    %dma_wait3A_56 = arith.constant 0 : i32
    %dma_wait3A_57 = arith.constant 0 : i32
    %dma_wait3A_58 = tpu.memref_slice %arg2[%dma_wait3A, %dma_wait3A_56, %dma_wait3A_57] : memref<4000x5x16xi32, #tpu.memory_space<hbm>> -> memref<1x5x16xi32, #tpu.memory_space<hbm>>
    %dma_wait3A_59 = tpu.memref_squeeze %dma_wait3A_58 : memref<1x5x16xi32, #tpu.memory_space<hbm>> -> memref<5x16xi32, #tpu.memory_space<hbm>>
    tpu.wait_dma2 semaphore(%arg22 : memref<!tpu.dma_semaphore, #tpu.memory_space<semaphore_mem>>) src(%dma_wait3A_59 : memref<5x16xi32, #tpu.memory_space<hbm>>) dst(%arg15 : memref<5x16xi32, #tpu.memory_space<vmem>>)
    %dma_wait3A_60 = arith.constant 0 : i32
    %dma_wait3A_61 = arith.constant 0 : i32
    %dma_wait3A_62 = arith.constant 0 : i32
    %dma_wait3A_63 = tpu.memref_slice %arg3[%dma_wait3A_60, %dma_wait3A_61, %dma_wait3A_62] : memref<4000x5x16xi32, #tpu.memory_space<hbm>> -> memref<1x5x16xi32, #tpu.memory_space<hbm>>
    %dma_wait3A_64 = tpu.memref_squeeze %dma_wait3A_63 : memref<1x5x16xi32, #tpu.memory_space<hbm>> -> memref<5x16xi32, #tpu.memory_space<hbm>>
    %dma_wait3A_65 = arith.constant 0 : i32
    %dma_wait3A_66 = arith.constant 0 : i32
    %dma_wait3A_67 = tpu.memref_slice %arg3[%dma_wait3A_60, %dma_wait3A_65, %dma_wait3A_66] : memref<4000x5x16xi32, #tpu.memory_space<hbm>> -> memref<1x5x16xi32, #tpu.memory_space<hbm>>
    %dma_wait3A_68 = tpu.memref_squeeze %dma_wait3A_67 : memref<1x5x16xi32, #tpu.memory_space<hbm>> -> memref<5x16xi32, #tpu.memory_space<hbm>>
    tpu.wait_dma2 semaphore(%arg22 : memref<!tpu.dma_semaphore, #tpu.memory_space<semaphore_mem>>) src(%dma_wait3A_68 : memref<5x16xi32, #tpu.memory_space<hbm>>) dst(%arg17 : memref<5x16xi32, #tpu.memory_space<vmem>>)
    %mul3A_69 = arith.constant 1250 : i32
    %mul3A_70 = arith.muli %arg1, %mul3A_69 : i32
    %add3A_71 = arith.constant 0 : i32
    %add3A_72 = arith.addi %mul3A_70, %add3A_71 : i32
    %mul3A_73 = arith.constant 16 : i32
    %mul3A_74 = arith.muli %add3A_72, %mul3A_73 : i32
    %eq3A = arith.constant 0 : i32
    %eq3A_75 = arith.cmpi eq, %arg0, %eq3A : i32
    %convert_element_type3A = arith.extui %eq3A_75 : i1 to i32
    %cond3A = arith.constant 0 : i32
    %cond3A_76 = arith.constant 0 : i32
    %cond3A_77 = arith.cmpi ne, %convert_element_type3A, %cond3A_76 : i32
    scf.if %cond3A_77 {
      %dma_start3A_107 = arith.constant 0 : i32
      %dma_start3A_108 = tpu.memref_slice %arg17[%cond3A, %dma_start3A_107] : memref<5x16xi32, #tpu.memory_space<vmem>> -> memref<1x16xi32, #tpu.memory_space<vmem>>
      %dma_start3A_109 = tpu.memref_squeeze %dma_start3A_108 : memref<1x16xi32, #tpu.memory_space<vmem>> -> memref<16xi32, #tpu.memory_space<vmem>>
      %dma_start3A_110 = arith.constant 0 : i32
      %dma_start3A_111 = arith.constant 0 : i32
      %dma_start3A_112 = arith.constant 0 : i32
      %dma_start3A_113 = tpu.memref_slice %arg4[%dma_start3A_110, %dma_start3A_111, %dma_start3A_112] : memref<10000x3x64xf32, #tpu.memory_space<hbm>> -> memref<10000x3x64xf32, #tpu.memory_space<hbm>>
      tpu.enqueue_indirect_dma source(%dma_start3A_113 : memref<10000x3x64xf32, #tpu.memory_space<hbm>>) target(%arg11 : memref<16x3x64xf32, #tpu.memory_space<vmem>>) offsets(%dma_start3A_109 : memref<16xi32, #tpu.memory_space<vmem>>) semaphore(%arg24 : memref<!tpu.dma_semaphore, #tpu.memory_space<semaphore_mem>>)
    } else {
    }
    %eq3A_78 = arith.constant 1 : i32
    %eq3A_79 = arith.cmpi eq, %arg0, %eq3A_78 : i32
    %convert_element_type3A_80 = arith.extui %eq3A_79 : i1 to i32
    %cond3A_81 = arith.constant 0 : i32
    %cond3A_82 = arith.constant 0 : i32
    %cond3A_83 = arith.cmpi ne, %convert_element_type3A_80, %cond3A_82 : i32
    scf.if %cond3A_83 {
      %dma_start3A_107 = arith.constant 0 : i32
      %dma_start3A_108 = tpu.memref_slice %arg17[%cond3A_81, %dma_start3A_107] : memref<5x16xi32, #tpu.memory_space<vmem>> -> memref<1x16xi32, #tpu.memory_space<vmem>>
      %dma_start3A_109 = tpu.memref_squeeze %dma_start3A_108 : memref<1x16xi32, #tpu.memory_space<vmem>> -> memref<16xi32, #tpu.memory_space<vmem>>
      %dma_start3A_110 = arith.constant 0 : i32
      %dma_start3A_111 = arith.constant 0 : i32
      %dma_start3A_112 = arith.constant 0 : i32
      %dma_start3A_113 = tpu.memref_slice %arg5[%dma_start3A_110, %dma_start3A_111, %dma_start3A_112] : memref<10000x3x64xf32, #tpu.memory_space<hbm>> -> memref<10000x3x64xf32, #tpu.memory_space<hbm>>
      tpu.enqueue_indirect_dma source(%dma_start3A_113 : memref<10000x3x64xf32, #tpu.memory_space<hbm>>) target(%arg11 : memref<16x3x64xf32, #tpu.memory_space<vmem>>) offsets(%dma_start3A_109 : memref<16xi32, #tpu.memory_space<vmem>>) semaphore(%arg24 : memref<!tpu.dma_semaphore, #tpu.memory_space<semaphore_mem>>)
    } else {
    }
    %dma_start3A_84 = arith.constant 0 : i32
    %dma_start3A_85 = tpu.memref_slice %arg6[%mul3A_74, %arg0, %dma_start3A_84] : memref<320000x2x64xf32, #tpu.memory_space<hbm>> -> memref<16x1x64xf32, #tpu.memory_space<hbm>>
    %dma_start3A_86 = tpu.memref_squeeze %dma_start3A_85 : memref<16x1x64xf32, #tpu.memory_space<hbm>> -> memref<16x64xf32, #tpu.memory_space<hbm>>
    %dma_start3A_87 = arith.constant 0 : i32
    %dma_start3A_88 = tpu.memref_slice %arg6[%mul3A_74, %arg0, %dma_start3A_87] : memref<320000x2x64xf32, #tpu.memory_space<hbm>> -> memref<16x1x64xf32, #tpu.memory_space<hbm>>
    %dma_start3A_89 = tpu.memref_squeeze %dma_start3A_88 : memref<16x1x64xf32, #tpu.memory_space<hbm>> -> memref<16x64xf32, #tpu.memory_space<hbm>>
    tpu.enqueue_dma source(%dma_start3A_89 : memref<16x64xf32, #tpu.memory_space<hbm>>) target(%arg13 : memref<16x64xf32, #tpu.memory_space<vmem>>) target_semaphore(%arg24 : memref<!tpu.dma_semaphore, #tpu.memory_space<semaphore_mem>>)
    %scan3A_90 = arith.constant 0 : i32
    %scan3A_91 = arith.constant 0 : i32
    %scan3A_92 = arith.constant 125 : i32
    %scan3A_93 = arith.addi %scan3A_91, %scan3A_92 : i32
    %scan3A_94 = arith.constant 1 : i32
    scf.for %scan3A_107 = %scan3A_91 to %scan3A_93 step %scan3A_94  : i32 {
      %mul3A_108 = arith.constant 2 : i32
      %mul3A_109 = arith.muli %mul3A_108, %scan3A_107 : i32
      %mul3A_110 = arith.constant 250 : i32
      %mul3A_111 = arith.muli %arg1, %mul3A_110 : i32
      %add3A_112 = arith.addi %mul3A_111, %mul3A_109 : i32
      %mul3A_113 = arith.constant 80 : i32
      %mul3A_114 = arith.muli %add3A_112, %mul3A_113 : i32
      "tpu.region"() ({
        %run_scoped3A = tpu.sem_alloc : memref<!tpu.dma_semaphore, #tpu.memory_space<semaphore_mem>>
        %dma_start3A_765 = arith.constant 0 : i32
        %dma_start3A_766 = tpu.memref_slice %arg7[%mul3A_114, %dma_start3A_765] : memref<320000x3xf32, #tpu.memory_space<hbm>> -> memref<80x3xf32, #tpu.memory_space<hbm>>
        %dma_start3A_767 = arith.constant 0 : i32
        %dma_start3A_768 = tpu.memref_slice %arg7[%mul3A_114, %dma_start3A_767] : memref<320000x3xf32, #tpu.memory_space<hbm>> -> memref<80x3xf32, #tpu.memory_space<hbm>>
        tpu.enqueue_dma source(%dma_start3A_768 : memref<80x3xf32, #tpu.memory_space<hbm>>) target(%arg19 : memref<80x3xf32, #tpu.memory_space<vmem>>) target_semaphore(%run_scoped3A : memref<!tpu.dma_semaphore, #tpu.memory_space<semaphore_mem>>)
        %dma_wait3A_769 = arith.constant 0 : i32
        %dma_wait3A_770 = tpu.memref_slice %arg7[%mul3A_114, %dma_wait3A_769] : memref<320000x3xf32, #tpu.memory_space<hbm>> -> memref<80x3xf32, #tpu.memory_space<hbm>>
        %dma_wait3A_771 = arith.constant 0 : i32
        %dma_wait3A_772 = tpu.memref_slice %arg7[%mul3A_114, %dma_wait3A_771] : memref<320000x3xf32, #tpu.memory_space<hbm>> -> memref<80x3xf32, #tpu.memory_space<hbm>>
        tpu.wait_dma2 semaphore(%run_scoped3A : memref<!tpu.dma_semaphore, #tpu.memory_space<semaphore_mem>>) src(%dma_wait3A_772 : memref<80x3xf32, #tpu.memory_space<hbm>>) dst(%arg19 : memref<80x3xf32, #tpu.memory_space<vmem>>)
        tpu.yield
      }) : () -> ()
      %mul3A_115 = arith.constant 5 : i32
      %mul3A_116 = arith.muli %mul3A_109, %mul3A_115 : i32
      %add3A_117 = arith.constant 0 : i32
      %add3A_118 = arith.addi %mul3A_116, %add3A_117 : i32
      %ge3A = arith.constant 1 : i32
      %ge3A_119 = arith.cmpi sge, %add3A_118, %ge3A : i32
      %convert_element_type3A_120 = arith.extui %ge3A_119 : i1 to i32
      %cond3A_121 = arith.constant 0 : i32
      %cond3A_122 = arith.cmpi ne, %convert_element_type3A_120, %cond3A_121 : i32
      scf.if %cond3A_122 {
        %dma_wait3A_765 = arith.constant 0 : i32
        %dma_wait3A_766 = arith.constant 0 : i32
        %dma_wait3A_767 = arith.constant 0 : i32
        %dma_wait3A_768 = tpu.memref_slice %arg10[%dma_wait3A_765, %dma_wait3A_766, %dma_wait3A_767] : memref<10000x3x64xf32, #tpu.memory_space<vmem_shared>> -> memref<10000x3x64xf32, #tpu.memory_space<vmem_shared>>
        tpu.wait_indirect_dma semaphore(%arg27 : memref<!tpu.dma_semaphore, #tpu.memory_space<semaphore_mem>>) src(%arg12 : memref<16x3x64xf32, #tpu.memory_space<vmem>>) dst(%dma_wait3A_768 : memref<10000x3x64xf32, #tpu.memory_space<vmem_shared>>)
      } else {
      }
      %add3A_123 = arith.constant 1 : i32
      %add3A_124 = arith.addi %add3A_118, %add3A_123 : i32
      %mul3A_125 = arith.constant 1250 : i32
      %mul3A_126 = arith.muli %arg1, %mul3A_125 : i32
      %add3A_127 = arith.addi %mul3A_126, %add3A_124 : i32
      %mul3A_128 = arith.constant 16 : i32
      %mul3A_129 = arith.muli %add3A_127, %mul3A_128 : i32
      %eq3A_130 = arith.constant 0 : i32
      %eq3A_131 = arith.cmpi eq, %arg0, %eq3A_130 : i32
      %convert_element_type3A_132 = arith.extui %eq3A_131 : i1 to i32
      %cond3A_133 = arith.constant 1 : i32
      %cond3A_134 = arith.constant 0 : i32
      %cond3A_135 = arith.cmpi ne, %convert_element_type3A_132, %cond3A_134 : i32
      scf.if %cond3A_135 {
        %dma_start3A_765 = arith.constant 0 : i32
        %dma_start3A_766 = tpu.memref_slice %arg17[%cond3A_133, %dma_start3A_765] : memref<5x16xi32, #tpu.memory_space<vmem>> -> memref<1x16xi32, #tpu.memory_space<vmem>>
        %dma_start3A_767 = tpu.memref_squeeze %dma_start3A_766 : memref<1x16xi32, #tpu.memory_space<vmem>> -> memref<16xi32, #tpu.memory_space<vmem>>
        %dma_start3A_768 = arith.constant 0 : i32
        %dma_start3A_769 = arith.constant 0 : i32
        %dma_start3A_770 = arith.constant 0 : i32
        %dma_start3A_771 = tpu.memref_slice %arg4[%dma_start3A_768, %dma_start3A_769, %dma_start3A_770] : memref<10000x3x64xf32, #tpu.memory_space<hbm>> -> memref<10000x3x64xf32, #tpu.memory_space<hbm>>
        tpu.enqueue_indirect_dma source(%dma_start3A_771 : memref<10000x3x64xf32, #tpu.memory_space<hbm>>) target(%arg12 : memref<16x3x64xf32, #tpu.memory_space<vmem>>) offsets(%dma_start3A_767 : memref<16xi32, #tpu.memory_space<vmem>>) semaphore(%arg25 : memref<!tpu.dma_semaphore, #tpu.memory_space<semaphore_mem>>)
      } else {
      }
      %eq3A_136 = arith.constant 1 : i32
      %eq3A_137 = arith.cmpi eq, %arg0, %eq3A_136 : i32
      %convert_element_type3A_138 = arith.extui %eq3A_137 : i1 to i32
      %cond3A_139 = arith.constant 1 : i32
      %cond3A_140 = arith.constant 0 : i32
      %cond3A_141 = arith.cmpi ne, %convert_element_type3A_138, %cond3A_140 : i32
      scf.if %cond3A_141 {
        %dma_start3A_765 = arith.constant 0 : i32
        %dma_start3A_766 = tpu.memref_slice %arg17[%cond3A_139, %dma_start3A_765] : memref<5x16xi32, #tpu.memory_space<vmem>> -> memref<1x16xi32, #tpu.memory_space<vmem>>
        %dma_start3A_767 = tpu.memref_squeeze %dma_start3A_766 : memref<1x16xi32, #tpu.memory_space<vmem>> -> memref<16xi32, #tpu.memory_space<vmem>>
        %dma_start3A_768 = arith.constant 0 : i32
        %dma_start3A_769 = arith.constant 0 : i32
        %dma_start3A_770 = arith.constant 0 : i32
        %dma_start3A_771 = tpu.memref_slice %arg5[%dma_start3A_768, %dma_start3A_769, %dma_start3A_770] : memref<10000x3x64xf32, #tpu.memory_space<hbm>> -> memref<10000x3x64xf32, #tpu.memory_space<hbm>>
        tpu.enqueue_indirect_dma source(%dma_start3A_771 : memref<10000x3x64xf32, #tpu.memory_space<hbm>>) target(%arg12 : memref<16x3x64xf32, #tpu.memory_space<vmem>>) offsets(%dma_start3A_767 : memref<16xi32, #tpu.memory_space<vmem>>) semaphore(%arg25 : memref<!tpu.dma_semaphore, #tpu.memory_space<semaphore_mem>>)
      } else {
      }
      %dma_start3A_142 = arith.constant 0 : i32
      %dma_start3A_143 = tpu.memref_slice %arg6[%mul3A_129, %arg0, %dma_start3A_142] : memref<320000x2x64xf32, #tpu.memory_space<hbm>> -> memref<16x1x64xf32, #tpu.memory_space<hbm>>
      %dma_start3A_144 = tpu.memref_squeeze %dma_start3A_143 : memref<16x1x64xf32, #tpu.memory_space<hbm>> -> memref<16x64xf32, #tpu.memory_space<hbm>>
      %dma_start3A_145 = arith.constant 0 : i32
      %dma_start3A_146 = tpu.memref_slice %arg6[%mul3A_129, %arg0, %dma_start3A_145] : memref<320000x2x64xf32, #tpu.memory_space<hbm>> -> memref<16x1x64xf32, #tpu.memory_space<hbm>>
      %dma_start3A_147 = tpu.memref_squeeze %dma_start3A_146 : memref<16x1x64xf32, #tpu.memory_space<hbm>> -> memref<16x64xf32, #tpu.memory_space<hbm>>
      tpu.enqueue_dma source(%dma_start3A_147 : memref<16x64xf32, #tpu.memory_space<hbm>>) target(%arg14 : memref<16x64xf32, #tpu.memory_space<vmem>>) target_semaphore(%arg25 : memref<!tpu.dma_semaphore, #tpu.memory_space<semaphore_mem>>)
      %eq3A_148 = arith.constant 0 : i32
      %eq3A_149 = arith.cmpi eq, %arg0, %eq3A_148 : i32
      %convert_element_type3A_150 = arith.extui %eq3A_149 : i1 to i32
      %cond3A_151 = arith.constant 0 : i32
      %cond3A_152 = arith.cmpi ne, %convert_element_type3A_150, %cond3A_151 : i32
      scf.if %cond3A_152 {
        %dma_wait3A_765 = arith.constant 0 : i32
        %dma_wait3A_766 = arith.constant 0 : i32
        %dma_wait3A_767 = tpu.memref_slice %arg17[%dma_wait3A_765, %dma_wait3A_766] : memref<5x16xi32, #tpu.memory_space<vmem>> -> memref<1x16xi32, #tpu.memory_space<vmem>>
        %dma_wait3A_768 = tpu.memref_squeeze %dma_wait3A_767 : memref<1x16xi32, #tpu.memory_space<vmem>> -> memref<16xi32, #tpu.memory_space<vmem>>
        %dma_wait3A_769 = arith.constant 0 : i32
        %dma_wait3A_770 = arith.constant 0 : i32
        %dma_wait3A_771 = arith.constant 0 : i32
        %dma_wait3A_772 = tpu.memref_slice %arg4[%dma_wait3A_769, %dma_wait3A_770, %dma_wait3A_771] : memref<10000x3x64xf32, #tpu.memory_space<hbm>> -> memref<10000x3x64xf32, #tpu.memory_space<hbm>>
        tpu.wait_indirect_dma semaphore(%arg24 : memref<!tpu.dma_semaphore, #tpu.memory_space<semaphore_mem>>) src(%dma_wait3A_772 : memref<10000x3x64xf32, #tpu.memory_space<hbm>>) dst(%arg11 : memref<16x3x64xf32, #tpu.memory_space<vmem>>)
      } else {
      }
      %eq3A_153 = arith.constant 1 : i32
      %eq3A_154 = arith.cmpi eq, %arg0, %eq3A_153 : i32
      %convert_element_type3A_155 = arith.extui %eq3A_154 : i1 to i32
      %cond3A_156 = arith.constant 0 : i32
      %cond3A_157 = arith.cmpi ne, %convert_element_type3A_155, %cond3A_156 : i32
      scf.if %cond3A_157 {
        %dma_wait3A_765 = arith.constant 0 : i32
        %dma_wait3A_766 = arith.constant 0 : i32
        %dma_wait3A_767 = tpu.memref_slice %arg17[%dma_wait3A_765, %dma_wait3A_766] : memref<5x16xi32, #tpu.memory_space<vmem>> -> memref<1x16xi32, #tpu.memory_space<vmem>>
        %dma_wait3A_768 = tpu.memref_squeeze %dma_wait3A_767 : memref<1x16xi32, #tpu.memory_space<vmem>> -> memref<16xi32, #tpu.memory_space<vmem>>
        %dma_wait3A_769 = arith.constant 0 : i32
        %dma_wait3A_770 = arith.constant 0 : i32
        %dma_wait3A_771 = arith.constant 0 : i32
        %dma_wait3A_772 = tpu.memref_slice %arg5[%dma_wait3A_769, %dma_wait3A_770, %dma_wait3A_771] : memref<10000x3x64xf32, #tpu.memory_space<hbm>> -> memref<10000x3x64xf32, #tpu.memory_space<hbm>>
        tpu.wait_indirect_dma semaphore(%arg24 : memref<!tpu.dma_semaphore, #tpu.memory_space<semaphore_mem>>) src(%dma_wait3A_772 : memref<10000x3x64xf32, #tpu.memory_space<hbm>>) dst(%arg11 : memref<16x3x64xf32, #tpu.memory_space<vmem>>)
      } else {
      }
      %dma_wait3A_158 = arith.constant 0 : i32
      %dma_wait3A_159 = arith.constant 0 : i32
      %dma_wait3A_160 = tpu.memref_slice %arg6[%dma_wait3A_158, %arg0, %dma_wait3A_159] : memref<320000x2x64xf32, #tpu.memory_space<hbm>> -> memref<16x1x64xf32, #tpu.memory_space<hbm>>
      %dma_wait3A_161 = tpu.memref_squeeze %dma_wait3A_160 : memref<16x1x64xf32, #tpu.memory_space<hbm>> -> memref<16x64xf32, #tpu.memory_space<hbm>>
      %dma_wait3A_162 = arith.constant 0 : i32
      %dma_wait3A_163 = arith.constant 0 : i32
      %dma_wait3A_164 = tpu.memref_slice %arg6[%dma_wait3A_162, %arg0, %dma_wait3A_163] : memref<320000x2x64xf32, #tpu.memory_space<hbm>> -> memref<16x1x64xf32, #tpu.memory_space<hbm>>
      %dma_wait3A_165 = tpu.memref_squeeze %dma_wait3A_164 : memref<16x1x64xf32, #tpu.memory_space<hbm>> -> memref<16x64xf32, #tpu.memory_space<hbm>>
      tpu.wait_dma2 semaphore(%arg24 : memref<!tpu.dma_semaphore, #tpu.memory_space<semaphore_mem>>) src(%dma_wait3A_165 : memref<16x64xf32, #tpu.memory_space<hbm>>) dst(%arg13 : memref<16x64xf32, #tpu.memory_space<vmem>>)
      %scan3A_166 = arith.constant 0 : i32
      %scan3A_167 = arith.constant 0 : i32
      %scan3A_168 = arith.constant 16 : i32
      %scan3A_169 = arith.addi %scan3A_167, %scan3A_168 : i32
      %scan3A_170 = arith.constant 1 : i32
      scf.for %scan3A_765 = %scan3A_167 to %scan3A_169 step %scan3A_170  : i32 {
        %get3A_766 = arith.index_cast %scan3A_765 : i32 to index
        %get3A_767 = arith.constant 0 : index
        %get3A_768 = tpu.vector_load %arg13[%get3A_766, %get3A_767] {strides = array<i32>} : memref<16x64xf32, #tpu.memory_space<vmem>>, vector<16xf32>,
        %get3A_769 = arith.index_cast %scan3A_765 : i32 to index
        %get3A_770 = arith.constant 16 : index
        %get3A_771 = tpu.vector_load %arg13[%get3A_769, %get3A_770] {strides = array<i32>} : memref<16x64xf32, #tpu.memory_space<vmem>>, vector<16xf32>,
        %get3A_772 = arith.index_cast %scan3A_765 : i32 to index
        %get3A_773 = arith.constant 32 : index
        %get3A_774 = tpu.vector_load %arg13[%get3A_772, %get3A_773] {strides = array<i32>} : memref<16x64xf32, #tpu.memory_space<vmem>>, vector<16xf32>,
        %get3A_775 = arith.index_cast %scan3A_765 : i32 to index
        %get3A_776 = arith.constant 48 : index
        %get3A_777 = tpu.vector_load %arg13[%get3A_775, %get3A_776] {strides = array<i32>} : memref<16x64xf32, #tpu.memory_space<vmem>>, vector<16xf32>,
        %add3A_778 = arith.constant 0 : i32
        %add3A_779 = arith.addi %add3A_778, %scan3A_765 : i32
        %broadcast_in_dim3A = vector.broadcast %add3A_779 : i32 to vector<16xi32>
        %broadcast_in_dim3A_780 = arith.constant 0 : i32
        %broadcast_in_dim3A_781 = vector.broadcast %broadcast_in_dim3A_780 : i32 to vector<16xi32>
        %gather3A = tpu.vector_load_idx %arg19[%broadcast_in_dim3A, %broadcast_in_dim3A_781] : memref<80x3xf32, #tpu.memory_space<vmem>>[vector<16xi32>, vector<16xi32>], vector<16xf32>,
        %get3A_782 = arith.constant 0 : i32
        %get3A_783 = arith.index_cast %scan3A_765 : i32 to index
        %get3A_784 = arith.index_cast %get3A_782 : i32 to index
        %get3A_785 = arith.constant 0 : index
        %get3A_786 = tpu.vector_load %arg11[%get3A_783, %get3A_784, %get3A_785] {strides = array<i32>} : memref<16x3x64xf32, #tpu.memory_space<vmem>>, vector<16xf32>,
        %add3A_787 = arith.addf %get3A_786, %gather3A : vector<16xf32>
        %mul3A_788 = arith.mulf %get3A_768, %add3A_787 : vector<16xf32>
        %swap3A_789 = arith.constant 0 : i32
        %swap3A_790 = arith.index_cast %scan3A_765 : i32 to index
        %swap3A_791 = arith.index_cast %swap3A_789 : i32 to index
        %swap3A_792 = arith.constant 0 : index
        %swap3A_793 = tpu.vector_load %arg11[%swap3A_790, %swap3A_791, %swap3A_792] {strides = array<i32>} : memref<16x3x64xf32, #tpu.memory_space<vmem>>, vector<16xf32>,
        tpu.vector_store %arg11[%swap3A_790, %swap3A_791, %swap3A_792], %mul3A_788 {strides = array<i32>} : memref<16x3x64xf32, #tpu.memory_space<vmem>>, vector<16xf32>,
        %get3A_794 = arith.constant 0 : i32
        %get3A_795 = arith.index_cast %scan3A_765 : i32 to index
        %get3A_796 = arith.index_cast %get3A_794 : i32 to index
        %get3A_797 = arith.constant 16 : index
        %get3A_798 = tpu.vector_load %arg11[%get3A_795, %get3A_796, %get3A_797] {strides = array<i32>} : memref<16x3x64xf32, #tpu.memory_space<vmem>>, vector<16xf32>,
        %add3A_799 = arith.addf %get3A_798, %gather3A : vector<16xf32>
        %mul3A_800 = arith.mulf %get3A_771, %add3A_799 : vector<16xf32>
        %swap3A_801 = arith.constant 0 : i32
        %swap3A_802 = arith.index_cast %scan3A_765 : i32 to index
        %swap3A_803 = arith.index_cast %swap3A_801 : i32 to index
        %swap3A_804 = arith.constant 16 : index
        %swap3A_805 = tpu.vector_load %arg11[%swap3A_802, %swap3A_803, %swap3A_804] {strides = array<i32>} : memref<16x3x64xf32, #tpu.memory_space<vmem>>, vector<16xf32>,
        tpu.vector_store %arg11[%swap3A_802, %swap3A_803, %swap3A_804], %mul3A_800 {strides = array<i32>} : memref<16x3x64xf32, #tpu.memory_space<vmem>>, vector<16xf32>,
        %get3A_806 = arith.constant 0 : i32
        %get3A_807 = arith.index_cast %scan3A_765 : i32 to index
        %get3A_808 = arith.index_cast %get3A_806 : i32 to index
        %get3A_809 = arith.constant 32 : index
        %get3A_810 = tpu.vector_load %arg11[%get3A_807, %get3A_808, %get3A_809] {strides = array<i32>} : memref<16x3x64xf32, #tpu.memory_space<vmem>>, vector<16xf32>,
        %add3A_811 = arith.addf %get3A_810, %gather3A : vector<16xf32>
        %mul3A_812 = arith.mulf %get3A_774, %add3A_811 : vector<16xf32>
        %swap3A_813 = arith.constant 0 : i32
        %swap3A_814 = arith.index_cast %scan3A_765 : i32 to index
        %swap3A_815 = arith.index_cast %swap3A_813 : i32 to index
        %swap3A_816 = arith.constant 32 : index
        %swap3A_817 = tpu.vector_load %arg11[%swap3A_814, %swap3A_815, %swap3A_816] {strides = array<i32>} : memref<16x3x64xf32, #tpu.memory_space<vmem>>, vector<16xf32>,
        tpu.vector_store %arg11[%swap3A_814, %swap3A_815, %swap3A_816], %mul3A_812 {strides = array<i32>} : memref<16x3x64xf32, #tpu.memory_space<vmem>>, vector<16xf32>,
        %get3A_818 = arith.constant 0 : i32
        %get3A_819 = arith.index_cast %scan3A_765 : i32 to index
        %get3A_820 = arith.index_cast %get3A_818 : i32 to index
        %get3A_821 = arith.constant 48 : index
        %get3A_822 = tpu.vector_load %arg11[%get3A_819, %get3A_820, %get3A_821] {strides = array<i32>} : memref<16x3x64xf32, #tpu.memory_space<vmem>>, vector<16xf32>,
        %add3A_823 = arith.addf %get3A_822, %gather3A : vector<16xf32>
        %mul3A_824 = arith.mulf %get3A_777, %add3A_823 : vector<16xf32>
        %swap3A_825 = arith.constant 0 : i32
        %swap3A_826 = arith.index_cast %scan3A_765 : i32 to index
        %swap3A_827 = arith.index_cast %swap3A_825 : i32 to index
        %swap3A_828 = arith.constant 48 : index
        %swap3A_829 = tpu.vector_load %arg11[%swap3A_826, %swap3A_827, %swap3A_828] {strides = array<i32>} : memref<16x3x64xf32, #tpu.memory_space<vmem>>, vector<16xf32>,
        tpu.vector_store %arg11[%swap3A_826, %swap3A_827, %swap3A_828], %mul3A_824 {strides = array<i32>} : memref<16x3x64xf32, #tpu.memory_space<vmem>>, vector<16xf32>,
        %broadcast_in_dim3A_830 = arith.constant 1 : i32
        %broadcast_in_dim3A_831 = vector.broadcast %broadcast_in_dim3A_830 : i32 to vector<16xi32>
        %gather3A_832 = tpu.vector_load_idx %arg19[%broadcast_in_dim3A, %broadcast_in_dim3A_831] : memref<80x3xf32, #tpu.memory_space<vmem>>[vector<16xi32>, vector<16xi32>], vector<16xf32>,
        %get3A_833 = arith.constant 1 : i32
        %get3A_834 = arith.index_cast %scan3A_765 : i32 to index
        %get3A_835 = arith.index_cast %get3A_833 : i32 to index
        %get3A_836 = arith.constant 0 : index
        %get3A_837 = tpu.vector_load %arg11[%get3A_834, %get3A_835, %get3A_836] {strides = array<i32>} : memref<16x3x64xf32, #tpu.memory_space<vmem>>, vector<16xf32>,
        %add3A_838 = arith.addf %get3A_837, %gather3A_832 : vector<16xf32>
        %mul3A_839 = arith.mulf %get3A_768, %add3A_838 : vector<16xf32>
        %swap3A_840 = arith.constant 1 : i32
        %swap3A_841 = arith.index_cast %scan3A_765 : i32 to index
        %swap3A_842 = arith.index_cast %swap3A_840 : i32 to index
        %swap3A_843 = arith.constant 0 : index
        %swap3A_844 = tpu.vector_load %arg11[%swap3A_841, %swap3A_842, %swap3A_843] {strides = array<i32>} : memref<16x3x64xf32, #tpu.memory_space<vmem>>, vector<16xf32>,
        tpu.vector_store %arg11[%swap3A_841, %swap3A_842, %swap3A_843], %mul3A_839 {strides = array<i32>} : memref<16x3x64xf32, #tpu.memory_space<vmem>>, vector<16xf32>,
        %get3A_845 = arith.constant 1 : i32
        %get3A_846 = arith.index_cast %scan3A_765 : i32 to index
        %get3A_847 = arith.index_cast %get3A_845 : i32 to index
        %get3A_848 = arith.constant 16 : index
        %get3A_849 = tpu.vector_load %arg11[%get3A_846, %get3A_847, %get3A_848] {strides = array<i32>} : memref<16x3x64xf32, #tpu.memory_space<vmem>>, vector<16xf32>,
        %add3A_850 = arith.addf %get3A_849, %gather3A_832 : vector<16xf32>
        %mul3A_851 = arith.mulf %get3A_771, %add3A_850 : vector<16xf32>
        %swap3A_852 = arith.constant 1 : i32
        %swap3A_853 = arith.index_cast %scan3A_765 : i32 to index
        %swap3A_854 = arith.index_cast %swap3A_852 : i32 to index
        %swap3A_855 = arith.constant 16 : index
        %swap3A_856 = tpu.vector_load %arg11[%swap3A_853, %swap3A_854, %swap3A_855] {strides = array<i32>} : memref<16x3x64xf32, #tpu.memory_space<vmem>>, vector<16xf32>,
        tpu.vector_store %arg11[%swap3A_853, %swap3A_854, %swap3A_855], %mul3A_851 {strides = array<i32>} : memref<16x3x64xf32, #tpu.memory_space<vmem>>, vector<16xf32>,
        %get3A_857 = arith.constant 1 : i32
        %get3A_858 = arith.index_cast %scan3A_765 : i32 to index
        %get3A_859 = arith.index_cast %get3A_857 : i32 to index
        %get3A_860 = arith.constant 32 : index
        %get3A_861 = tpu.vector_load %arg11[%get3A_858, %get3A_859, %get3A_860] {strides = array<i32>} : memref<16x3x64xf32, #tpu.memory_space<vmem>>, vector<16xf32>,
        %add3A_862 = arith.addf %get3A_861, %gather3A_832 : vector<16xf32>
        %mul3A_863 = arith.mulf %get3A_774, %add3A_862 : vector<16xf32>
        %swap3A_864 = arith.constant 1 : i32
        %swap3A_865 = arith.index_cast %scan3A_765 : i32 to index
        %swap3A_866 = arith.index_cast %swap3A_864 : i32 to index
        %swap3A_867 = arith.constant 32 : index
        %swap3A_868 = tpu.vector_load %arg11[%swap3A_865, %swap3A_866, %swap3A_867] {strides = array<i32>} : memref<16x3x64xf32, #tpu.memory_space<vmem>>, vector<16xf32>,
        tpu.vector_store %arg11[%swap3A_865, %swap3A_866, %swap3A_867], %mul3A_863 {strides = array<i32>} : memref<16x3x64xf32, #tpu.memory_space<vmem>>, vector<16xf32>,
        %get3A_869 = arith.constant 1 : i32
        %get3A_870 = arith.index_cast %scan3A_765 : i32 to index
        %get3A_871 = arith.index_cast %get3A_869 : i32 to index
        %get3A_872 = arith.constant 48 : index
        %get3A_873 = tpu.vector_load %arg11[%get3A_870, %get3A_871, %get3A_872] {strides = array<i32>} : memref<16x3x64xf32, #tpu.memory_space<vmem>>, vector<16xf32>,
        %add3A_874 = arith.addf %get3A_873, %gather3A_832 : vector<16xf32>
        %mul3A_875 = arith.mulf %get3A_777, %add3A_874 : vector<16xf32>
        %swap3A_876 = arith.constant 1 : i32
        %swap3A_877 = arith.index_cast %scan3A_765 : i32 to index
        %swap3A_878 = arith.index_cast %swap3A_876 : i32 to index
        %swap3A_879 = arith.constant 48 : index
        %swap3A_880 = tpu.vector_load %arg11[%swap3A_877, %swap3A_878, %swap3A_879] {strides = array<i32>} : memref<16x3x64xf32, #tpu.memory_space<vmem>>, vector<16xf32>,
        tpu.vector_store %arg11[%swap3A_877, %swap3A_878, %swap3A_879], %mul3A_875 {strides = array<i32>} : memref<16x3x64xf32, #tpu.memory_space<vmem>>, vector<16xf32>,
        %broadcast_in_dim3A_881 = arith.constant 2 : i32
        %broadcast_in_dim3A_882 = vector.broadcast %broadcast_in_dim3A_881 : i32 to vector<16xi32>
        %gather3A_883 = tpu.vector_load_idx %arg19[%broadcast_in_dim3A, %broadcast_in_dim3A_882] : memref<80x3xf32, #tpu.memory_space<vmem>>[vector<16xi32>, vector<16xi32>], vector<16xf32>,
        %get3A_884 = arith.constant 2 : i32
        %get3A_885 = arith.index_cast %scan3A_765 : i32 to index
        %get3A_886 = arith.index_cast %get3A_884 : i32 to index
        %get3A_887 = arith.constant 0 : index
        %get3A_888 = tpu.vector_load %arg11[%get3A_885, %get3A_886, %get3A_887] {strides = array<i32>} : memref<16x3x64xf32, #tpu.memory_space<vmem>>, vector<16xf32>,
        %add3A_889 = arith.addf %get3A_888, %gather3A_883 : vector<16xf32>
        %mul3A_890 = arith.mulf %get3A_768, %add3A_889 : vector<16xf32>
        %swap3A_891 = arith.constant 2 : i32
        %swap3A_892 = arith.index_cast %scan3A_765 : i32 to index
        %swap3A_893 = arith.index_cast %swap3A_891 : i32 to index
        %swap3A_894 = arith.constant 0 : index
        %swap3A_895 = tpu.vector_load %arg11[%swap3A_892, %swap3A_893, %swap3A_894] {strides = array<i32>} : memref<16x3x64xf32, #tpu.memory_space<vmem>>, vector<16xf32>,
        tpu.vector_store %arg11[%swap3A_892, %swap3A_893, %swap3A_894], %mul3A_890 {strides = array<i32>} : memref<16x3x64xf32, #tpu.memory_space<vmem>>, vector<16xf32>,
        %get3A_896 = arith.constant 2 : i32
        %get3A_897 = arith.index_cast %scan3A_765 : i32 to index
        %get3A_898 = arith.index_cast %get3A_896 : i32 to index
        %get3A_899 = arith.constant 16 : index
        %get3A_900 = tpu.vector_load %arg11[%get3A_897, %get3A_898, %get3A_899] {strides = array<i32>} : memref<16x3x64xf32, #tpu.memory_space<vmem>>, vector<16xf32>,
        %add3A_901 = arith.addf %get3A_900, %gather3A_883 : vector<16xf32>
        %mul3A_902 = arith.mulf %get3A_771, %add3A_901 : vector<16xf32>
        %swap3A_903 = arith.constant 2 : i32
        %swap3A_904 = arith.index_cast %scan3A_765 : i32 to index
        %swap3A_905 = arith.index_cast %swap3A_903 : i32 to index
        %swap3A_906 = arith.constant 16 : index
        %swap3A_907 = tpu.vector_load %arg11[%swap3A_904, %swap3A_905, %swap3A_906] {strides = array<i32>} : memref<16x3x64xf32, #tpu.memory_space<vmem>>, vector<16xf32>,
        tpu.vector_store %arg11[%swap3A_904, %swap3A_905, %swap3A_906], %mul3A_902 {strides = array<i32>} : memref<16x3x64xf32, #tpu.memory_space<vmem>>, vector<16xf32>,
        %get3A_908 = arith.constant 2 : i32
        %get3A_909 = arith.index_cast %scan3A_765 : i32 to index
        %get3A_910 = arith.index_cast %get3A_908 : i32 to index
        %get3A_911 = arith.constant 32 : index
        %get3A_912 = tpu.vector_load %arg11[%get3A_909, %get3A_910, %get3A_911] {strides = array<i32>} : memref<16x3x64xf32, #tpu.memory_space<vmem>>, vector<16xf32>,
        %add3A_913 = arith.addf %get3A_912, %gather3A_883 : vector<16xf32>
        %mul3A_914 = arith.mulf %get3A_774, %add3A_913 : vector<16xf32>
        %swap3A_915 = arith.constant 2 : i32
        %swap3A_916 = arith.index_cast %scan3A_765 : i32 to index
        %swap3A_917 = arith.index_cast %swap3A_915 : i32 to index
        %swap3A_918 = arith.constant 32 : index
        %swap3A_919 = tpu.vector_load %arg11[%swap3A_916, %swap3A_917, %swap3A_918] {strides = array<i32>} : memref<16x3x64xf32, #tpu.memory_space<vmem>>, vector<16xf32>,
        tpu.vector_store %arg11[%swap3A_916, %swap3A_917, %swap3A_918], %mul3A_914 {strides = array<i32>} : memref<16x3x64xf32, #tpu.memory_space<vmem>>, vector<16xf32>,
        %get3A_920 = arith.constant 2 : i32
        %get3A_921 = arith.index_cast %scan3A_765 : i32 to index
        %get3A_922 = arith.index_cast %get3A_920 : i32 to index
        %get3A_923 = arith.constant 48 : index
        %get3A_924 = tpu.vector_load %arg11[%get3A_921, %get3A_922, %get3A_923] {strides = array<i32>} : memref<16x3x64xf32, #tpu.memory_space<vmem>>, vector<16xf32>,
        %add3A_925 = arith.addf %get3A_924, %gather3A_883 : vector<16xf32>
        %mul3A_926 = arith.mulf %get3A_777, %add3A_925 : vector<16xf32>
        %swap3A_927 = arith.constant 2 : i32
        %swap3A_928 = arith.index_cast %scan3A_765 : i32 to index
        %swap3A_929 = arith.index_cast %swap3A_927 : i32 to index
        %swap3A_930 = arith.constant 48 : index
        %swap3A_931 = tpu.vector_load %arg11[%swap3A_928, %swap3A_929, %swap3A_930] {strides = array<i32>} : memref<16x3x64xf32, #tpu.memory_space<vmem>>, vector<16xf32>,
        tpu.vector_store %arg11[%swap3A_928, %swap3A_929, %swap3A_930], %mul3A_926 {strides = array<i32>} : memref<16x3x64xf32, #tpu.memory_space<vmem>>, vector<16xf32>,
      }
      %scan3A_171 = arith.constant 16 : i32
      %get3A = arith.constant 0 : i32
      %get3A_172 = arith.index_cast %get3A : i32 to index
      %get3A_173 = arith.constant 0 : index
      %get3A_174 = tpu.vector_load %arg15[%get3A_172, %get3A_173] {strides = array<i32>} : memref<5x16xi32, #tpu.memory_space<vmem>>, vector<16xi32>,
      %swap3A = arith.constant 0 : index
      %swap3A_175 = tpu.vector_load %arg20[%swap3A] {strides = array<i32>} : memref<16xi32, #tpu.memory_space<vmem>>, vector<16xi32>,
      tpu.vector_store %arg20[%swap3A], %get3A_174 {strides = array<i32>} : memref<16xi32, #tpu.memory_space<vmem>>, vector<16xi32>,
      %dma_start3A_176 = arith.constant 0 : i32
      %dma_start3A_177 = arith.constant 0 : i32
      %dma_start3A_178 = arith.constant 0 : i32
      %dma_start3A_179 = tpu.memref_slice %arg10[%dma_start3A_176, %dma_start3A_177, %dma_start3A_178] : memref<10000x3x64xf32, #tpu.memory_space<vmem_shared>> -> memref<10000x3x64xf32, #tpu.memory_space<vmem_shared>>
      tpu.enqueue_indirect_dma source(%arg11 : memref<16x3x64xf32, #tpu.memory_space<vmem>>) target(%dma_start3A_179 : memref<10000x3x64xf32, #tpu.memory_space<vmem_shared>>) offsets(%arg20 : memref<16xi32, #tpu.memory_space<vmem>>) semaphore(%arg26 : memref<!tpu.dma_semaphore, #tpu.memory_space<semaphore_mem>>) {add = true}
      %mul3A_180 = arith.constant 5 : i32
      %mul3A_181 = arith.muli %mul3A_109, %mul3A_180 : i32
      %add3A_182 = arith.constant 1 : i32
      %add3A_183 = arith.addi %mul3A_181, %add3A_182 : i32
      %dma_wait3A_184 = arith.constant 0 : i32
      %dma_wait3A_185 = arith.constant 0 : i32
      %dma_wait3A_186 = arith.constant 0 : i32
      %dma_wait3A_187 = tpu.memref_slice %arg10[%dma_wait3A_184, %dma_wait3A_185, %dma_wait3A_186] : memref<10000x3x64xf32, #tpu.memory_space<vmem_shared>> -> memref<10000x3x64xf32, #tpu.memory_space<vmem_shared>>
      tpu.wait_indirect_dma semaphore(%arg26 : memref<!tpu.dma_semaphore, #tpu.memory_space<semaphore_mem>>) src(%arg11 : memref<16x3x64xf32, #tpu.memory_space<vmem>>) dst(%dma_wait3A_187 : memref<10000x3x64xf32, #tpu.memory_space<vmem_shared>>)
      %add3A_188 = arith.constant 1 : i32
      %add3A_189 = arith.addi %add3A_183, %add3A_188 : i32
      %mul3A_190 = arith.constant 1250 : i32
      %mul3A_191 = arith.muli %arg1, %mul3A_190 : i32
      %add3A_192 = arith.addi %mul3A_191, %add3A_189 : i32
      %mul3A_193 = arith.constant 16 : i32
      %mul3A_194 = arith.muli %add3A_192, %mul3A_193 : i32
      %eq3A_195 = arith.constant 0 : i32
      %eq3A_196 = arith.cmpi eq, %arg0, %eq3A_195 : i32
      %convert_element_type3A_197 = arith.extui %eq3A_196 : i1 to i32
      %cond3A_198 = arith.constant 2 : i32
      %cond3A_199 = arith.constant 0 : i32
      %cond3A_200 = arith.cmpi ne, %convert_element_type3A_197, %cond3A_199 : i32
      scf.if %cond3A_200 {
        %dma_start3A_765 = arith.constant 0 : i32
        %dma_start3A_766 = tpu.memref_slice %arg17[%cond3A_198, %dma_start3A_765] : memref<5x16xi32, #tpu.memory_space<vmem>> -> memref<1x16xi32, #tpu.memory_space<vmem>>
        %dma_start3A_767 = tpu.memref_squeeze %dma_start3A_766 : memref<1x16xi32, #tpu.memory_space<vmem>> -> memref<16xi32, #tpu.memory_space<vmem>>
        %dma_start3A_768 = arith.constant 0 : i32
        %dma_start3A_769 = arith.constant 0 : i32
        %dma_start3A_770 = arith.constant 0 : i32
        %dma_start3A_771 = tpu.memref_slice %arg4[%dma_start3A_768, %dma_start3A_769, %dma_start3A_770] : memref<10000x3x64xf32, #tpu.memory_space<hbm>> -> memref<10000x3x64xf32, #tpu.memory_space<hbm>>
        tpu.enqueue_indirect_dma source(%dma_start3A_771 : memref<10000x3x64xf32, #tpu.memory_space<hbm>>) target(%arg11 : memref<16x3x64xf32, #tpu.memory_space<vmem>>) offsets(%dma_start3A_767 : memref<16xi32, #tpu.memory_space<vmem>>) semaphore(%arg24 : memref<!tpu.dma_semaphore, #tpu.memory_space<semaphore_mem>>)
      } else {
      }
      %eq3A_201 = arith.constant 1 : i32
      %eq3A_202 = arith.cmpi eq, %arg0, %eq3A_201 : i32
      %convert_element_type3A_203 = arith.extui %eq3A_202 : i1 to i32
      %cond3A_204 = arith.constant 2 : i32
      %cond3A_205 = arith.constant 0 : i32
      %cond3A_206 = arith.cmpi ne, %convert_element_type3A_203, %cond3A_205 : i32
      scf.if %cond3A_206 {
        %dma_start3A_765 = arith.constant 0 : i32
        %dma_start3A_766 = tpu.memref_slice %arg17[%cond3A_204, %dma_start3A_765] : memref<5x16xi32, #tpu.memory_space<vmem>> -> memref<1x16xi32, #tpu.memory_space<vmem>>
        %dma_start3A_767 = tpu.memref_squeeze %dma_start3A_766 : memref<1x16xi32, #tpu.memory_space<vmem>> -> memref<16xi32, #tpu.memory_space<vmem>>
        %dma_start3A_768 = arith.constant 0 : i32
        %dma_start3A_769 = arith.constant 0 : i32
        %dma_start3A_770 = arith.constant 0 : i32
        %dma_start3A_771 = tpu.memref_slice %arg5[%dma_start3A_768, %dma_start3A_769, %dma_start3A_770] : memref<10000x3x64xf32, #tpu.memory_space<hbm>> -> memref<10000x3x64xf32, #tpu.memory_space<hbm>>
        tpu.enqueue_indirect_dma source(%dma_start3A_771 : memref<10000x3x64xf32, #tpu.memory_space<hbm>>) target(%arg11 : memref<16x3x64xf32, #tpu.memory_space<vmem>>) offsets(%dma_start3A_767 : memref<16xi32, #tpu.memory_space<vmem>>) semaphore(%arg24 : memref<!tpu.dma_semaphore, #tpu.memory_space<semaphore_mem>>)
      } else {
      }
      %dma_start3A_207 = arith.constant 0 : i32
      %dma_start3A_208 = tpu.memref_slice %arg6[%mul3A_194, %arg0, %dma_start3A_207] : memref<320000x2x64xf32, #tpu.memory_space<hbm>> -> memref<16x1x64xf32, #tpu.memory_space<hbm>>
      %dma_start3A_209 = tpu.memref_squeeze %dma_start3A_208 : memref<16x1x64xf32, #tpu.memory_space<hbm>> -> memref<16x64xf32, #tpu.memory_space<hbm>>
      %dma_start3A_210 = arith.constant 0 : i32
      %dma_start3A_211 = tpu.memref_slice %arg6[%mul3A_194, %arg0, %dma_start3A_210] : memref<320000x2x64xf32, #tpu.memory_space<hbm>> -> memref<16x1x64xf32, #tpu.memory_space<hbm>>
      %dma_start3A_212 = tpu.memref_squeeze %dma_start3A_211 : memref<16x1x64xf32, #tpu.memory_space<hbm>> -> memref<16x64xf32, #tpu.memory_space<hbm>>
      tpu.enqueue_dma source(%dma_start3A_212 : memref<16x64xf32, #tpu.memory_space<hbm>>) target(%arg13 : memref<16x64xf32, #tpu.memory_space<vmem>>) target_semaphore(%arg24 : memref<!tpu.dma_semaphore, #tpu.memory_space<semaphore_mem>>)
      %eq3A_213 = arith.constant 0 : i32
      %eq3A_214 = arith.cmpi eq, %arg0, %eq3A_213 : i32
      %convert_element_type3A_215 = arith.extui %eq3A_214 : i1 to i32
      %cond3A_216 = arith.constant 0 : i32
      %cond3A_217 = arith.cmpi ne, %convert_element_type3A_215, %cond3A_216 : i32
      scf.if %cond3A_217 {
        %dma_wait3A_765 = arith.constant 0 : i32
        %dma_wait3A_766 = arith.constant 0 : i32
        %dma_wait3A_767 = tpu.memref_slice %arg17[%dma_wait3A_765, %dma_wait3A_766] : memref<5x16xi32, #tpu.memory_space<vmem>> -> memref<1x16xi32, #tpu.memory_space<vmem>>
        %dma_wait3A_768 = tpu.memref_squeeze %dma_wait3A_767 : memref<1x16xi32, #tpu.memory_space<vmem>> -> memref<16xi32, #tpu.memory_space<vmem>>
        %dma_wait3A_769 = arith.constant 0 : i32
        %dma_wait3A_770 = arith.constant 0 : i32
        %dma_wait3A_771 = arith.constant 0 : i32
        %dma_wait3A_772 = tpu.memref_slice %arg4[%dma_wait3A_769, %dma_wait3A_770, %dma_wait3A_771] : memref<10000x3x64xf32, #tpu.memory_space<hbm>> -> memref<10000x3x64xf32, #tpu.memory_space<hbm>>
        tpu.wait_indirect_dma semaphore(%arg25 : memref<!tpu.dma_semaphore, #tpu.memory_space<semaphore_mem>>) src(%dma_wait3A_772 : memref<10000x3x64xf32, #tpu.memory_space<hbm>>) dst(%arg12 : memref<16x3x64xf32, #tpu.memory_space<vmem>>)
      } else {
      }
      %eq3A_218 = arith.constant 1 : i32
      %eq3A_219 = arith.cmpi eq, %arg0, %eq3A_218 : i32
      %convert_element_type3A_220 = arith.extui %eq3A_219 : i1 to i32
      %cond3A_221 = arith.constant 0 : i32
      %cond3A_222 = arith.cmpi ne, %convert_element_type3A_220, %cond3A_221 : i32
      scf.if %cond3A_222 {
        %dma_wait3A_765 = arith.constant 0 : i32
        %dma_wait3A_766 = arith.constant 0 : i32
        %dma_wait3A_767 = tpu.memref_slice %arg17[%dma_wait3A_765, %dma_wait3A_766] : memref<5x16xi32, #tpu.memory_space<vmem>> -> memref<1x16xi32, #tpu.memory_space<vmem>>
        %dma_wait3A_768 = tpu.memref_squeeze %dma_wait3A_767 : memref<1x16xi32, #tpu.memory_space<vmem>> -> memref<16xi32, #tpu.memory_space<vmem>>
        %dma_wait3A_769 = arith.constant 0 : i32
        %dma_wait3A_770 = arith.constant 0 : i32
        %dma_wait3A_771 = arith.constant 0 : i32
        %dma_wait3A_772 = tpu.memref_slice %arg5[%dma_wait3A_769, %dma_wait3A_770, %dma_wait3A_771] : memref<10000x3x64xf32, #tpu.memory_space<hbm>> -> memref<10000x3x64xf32, #tpu.memory_space<hbm>>
        tpu.wait_indirect_dma semaphore(%arg25 : memref<!tpu.dma_semaphore, #tpu.memory_space<semaphore_mem>>) src(%dma_wait3A_772 : memref<10000x3x64xf32, #tpu.memory_space<hbm>>) dst(%arg12 : memref<16x3x64xf32, #tpu.memory_space<vmem>>)
      } else {
      }
      %dma_wait3A_223 = arith.constant 0 : i32
      %dma_wait3A_224 = arith.constant 0 : i32
      %dma_wait3A_225 = tpu.memref_slice %arg6[%dma_wait3A_223, %arg0, %dma_wait3A_224] : memref<320000x2x64xf32, #tpu.memory_space<hbm>> -> memref<16x1x64xf32, #tpu.memory_space<hbm>>
      %dma_wait3A_226 = tpu.memref_squeeze %dma_wait3A_225 : memref<16x1x64xf32, #tpu.memory_space<hbm>> -> memref<16x64xf32, #tpu.memory_space<hbm>>
      %dma_wait3A_227 = arith.constant 0 : i32
      %dma_wait3A_228 = arith.constant 0 : i32
      %dma_wait3A_229 = tpu.memref_slice %arg6[%dma_wait3A_227, %arg0, %dma_wait3A_228] : memref<320000x2x64xf32, #tpu.memory_space<hbm>> -> memref<16x1x64xf32, #tpu.memory_space<hbm>>
      %dma_wait3A_230 = tpu.memref_squeeze %dma_wait3A_229 : memref<16x1x64xf32, #tpu.memory_space<hbm>> -> memref<16x64xf32, #tpu.memory_space<hbm>>
      tpu.wait_dma2 semaphore(%arg25 : memref<!tpu.dma_semaphore, #tpu.memory_space<semaphore_mem>>) src(%dma_wait3A_230 : memref<16x64xf32, #tpu.memory_space<hbm>>) dst(%arg14 : memref<16x64xf32, #tpu.memory_space<vmem>>)
      %scan3A_231 = arith.constant 0 : i32
      %scan3A_232 = arith.constant 0 : i32
      %scan3A_233 = arith.constant 16 : i32
      %scan3A_234 = arith.addi %scan3A_232, %scan3A_233 : i32
      %scan3A_235 = arith.constant 1 : i32
      scf.for %scan3A_765 = %scan3A_232 to %scan3A_234 step %scan3A_235  : i32 {
        %get3A_766 = arith.index_cast %scan3A_765 : i32 to index
        %get3A_767 = arith.constant 0 : index
        %get3A_768 = tpu.vector_load %arg14[%get3A_766, %get3A_767] {strides = array<i32>} : memref<16x64xf32, #tpu.memory_space<vmem>>, vector<16xf32>,
        %get3A_769 = arith.index_cast %scan3A_765 : i32 to index
        %get3A_770 = arith.constant 16 : index
        %get3A_771 = tpu.vector_load %arg14[%get3A_769, %get3A_770] {strides = array<i32>} : memref<16x64xf32, #tpu.memory_space<vmem>>, vector<16xf32>,
        %get3A_772 = arith.index_cast %scan3A_765 : i32 to index
        %get3A_773 = arith.constant 32 : index
        %get3A_774 = tpu.vector_load %arg14[%get3A_772, %get3A_773] {strides = array<i32>} : memref<16x64xf32, #tpu.memory_space<vmem>>, vector<16xf32>,
        %get3A_775 = arith.index_cast %scan3A_765 : i32 to index
        %get3A_776 = arith.constant 48 : index
        %get3A_777 = tpu.vector_load %arg14[%get3A_775, %get3A_776] {strides = array<i32>} : memref<16x64xf32, #tpu.memory_space<vmem>>, vector<16xf32>,
        %add3A_778 = arith.constant 16 : i32
        %add3A_779 = arith.addi %add3A_778, %scan3A_765 : i32
        %broadcast_in_dim3A = vector.broadcast %add3A_779 : i32 to vector<16xi32>
        %broadcast_in_dim3A_780 = arith.constant 0 : i32
        %broadcast_in_dim3A_781 = vector.broadcast %broadcast_in_dim3A_780 : i32 to vector<16xi32>
        %gather3A = tpu.vector_load_idx %arg19[%broadcast_in_dim3A, %broadcast_in_dim3A_781] : memref<80x3xf32, #tpu.memory_space<vmem>>[vector<16xi32>, vector<16xi32>], vector<16xf32>,
        %get3A_782 = arith.constant 0 : i32
        %get3A_783 = arith.index_cast %scan3A_765 : i32 to index
        %get3A_784 = arith.index_cast %get3A_782 : i32 to index
        %get3A_785 = arith.constant 0 : index
        %get3A_786 = tpu.vector_load %arg12[%get3A_783, %get3A_784, %get3A_785] {strides = array<i32>} : memref<16x3x64xf32, #tpu.memory_space<vmem>>, vector<16xf32>,
        %add3A_787 = arith.addf %get3A_786, %gather3A : vector<16xf32>
        %mul3A_788 = arith.mulf %get3A_768, %add3A_787 : vector<16xf32>
        %swap3A_789 = arith.constant 0 : i32
        %swap3A_790 = arith.index_cast %scan3A_765 : i32 to index
        %swap3A_791 = arith.index_cast %swap3A_789 : i32 to index
        %swap3A_792 = arith.constant 0 : index
        %swap3A_793 = tpu.vector_load %arg12[%swap3A_790, %swap3A_791, %swap3A_792] {strides = array<i32>} : memref<16x3x64xf32, #tpu.memory_space<vmem>>, vector<16xf32>,
        tpu.vector_store %arg12[%swap3A_790, %swap3A_791, %swap3A_792], %mul3A_788 {strides = array<i32>} : memref<16x3x64xf32, #tpu.memory_space<vmem>>, vector<16xf32>,
        %get3A_794 = arith.constant 0 : i32
        %get3A_795 = arith.index_cast %scan3A_765 : i32 to index
        %get3A_796 = arith.index_cast %get3A_794 : i32 to index
        %get3A_797 = arith.constant 16 : index
        %get3A_798 = tpu.vector_load %arg12[%get3A_795, %get3A_796, %get3A_797] {strides = array<i32>} : memref<16x3x64xf32, #tpu.memory_space<vmem>>, vector<16xf32>,
        %add3A_799 = arith.addf %get3A_798, %gather3A : vector<16xf32>
        %mul3A_800 = arith.mulf %get3A_771, %add3A_799 : vector<16xf32>
        %swap3A_801 = arith.constant 0 : i32
        %swap3A_802 = arith.index_cast %scan3A_765 : i32 to index
        %swap3A_803 = arith.index_cast %swap3A_801 : i32 to index
        %swap3A_804 = arith.constant 16 : index
        %swap3A_805 = tpu.vector_load %arg12[%swap3A_802, %swap3A_803, %swap3A_804] {strides = array<i32>} : memref<16x3x64xf32, #tpu.memory_space<vmem>>, vector<16xf32>,
        tpu.vector_store %arg12[%swap3A_802, %swap3A_803, %swap3A_804], %mul3A_800 {strides = array<i32>} : memref<16x3x64xf32, #tpu.memory_space<vmem>>, vector<16xf32>,
        %get3A_806 = arith.constant 0 : i32
        %get3A_807 = arith.index_cast %scan3A_765 : i32 to index
        %get3A_808 = arith.index_cast %get3A_806 : i32 to index
        %get3A_809 = arith.constant 32 : index
        %get3A_810 = tpu.vector_load %arg12[%get3A_807, %get3A_808, %get3A_809] {strides = array<i32>} : memref<16x3x64xf32, #tpu.memory_space<vmem>>, vector<16xf32>,
        %add3A_811 = arith.addf %get3A_810, %gather3A : vector<16xf32>
        %mul3A_812 = arith.mulf %get3A_774, %add3A_811 : vector<16xf32>
        %swap3A_813 = arith.constant 0 : i32
        %swap3A_814 = arith.index_cast %scan3A_765 : i32 to index
        %swap3A_815 = arith.index_cast %swap3A_813 : i32 to index
        %swap3A_816 = arith.constant 32 : index
        %swap3A_817 = tpu.vector_load %arg12[%swap3A_814, %swap3A_815, %swap3A_816] {strides = array<i32>} : memref<16x3x64xf32, #tpu.memory_space<vmem>>, vector<16xf32>,
        tpu.vector_store %arg12[%swap3A_814, %swap3A_815, %swap3A_816], %mul3A_812 {strides = array<i32>} : memref<16x3x64xf32, #tpu.memory_space<vmem>>, vector<16xf32>,
        %get3A_818 = arith.constant 0 : i32
        %get3A_819 = arith.index_cast %scan3A_765 : i32 to index
        %get3A_820 = arith.index_cast %get3A_818 : i32 to index
        %get3A_821 = arith.constant 48 : index
        %get3A_822 = tpu.vector_load %arg12[%get3A_819, %get3A_820, %get3A_821] {strides = array<i32>} : memref<16x3x64xf32, #tpu.memory_space<vmem>>, vector<16xf32>,
        %add3A_823 = arith.addf %get3A_822, %gather3A : vector<16xf32>
        %mul3A_824 = arith.mulf %get3A_777, %add3A_823 : vector<16xf32>
        %swap3A_825 = arith.constant 0 : i32
        %swap3A_826 = arith.index_cast %scan3A_765 : i32 to index
        %swap3A_827 = arith.index_cast %swap3A_825 : i32 to index
        %swap3A_828 = arith.constant 48 : index
        %swap3A_829 = tpu.vector_load %arg12[%swap3A_826, %swap3A_827, %swap3A_828] {strides = array<i32>} : memref<16x3x64xf32, #tpu.memory_space<vmem>>, vector<16xf32>,
        tpu.vector_store %arg12[%swap3A_826, %swap3A_827, %swap3A_828], %mul3A_824 {strides = array<i32>} : memref<16x3x64xf32, #tpu.memory_space<vmem>>, vector<16xf32>,
        %broadcast_in_dim3A_830 = arith.constant 1 : i32
        %broadcast_in_dim3A_831 = vector.broadcast %broadcast_in_dim3A_830 : i32 to vector<16xi32>
        %gather3A_832 = tpu.vector_load_idx %arg19[%broadcast_in_dim3A, %broadcast_in_dim3A_831] : memref<80x3xf32, #tpu.memory_space<vmem>>[vector<16xi32>, vector<16xi32>], vector<16xf32>,
        %get3A_833 = arith.constant 1 : i32
        %get3A_834 = arith.index_cast %scan3A_765 : i32 to index
        %get3A_835 = arith.index_cast %get3A_833 : i32 to index
        %get3A_836 = arith.constant 0 : index
        %get3A_837 = tpu.vector_load %arg12[%get3A_834, %get3A_835, %get3A_836] {strides = array<i32>} : memref<16x3x64xf32, #tpu.memory_space<vmem>>, vector<16xf32>,
        %add3A_838 = arith.addf %get3A_837, %gather3A_832 : vector<16xf32>
        %mul3A_839 = arith.mulf %get3A_768, %add3A_838 : vector<16xf32>
        %swap3A_840 = arith.constant 1 : i32
        %swap3A_841 = arith.index_cast %scan3A_765 : i32 to index
        %swap3A_842 = arith.index_cast %swap3A_840 : i32 to index
        %swap3A_843 = arith.constant 0 : index
        %swap3A_844 = tpu.vector_load %arg12[%swap3A_841, %swap3A_842, %swap3A_843] {strides = array<i32>} : memref<16x3x64xf32, #tpu.memory_space<vmem>>, vector<16xf32>,
        tpu.vector_store %arg12[%swap3A_841, %swap3A_842, %swap3A_843], %mul3A_839 {strides = array<i32>} : memref<16x3x64xf32, #tpu.memory_space<vmem>>, vector<16xf32>,
        %get3A_845 = arith.constant 1 : i32
        %get3A_846 = arith.index_cast %scan3A_765 : i32 to index
        %get3A_847 = arith.index_cast %get3A_845 : i32 to index
        %get3A_848 = arith.constant 16 : index
        %get3A_849 = tpu.vector_load %arg12[%get3A_846, %get3A_847, %get3A_848] {strides = array<i32>} : memref<16x3x64xf32, #tpu.memory_space<vmem>>, vector<16xf32>,
        %add3A_850 = arith.addf %get3A_849, %gather3A_832 : vector<16xf32>
        %mul3A_851 = arith.mulf %get3A_771, %add3A_850 : vector<16xf32>
        %swap3A_852 = arith.constant 1 : i32
        %swap3A_853 = arith.index_cast %scan3A_765 : i32 to index
        %swap3A_854 = arith.index_cast %swap3A_852 : i32 to index
        %swap3A_855 = arith.constant 16 : index
        %swap3A_856 = tpu.vector_load %arg12[%swap3A_853, %swap3A_854, %swap3A_855] {strides = array<i32>} : memref<16x3x64xf32, #tpu.memory_space<vmem>>, vector<16xf32>,
        tpu.vector_store %arg12[%swap3A_853, %swap3A_854, %swap3A_855], %mul3A_851 {strides = array<i32>} : memref<16x3x64xf32, #tpu.memory_space<vmem>>, vector<16xf32>,
        %get3A_857 = arith.constant 1 : i32
        %get3A_858 = arith.index_cast %scan3A_765 : i32 to index
        %get3A_859 = arith.index_cast %get3A_857 : i32 to index
        %get3A_860 = arith.constant 32 : index
        %get3A_861 = tpu.vector_load %arg12[%get3A_858, %get3A_859, %get3A_860] {strides = array<i32>} : memref<16x3x64xf32, #tpu.memory_space<vmem>>, vector<16xf32>,
        %add3A_862 = arith.addf %get3A_861, %gather3A_832 : vector<16xf32>
        %mul3A_863 = arith.mulf %get3A_774, %add3A_862 : vector<16xf32>
        %swap3A_864 = arith.constant 1 : i32
        %swap3A_865 = arith.index_cast %scan3A_765 : i32 to index
        %swap3A_866 = arith.index_cast %swap3A_864 : i32 to index
        %swap3A_867 = arith.constant 32 : index
        %swap3A_868 = tpu.vector_load %arg12[%swap3A_865, %swap3A_866, %swap3A_867] {strides = array<i32>} : memref<16x3x64xf32, #tpu.memory_space<vmem>>, vector<16xf32>,
        tpu.vector_store %arg12[%swap3A_865, %swap3A_866, %swap3A_867], %mul3A_863 {strides = array<i32>} : memref<16x3x64xf32, #tpu.memory_space<vmem>>, vector<16xf32>,
        %get3A_869 = arith.constant 1 : i32
        %get3A_870 = arith.index_cast %scan3A_765 : i32 to index
        %get3A_871 = arith.index_cast %get3A_869 : i32 to index
        %get3A_872 = arith.constant 48 : index
        %get3A_873 = tpu.vector_load %arg12[%get3A_870, %get3A_871, %get3A_872] {strides = array<i32>} : memref<16x3x64xf32, #tpu.memory_space<vmem>>, vector<16xf32>,
        %add3A_874 = arith.addf %get3A_873, %gather3A_832 : vector<16xf32>
        %mul3A_875 = arith.mulf %get3A_777, %add3A_874 : vector<16xf32>
        %swap3A_876 = arith.constant 1 : i32
        %swap3A_877 = arith.index_cast %scan3A_765 : i32 to index
        %swap3A_878 = arith.index_cast %swap3A_876 : i32 to index
        %swap3A_879 = arith.constant 48 : index
        %swap3A_880 = tpu.vector_load %arg12[%swap3A_877, %swap3A_878, %swap3A_879] {strides = array<i32>} : memref<16x3x64xf32, #tpu.memory_space<vmem>>, vector<16xf32>,
        tpu.vector_store %arg12[%swap3A_877, %swap3A_878, %swap3A_879], %mul3A_875 {strides = array<i32>} : memref<16x3x64xf32, #tpu.memory_space<vmem>>, vector<16xf32>,
        %broadcast_in_dim3A_881 = arith.constant 2 : i32
        %broadcast_in_dim3A_882 = vector.broadcast %broadcast_in_dim3A_881 : i32 to vector<16xi32>
        %gather3A_883 = tpu.vector_load_idx %arg19[%broadcast_in_dim3A, %broadcast_in_dim3A_882] : memref<80x3xf32, #tpu.memory_space<vmem>>[vector<16xi32>, vector<16xi32>], vector<16xf32>,
        %get3A_884 = arith.constant 2 : i32
        %get3A_885 = arith.index_cast %scan3A_765 : i32 to index
        %get3A_886 = arith.index_cast %get3A_884 : i32 to index
        %get3A_887 = arith.constant 0 : index
        %get3A_888 = tpu.vector_load %arg12[%get3A_885, %get3A_886, %get3A_887] {strides = array<i32>} : memref<16x3x64xf32, #tpu.memory_space<vmem>>, vector<16xf32>,
        %add3A_889 = arith.addf %get3A_888, %gather3A_883 : vector<16xf32>
        %mul3A_890 = arith.mulf %get3A_768, %add3A_889 : vector<16xf32>
        %swap3A_891 = arith.constant 2 : i32
        %swap3A_892 = arith.index_cast %scan3A_765 : i32 to index
        %swap3A_893 = arith.index_cast %swap3A_891 : i32 to index
        %swap3A_894 = arith.constant 0 : index
        %swap3A_895 = tpu.vector_load %arg12[%swap3A_892, %swap3A_893, %swap3A_894] {strides = array<i32>} : memref<16x3x64xf32, #tpu.memory_space<vmem>>, vector<16xf32>,
        tpu.vector_store %arg12[%swap3A_892, %swap3A_893, %swap3A_894], %mul3A_890 {strides = array<i32>} : memref<16x3x64xf32, #tpu.memory_space<vmem>>, vector<16xf32>,
        %get3A_896 = arith.constant 2 : i32
        %get3A_897 = arith.index_cast %scan3A_765 : i32 to index
        %get3A_898 = arith.index_cast %get3A_896 : i32 to index
        %get3A_899 = arith.constant 16 : index
        %get3A_900 = tpu.vector_load %arg12[%get3A_897, %get3A_898, %get3A_899] {strides = array<i32>} : memref<16x3x64xf32, #tpu.memory_space<vmem>>, vector<16xf32>,
        %add3A_901 = arith.addf %get3A_900, %gather3A_883 : vector<16xf32>
        %mul3A_902 = arith.mulf %get3A_771, %add3A_901 : vector<16xf32>
        %swap3A_903 = arith.constant 2 : i32
        %swap3A_904 = arith.index_cast %scan3A_765 : i32 to index
        %swap3A_905 = arith.index_cast %swap3A_903 : i32 to index
        %swap3A_906 = arith.constant 16 : index
        %swap3A_907 = tpu.vector_load %arg12[%swap3A_904, %swap3A_905, %swap3A_906] {strides = array<i32>} : memref<16x3x64xf32, #tpu.memory_space<vmem>>, vector<16xf32>,
        tpu.vector_store %arg12[%swap3A_904, %swap3A_905, %swap3A_906], %mul3A_902 {strides = array<i32>} : memref<16x3x64xf32, #tpu.memory_space<vmem>>, vector<16xf32>,
        %get3A_908 = arith.constant 2 : i32
        %get3A_909 = arith.index_cast %scan3A_765 : i32 to index
        %get3A_910 = arith.index_cast %get3A_908 : i32 to index
        %get3A_911 = arith.constant 32 : index
        %get3A_912 = tpu.vector_load %arg12[%get3A_909, %get3A_910, %get3A_911] {strides = array<i32>} : memref<16x3x64xf32, #tpu.memory_space<vmem>>, vector<16xf32>,
        %add3A_913 = arith.addf %get3A_912, %gather3A_883 : vector<16xf32>
        %mul3A_914 = arith.mulf %get3A_774, %add3A_913 : vector<16xf32>
        %swap3A_915 = arith.constant 2 : i32
        %swap3A_916 = arith.index_cast %scan3A_765 : i32 to index
        %swap3A_917 = arith.index_cast %swap3A_915 : i32 to index
        %swap3A_918 = arith.constant 32 : index
        %swap3A_919 = tpu.vector_load %arg12[%swap3A_916, %swap3A_917, %swap3A_918] {strides = array<i32>} : memref<16x3x64xf32, #tpu.memory_space<vmem>>, vector<16xf32>,
        tpu.vector_store %arg12[%swap3A_916, %swap3A_917, %swap3A_918], %mul3A_914 {strides = array<i32>} : memref<16x3x64xf32, #tpu.memory_space<vmem>>, vector<16xf32>,
        %get3A_920 = arith.constant 2 : i32
        %get3A_921 = arith.index_cast %scan3A_765 : i32 to index
        %get3A_922 = arith.index_cast %get3A_920 : i32 to index
        %get3A_923 = arith.constant 48 : index
        %get3A_924 = tpu.vector_load %arg12[%get3A_921, %get3A_922, %get3A_923] {strides = array<i32>} : memref<16x3x64xf32, #tpu.memory_space<vmem>>, vector<16xf32>,
        %add3A_925 = arith.addf %get3A_924, %gather3A_883 : vector<16xf32>
        %mul3A_926 = arith.mulf %get3A_777, %add3A_925 : vector<16xf32>
        %swap3A_927 = arith.constant 2 : i32
        %swap3A_928 = arith.index_cast %scan3A_765 : i32 to index
        %swap3A_929 = arith.index_cast %swap3A_927 : i32 to index
        %swap3A_930 = arith.constant 48 : index
        %swap3A_931 = tpu.vector_load %arg12[%swap3A_928, %swap3A_929, %swap3A_930] {strides = array<i32>} : memref<16x3x64xf32, #tpu.memory_space<vmem>>, vector<16xf32>,
        tpu.vector_store %arg12[%swap3A_928, %swap3A_929, %swap3A_930], %mul3A_926 {strides = array<i32>} : memref<16x3x64xf32, #tpu.memory_space<vmem>>, vector<16xf32>,
      }
      %scan3A_236 = arith.constant 16 : i32
      %get3A_237 = arith.constant 1 : i32
      %get3A_238 = arith.index_cast %get3A_237 : i32 to index
      %get3A_239 = arith.constant 0 : index
      %get3A_240 = tpu.vector_load %arg15[%get3A_238, %get3A_239] {strides = array<i32>} : memref<5x16xi32, #tpu.memory_space<vmem>>, vector<16xi32>,
      %swap3A_241 = arith.constant 0 : index
      %swap3A_242 = tpu.vector_load %arg21[%swap3A_241] {strides = array<i32>} : memref<16xi32, #tpu.memory_space<vmem>>, vector<16xi32>,
      tpu.vector_store %arg21[%swap3A_241], %get3A_240 {strides = array<i32>} : memref<16xi32, #tpu.memory_space<vmem>>, vector<16xi32>,
      %dma_start3A_243 = arith.constant 0 : i32
      %dma_start3A_244 = arith.constant 0 : i32
      %dma_start3A_245 = arith.constant 0 : i32
      %dma_start3A_246 = tpu.memref_slice %arg10[%dma_start3A_243, %dma_start3A_244, %dma_start3A_245] : memref<10000x3x64xf32, #tpu.memory_space<vmem_shared>> -> memref<10000x3x64xf32, #tpu.memory_space<vmem_shared>>
      tpu.enqueue_indirect_dma source(%arg12 : memref<16x3x64xf32, #tpu.memory_space<vmem>>) target(%dma_start3A_246 : memref<10000x3x64xf32, #tpu.memory_space<vmem_shared>>) offsets(%arg21 : memref<16xi32, #tpu.memory_space<vmem>>) semaphore(%arg27 : memref<!tpu.dma_semaphore, #tpu.memory_space<semaphore_mem>>) {add = true}
      %mul3A_247 = arith.constant 5 : i32
      %mul3A_248 = arith.muli %mul3A_109, %mul3A_247 : i32
      %add3A_249 = arith.constant 2 : i32
      %add3A_250 = arith.addi %mul3A_248, %add3A_249 : i32
      %dma_wait3A_251 = arith.constant 0 : i32
      %dma_wait3A_252 = arith.constant 0 : i32
      %dma_wait3A_253 = arith.constant 0 : i32
      %dma_wait3A_254 = tpu.memref_slice %arg10[%dma_wait3A_251, %dma_wait3A_252, %dma_wait3A_253] : memref<10000x3x64xf32, #tpu.memory_space<vmem_shared>> -> memref<10000x3x64xf32, #tpu.memory_space<vmem_shared>>
      tpu.wait_indirect_dma semaphore(%arg27 : memref<!tpu.dma_semaphore, #tpu.memory_space<semaphore_mem>>) src(%arg12 : memref<16x3x64xf32, #tpu.memory_space<vmem>>) dst(%dma_wait3A_254 : memref<10000x3x64xf32, #tpu.memory_space<vmem_shared>>)
      %add3A_255 = arith.constant 1 : i32
      %add3A_256 = arith.addi %add3A_250, %add3A_255 : i32
      %mul3A_257 = arith.constant 1250 : i32
      %mul3A_258 = arith.muli %arg1, %mul3A_257 : i32
      %add3A_259 = arith.addi %mul3A_258, %add3A_256 : i32
      %mul3A_260 = arith.constant 16 : i32
      %mul3A_261 = arith.muli %add3A_259, %mul3A_260 : i32
      %eq3A_262 = arith.constant 0 : i32
      %eq3A_263 = arith.cmpi eq, %arg0, %eq3A_262 : i32
      %convert_element_type3A_264 = arith.extui %eq3A_263 : i1 to i32
      %cond3A_265 = arith.constant 3 : i32
      %cond3A_266 = arith.constant 0 : i32
      %cond3A_267 = arith.cmpi ne, %convert_element_type3A_264, %cond3A_266 : i32
      scf.if %cond3A_267 {
        %dma_start3A_765 = arith.constant 0 : i32
        %dma_start3A_766 = tpu.memref_slice %arg17[%cond3A_265, %dma_start3A_765] : memref<5x16xi32, #tpu.memory_space<vmem>> -> memref<1x16xi32, #tpu.memory_space<vmem>>
        %dma_start3A_767 = tpu.memref_squeeze %dma_start3A_766 : memref<1x16xi32, #tpu.memory_space<vmem>> -> memref<16xi32, #tpu.memory_space<vmem>>
        %dma_start3A_768 = arith.constant 0 : i32
        %dma_start3A_769 = arith.constant 0 : i32
        %dma_start3A_770 = arith.constant 0 : i32
        %dma_start3A_771 = tpu.memref_slice %arg4[%dma_start3A_768, %dma_start3A_769, %dma_start3A_770] : memref<10000x3x64xf32, #tpu.memory_space<hbm>> -> memref<10000x3x64xf32, #tpu.memory_space<hbm>>
        tpu.enqueue_indirect_dma source(%dma_start3A_771 : memref<10000x3x64xf32, #tpu.memory_space<hbm>>) target(%arg12 : memref<16x3x64xf32, #tpu.memory_space<vmem>>) offsets(%dma_start3A_767 : memref<16xi32, #tpu.memory_space<vmem>>) semaphore(%arg25 : memref<!tpu.dma_semaphore, #tpu.memory_space<semaphore_mem>>)
      } else {
      }
      %eq3A_268 = arith.constant 1 : i32
      %eq3A_269 = arith.cmpi eq, %arg0, %eq3A_268 : i32
      %convert_element_type3A_270 = arith.extui %eq3A_269 : i1 to i32
      %cond3A_271 = arith.constant 3 : i32
      %cond3A_272 = arith.constant 0 : i32
      %cond3A_273 = arith.cmpi ne, %convert_element_type3A_270, %cond3A_272 : i32
      scf.if %cond3A_273 {
        %dma_start3A_765 = arith.constant 0 : i32
        %dma_start3A_766 = tpu.memref_slice %arg17[%cond3A_271, %dma_start3A_765] : memref<5x16xi32, #tpu.memory_space<vmem>> -> memref<1x16xi32, #tpu.memory_space<vmem>>
        %dma_start3A_767 = tpu.memref_squeeze %dma_start3A_766 : memref<1x16xi32, #tpu.memory_space<vmem>> -> memref<16xi32, #tpu.memory_space<vmem>>
        %dma_start3A_768 = arith.constant 0 : i32
        %dma_start3A_769 = arith.constant 0 : i32
        %dma_start3A_770 = arith.constant 0 : i32
        %dma_start3A_771 = tpu.memref_slice %arg5[%dma_start3A_768, %dma_start3A_769, %dma_start3A_770] : memref<10000x3x64xf32, #tpu.memory_space<hbm>> -> memref<10000x3x64xf32, #tpu.memory_space<hbm>>
        tpu.enqueue_indirect_dma source(%dma_start3A_771 : memref<10000x3x64xf32, #tpu.memory_space<hbm>>) target(%arg12 : memref<16x3x64xf32, #tpu.memory_space<vmem>>) offsets(%dma_start3A_767 : memref<16xi32, #tpu.memory_space<vmem>>) semaphore(%arg25 : memref<!tpu.dma_semaphore, #tpu.memory_space<semaphore_mem>>)
      } else {
      }
      %dma_start3A_274 = arith.constant 0 : i32
      %dma_start3A_275 = tpu.memref_slice %arg6[%mul3A_261, %arg0, %dma_start3A_274] : memref<320000x2x64xf32, #tpu.memory_space<hbm>> -> memref<16x1x64xf32, #tpu.memory_space<hbm>>
      %dma_start3A_276 = tpu.memref_squeeze %dma_start3A_275 : memref<16x1x64xf32, #tpu.memory_space<hbm>> -> memref<16x64xf32, #tpu.memory_space<hbm>>
      %dma_start3A_277 = arith.constant 0 : i32
      %dma_start3A_278 = tpu.memref_slice %arg6[%mul3A_261, %arg0, %dma_start3A_277] : memref<320000x2x64xf32, #tpu.memory_space<hbm>> -> memref<16x1x64xf32, #tpu.memory_space<hbm>>
      %dma_start3A_279 = tpu.memref_squeeze %dma_start3A_278 : memref<16x1x64xf32, #tpu.memory_space<hbm>> -> memref<16x64xf32, #tpu.memory_space<hbm>>
      tpu.enqueue_dma source(%dma_start3A_279 : memref<16x64xf32, #tpu.memory_space<hbm>>) target(%arg14 : memref<16x64xf32, #tpu.memory_space<vmem>>) target_semaphore(%arg25 : memref<!tpu.dma_semaphore, #tpu.memory_space<semaphore_mem>>)
      %eq3A_280 = arith.constant 0 : i32
      %eq3A_281 = arith.cmpi eq, %arg0, %eq3A_280 : i32
      %convert_element_type3A_282 = arith.extui %eq3A_281 : i1 to i32
      %cond3A_283 = arith.constant 0 : i32
      %cond3A_284 = arith.cmpi ne, %convert_element_type3A_282, %cond3A_283 : i32
      scf.if %cond3A_284 {
        %dma_wait3A_765 = arith.constant 0 : i32
        %dma_wait3A_766 = arith.constant 0 : i32
        %dma_wait3A_767 = tpu.memref_slice %arg17[%dma_wait3A_765, %dma_wait3A_766] : memref<5x16xi32, #tpu.memory_space<vmem>> -> memref<1x16xi32, #tpu.memory_space<vmem>>
        %dma_wait3A_768 = tpu.memref_squeeze %dma_wait3A_767 : memref<1x16xi32, #tpu.memory_space<vmem>> -> memref<16xi32, #tpu.memory_space<vmem>>
        %dma_wait3A_769 = arith.constant 0 : i32
        %dma_wait3A_770 = arith.constant 0 : i32
        %dma_wait3A_771 = arith.constant 0 : i32
        %dma_wait3A_772 = tpu.memref_slice %arg4[%dma_wait3A_769, %dma_wait3A_770, %dma_wait3A_771] : memref<10000x3x64xf32, #tpu.memory_space<hbm>> -> memref<10000x3x64xf32, #tpu.memory_space<hbm>>
        tpu.wait_indirect_dma semaphore(%arg24 : memref<!tpu.dma_semaphore, #tpu.memory_space<semaphore_mem>>) src(%dma_wait3A_772 : memref<10000x3x64xf32, #tpu.memory_space<hbm>>) dst(%arg11 : memref<16x3x64xf32, #tpu.memory_space<vmem>>)
      } else {
      }
      %eq3A_285 = arith.constant 1 : i32
      %eq3A_286 = arith.cmpi eq, %arg0, %eq3A_285 : i32
      %convert_element_type3A_287 = arith.extui %eq3A_286 : i1 to i32
      %cond3A_288 = arith.constant 0 : i32
      %cond3A_289 = arith.cmpi ne, %convert_element_type3A_287, %cond3A_288 : i32
      scf.if %cond3A_289 {
        %dma_wait3A_765 = arith.constant 0 : i32
        %dma_wait3A_766 = arith.constant 0 : i32
        %dma_wait3A_767 = tpu.memref_slice %arg17[%dma_wait3A_765, %dma_wait3A_766] : memref<5x16xi32, #tpu.memory_space<vmem>> -> memref<1x16xi32, #tpu.memory_space<vmem>>
        %dma_wait3A_768 = tpu.memref_squeeze %dma_wait3A_767 : memref<1x16xi32, #tpu.memory_space<vmem>> -> memref<16xi32, #tpu.memory_space<vmem>>
        %dma_wait3A_769 = arith.constant 0 : i32
        %dma_wait3A_770 = arith.constant 0 : i32
        %dma_wait3A_771 = arith.constant 0 : i32
        %dma_wait3A_772 = tpu.memref_slice %arg5[%dma_wait3A_769, %dma_wait3A_770, %dma_wait3A_771] : memref<10000x3x64xf32, #tpu.memory_space<hbm>> -> memref<10000x3x64xf32, #tpu.memory_space<hbm>>
        tpu.wait_indirect_dma semaphore(%arg24 : memref<!tpu.dma_semaphore, #tpu.memory_space<semaphore_mem>>) src(%dma_wait3A_772 : memref<10000x3x64xf32, #tpu.memory_space<hbm>>) dst(%arg11 : memref<16x3x64xf32, #tpu.memory_space<vmem>>)
      } else {
      }
      %dma_wait3A_290 = arith.constant 0 : i32
      %dma_wait3A_291 = arith.constant 0 : i32
      %dma_wait3A_292 = tpu.memref_slice %arg6[%dma_wait3A_290, %arg0, %dma_wait3A_291] : memref<320000x2x64xf32, #tpu.memory_space<hbm>> -> memref<16x1x64xf32, #tpu.memory_space<hbm>>
      %dma_wait3A_293 = tpu.memref_squeeze %dma_wait3A_292 : memref<16x1x64xf32, #tpu.memory_space<hbm>> -> memref<16x64xf32, #tpu.memory_space<hbm>>
      %dma_wait3A_294 = arith.constant 0 : i32
      %dma_wait3A_295 = arith.constant 0 : i32
      %dma_wait3A_296 = tpu.memref_slice %arg6[%dma_wait3A_294, %arg0, %dma_wait3A_295] : memref<320000x2x64xf32, #tpu.memory_space<hbm>> -> memref<16x1x64xf32, #tpu.memory_space<hbm>>
      %dma_wait3A_297 = tpu.memref_squeeze %dma_wait3A_296 : memref<16x1x64xf32, #tpu.memory_space<hbm>> -> memref<16x64xf32, #tpu.memory_space<hbm>>
      tpu.wait_dma2 semaphore(%arg24 : memref<!tpu.dma_semaphore, #tpu.memory_space<semaphore_mem>>) src(%dma_wait3A_297 : memref<16x64xf32, #tpu.memory_space<hbm>>) dst(%arg13 : memref<16x64xf32, #tpu.memory_space<vmem>>)
      %scan3A_298 = arith.constant 0 : i32
      %scan3A_299 = arith.constant 0 : i32
      %scan3A_300 = arith.constant 16 : i32
      %scan3A_301 = arith.addi %scan3A_299, %scan3A_300 : i32
      %scan3A_302 = arith.constant 1 : i32
      scf.for %scan3A_765 = %scan3A_299 to %scan3A_301 step %scan3A_302  : i32 {
        %get3A_766 = arith.index_cast %scan3A_765 : i32 to index
        %get3A_767 = arith.constant 0 : index
        %get3A_768 = tpu.vector_load %arg13[%get3A_766, %get3A_767] {strides = array<i32>} : memref<16x64xf32, #tpu.memory_space<vmem>>, vector<16xf32>,
        %get3A_769 = arith.index_cast %scan3A_765 : i32 to index
        %get3A_770 = arith.constant 16 : index
        %get3A_771 = tpu.vector_load %arg13[%get3A_769, %get3A_770] {strides = array<i32>} : memref<16x64xf32, #tpu.memory_space<vmem>>, vector<16xf32>,
        %get3A_772 = arith.index_cast %scan3A_765 : i32 to index
        %get3A_773 = arith.constant 32 : index
        %get3A_774 = tpu.vector_load %arg13[%get3A_772, %get3A_773] {strides = array<i32>} : memref<16x64xf32, #tpu.memory_space<vmem>>, vector<16xf32>,
        %get3A_775 = arith.index_cast %scan3A_765 : i32 to index
        %get3A_776 = arith.constant 48 : index
        %get3A_777 = tpu.vector_load %arg13[%get3A_775, %get3A_776] {strides = array<i32>} : memref<16x64xf32, #tpu.memory_space<vmem>>, vector<16xf32>,
        %add3A_778 = arith.constant 32 : i32
        %add3A_779 = arith.addi %add3A_778, %scan3A_765 : i32
        %broadcast_in_dim3A = vector.broadcast %add3A_779 : i32 to vector<16xi32>
        %broadcast_in_dim3A_780 = arith.constant 0 : i32
        %broadcast_in_dim3A_781 = vector.broadcast %broadcast_in_dim3A_780 : i32 to vector<16xi32>
        %gather3A = tpu.vector_load_idx %arg19[%broadcast_in_dim3A, %broadcast_in_dim3A_781] : memref<80x3xf32, #tpu.memory_space<vmem>>[vector<16xi32>, vector<16xi32>], vector<16xf32>,
        %get3A_782 = arith.constant 0 : i32
        %get3A_783 = arith.index_cast %scan3A_765 : i32 to index
        %get3A_784 = arith.index_cast %get3A_782 : i32 to index
        %get3A_785 = arith.constant 0 : index
        %get3A_786 = tpu.vector_load %arg11[%get3A_783, %get3A_784, %get3A_785] {strides = array<i32>} : memref<16x3x64xf32, #tpu.memory_space<vmem>>, vector<16xf32>,
        %add3A_787 = arith.addf %get3A_786, %gather3A : vector<16xf32>
        %mul3A_788 = arith.mulf %get3A_768, %add3A_787 : vector<16xf32>
        %swap3A_789 = arith.constant 0 : i32
        %swap3A_790 = arith.index_cast %scan3A_765 : i32 to index
        %swap3A_791 = arith.index_cast %swap3A_789 : i32 to index
        %swap3A_792 = arith.constant 0 : index
        %swap3A_793 = tpu.vector_load %arg11[%swap3A_790, %swap3A_791, %swap3A_792] {strides = array<i32>} : memref<16x3x64xf32, #tpu.memory_space<vmem>>, vector<16xf32>,
        tpu.vector_store %arg11[%swap3A_790, %swap3A_791, %swap3A_792], %mul3A_788 {strides = array<i32>} : memref<16x3x64xf32, #tpu.memory_space<vmem>>, vector<16xf32>,
        %get3A_794 = arith.constant 0 : i32
        %get3A_795 = arith.index_cast %scan3A_765 : i32 to index
        %get3A_796 = arith.index_cast %get3A_794 : i32 to index
        %get3A_797 = arith.constant 16 : index
        %get3A_798 = tpu.vector_load %arg11[%get3A_795, %get3A_796, %get3A_797] {strides = array<i32>} : memref<16x3x64xf32, #tpu.memory_space<vmem>>, vector<16xf32>,
        %add3A_799 = arith.addf %get3A_798, %gather3A : vector<16xf32>
        %mul3A_800 = arith.mulf %get3A_771, %add3A_799 : vector<16xf32>
        %swap3A_801 = arith.constant 0 : i32
        %swap3A_802 = arith.index_cast %scan3A_765 : i32 to index
        %swap3A_803 = arith.index_cast %swap3A_801 : i32 to index
        %swap3A_804 = arith.constant 16 : index
        %swap3A_805 = tpu.vector_load %arg11[%swap3A_802, %swap3A_803, %swap3A_804] {strides = array<i32>} : memref<16x3x64xf32, #tpu.memory_space<vmem>>, vector<16xf32>,
        tpu.vector_store %arg11[%swap3A_802, %swap3A_803, %swap3A_804], %mul3A_800 {strides = array<i32>} : memref<16x3x64xf32, #tpu.memory_space<vmem>>, vector<16xf32>,
        %get3A_806 = arith.constant 0 : i32
        %get3A_807 = arith.index_cast %scan3A_765 : i32 to index
        %get3A_808 = arith.index_cast %get3A_806 : i32 to index
        %get3A_809 = arith.constant 32 : index
        %get3A_810 = tpu.vector_load %arg11[%get3A_807, %get3A_808, %get3A_809] {strides = array<i32>} : memref<16x3x64xf32, #tpu.memory_space<vmem>>, vector<16xf32>,
        %add3A_811 = arith.addf %get3A_810, %gather3A : vector<16xf32>
        %mul3A_812 = arith.mulf %get3A_774, %add3A_811 : vector<16xf32>
        %swap3A_813 = arith.constant 0 : i32
        %swap3A_814 = arith.index_cast %scan3A_765 : i32 to index
        %swap3A_815 = arith.index_cast %swap3A_813 : i32 to index
        %swap3A_816 = arith.constant 32 : index
        %swap3A_817 = tpu.vector_load %arg11[%swap3A_814, %swap3A_815, %swap3A_816] {strides = array<i32>} : memref<16x3x64xf32, #tpu.memory_space<vmem>>, vector<16xf32>,
        tpu.vector_store %arg11[%swap3A_814, %swap3A_815, %swap3A_816], %mul3A_812 {strides = array<i32>} : memref<16x3x64xf32, #tpu.memory_space<vmem>>, vector<16xf32>,
        %get3A_818 = arith.constant 0 : i32
        %get3A_819 = arith.index_cast %scan3A_765 : i32 to index
        %get3A_820 = arith.index_cast %get3A_818 : i32 to index
        %get3A_821 = arith.constant 48 : index
        %get3A_822 = tpu.vector_load %arg11[%get3A_819, %get3A_820, %get3A_821] {strides = array<i32>} : memref<16x3x64xf32, #tpu.memory_space<vmem>>, vector<16xf32>,
        %add3A_823 = arith.addf %get3A_822, %gather3A : vector<16xf32>
        %mul3A_824 = arith.mulf %get3A_777, %add3A_823 : vector<16xf32>
        %swap3A_825 = arith.constant 0 : i32
        %swap3A_826 = arith.index_cast %scan3A_765 : i32 to index
        %swap3A_827 = arith.index_cast %swap3A_825 : i32 to index
        %swap3A_828 = arith.constant 48 : index
        %swap3A_829 = tpu.vector_load %arg11[%swap3A_826, %swap3A_827, %swap3A_828] {strides = array<i32>} : memref<16x3x64xf32, #tpu.memory_space<vmem>>, vector<16xf32>,
        tpu.vector_store %arg11[%swap3A_826, %swap3A_827, %swap3A_828], %mul3A_824 {strides = array<i32>} : memref<16x3x64xf32, #tpu.memory_space<vmem>>, vector<16xf32>,
        %broadcast_in_dim3A_830 = arith.constant 1 : i32
        %broadcast_in_dim3A_831 = vector.broadcast %broadcast_in_dim3A_830 : i32 to vector<16xi32>
        %gather3A_832 = tpu.vector_load_idx %arg19[%broadcast_in_dim3A, %broadcast_in_dim3A_831] : memref<80x3xf32, #tpu.memory_space<vmem>>[vector<16xi32>, vector<16xi32>], vector<16xf32>,
        %get3A_833 = arith.constant 1 : i32
        %get3A_834 = arith.index_cast %scan3A_765 : i32 to index
        %get3A_835 = arith.index_cast %get3A_833 : i32 to index
        %get3A_836 = arith.constant 0 : index
        %get3A_837 = tpu.vector_load %arg11[%get3A_834, %get3A_835, %get3A_836] {strides = array<i32>} : memref<16x3x64xf32, #tpu.memory_space<vmem>>, vector<16xf32>,
        %add3A_838 = arith.addf %get3A_837, %gather3A_832 : vector<16xf32>
        %mul3A_839 = arith.mulf %get3A_768, %add3A_838 : vector<16xf32>
        %swap3A_840 = arith.constant 1 : i32
        %swap3A_841 = arith.index_cast %scan3A_765 : i32 to index
        %swap3A_842 = arith.index_cast %swap3A_840 : i32 to index
        %swap3A_843 = arith.constant 0 : index
        %swap3A_844 = tpu.vector_load %arg11[%swap3A_841, %swap3A_842, %swap3A_843] {strides = array<i32>} : memref<16x3x64xf32, #tpu.memory_space<vmem>>, vector<16xf32>,
        tpu.vector_store %arg11[%swap3A_841, %swap3A_842, %swap3A_843], %mul3A_839 {strides = array<i32>} : memref<16x3x64xf32, #tpu.memory_space<vmem>>, vector<16xf32>,
        %get3A_845 = arith.constant 1 : i32
        %get3A_846 = arith.index_cast %scan3A_765 : i32 to index
        %get3A_847 = arith.index_cast %get3A_845 : i32 to index
        %get3A_848 = arith.constant 16 : index
        %get3A_849 = tpu.vector_load %arg11[%get3A_846, %get3A_847, %get3A_848] {strides = array<i32>} : memref<16x3x64xf32, #tpu.memory_space<vmem>>, vector<16xf32>,
        %add3A_850 = arith.addf %get3A_849, %gather3A_832 : vector<16xf32>
        %mul3A_851 = arith.mulf %get3A_771, %add3A_850 : vector<16xf32>
        %swap3A_852 = arith.constant 1 : i32
        %swap3A_853 = arith.index_cast %scan3A_765 : i32 to index
        %swap3A_854 = arith.index_cast %swap3A_852 : i32 to index
        %swap3A_855 = arith.constant 16 : index
        %swap3A_856 = tpu.vector_load %arg11[%swap3A_853, %swap3A_854, %swap3A_855] {strides = array<i32>} : memref<16x3x64xf32, #tpu.memory_space<vmem>>, vector<16xf32>,
        tpu.vector_store %arg11[%swap3A_853, %swap3A_854, %swap3A_855], %mul3A_851 {strides = array<i32>} : memref<16x3x64xf32, #tpu.memory_space<vmem>>, vector<16xf32>,
        %get3A_857 = arith.constant 1 : i32
        %get3A_858 = arith.index_cast %scan3A_765 : i32 to index
        %get3A_859 = arith.index_cast %get3A_857 : i32 to index
        %get3A_860 = arith.constant 32 : index
        %get3A_861 = tpu.vector_load %arg11[%get3A_858, %get3A_859, %get3A_860] {strides = array<i32>} : memref<16x3x64xf32, #tpu.memory_space<vmem>>, vector<16xf32>,
        %add3A_862 = arith.addf %get3A_861, %gather3A_832 : vector<16xf32>
        %mul3A_863 = arith.mulf %get3A_774, %add3A_862 : vector<16xf32>
        %swap3A_864 = arith.constant 1 : i32
        %swap3A_865 = arith.index_cast %scan3A_765 : i32 to index
        %swap3A_866 = arith.index_cast %swap3A_864 : i32 to index
        %swap3A_867 = arith.constant 32 : index
        %swap3A_868 = tpu.vector_load %arg11[%swap3A_865, %swap3A_866, %swap3A_867] {strides = array<i32>} : memref<16x3x64xf32, #tpu.memory_space<vmem>>, vector<16xf32>,
        tpu.vector_store %arg11[%swap3A_865, %swap3A_866, %swap3A_867], %mul3A_863 {strides = array<i32>} : memref<16x3x64xf32, #tpu.memory_space<vmem>>, vector<16xf32>,
        %get3A_869 = arith.constant 1 : i32
        %get3A_870 = arith.index_cast %scan3A_765 : i32 to index
        %get3A_871 = arith.index_cast %get3A_869 : i32 to index
        %get3A_872 = arith.constant 48 : index
        %get3A_873 = tpu.vector_load %arg11[%get3A_870, %get3A_871, %get3A_872] {strides = array<i32>} : memref<16x3x64xf32, #tpu.memory_space<vmem>>, vector<16xf32>,
        %add3A_874 = arith.addf %get3A_873, %gather3A_832 : vector<16xf32>
        %mul3A_875 = arith.mulf %get3A_777, %add3A_874 : vector<16xf32>
        %swap3A_876 = arith.constant 1 : i32
        %swap3A_877 = arith.index_cast %scan3A_765 : i32 to index
        %swap3A_878 = arith.index_cast %swap3A_876 : i32 to index
        %swap3A_879 = arith.constant 48 : index
        %swap3A_880 = tpu.vector_load %arg11[%swap3A_877, %swap3A_878, %swap3A_879] {strides = array<i32>} : memref<16x3x64xf32, #tpu.memory_space<vmem>>, vector<16xf32>,
        tpu.vector_store %arg11[%swap3A_877, %swap3A_878, %swap3A_879], %mul3A_875 {strides = array<i32>} : memref<16x3x64xf32, #tpu.memory_space<vmem>>, vector<16xf32>,
        %broadcast_in_dim3A_881 = arith.constant 2 : i32
        %broadcast_in_dim3A_882 = vector.broadcast %broadcast_in_dim3A_881 : i32 to vector<16xi32>
        %gather3A_883 = tpu.vector_load_idx %arg19[%broadcast_in_dim3A, %broadcast_in_dim3A_882] : memref<80x3xf32, #tpu.memory_space<vmem>>[vector<16xi32>, vector<16xi32>], vector<16xf32>,
        %get3A_884 = arith.constant 2 : i32
        %get3A_885 = arith.index_cast %scan3A_765 : i32 to index
        %get3A_886 = arith.index_cast %get3A_884 : i32 to index
        %get3A_887 = arith.constant 0 : index
        %get3A_888 = tpu.vector_load %arg11[%get3A_885, %get3A_886, %get3A_887] {strides = array<i32>} : memref<16x3x64xf32, #tpu.memory_space<vmem>>, vector<16xf32>,
        %add3A_889 = arith.addf %get3A_888, %gather3A_883 : vector<16xf32>
        %mul3A_890 = arith.mulf %get3A_768, %add3A_889 : vector<16xf32>
        %swap3A_891 = arith.constant 2 : i32
        %swap3A_892 = arith.index_cast %scan3A_765 : i32 to index
        %swap3A_893 = arith.index_cast %swap3A_891 : i32 to index
        %swap3A_894 = arith.constant 0 : index
        %swap3A_895 = tpu.vector_load %arg11[%swap3A_892, %swap3A_893, %swap3A_894] {strides = array<i32>} : memref<16x3x64xf32, #tpu.memory_space<vmem>>, vector<16xf32>,
        tpu.vector_store %arg11[%swap3A_892, %swap3A_893, %swap3A_894], %mul3A_890 {strides = array<i32>} : memref<16x3x64xf32, #tpu.memory_space<vmem>>, vector<16xf32>,
        %get3A_896 = arith.constant 2 : i32
        %get3A_897 = arith.index_cast %scan3A_765 : i32 to index
        %get3A_898 = arith.index_cast %get3A_896 : i32 to index
        %get3A_899 = arith.constant 16 : index
        %get3A_900 = tpu.vector_load %arg11[%get3A_897, %get3A_898, %get3A_899] {strides = array<i32>} : memref<16x3x64xf32, #tpu.memory_space<vmem>>, vector<16xf32>,
        %add3A_901 = arith.addf %get3A_900, %gather3A_883 : vector<16xf32>
        %mul3A_902 = arith.mulf %get3A_771, %add3A_901 : vector<16xf32>
        %swap3A_903 = arith.constant 2 : i32
        %swap3A_904 = arith.index_cast %scan3A_765 : i32 to index
        %swap3A_905 = arith.index_cast %swap3A_903 : i32 to index
        %swap3A_906 = arith.constant 16 : index
        %swap3A_907 = tpu.vector_load %arg11[%swap3A_904, %swap3A_905, %swap3A_906] {strides = array<i32>} : memref<16x3x64xf32, #tpu.memory_space<vmem>>, vector<16xf32>,
        tpu.vector_store %arg11[%swap3A_904, %swap3A_905, %swap3A_906], %mul3A_902 {strides = array<i32>} : memref<16x3x64xf32, #tpu.memory_space<vmem>>, vector<16xf32>,
        %get3A_908 = arith.constant 2 : i32
        %get3A_909 = arith.index_cast %scan3A_765 : i32 to index
        %get3A_910 = arith.index_cast %get3A_908 : i32 to index
        %get3A_911 = arith.constant 32 : index
        %get3A_912 = tpu.vector_load %arg11[%get3A_909, %get3A_910, %get3A_911] {strides = array<i32>} : memref<16x3x64xf32, #tpu.memory_space<vmem>>, vector<16xf32>,
        %add3A_913 = arith.addf %get3A_912, %gather3A_883 : vector<16xf32>
        %mul3A_914 = arith.mulf %get3A_774, %add3A_913 : vector<16xf32>
        %swap3A_915 = arith.constant 2 : i32
        %swap3A_916 = arith.index_cast %scan3A_765 : i32 to index
        %swap3A_917 = arith.index_cast %swap3A_915 : i32 to index
        %swap3A_918 = arith.constant 32 : index
        %swap3A_919 = tpu.vector_load %arg11[%swap3A_916, %swap3A_917, %swap3A_918] {strides = array<i32>} : memref<16x3x64xf32, #tpu.memory_space<vmem>>, vector<16xf32>,
        tpu.vector_store %arg11[%swap3A_916, %swap3A_917, %swap3A_918], %mul3A_914 {strides = array<i32>} : memref<16x3x64xf32, #tpu.memory_space<vmem>>, vector<16xf32>,
        %get3A_920 = arith.constant 2 : i32
        %get3A_921 = arith.index_cast %scan3A_765 : i32 to index
        %get3A_922 = arith.index_cast %get3A_920 : i32 to index
        %get3A_923 = arith.constant 48 : index
        %get3A_924 = tpu.vector_load %arg11[%get3A_921, %get3A_922, %get3A_923] {strides = array<i32>} : memref<16x3x64xf32, #tpu.memory_space<vmem>>, vector<16xf32>,
        %add3A_925 = arith.addf %get3A_924, %gather3A_883 : vector<16xf32>
        %mul3A_926 = arith.mulf %get3A_777, %add3A_925 : vector<16xf32>
        %swap3A_927 = arith.constant 2 : i32
        %swap3A_928 = arith.index_cast %scan3A_765 : i32 to index
        %swap3A_929 = arith.index_cast %swap3A_927 : i32 to index
        %swap3A_930 = arith.constant 48 : index
        %swap3A_931 = tpu.vector_load %arg11[%swap3A_928, %swap3A_929, %swap3A_930] {strides = array<i32>} : memref<16x3x64xf32, #tpu.memory_space<vmem>>, vector<16xf32>,
        tpu.vector_store %arg11[%swap3A_928, %swap3A_929, %swap3A_930], %mul3A_926 {strides = array<i32>} : memref<16x3x64xf32, #tpu.memory_space<vmem>>, vector<16xf32>,
      }
      %scan3A_303 = arith.constant 16 : i32
      %get3A_304 = arith.constant 2 : i32
      %get3A_305 = arith.index_cast %get3A_304 : i32 to index
      %get3A_306 = arith.constant 0 : index
      %get3A_307 = tpu.vector_load %arg15[%get3A_305, %get3A_306] {strides = array<i32>} : memref<5x16xi32, #tpu.memory_space<vmem>>, vector<16xi32>,
      %swap3A_308 = arith.constant 0 : index
      %swap3A_309 = tpu.vector_load %arg20[%swap3A_308] {strides = array<i32>} : memref<16xi32, #tpu.memory_space<vmem>>, vector<16xi32>,
      tpu.vector_store %arg20[%swap3A_308], %get3A_307 {strides = array<i32>} : memref<16xi32, #tpu.memory_space<vmem>>, vector<16xi32>,
      %dma_start3A_310 = arith.constant 0 : i32
      %dma_start3A_311 = arith.constant 0 : i32
      %dma_start3A_312 = arith.constant 0 : i32
      %dma_start3A_313 = tpu.memref_slice %arg10[%dma_start3A_310, %dma_start3A_311, %dma_start3A_312] : memref<10000x3x64xf32, #tpu.memory_space<vmem_shared>> -> memref<10000x3x64xf32, #tpu.memory_space<vmem_shared>>
      tpu.enqueue_indirect_dma source(%arg11 : memref<16x3x64xf32, #tpu.memory_space<vmem>>) target(%dma_start3A_313 : memref<10000x3x64xf32, #tpu.memory_space<vmem_shared>>) offsets(%arg20 : memref<16xi32, #tpu.memory_space<vmem>>) semaphore(%arg26 : memref<!tpu.dma_semaphore, #tpu.memory_space<semaphore_mem>>) {add = true}
      %mul3A_314 = arith.constant 5 : i32
      %mul3A_315 = arith.muli %mul3A_109, %mul3A_314 : i32
      %add3A_316 = arith.constant 3 : i32
      %add3A_317 = arith.addi %mul3A_315, %add3A_316 : i32
      %dma_wait3A_318 = arith.constant 0 : i32
      %dma_wait3A_319 = arith.constant 0 : i32
      %dma_wait3A_320 = arith.constant 0 : i32
      %dma_wait3A_321 = tpu.memref_slice %arg10[%dma_wait3A_318, %dma_wait3A_319, %dma_wait3A_320] : memref<10000x3x64xf32, #tpu.memory_space<vmem_shared>> -> memref<10000x3x64xf32, #tpu.memory_space<vmem_shared>>
      tpu.wait_indirect_dma semaphore(%arg26 : memref<!tpu.dma_semaphore, #tpu.memory_space<semaphore_mem>>) src(%arg11 : memref<16x3x64xf32, #tpu.memory_space<vmem>>) dst(%dma_wait3A_321 : memref<10000x3x64xf32, #tpu.memory_space<vmem_shared>>)
      %add3A_322 = arith.constant 1 : i32
      %add3A_323 = arith.addi %add3A_317, %add3A_322 : i32
      %mul3A_324 = arith.constant 1250 : i32
      %mul3A_325 = arith.muli %arg1, %mul3A_324 : i32
      %add3A_326 = arith.addi %mul3A_325, %add3A_323 : i32
      %mul3A_327 = arith.constant 16 : i32
      %mul3A_328 = arith.muli %add3A_326, %mul3A_327 : i32
      %eq3A_329 = arith.constant 0 : i32
      %eq3A_330 = arith.cmpi eq, %arg0, %eq3A_329 : i32
      %convert_element_type3A_331 = arith.extui %eq3A_330 : i1 to i32
      %cond3A_332 = arith.constant 4 : i32
      %cond3A_333 = arith.constant 0 : i32
      %cond3A_334 = arith.cmpi ne, %convert_element_type3A_331, %cond3A_333 : i32
      scf.if %cond3A_334 {
        %dma_start3A_765 = arith.constant 0 : i32
        %dma_start3A_766 = tpu.memref_slice %arg17[%cond3A_332, %dma_start3A_765] : memref<5x16xi32, #tpu.memory_space<vmem>> -> memref<1x16xi32, #tpu.memory_space<vmem>>
        %dma_start3A_767 = tpu.memref_squeeze %dma_start3A_766 : memref<1x16xi32, #tpu.memory_space<vmem>> -> memref<16xi32, #tpu.memory_space<vmem>>
        %dma_start3A_768 = arith.constant 0 : i32
        %dma_start3A_769 = arith.constant 0 : i32
        %dma_start3A_770 = arith.constant 0 : i32
        %dma_start3A_771 = tpu.memref_slice %arg4[%dma_start3A_768, %dma_start3A_769, %dma_start3A_770] : memref<10000x3x64xf32, #tpu.memory_space<hbm>> -> memref<10000x3x64xf32, #tpu.memory_space<hbm>>
        tpu.enqueue_indirect_dma source(%dma_start3A_771 : memref<10000x3x64xf32, #tpu.memory_space<hbm>>) target(%arg11 : memref<16x3x64xf32, #tpu.memory_space<vmem>>) offsets(%dma_start3A_767 : memref<16xi32, #tpu.memory_space<vmem>>) semaphore(%arg24 : memref<!tpu.dma_semaphore, #tpu.memory_space<semaphore_mem>>)
      } else {
      }
      %eq3A_335 = arith.constant 1 : i32
      %eq3A_336 = arith.cmpi eq, %arg0, %eq3A_335 : i32
      %convert_element_type3A_337 = arith.extui %eq3A_336 : i1 to i32
      %cond3A_338 = arith.constant 4 : i32
      %cond3A_339 = arith.constant 0 : i32
      %cond3A_340 = arith.cmpi ne, %convert_element_type3A_337, %cond3A_339 : i32
      scf.if %cond3A_340 {
        %dma_start3A_765 = arith.constant 0 : i32
        %dma_start3A_766 = tpu.memref_slice %arg17[%cond3A_338, %dma_start3A_765] : memref<5x16xi32, #tpu.memory_space<vmem>> -> memref<1x16xi32, #tpu.memory_space<vmem>>
        %dma_start3A_767 = tpu.memref_squeeze %dma_start3A_766 : memref<1x16xi32, #tpu.memory_space<vmem>> -> memref<16xi32, #tpu.memory_space<vmem>>
        %dma_start3A_768 = arith.constant 0 : i32
        %dma_start3A_769 = arith.constant 0 : i32
        %dma_start3A_770 = arith.constant 0 : i32
        %dma_start3A_771 = tpu.memref_slice %arg5[%dma_start3A_768, %dma_start3A_769, %dma_start3A_770] : memref<10000x3x64xf32, #tpu.memory_space<hbm>> -> memref<10000x3x64xf32, #tpu.memory_space<hbm>>
        tpu.enqueue_indirect_dma source(%dma_start3A_771 : memref<10000x3x64xf32, #tpu.memory_space<hbm>>) target(%arg11 : memref<16x3x64xf32, #tpu.memory_space<vmem>>) offsets(%dma_start3A_767 : memref<16xi32, #tpu.memory_space<vmem>>) semaphore(%arg24 : memref<!tpu.dma_semaphore, #tpu.memory_space<semaphore_mem>>)
      } else {
      }
      %dma_start3A_341 = arith.constant 0 : i32
      %dma_start3A_342 = tpu.memref_slice %arg6[%mul3A_328, %arg0, %dma_start3A_341] : memref<320000x2x64xf32, #tpu.memory_space<hbm>> -> memref<16x1x64xf32, #tpu.memory_space<hbm>>
      %dma_start3A_343 = tpu.memref_squeeze %dma_start3A_342 : memref<16x1x64xf32, #tpu.memory_space<hbm>> -> memref<16x64xf32, #tpu.memory_space<hbm>>
      %dma_start3A_344 = arith.constant 0 : i32
      %dma_start3A_345 = tpu.memref_slice %arg6[%mul3A_328, %arg0, %dma_start3A_344] : memref<320000x2x64xf32, #tpu.memory_space<hbm>> -> memref<16x1x64xf32, #tpu.memory_space<hbm>>
      %dma_start3A_346 = tpu.memref_squeeze %dma_start3A_345 : memref<16x1x64xf32, #tpu.memory_space<hbm>> -> memref<16x64xf32, #tpu.memory_space<hbm>>
      tpu.enqueue_dma source(%dma_start3A_346 : memref<16x64xf32, #tpu.memory_space<hbm>>) target(%arg13 : memref<16x64xf32, #tpu.memory_space<vmem>>) target_semaphore(%arg24 : memref<!tpu.dma_semaphore, #tpu.memory_space<semaphore_mem>>)
      %eq3A_347 = arith.constant 0 : i32
      %eq3A_348 = arith.cmpi eq, %arg0, %eq3A_347 : i32
      %convert_element_type3A_349 = arith.extui %eq3A_348 : i1 to i32
      %cond3A_350 = arith.constant 0 : i32
      %cond3A_351 = arith.cmpi ne, %convert_element_type3A_349, %cond3A_350 : i32
      scf.if %cond3A_351 {
        %dma_wait3A_765 = arith.constant 0 : i32
        %dma_wait3A_766 = arith.constant 0 : i32
        %dma_wait3A_767 = tpu.memref_slice %arg17[%dma_wait3A_765, %dma_wait3A_766] : memref<5x16xi32, #tpu.memory_space<vmem>> -> memref<1x16xi32, #tpu.memory_space<vmem>>
        %dma_wait3A_768 = tpu.memref_squeeze %dma_wait3A_767 : memref<1x16xi32, #tpu.memory_space<vmem>> -> memref<16xi32, #tpu.memory_space<vmem>>
        %dma_wait3A_769 = arith.constant 0 : i32
        %dma_wait3A_770 = arith.constant 0 : i32
        %dma_wait3A_771 = arith.constant 0 : i32
        %dma_wait3A_772 = tpu.memref_slice %arg4[%dma_wait3A_769, %dma_wait3A_770, %dma_wait3A_771] : memref<10000x3x64xf32, #tpu.memory_space<hbm>> -> memref<10000x3x64xf32, #tpu.memory_space<hbm>>
        tpu.wait_indirect_dma semaphore(%arg25 : memref<!tpu.dma_semaphore, #tpu.memory_space<semaphore_mem>>) src(%dma_wait3A_772 : memref<10000x3x64xf32, #tpu.memory_space<hbm>>) dst(%arg12 : memref<16x3x64xf32, #tpu.memory_space<vmem>>)
      } else {
      }
      %eq3A_352 = arith.constant 1 : i32
      %eq3A_353 = arith.cmpi eq, %arg0, %eq3A_352 : i32
      %convert_element_type3A_354 = arith.extui %eq3A_353 : i1 to i32
      %cond3A_355 = arith.constant 0 : i32
      %cond3A_356 = arith.cmpi ne, %convert_element_type3A_354, %cond3A_355 : i32
      scf.if %cond3A_356 {
        %dma_wait3A_765 = arith.constant 0 : i32
        %dma_wait3A_766 = arith.constant 0 : i32
        %dma_wait3A_767 = tpu.memref_slice %arg17[%dma_wait3A_765, %dma_wait3A_766] : memref<5x16xi32, #tpu.memory_space<vmem>> -> memref<1x16xi32, #tpu.memory_space<vmem>>
        %dma_wait3A_768 = tpu.memref_squeeze %dma_wait3A_767 : memref<1x16xi32, #tpu.memory_space<vmem>> -> memref<16xi32, #tpu.memory_space<vmem>>
        %dma_wait3A_769 = arith.constant 0 : i32
        %dma_wait3A_770 = arith.constant 0 : i32
        %dma_wait3A_771 = arith.constant 0 : i32
        %dma_wait3A_772 = tpu.memref_slice %arg5[%dma_wait3A_769, %dma_wait3A_770, %dma_wait3A_771] : memref<10000x3x64xf32, #tpu.memory_space<hbm>> -> memref<10000x3x64xf32, #tpu.memory_space<hbm>>
        tpu.wait_indirect_dma semaphore(%arg25 : memref<!tpu.dma_semaphore, #tpu.memory_space<semaphore_mem>>) src(%dma_wait3A_772 : memref<10000x3x64xf32, #tpu.memory_space<hbm>>) dst(%arg12 : memref<16x3x64xf32, #tpu.memory_space<vmem>>)
      } else {
      }
      %dma_wait3A_357 = arith.constant 0 : i32
      %dma_wait3A_358 = arith.constant 0 : i32
      %dma_wait3A_359 = tpu.memref_slice %arg6[%dma_wait3A_357, %arg0, %dma_wait3A_358] : memref<320000x2x64xf32, #tpu.memory_space<hbm>> -> memref<16x1x64xf32, #tpu.memory_space<hbm>>
      %dma_wait3A_360 = tpu.memref_squeeze %dma_wait3A_359 : memref<16x1x64xf32, #tpu.memory_space<hbm>> -> memref<16x64xf32, #tpu.memory_space<hbm>>
      %dma_wait3A_361 = arith.constant 0 : i32
      %dma_wait3A_362 = arith.constant 0 : i32
      %dma_wait3A_363 = tpu.memref_slice %arg6[%dma_wait3A_361, %arg0, %dma_wait3A_362] : memref<320000x2x64xf32, #tpu.memory_space<hbm>> -> memref<16x1x64xf32, #tpu.memory_space<hbm>>
      %dma_wait3A_364 = tpu.memref_squeeze %dma_wait3A_363 : memref<16x1x64xf32, #tpu.memory_space<hbm>> -> memref<16x64xf32, #tpu.memory_space<hbm>>
      tpu.wait_dma2 semaphore(%arg25 : memref<!tpu.dma_semaphore, #tpu.memory_space<semaphore_mem>>) src(%dma_wait3A_364 : memref<16x64xf32, #tpu.memory_space<hbm>>) dst(%arg14 : memref<16x64xf32, #tpu.memory_space<vmem>>)
      %scan3A_365 = arith.constant 0 : i32
      %scan3A_366 = arith.constant 0 : i32
      %scan3A_367 = arith.constant 16 : i32
      %scan3A_368 = arith.addi %scan3A_366, %scan3A_367 : i32
      %scan3A_369 = arith.constant 1 : i32
      scf.for %scan3A_765 = %scan3A_366 to %scan3A_368 step %scan3A_369  : i32 {
        %get3A_766 = arith.index_cast %scan3A_765 : i32 to index
        %get3A_767 = arith.constant 0 : index
        %get3A_768 = tpu.vector_load %arg14[%get3A_766, %get3A_767] {strides = array<i32>} : memref<16x64xf32, #tpu.memory_space<vmem>>, vector<16xf32>,
        %get3A_769 = arith.index_cast %scan3A_765 : i32 to index
        %get3A_770 = arith.constant 16 : index
        %get3A_771 = tpu.vector_load %arg14[%get3A_769, %get3A_770] {strides = array<i32>} : memref<16x64xf32, #tpu.memory_space<vmem>>, vector<16xf32>,
        %get3A_772 = arith.index_cast %scan3A_765 : i32 to index
        %get3A_773 = arith.constant 32 : index
        %get3A_774 = tpu.vector_load %arg14[%get3A_772, %get3A_773] {strides = array<i32>} : memref<16x64xf32, #tpu.memory_space<vmem>>, vector<16xf32>,
        %get3A_775 = arith.index_cast %scan3A_765 : i32 to index
        %get3A_776 = arith.constant 48 : index
        %get3A_777 = tpu.vector_load %arg14[%get3A_775, %get3A_776] {strides = array<i32>} : memref<16x64xf32, #tpu.memory_space<vmem>>, vector<16xf32>,
        %add3A_778 = arith.constant 48 : i32
        %add3A_779 = arith.addi %add3A_778, %scan3A_765 : i32
        %broadcast_in_dim3A = vector.broadcast %add3A_779 : i32 to vector<16xi32>
        %broadcast_in_dim3A_780 = arith.constant 0 : i32
        %broadcast_in_dim3A_781 = vector.broadcast %broadcast_in_dim3A_780 : i32 to vector<16xi32>
        %gather3A = tpu.vector_load_idx %arg19[%broadcast_in_dim3A, %broadcast_in_dim3A_781] : memref<80x3xf32, #tpu.memory_space<vmem>>[vector<16xi32>, vector<16xi32>], vector<16xf32>,
        %get3A_782 = arith.constant 0 : i32
        %get3A_783 = arith.index_cast %scan3A_765 : i32 to index
        %get3A_784 = arith.index_cast %get3A_782 : i32 to index
        %get3A_785 = arith.constant 0 : index
        %get3A_786 = tpu.vector_load %arg12[%get3A_783, %get3A_784, %get3A_785] {strides = array<i32>} : memref<16x3x64xf32, #tpu.memory_space<vmem>>, vector<16xf32>,
        %add3A_787 = arith.addf %get3A_786, %gather3A : vector<16xf32>
        %mul3A_788 = arith.mulf %get3A_768, %add3A_787 : vector<16xf32>
        %swap3A_789 = arith.constant 0 : i32
        %swap3A_790 = arith.index_cast %scan3A_765 : i32 to index
        %swap3A_791 = arith.index_cast %swap3A_789 : i32 to index
        %swap3A_792 = arith.constant 0 : index
        %swap3A_793 = tpu.vector_load %arg12[%swap3A_790, %swap3A_791, %swap3A_792] {strides = array<i32>} : memref<16x3x64xf32, #tpu.memory_space<vmem>>, vector<16xf32>,
        tpu.vector_store %arg12[%swap3A_790, %swap3A_791, %swap3A_792], %mul3A_788 {strides = array<i32>} : memref<16x3x64xf32, #tpu.memory_space<vmem>>, vector<16xf32>,
        %get3A_794 = arith.constant 0 : i32
        %get3A_795 = arith.index_cast %scan3A_765 : i32 to index
        %get3A_796 = arith.index_cast %get3A_794 : i32 to index
        %get3A_797 = arith.constant 16 : index
        %get3A_798 = tpu.vector_load %arg12[%get3A_795, %get3A_796, %get3A_797] {strides = array<i32>} : memref<16x3x64xf32, #tpu.memory_space<vmem>>, vector<16xf32>,
        %add3A_799 = arith.addf %get3A_798, %gather3A : vector<16xf32>
        %mul3A_800 = arith.mulf %get3A_771, %add3A_799 : vector<16xf32>
        %swap3A_801 = arith.constant 0 : i32
        %swap3A_802 = arith.index_cast %scan3A_765 : i32 to index
        %swap3A_803 = arith.index_cast %swap3A_801 : i32 to index
        %swap3A_804 = arith.constant 16 : index
        %swap3A_805 = tpu.vector_load %arg12[%swap3A_802, %swap3A_803, %swap3A_804] {strides = array<i32>} : memref<16x3x64xf32, #tpu.memory_space<vmem>>, vector<16xf32>,
        tpu.vector_store %arg12[%swap3A_802, %swap3A_803, %swap3A_804], %mul3A_800 {strides = array<i32>} : memref<16x3x64xf32, #tpu.memory_space<vmem>>, vector<16xf32>,
        %get3A_806 = arith.constant 0 : i32
        %get3A_807 = arith.index_cast %scan3A_765 : i32 to index
        %get3A_808 = arith.index_cast %get3A_806 : i32 to index
        %get3A_809 = arith.constant 32 : index
        %get3A_810 = tpu.vector_load %arg12[%get3A_807, %get3A_808, %get3A_809] {strides = array<i32>} : memref<16x3x64xf32, #tpu.memory_space<vmem>>, vector<16xf32>,
        %add3A_811 = arith.addf %get3A_810, %gather3A : vector<16xf32>
        %mul3A_812 = arith.mulf %get3A_774, %add3A_811 : vector<16xf32>
        %swap3A_813 = arith.constant 0 : i32
        %swap3A_814 = arith.index_cast %scan3A_765 : i32 to index
        %swap3A_815 = arith.index_cast %swap3A_813 : i32 to index
        %swap3A_816 = arith.constant 32 : index
        %swap3A_817 = tpu.vector_load %arg12[%swap3A_814, %swap3A_815, %swap3A_816] {strides = array<i32>} : memref<16x3x64xf32, #tpu.memory_space<vmem>>, vector<16xf32>,
        tpu.vector_store %arg12[%swap3A_814, %swap3A_815, %swap3A_816], %mul3A_812 {strides = array<i32>} : memref<16x3x64xf32, #tpu.memory_space<vmem>>, vector<16xf32>,
        %get3A_818 = arith.constant 0 : i32
        %get3A_819 = arith.index_cast %scan3A_765 : i32 to index
        %get3A_820 = arith.index_cast %get3A_818 : i32 to index
        %get3A_821 = arith.constant 48 : index
        %get3A_822 = tpu.vector_load %arg12[%get3A_819, %get3A_820, %get3A_821] {strides = array<i32>} : memref<16x3x64xf32, #tpu.memory_space<vmem>>, vector<16xf32>,
        %add3A_823 = arith.addf %get3A_822, %gather3A : vector<16xf32>
        %mul3A_824 = arith.mulf %get3A_777, %add3A_823 : vector<16xf32>
        %swap3A_825 = arith.constant 0 : i32
        %swap3A_826 = arith.index_cast %scan3A_765 : i32 to index
        %swap3A_827 = arith.index_cast %swap3A_825 : i32 to index
        %swap3A_828 = arith.constant 48 : index
        %swap3A_829 = tpu.vector_load %arg12[%swap3A_826, %swap3A_827, %swap3A_828] {strides = array<i32>} : memref<16x3x64xf32, #tpu.memory_space<vmem>>, vector<16xf32>,
        tpu.vector_store %arg12[%swap3A_826, %swap3A_827, %swap3A_828], %mul3A_824 {strides = array<i32>} : memref<16x3x64xf32, #tpu.memory_space<vmem>>, vector<16xf32>,
        %broadcast_in_dim3A_830 = arith.constant 1 : i32
        %broadcast_in_dim3A_831 = vector.broadcast %broadcast_in_dim3A_830 : i32 to vector<16xi32>
        %gather3A_832 = tpu.vector_load_idx %arg19[%broadcast_in_dim3A, %broadcast_in_dim3A_831] : memref<80x3xf32, #tpu.memory_space<vmem>>[vector<16xi32>, vector<16xi32>], vector<16xf32>,
        %get3A_833 = arith.constant 1 : i32
        %get3A_834 = arith.index_cast %scan3A_765 : i32 to index
        %get3A_835 = arith.index_cast %get3A_833 : i32 to index
        %get3A_836 = arith.constant 0 : index
        %get3A_837 = tpu.vector_load %arg12[%get3A_834, %get3A_835, %get3A_836] {strides = array<i32>} : memref<16x3x64xf32, #tpu.memory_space<vmem>>, vector<16xf32>,
        %add3A_838 = arith.addf %get3A_837, %gather3A_832 : vector<16xf32>
        %mul3A_839 = arith.mulf %get3A_768, %add3A_838 : vector<16xf32>
        %swap3A_840 = arith.constant 1 : i32
        %swap3A_841 = arith.index_cast %scan3A_765 : i32 to index
        %swap3A_842 = arith.index_cast %swap3A_840 : i32 to index
        %swap3A_843 = arith.constant 0 : index
        %swap3A_844 = tpu.vector_load %arg12[%swap3A_841, %swap3A_842, %swap3A_843] {strides = array<i32>} : memref<16x3x64xf32, #tpu.memory_space<vmem>>, vector<16xf32>,
        tpu.vector_store %arg12[%swap3A_841, %swap3A_842, %swap3A_843], %mul3A_839 {strides = array<i32>} : memref<16x3x64xf32, #tpu.memory_space<vmem>>, vector<16xf32>,
        %get3A_845 = arith.constant 1 : i32
        %get3A_846 = arith.index_cast %scan3A_765 : i32 to index
        %get3A_847 = arith.index_cast %get3A_845 : i32 to index
        %get3A_848 = arith.constant 16 : index
        %get3A_849 = tpu.vector_load %arg12[%get3A_846, %get3A_847, %get3A_848] {strides = array<i32>} : memref<16x3x64xf32, #tpu.memory_space<vmem>>, vector<16xf32>,
        %add3A_850 = arith.addf %get3A_849, %gather3A_832 : vector<16xf32>
        %mul3A_851 = arith.mulf %get3A_771, %add3A_850 : vector<16xf32>
        %swap3A_852 = arith.constant 1 : i32
        %swap3A_853 = arith.index_cast %scan3A_765 : i32 to index
        %swap3A_854 = arith.index_cast %swap3A_852 : i32 to index
        %swap3A_855 = arith.constant 16 : index
        %swap3A_856 = tpu.vector_load %arg12[%swap3A_853, %swap3A_854, %swap3A_855] {strides = array<i32>} : memref<16x3x64xf32, #tpu.memory_space<vmem>>, vector<16xf32>,
        tpu.vector_store %arg12[%swap3A_853, %swap3A_854, %swap3A_855], %mul3A_851 {strides = array<i32>} : memref<16x3x64xf32, #tpu.memory_space<vmem>>, vector<16xf32>,
        %get3A_857 = arith.constant 1 : i32
        %get3A_858 = arith.index_cast %scan3A_765 : i32 to index
        %get3A_859 = arith.index_cast %get3A_857 : i32 to index
        %get3A_860 = arith.constant 32 : index
        %get3A_861 = tpu.vector_load %arg12[%get3A_858, %get3A_859, %get3A_860] {strides = array<i32>} : memref<16x3x64xf32, #tpu.memory_space<vmem>>, vector<16xf32>,
        %add3A_862 = arith.addf %get3A_861, %gather3A_832 : vector<16xf32>
        %mul3A_863 = arith.mulf %get3A_774, %add3A_862 : vector<16xf32>
        %swap3A_864 = arith.constant 1 : i32
        %swap3A_865 = arith.index_cast %scan3A_765 : i32 to index
        %swap3A_866 = arith.index_cast %swap3A_864 : i32 to index
        %swap3A_867 = arith.constant 32 : index
        %swap3A_868 = tpu.vector_load %arg12[%swap3A_865, %swap3A_866, %swap3A_867] {strides = array<i32>} : memref<16x3x64xf32, #tpu.memory_space<vmem>>, vector<16xf32>,
        tpu.vector_store %arg12[%swap3A_865, %swap3A_866, %swap3A_867], %mul3A_863 {strides = array<i32>} : memref<16x3x64xf32, #tpu.memory_space<vmem>>, vector<16xf32>,
        %get3A_869 = arith.constant 1 : i32
        %get3A_870 = arith.index_cast %scan3A_765 : i32 to index
        %get3A_871 = arith.index_cast %get3A_869 : i32 to index
        %get3A_872 = arith.constant 48 : index
        %get3A_873 = tpu.vector_load %arg12[%get3A_870, %get3A_871, %get3A_872] {strides = array<i32>} : memref<16x3x64xf32, #tpu.memory_space<vmem>>, vector<16xf32>,
        %add3A_874 = arith.addf %get3A_873, %gather3A_832 : vector<16xf32>
        %mul3A_875 = arith.mulf %get3A_777, %add3A_874 : vector<16xf32>
        %swap3A_876 = arith.constant 1 : i32
        %swap3A_877 = arith.index_cast %scan3A_765 : i32 to index
        %swap3A_878 = arith.index_cast %swap3A_876 : i32 to index
        %swap3A_879 = arith.constant 48 : index
        %swap3A_880 = tpu.vector_load %arg12[%swap3A_877, %swap3A_878, %swap3A_879] {strides = array<i32>} : memref<16x3x64xf32, #tpu.memory_space<vmem>>, vector<16xf32>,
        tpu.vector_store %arg12[%swap3A_877, %swap3A_878, %swap3A_879], %mul3A_875 {strides = array<i32>} : memref<16x3x64xf32, #tpu.memory_space<vmem>>, vector<16xf32>,
        %broadcast_in_dim3A_881 = arith.constant 2 : i32
        %broadcast_in_dim3A_882 = vector.broadcast %broadcast_in_dim3A_881 : i32 to vector<16xi32>
        %gather3A_883 = tpu.vector_load_idx %arg19[%broadcast_in_dim3A, %broadcast_in_dim3A_882] : memref<80x3xf32, #tpu.memory_space<vmem>>[vector<16xi32>, vector<16xi32>], vector<16xf32>,
        %get3A_884 = arith.constant 2 : i32
        %get3A_885 = arith.index_cast %scan3A_765 : i32 to index
        %get3A_886 = arith.index_cast %get3A_884 : i32 to index
        %get3A_887 = arith.constant 0 : index
        %get3A_888 = tpu.vector_load %arg12[%get3A_885, %get3A_886, %get3A_887] {strides = array<i32>} : memref<16x3x64xf32, #tpu.memory_space<vmem>>, vector<16xf32>,
        %add3A_889 = arith.addf %get3A_888, %gather3A_883 : vector<16xf32>
        %mul3A_890 = arith.mulf %get3A_768, %add3A_889 : vector<16xf32>
        %swap3A_891 = arith.constant 2 : i32
        %swap3A_892 = arith.index_cast %scan3A_765 : i32 to index
        %swap3A_893 = arith.index_cast %swap3A_891 : i32 to index
        %swap3A_894 = arith.constant 0 : index
        %swap3A_895 = tpu.vector_load %arg12[%swap3A_892, %swap3A_893, %swap3A_894] {strides = array<i32>} : memref<16x3x64xf32, #tpu.memory_space<vmem>>, vector<16xf32>,
        tpu.vector_store %arg12[%swap3A_892, %swap3A_893, %swap3A_894], %mul3A_890 {strides = array<i32>} : memref<16x3x64xf32, #tpu.memory_space<vmem>>, vector<16xf32>,
        %get3A_896 = arith.constant 2 : i32
        %get3A_897 = arith.index_cast %scan3A_765 : i32 to index
        %get3A_898 = arith.index_cast %get3A_896 : i32 to index
        %get3A_899 = arith.constant 16 : index
        %get3A_900 = tpu.vector_load %arg12[%get3A_897, %get3A_898, %get3A_899] {strides = array<i32>} : memref<16x3x64xf32, #tpu.memory_space<vmem>>, vector<16xf32>,
        %add3A_901 = arith.addf %get3A_900, %gather3A_883 : vector<16xf32>
        %mul3A_902 = arith.mulf %get3A_771, %add3A_901 : vector<16xf32>
        %swap3A_903 = arith.constant 2 : i32
        %swap3A_904 = arith.index_cast %scan3A_765 : i32 to index
        %swap3A_905 = arith.index_cast %swap3A_903 : i32 to index
        %swap3A_906 = arith.constant 16 : index
        %swap3A_907 = tpu.vector_load %arg12[%swap3A_904, %swap3A_905, %swap3A_906] {strides = array<i32>} : memref<16x3x64xf32, #tpu.memory_space<vmem>>, vector<16xf32>,
        tpu.vector_store %arg12[%swap3A_904, %swap3A_905, %swap3A_906], %mul3A_902 {strides = array<i32>} : memref<16x3x64xf32, #tpu.memory_space<vmem>>, vector<16xf32>,
        %get3A_908 = arith.constant 2 : i32
        %get3A_909 = arith.index_cast %scan3A_765 : i32 to index
        %get3A_910 = arith.index_cast %get3A_908 : i32 to index
        %get3A_911 = arith.constant 32 : index
        %get3A_912 = tpu.vector_load %arg12[%get3A_909, %get3A_910, %get3A_911] {strides = array<i32>} : memref<16x3x64xf32, #tpu.memory_space<vmem>>, vector<16xf32>,
        %add3A_913 = arith.addf %get3A_912, %gather3A_883 : vector<16xf32>
        %mul3A_914 = arith.mulf %get3A_774, %add3A_913 : vector<16xf32>
        %swap3A_915 = arith.constant 2 : i32
        %swap3A_916 = arith.index_cast %scan3A_765 : i32 to index
        %swap3A_917 = arith.index_cast %swap3A_915 : i32 to index
        %swap3A_918 = arith.constant 32 : index
        %swap3A_919 = tpu.vector_load %arg12[%swap3A_916, %swap3A_917, %swap3A_918] {strides = array<i32>} : memref<16x3x64xf32, #tpu.memory_space<vmem>>, vector<16xf32>,
        tpu.vector_store %arg12[%swap3A_916, %swap3A_917, %swap3A_918], %mul3A_914 {strides = array<i32>} : memref<16x3x64xf32, #tpu.memory_space<vmem>>, vector<16xf32>,
        %get3A_920 = arith.constant 2 : i32
        %get3A_921 = arith.index_cast %scan3A_765 : i32 to index
        %get3A_922 = arith.index_cast %get3A_920 : i32 to index
        %get3A_923 = arith.constant 48 : index
        %get3A_924 = tpu.vector_load %arg12[%get3A_921, %get3A_922, %get3A_923] {strides = array<i32>} : memref<16x3x64xf32, #tpu.memory_space<vmem>>, vector<16xf32>,
        %add3A_925 = arith.addf %get3A_924, %gather3A_883 : vector<16xf32>
        %mul3A_926 = arith.mulf %get3A_777, %add3A_925 : vector<16xf32>
        %swap3A_927 = arith.constant 2 : i32
        %swap3A_928 = arith.index_cast %scan3A_765 : i32 to index
        %swap3A_929 = arith.index_cast %swap3A_927 : i32 to index
        %swap3A_930 = arith.constant 48 : index
        %swap3A_931 = tpu.vector_load %arg12[%swap3A_928, %swap3A_929, %swap3A_930] {strides = array<i32>} : memref<16x3x64xf32, #tpu.memory_space<vmem>>, vector<16xf32>,
        tpu.vector_store %arg12[%swap3A_928, %swap3A_929, %swap3A_930], %mul3A_926 {strides = array<i32>} : memref<16x3x64xf32, #tpu.memory_space<vmem>>, vector<16xf32>,
      }
      %scan3A_370 = arith.constant 16 : i32
      %get3A_371 = arith.constant 3 : i32
      %get3A_372 = arith.index_cast %get3A_371 : i32 to index
      %get3A_373 = arith.constant 0 : index
      %get3A_374 = tpu.vector_load %arg15[%get3A_372, %get3A_373] {strides = array<i32>} : memref<5x16xi32, #tpu.memory_space<vmem>>, vector<16xi32>,
      %swap3A_375 = arith.constant 0 : index
      %swap3A_376 = tpu.vector_load %arg21[%swap3A_375] {strides = array<i32>} : memref<16xi32, #tpu.memory_space<vmem>>, vector<16xi32>,
      tpu.vector_store %arg21[%swap3A_375], %get3A_374 {strides = array<i32>} : memref<16xi32, #tpu.memory_space<vmem>>, vector<16xi32>,
      %dma_start3A_377 = arith.constant 0 : i32
      %dma_start3A_378 = arith.constant 0 : i32
      %dma_start3A_379 = arith.constant 0 : i32
      %dma_start3A_380 = tpu.memref_slice %arg10[%dma_start3A_377, %dma_start3A_378, %dma_start3A_379] : memref<10000x3x64xf32, #tpu.memory_space<vmem_shared>> -> memref<10000x3x64xf32, #tpu.memory_space<vmem_shared>>
      tpu.enqueue_indirect_dma source(%arg12 : memref<16x3x64xf32, #tpu.memory_space<vmem>>) target(%dma_start3A_380 : memref<10000x3x64xf32, #tpu.memory_space<vmem_shared>>) offsets(%arg21 : memref<16xi32, #tpu.memory_space<vmem>>) semaphore(%arg27 : memref<!tpu.dma_semaphore, #tpu.memory_space<semaphore_mem>>) {add = true}
      %mul3A_381 = arith.constant 5 : i32
      %mul3A_382 = arith.muli %mul3A_109, %mul3A_381 : i32
      %add3A_383 = arith.constant 4 : i32
      %add3A_384 = arith.addi %mul3A_382, %add3A_383 : i32
      %dma_wait3A_385 = arith.constant 0 : i32
      %dma_wait3A_386 = arith.constant 0 : i32
      %dma_wait3A_387 = arith.constant 0 : i32
      %dma_wait3A_388 = tpu.memref_slice %arg10[%dma_wait3A_385, %dma_wait3A_386, %dma_wait3A_387] : memref<10000x3x64xf32, #tpu.memory_space<vmem_shared>> -> memref<10000x3x64xf32, #tpu.memory_space<vmem_shared>>
      tpu.wait_indirect_dma semaphore(%arg27 : memref<!tpu.dma_semaphore, #tpu.memory_space<semaphore_mem>>) src(%arg12 : memref<16x3x64xf32, #tpu.memory_space<vmem>>) dst(%dma_wait3A_388 : memref<10000x3x64xf32, #tpu.memory_space<vmem_shared>>)
      %lt3A = arith.constant 1249 : i32
      %lt3A_389 = arith.cmpi slt, %add3A_384, %lt3A : i32
      %convert_element_type3A_390 = arith.extui %lt3A_389 : i1 to i32
      %cond3A_391 = arith.constant 0 : i32
      %cond3A_392 = arith.cmpi ne, %convert_element_type3A_390, %cond3A_391 : i32
      scf.if %cond3A_392 {
        %dma_wait3A_765 = arith.constant 0 : i32
        %dma_wait3A_766 = arith.constant 0 : i32
        %dma_wait3A_767 = arith.constant 0 : i32
        %dma_wait3A_768 = tpu.memref_slice %arg2[%dma_wait3A_765, %dma_wait3A_766, %dma_wait3A_767] : memref<4000x5x16xi32, #tpu.memory_space<hbm>> -> memref<1x5x16xi32, #tpu.memory_space<hbm>>
        %dma_wait3A_769 = tpu.memref_squeeze %dma_wait3A_768 : memref<1x5x16xi32, #tpu.memory_space<hbm>> -> memref<5x16xi32, #tpu.memory_space<hbm>>
        %dma_wait3A_770 = arith.constant 0 : i32
        %dma_wait3A_771 = arith.constant 0 : i32
        %dma_wait3A_772 = tpu.memref_slice %arg2[%dma_wait3A_765, %dma_wait3A_770, %dma_wait3A_771] : memref<4000x5x16xi32, #tpu.memory_space<hbm>> -> memref<1x5x16xi32, #tpu.memory_space<hbm>>
        %dma_wait3A_773 = tpu.memref_squeeze %dma_wait3A_772 : memref<1x5x16xi32, #tpu.memory_space<hbm>> -> memref<5x16xi32, #tpu.memory_space<hbm>>
        tpu.wait_dma2 semaphore(%arg23 : memref<!tpu.dma_semaphore, #tpu.memory_space<semaphore_mem>>) src(%dma_wait3A_773 : memref<5x16xi32, #tpu.memory_space<hbm>>) dst(%arg16 : memref<5x16xi32, #tpu.memory_space<vmem>>)
        %dma_wait3A_774 = arith.constant 0 : i32
        %dma_wait3A_775 = arith.constant 0 : i32
        %dma_wait3A_776 = arith.constant 0 : i32
        %dma_wait3A_777 = tpu.memref_slice %arg3[%dma_wait3A_774, %dma_wait3A_775, %dma_wait3A_776] : memref<4000x5x16xi32, #tpu.memory_space<hbm>> -> memref<1x5x16xi32, #tpu.memory_space<hbm>>
        %dma_wait3A_778 = tpu.memref_squeeze %dma_wait3A_777 : memref<1x5x16xi32, #tpu.memory_space<hbm>> -> memref<5x16xi32, #tpu.memory_space<hbm>>
        %dma_wait3A_779 = arith.constant 0 : i32
        %dma_wait3A_780 = arith.constant 0 : i32
        %dma_wait3A_781 = tpu.memref_slice %arg3[%dma_wait3A_774, %dma_wait3A_779, %dma_wait3A_780] : memref<4000x5x16xi32, #tpu.memory_space<hbm>> -> memref<1x5x16xi32, #tpu.memory_space<hbm>>
        %dma_wait3A_782 = tpu.memref_squeeze %dma_wait3A_781 : memref<1x5x16xi32, #tpu.memory_space<hbm>> -> memref<5x16xi32, #tpu.memory_space<hbm>>
        tpu.wait_dma2 semaphore(%arg23 : memref<!tpu.dma_semaphore, #tpu.memory_space<semaphore_mem>>) src(%dma_wait3A_782 : memref<5x16xi32, #tpu.memory_space<hbm>>) dst(%arg18 : memref<5x16xi32, #tpu.memory_space<vmem>>)
        %add3A_783 = arith.constant 1 : i32
        %add3A_784 = arith.addi %add3A_384, %add3A_783 : i32
        %mul3A_785 = arith.constant 1250 : i32
        %mul3A_786 = arith.muli %arg1, %mul3A_785 : i32
        %add3A_787 = arith.addi %mul3A_786, %add3A_784 : i32
        %mul3A_788 = arith.constant 16 : i32
        %mul3A_789 = arith.muli %add3A_787, %mul3A_788 : i32
        %eq3A_790 = arith.constant 0 : i32
        %eq3A_791 = arith.cmpi eq, %arg0, %eq3A_790 : i32
        %convert_element_type3A_792 = arith.extui %eq3A_791 : i1 to i32
        %cond3A_793 = arith.constant 0 : i32
        %cond3A_794 = arith.constant 0 : i32
        %cond3A_795 = arith.cmpi ne, %convert_element_type3A_792, %cond3A_794 : i32
        scf.if %cond3A_795 {
          %dma_start3A_808 = arith.constant 0 : i32
          %dma_start3A_809 = tpu.memref_slice %arg18[%cond3A_793, %dma_start3A_808] : memref<5x16xi32, #tpu.memory_space<vmem>> -> memref<1x16xi32, #tpu.memory_space<vmem>>
          %dma_start3A_810 = tpu.memref_squeeze %dma_start3A_809 : memref<1x16xi32, #tpu.memory_space<vmem>> -> memref<16xi32, #tpu.memory_space<vmem>>
          %dma_start3A_811 = arith.constant 0 : i32
          %dma_start3A_812 = arith.constant 0 : i32
          %dma_start3A_813 = arith.constant 0 : i32
          %dma_start3A_814 = tpu.memref_slice %arg4[%dma_start3A_811, %dma_start3A_812, %dma_start3A_813] : memref<10000x3x64xf32, #tpu.memory_space<hbm>> -> memref<10000x3x64xf32, #tpu.memory_space<hbm>>
          tpu.enqueue_indirect_dma source(%dma_start3A_814 : memref<10000x3x64xf32, #tpu.memory_space<hbm>>) target(%arg12 : memref<16x3x64xf32, #tpu.memory_space<vmem>>) offsets(%dma_start3A_810 : memref<16xi32, #tpu.memory_space<vmem>>) semaphore(%arg25 : memref<!tpu.dma_semaphore, #tpu.memory_space<semaphore_mem>>)
        } else {
        }
        %eq3A_796 = arith.constant 1 : i32
        %eq3A_797 = arith.cmpi eq, %arg0, %eq3A_796 : i32
        %convert_element_type3A_798 = arith.extui %eq3A_797 : i1 to i32
        %cond3A_799 = arith.constant 0 : i32
        %cond3A_800 = arith.constant 0 : i32
        %cond3A_801 = arith.cmpi ne, %convert_element_type3A_798, %cond3A_800 : i32
        scf.if %cond3A_801 {
          %dma_start3A_808 = arith.constant 0 : i32
          %dma_start3A_809 = tpu.memref_slice %arg18[%cond3A_799, %dma_start3A_808] : memref<5x16xi32, #tpu.memory_space<vmem>> -> memref<1x16xi32, #tpu.memory_space<vmem>>
          %dma_start3A_810 = tpu.memref_squeeze %dma_start3A_809 : memref<1x16xi32, #tpu.memory_space<vmem>> -> memref<16xi32, #tpu.memory_space<vmem>>
          %dma_start3A_811 = arith.constant 0 : i32
          %dma_start3A_812 = arith.constant 0 : i32
          %dma_start3A_813 = arith.constant 0 : i32
          %dma_start3A_814 = tpu.memref_slice %arg5[%dma_start3A_811, %dma_start3A_812, %dma_start3A_813] : memref<10000x3x64xf32, #tpu.memory_space<hbm>> -> memref<10000x3x64xf32, #tpu.memory_space<hbm>>
          tpu.enqueue_indirect_dma source(%dma_start3A_814 : memref<10000x3x64xf32, #tpu.memory_space<hbm>>) target(%arg12 : memref<16x3x64xf32, #tpu.memory_space<vmem>>) offsets(%dma_start3A_810 : memref<16xi32, #tpu.memory_space<vmem>>) semaphore(%arg25 : memref<!tpu.dma_semaphore, #tpu.memory_space<semaphore_mem>>)
        } else {
        }
        %dma_start3A_802 = arith.constant 0 : i32
        %dma_start3A_803 = tpu.memref_slice %arg6[%mul3A_789, %arg0, %dma_start3A_802] : memref<320000x2x64xf32, #tpu.memory_space<hbm>> -> memref<16x1x64xf32, #tpu.memory_space<hbm>>
        %dma_start3A_804 = tpu.memref_squeeze %dma_start3A_803 : memref<16x1x64xf32, #tpu.memory_space<hbm>> -> memref<16x64xf32, #tpu.memory_space<hbm>>
        %dma_start3A_805 = arith.constant 0 : i32
        %dma_start3A_806 = tpu.memref_slice %arg6[%mul3A_789, %arg0, %dma_start3A_805] : memref<320000x2x64xf32, #tpu.memory_space<hbm>> -> memref<16x1x64xf32, #tpu.memory_space<hbm>>
        %dma_start3A_807 = tpu.memref_squeeze %dma_start3A_806 : memref<16x1x64xf32, #tpu.memory_space<hbm>> -> memref<16x64xf32, #tpu.memory_space<hbm>>
        tpu.enqueue_dma source(%dma_start3A_807 : memref<16x64xf32, #tpu.memory_space<hbm>>) target(%arg14 : memref<16x64xf32, #tpu.memory_space<vmem>>) target_semaphore(%arg25 : memref<!tpu.dma_semaphore, #tpu.memory_space<semaphore_mem>>)
      } else {
      }
      %eq3A_393 = arith.constant 0 : i32
      %eq3A_394 = arith.cmpi eq, %arg0, %eq3A_393 : i32
      %convert_element_type3A_395 = arith.extui %eq3A_394 : i1 to i32
      %cond3A_396 = arith.constant 0 : i32
      %cond3A_397 = arith.cmpi ne, %convert_element_type3A_395, %cond3A_396 : i32
      scf.if %cond3A_397 {
        %dma_wait3A_765 = arith.constant 0 : i32
        %dma_wait3A_766 = arith.constant 0 : i32
        %dma_wait3A_767 = tpu.memref_slice %arg17[%dma_wait3A_765, %dma_wait3A_766] : memref<5x16xi32, #tpu.memory_space<vmem>> -> memref<1x16xi32, #tpu.memory_space<vmem>>
        %dma_wait3A_768 = tpu.memref_squeeze %dma_wait3A_767 : memref<1x16xi32, #tpu.memory_space<vmem>> -> memref<16xi32, #tpu.memory_space<vmem>>
        %dma_wait3A_769 = arith.constant 0 : i32
        %dma_wait3A_770 = arith.constant 0 : i32
        %dma_wait3A_771 = arith.constant 0 : i32
        %dma_wait3A_772 = tpu.memref_slice %arg4[%dma_wait3A_769, %dma_wait3A_770, %dma_wait3A_771] : memref<10000x3x64xf32, #tpu.memory_space<hbm>> -> memref<10000x3x64xf32, #tpu.memory_space<hbm>>
        tpu.wait_indirect_dma semaphore(%arg24 : memref<!tpu.dma_semaphore, #tpu.memory_space<semaphore_mem>>) src(%dma_wait3A_772 : memref<10000x3x64xf32, #tpu.memory_space<hbm>>) dst(%arg11 : memref<16x3x64xf32, #tpu.memory_space<vmem>>)
      } else {
      }
      %eq3A_398 = arith.constant 1 : i32
      %eq3A_399 = arith.cmpi eq, %arg0, %eq3A_398 : i32
      %convert_element_type3A_400 = arith.extui %eq3A_399 : i1 to i32
      %cond3A_401 = arith.constant 0 : i32
      %cond3A_402 = arith.cmpi ne, %convert_element_type3A_400, %cond3A_401 : i32
      scf.if %cond3A_402 {
        %dma_wait3A_765 = arith.constant 0 : i32
        %dma_wait3A_766 = arith.constant 0 : i32
        %dma_wait3A_767 = tpu.memref_slice %arg17[%dma_wait3A_765, %dma_wait3A_766] : memref<5x16xi32, #tpu.memory_space<vmem>> -> memref<1x16xi32, #tpu.memory_space<vmem>>
        %dma_wait3A_768 = tpu.memref_squeeze %dma_wait3A_767 : memref<1x16xi32, #tpu.memory_space<vmem>> -> memref<16xi32, #tpu.memory_space<vmem>>
        %dma_wait3A_769 = arith.constant 0 : i32
        %dma_wait3A_770 = arith.constant 0 : i32
        %dma_wait3A_771 = arith.constant 0 : i32
        %dma_wait3A_772 = tpu.memref_slice %arg5[%dma_wait3A_769, %dma_wait3A_770, %dma_wait3A_771] : memref<10000x3x64xf32, #tpu.memory_space<hbm>> -> memref<10000x3x64xf32, #tpu.memory_space<hbm>>
        tpu.wait_indirect_dma semaphore(%arg24 : memref<!tpu.dma_semaphore, #tpu.memory_space<semaphore_mem>>) src(%dma_wait3A_772 : memref<10000x3x64xf32, #tpu.memory_space<hbm>>) dst(%arg11 : memref<16x3x64xf32, #tpu.memory_space<vmem>>)
      } else {
      }
      %dma_wait3A_403 = arith.constant 0 : i32
      %dma_wait3A_404 = arith.constant 0 : i32
      %dma_wait3A_405 = tpu.memref_slice %arg6[%dma_wait3A_403, %arg0, %dma_wait3A_404] : memref<320000x2x64xf32, #tpu.memory_space<hbm>> -> memref<16x1x64xf32, #tpu.memory_space<hbm>>
      %dma_wait3A_406 = tpu.memref_squeeze %dma_wait3A_405 : memref<16x1x64xf32, #tpu.memory_space<hbm>> -> memref<16x64xf32, #tpu.memory_space<hbm>>
      %dma_wait3A_407 = arith.constant 0 : i32
      %dma_wait3A_408 = arith.constant 0 : i32
      %dma_wait3A_409 = tpu.memref_slice %arg6[%dma_wait3A_407, %arg0, %dma_wait3A_408] : memref<320000x2x64xf32, #tpu.memory_space<hbm>> -> memref<16x1x64xf32, #tpu.memory_space<hbm>>
      %dma_wait3A_410 = tpu.memref_squeeze %dma_wait3A_409 : memref<16x1x64xf32, #tpu.memory_space<hbm>> -> memref<16x64xf32, #tpu.memory_space<hbm>>
      tpu.wait_dma2 semaphore(%arg24 : memref<!tpu.dma_semaphore, #tpu.memory_space<semaphore_mem>>) src(%dma_wait3A_410 : memref<16x64xf32, #tpu.memory_space<hbm>>) dst(%arg13 : memref<16x64xf32, #tpu.memory_space<vmem>>)
      %scan3A_411 = arith.constant 0 : i32
      %scan3A_412 = arith.constant 0 : i32
      %scan3A_413 = arith.constant 16 : i32
      %scan3A_414 = arith.addi %scan3A_412, %scan3A_413 : i32
      %scan3A_415 = arith.constant 1 : i32
      scf.for %scan3A_765 = %scan3A_412 to %scan3A_414 step %scan3A_415  : i32 {
        %get3A_766 = arith.index_cast %scan3A_765 : i32 to index
        %get3A_767 = arith.constant 0 : index
        %get3A_768 = tpu.vector_load %arg13[%get3A_766, %get3A_767] {strides = array<i32>} : memref<16x64xf32, #tpu.memory_space<vmem>>, vector<16xf32>,
        %get3A_769 = arith.index_cast %scan3A_765 : i32 to index
        %get3A_770 = arith.constant 16 : index
        %get3A_771 = tpu.vector_load %arg13[%get3A_769, %get3A_770] {strides = array<i32>} : memref<16x64xf32, #tpu.memory_space<vmem>>, vector<16xf32>,
        %get3A_772 = arith.index_cast %scan3A_765 : i32 to index
        %get3A_773 = arith.constant 32 : index
        %get3A_774 = tpu.vector_load %arg13[%get3A_772, %get3A_773] {strides = array<i32>} : memref<16x64xf32, #tpu.memory_space<vmem>>, vector<16xf32>,
        %get3A_775 = arith.index_cast %scan3A_765 : i32 to index
        %get3A_776 = arith.constant 48 : index
        %get3A_777 = tpu.vector_load %arg13[%get3A_775, %get3A_776] {strides = array<i32>} : memref<16x64xf32, #tpu.memory_space<vmem>>, vector<16xf32>,
        %add3A_778 = arith.constant 64 : i32
        %add3A_779 = arith.addi %add3A_778, %scan3A_765 : i32
        %broadcast_in_dim3A = vector.broadcast %add3A_779 : i32 to vector<16xi32>
        %broadcast_in_dim3A_780 = arith.constant 0 : i32
        %broadcast_in_dim3A_781 = vector.broadcast %broadcast_in_dim3A_780 : i32 to vector<16xi32>
        %gather3A = tpu.vector_load_idx %arg19[%broadcast_in_dim3A, %broadcast_in_dim3A_781] : memref<80x3xf32, #tpu.memory_space<vmem>>[vector<16xi32>, vector<16xi32>], vector<16xf32>,
        %get3A_782 = arith.constant 0 : i32
        %get3A_783 = arith.index_cast %scan3A_765 : i32 to index
        %get3A_784 = arith.index_cast %get3A_782 : i32 to index
        %get3A_785 = arith.constant 0 : index
        %get3A_786 = tpu.vector_load %arg11[%get3A_783, %get3A_784, %get3A_785] {strides = array<i32>} : memref<16x3x64xf32, #tpu.memory_space<vmem>>, vector<16xf32>,
        %add3A_787 = arith.addf %get3A_786, %gather3A : vector<16xf32>
        %mul3A_788 = arith.mulf %get3A_768, %add3A_787 : vector<16xf32>
        %swap3A_789 = arith.constant 0 : i32
        %swap3A_790 = arith.index_cast %scan3A_765 : i32 to index
        %swap3A_791 = arith.index_cast %swap3A_789 : i32 to index
        %swap3A_792 = arith.constant 0 : index
        %swap3A_793 = tpu.vector_load %arg11[%swap3A_790, %swap3A_791, %swap3A_792] {strides = array<i32>} : memref<16x3x64xf32, #tpu.memory_space<vmem>>, vector<16xf32>,
        tpu.vector_store %arg11[%swap3A_790, %swap3A_791, %swap3A_792], %mul3A_788 {strides = array<i32>} : memref<16x3x64xf32, #tpu.memory_space<vmem>>, vector<16xf32>,
        %get3A_794 = arith.constant 0 : i32
        %get3A_795 = arith.index_cast %scan3A_765 : i32 to index
        %get3A_796 = arith.index_cast %get3A_794 : i32 to index
        %get3A_797 = arith.constant 16 : index
        %get3A_798 = tpu.vector_load %arg11[%get3A_795, %get3A_796, %get3A_797] {strides = array<i32>} : memref<16x3x64xf32, #tpu.memory_space<vmem>>, vector<16xf32>,
        %add3A_799 = arith.addf %get3A_798, %gather3A : vector<16xf32>
        %mul3A_800 = arith.mulf %get3A_771, %add3A_799 : vector<16xf32>
        %swap3A_801 = arith.constant 0 : i32
        %swap3A_802 = arith.index_cast %scan3A_765 : i32 to index
        %swap3A_803 = arith.index_cast %swap3A_801 : i32 to index
        %swap3A_804 = arith.constant 16 : index
        %swap3A_805 = tpu.vector_load %arg11[%swap3A_802, %swap3A_803, %swap3A_804] {strides = array<i32>} : memref<16x3x64xf32, #tpu.memory_space<vmem>>, vector<16xf32>,
        tpu.vector_store %arg11[%swap3A_802, %swap3A_803, %swap3A_804], %mul3A_800 {strides = array<i32>} : memref<16x3x64xf32, #tpu.memory_space<vmem>>, vector<16xf32>,
        %get3A_806 = arith.constant 0 : i32
        %get3A_807 = arith.index_cast %scan3A_765 : i32 to index
        %get3A_808 = arith.index_cast %get3A_806 : i32 to index
        %get3A_809 = arith.constant 32 : index
        %get3A_810 = tpu.vector_load %arg11[%get3A_807, %get3A_808, %get3A_809] {strides = array<i32>} : memref<16x3x64xf32, #tpu.memory_space<vmem>>, vector<16xf32>,
        %add3A_811 = arith.addf %get3A_810, %gather3A : vector<16xf32>
        %mul3A_812 = arith.mulf %get3A_774, %add3A_811 : vector<16xf32>
        %swap3A_813 = arith.constant 0 : i32
        %swap3A_814 = arith.index_cast %scan3A_765 : i32 to index
        %swap3A_815 = arith.index_cast %swap3A_813 : i32 to index
        %swap3A_816 = arith.constant 32 : index
        %swap3A_817 = tpu.vector_load %arg11[%swap3A_814, %swap3A_815, %swap3A_816] {strides = array<i32>} : memref<16x3x64xf32, #tpu.memory_space<vmem>>, vector<16xf32>,
        tpu.vector_store %arg11[%swap3A_814, %swap3A_815, %swap3A_816], %mul3A_812 {strides = array<i32>} : memref<16x3x64xf32, #tpu.memory_space<vmem>>, vector<16xf32>,
        %get3A_818 = arith.constant 0 : i32
        %get3A_819 = arith.index_cast %scan3A_765 : i32 to index
        %get3A_820 = arith.index_cast %get3A_818 : i32 to index
        %get3A_821 = arith.constant 48 : index
        %get3A_822 = tpu.vector_load %arg11[%get3A_819, %get3A_820, %get3A_821] {strides = array<i32>} : memref<16x3x64xf32, #tpu.memory_space<vmem>>, vector<16xf32>,
        %add3A_823 = arith.addf %get3A_822, %gather3A : vector<16xf32>
        %mul3A_824 = arith.mulf %get3A_777, %add3A_823 : vector<16xf32>
        %swap3A_825 = arith.constant 0 : i32
        %swap3A_826 = arith.index_cast %scan3A_765 : i32 to index
        %swap3A_827 = arith.index_cast %swap3A_825 : i32 to index
        %swap3A_828 = arith.constant 48 : index
        %swap3A_829 = tpu.vector_load %arg11[%swap3A_826, %swap3A_827, %swap3A_828] {strides = array<i32>} : memref<16x3x64xf32, #tpu.memory_space<vmem>>, vector<16xf32>,
        tpu.vector_store %arg11[%swap3A_826, %swap3A_827, %swap3A_828], %mul3A_824 {strides = array<i32>} : memref<16x3x64xf32, #tpu.memory_space<vmem>>, vector<16xf32>,
        %broadcast_in_dim3A_830 = arith.constant 1 : i32
        %broadcast_in_dim3A_831 = vector.broadcast %broadcast_in_dim3A_830 : i32 to vector<16xi32>
        %gather3A_832 = tpu.vector_load_idx %arg19[%broadcast_in_dim3A, %broadcast_in_dim3A_831] : memref<80x3xf32, #tpu.memory_space<vmem>>[vector<16xi32>, vector<16xi32>], vector<16xf32>,
        %get3A_833 = arith.constant 1 : i32
        %get3A_834 = arith.index_cast %scan3A_765 : i32 to index
        %get3A_835 = arith.index_cast %get3A_833 : i32 to index
        %get3A_836 = arith.constant 0 : index
        %get3A_837 = tpu.vector_load %arg11[%get3A_834, %get3A_835, %get3A_836] {strides = array<i32>} : memref<16x3x64xf32, #tpu.memory_space<vmem>>, vector<16xf32>,
        %add3A_838 = arith.addf %get3A_837, %gather3A_832 : vector<16xf32>
        %mul3A_839 = arith.mulf %get3A_768, %add3A_838 : vector<16xf32>
        %swap3A_840 = arith.constant 1 : i32
        %swap3A_841 = arith.index_cast %scan3A_765 : i32 to index
        %swap3A_842 = arith.index_cast %swap3A_840 : i32 to index
        %swap3A_843 = arith.constant 0 : index
        %swap3A_844 = tpu.vector_load %arg11[%swap3A_841, %swap3A_842, %swap3A_843] {strides = array<i32>} : memref<16x3x64xf32, #tpu.memory_space<vmem>>, vector<16xf32>,
        tpu.vector_store %arg11[%swap3A_841, %swap3A_842, %swap3A_843], %mul3A_839 {strides = array<i32>} : memref<16x3x64xf32, #tpu.memory_space<vmem>>, vector<16xf32>,
        %get3A_845 = arith.constant 1 : i32
        %get3A_846 = arith.index_cast %scan3A_765 : i32 to index
        %get3A_847 = arith.index_cast %get3A_845 : i32 to index
        %get3A_848 = arith.constant 16 : index
        %get3A_849 = tpu.vector_load %arg11[%get3A_846, %get3A_847, %get3A_848] {strides = array<i32>} : memref<16x3x64xf32, #tpu.memory_space<vmem>>, vector<16xf32>,
        %add3A_850 = arith.addf %get3A_849, %gather3A_832 : vector<16xf32>
        %mul3A_851 = arith.mulf %get3A_771, %add3A_850 : vector<16xf32>
        %swap3A_852 = arith.constant 1 : i32
        %swap3A_853 = arith.index_cast %scan3A_765 : i32 to index
        %swap3A_854 = arith.index_cast %swap3A_852 : i32 to index
        %swap3A_855 = arith.constant 16 : index
        %swap3A_856 = tpu.vector_load %arg11[%swap3A_853, %swap3A_854, %swap3A_855] {strides = array<i32>} : memref<16x3x64xf32, #tpu.memory_space<vmem>>, vector<16xf32>,
        tpu.vector_store %arg11[%swap3A_853, %swap3A_854, %swap3A_855], %mul3A_851 {strides = array<i32>} : memref<16x3x64xf32, #tpu.memory_space<vmem>>, vector<16xf32>,
        %get3A_857 = arith.constant 1 : i32
        %get3A_858 = arith.index_cast %scan3A_765 : i32 to index
        %get3A_859 = arith.index_cast %get3A_857 : i32 to index
        %get3A_860 = arith.constant 32 : index
        %get3A_861 = tpu.vector_load %arg11[%get3A_858, %get3A_859, %get3A_860] {strides = array<i32>} : memref<16x3x64xf32, #tpu.memory_space<vmem>>, vector<16xf32>,
        %add3A_862 = arith.addf %get3A_861, %gather3A_832 : vector<16xf32>
        %mul3A_863 = arith.mulf %get3A_774, %add3A_862 : vector<16xf32>
        %swap3A_864 = arith.constant 1 : i32
        %swap3A_865 = arith.index_cast %scan3A_765 : i32 to index
        %swap3A_866 = arith.index_cast %swap3A_864 : i32 to index
        %swap3A_867 = arith.constant 32 : index
        %swap3A_868 = tpu.vector_load %arg11[%swap3A_865, %swap3A_866, %swap3A_867] {strides = array<i32>} : memref<16x3x64xf32, #tpu.memory_space<vmem>>, vector<16xf32>,
        tpu.vector_store %arg11[%swap3A_865, %swap3A_866, %swap3A_867], %mul3A_863 {strides = array<i32>} : memref<16x3x64xf32, #tpu.memory_space<vmem>>, vector<16xf32>,
        %get3A_869 = arith.constant 1 : i32
        %get3A_870 = arith.index_cast %scan3A_765 : i32 to index
        %get3A_871 = arith.index_cast %get3A_869 : i32 to index
        %get3A_872 = arith.constant 48 : index
        %get3A_873 = tpu.vector_load %arg11[%get3A_870, %get3A_871, %get3A_872] {strides = array<i32>} : memref<16x3x64xf32, #tpu.memory_space<vmem>>, vector<16xf32>,
        %add3A_874 = arith.addf %get3A_873, %gather3A_832 : vector<16xf32>
        %mul3A_875 = arith.mulf %get3A_777, %add3A_874 : vector<16xf32>
        %swap3A_876 = arith.constant 1 : i32
        %swap3A_877 = arith.index_cast %scan3A_765 : i32 to index
        %swap3A_878 = arith.index_cast %swap3A_876 : i32 to index
        %swap3A_879 = arith.constant 48 : index
        %swap3A_880 = tpu.vector_load %arg11[%swap3A_877, %swap3A_878, %swap3A_879] {strides = array<i32>} : memref<16x3x64xf32, #tpu.memory_space<vmem>>, vector<16xf32>,
        tpu.vector_store %arg11[%swap3A_877, %swap3A_878, %swap3A_879], %mul3A_875 {strides = array<i32>} : memref<16x3x64xf32, #tpu.memory_space<vmem>>, vector<16xf32>,
        %broadcast_in_dim3A_881 = arith.constant 2 : i32
        %broadcast_in_dim3A_882 = vector.broadcast %broadcast_in_dim3A_881 : i32 to vector<16xi32>
        %gather3A_883 = tpu.vector_load_idx %arg19[%broadcast_in_dim3A, %broadcast_in_dim3A_882] : memref<80x3xf32, #tpu.memory_space<vmem>>[vector<16xi32>, vector<16xi32>], vector<16xf32>,
        %get3A_884 = arith.constant 2 : i32
        %get3A_885 = arith.index_cast %scan3A_765 : i32 to index
        %get3A_886 = arith.index_cast %get3A_884 : i32 to index
        %get3A_887 = arith.constant 0 : index
        %get3A_888 = tpu.vector_load %arg11[%get3A_885, %get3A_886, %get3A_887] {strides = array<i32>} : memref<16x3x64xf32, #tpu.memory_space<vmem>>, vector<16xf32>,
        %add3A_889 = arith.addf %get3A_888, %gather3A_883 : vector<16xf32>
        %mul3A_890 = arith.mulf %get3A_768, %add3A_889 : vector<16xf32>
        %swap3A_891 = arith.constant 2 : i32
        %swap3A_892 = arith.index_cast %scan3A_765 : i32 to index
        %swap3A_893 = arith.index_cast %swap3A_891 : i32 to index
        %swap3A_894 = arith.constant 0 : index
        %swap3A_895 = tpu.vector_load %arg11[%swap3A_892, %swap3A_893, %swap3A_894] {strides = array<i32>} : memref<16x3x64xf32, #tpu.memory_space<vmem>>, vector<16xf32>,
        tpu.vector_store %arg11[%swap3A_892, %swap3A_893, %swap3A_894], %mul3A_890 {strides = array<i32>} : memref<16x3x64xf32, #tpu.memory_space<vmem>>, vector<16xf32>,
        %get3A_896 = arith.constant 2 : i32
        %get3A_897 = arith.index_cast %scan3A_765 : i32 to index
        %get3A_898 = arith.index_cast %get3A_896 : i32 to index
        %get3A_899 = arith.constant 16 : index
        %get3A_900 = tpu.vector_load %arg11[%get3A_897, %get3A_898, %get3A_899] {strides = array<i32>} : memref<16x3x64xf32, #tpu.memory_space<vmem>>, vector<16xf32>,
        %add3A_901 = arith.addf %get3A_900, %gather3A_883 : vector<16xf32>
        %mul3A_902 = arith.mulf %get3A_771, %add3A_901 : vector<16xf32>
        %swap3A_903 = arith.constant 2 : i32
        %swap3A_904 = arith.index_cast %scan3A_765 : i32 to index
        %swap3A_905 = arith.index_cast %swap3A_903 : i32 to index
        %swap3A_906 = arith.constant 16 : index
        %swap3A_907 = tpu.vector_load %arg11[%swap3A_904, %swap3A_905, %swap3A_906] {strides = array<i32>} : memref<16x3x64xf32, #tpu.memory_space<vmem>>, vector<16xf32>,
        tpu.vector_store %arg11[%swap3A_904, %swap3A_905, %swap3A_906], %mul3A_902 {strides = array<i32>} : memref<16x3x64xf32, #tpu.memory_space<vmem>>, vector<16xf32>,
        %get3A_908 = arith.constant 2 : i32
        %get3A_909 = arith.index_cast %scan3A_765 : i32 to index
        %get3A_910 = arith.index_cast %get3A_908 : i32 to index
        %get3A_911 = arith.constant 32 : index
        %get3A_912 = tpu.vector_load %arg11[%get3A_909, %get3A_910, %get3A_911] {strides = array<i32>} : memref<16x3x64xf32, #tpu.memory_space<vmem>>, vector<16xf32>,
        %add3A_913 = arith.addf %get3A_912, %gather3A_883 : vector<16xf32>
        %mul3A_914 = arith.mulf %get3A_774, %add3A_913 : vector<16xf32>
        %swap3A_915 = arith.constant 2 : i32
        %swap3A_916 = arith.index_cast %scan3A_765 : i32 to index
        %swap3A_917 = arith.index_cast %swap3A_915 : i32 to index
        %swap3A_918 = arith.constant 32 : index
        %swap3A_919 = tpu.vector_load %arg11[%swap3A_916, %swap3A_917, %swap3A_918] {strides = array<i32>} : memref<16x3x64xf32, #tpu.memory_space<vmem>>, vector<16xf32>,
        tpu.vector_store %arg11[%swap3A_916, %swap3A_917, %swap3A_918], %mul3A_914 {strides = array<i32>} : memref<16x3x64xf32, #tpu.memory_space<vmem>>, vector<16xf32>,
        %get3A_920 = arith.constant 2 : i32
        %get3A_921 = arith.index_cast %scan3A_765 : i32 to index
        %get3A_922 = arith.index_cast %get3A_920 : i32 to index
        %get3A_923 = arith.constant 48 : index
        %get3A_924 = tpu.vector_load %arg11[%get3A_921, %get3A_922, %get3A_923] {strides = array<i32>} : memref<16x3x64xf32, #tpu.memory_space<vmem>>, vector<16xf32>,
        %add3A_925 = arith.addf %get3A_924, %gather3A_883 : vector<16xf32>
        %mul3A_926 = arith.mulf %get3A_777, %add3A_925 : vector<16xf32>
        %swap3A_927 = arith.constant 2 : i32
        %swap3A_928 = arith.index_cast %scan3A_765 : i32 to index
        %swap3A_929 = arith.index_cast %swap3A_927 : i32 to index
        %swap3A_930 = arith.constant 48 : index
        %swap3A_931 = tpu.vector_load %arg11[%swap3A_928, %swap3A_929, %swap3A_930] {strides = array<i32>} : memref<16x3x64xf32, #tpu.memory_space<vmem>>, vector<16xf32>,
        tpu.vector_store %arg11[%swap3A_928, %swap3A_929, %swap3A_930], %mul3A_926 {strides = array<i32>} : memref<16x3x64xf32, #tpu.memory_space<vmem>>, vector<16xf32>,
      }
      %scan3A_416 = arith.constant 16 : i32
      %get3A_417 = arith.constant 4 : i32
      %get3A_418 = arith.index_cast %get3A_417 : i32 to index
      %get3A_419 = arith.constant 0 : index
      %get3A_420 = tpu.vector_load %arg15[%get3A_418, %get3A_419] {strides = array<i32>} : memref<5x16xi32, #tpu.memory_space<vmem>>, vector<16xi32>,
      %swap3A_421 = arith.constant 0 : index
      %swap3A_422 = tpu.vector_load %arg20[%swap3A_421] {strides = array<i32>} : memref<16xi32, #tpu.memory_space<vmem>>, vector<16xi32>,
      tpu.vector_store %arg20[%swap3A_421], %get3A_420 {strides = array<i32>} : memref<16xi32, #tpu.memory_space<vmem>>, vector<16xi32>,
      %dma_start3A_423 = arith.constant 0 : i32
      %dma_start3A_424 = arith.constant 0 : i32
      %dma_start3A_425 = arith.constant 0 : i32
      %dma_start3A_426 = tpu.memref_slice %arg10[%dma_start3A_423, %dma_start3A_424, %dma_start3A_425] : memref<10000x3x64xf32, #tpu.memory_space<vmem_shared>> -> memref<10000x3x64xf32, #tpu.memory_space<vmem_shared>>
      tpu.enqueue_indirect_dma source(%arg11 : memref<16x3x64xf32, #tpu.memory_space<vmem>>) target(%dma_start3A_426 : memref<10000x3x64xf32, #tpu.memory_space<vmem_shared>>) offsets(%arg20 : memref<16xi32, #tpu.memory_space<vmem>>) semaphore(%arg26 : memref<!tpu.dma_semaphore, #tpu.memory_space<semaphore_mem>>) {add = true}
      %add3A_427 = arith.constant 2 : i32
      %add3A_428 = arith.addi %mul3A_109, %add3A_427 : i32
      %le3A = arith.constant 249 : i32
      %le3A_429 = arith.cmpi sle, %add3A_428, %le3A : i32
      %convert_element_type3A_430 = arith.extui %le3A_429 : i1 to i32
      %cond3A_431 = arith.constant 0 : i32
      %cond3A_432 = arith.cmpi ne, %convert_element_type3A_430, %cond3A_431 : i32
      scf.if %cond3A_432 {
        %add3A_765 = arith.constant 2 : i32
        %add3A_766 = arith.addi %mul3A_109, %add3A_765 : i32
        %mul3A_767 = arith.constant 250 : i32
        %mul3A_768 = arith.muli %arg1, %mul3A_767 : i32
        %add3A_769 = arith.addi %mul3A_768, %add3A_766 : i32
        %dma_start3A_770 = arith.constant 0 : i32
        %dma_start3A_771 = arith.constant 0 : i32
        %dma_start3A_772 = tpu.memref_slice %arg2[%add3A_769, %dma_start3A_770, %dma_start3A_771] : memref<4000x5x16xi32, #tpu.memory_space<hbm>> -> memref<1x5x16xi32, #tpu.memory_space<hbm>>
        %dma_start3A_773 = tpu.memref_squeeze %dma_start3A_772 : memref<1x5x16xi32, #tpu.memory_space<hbm>> -> memref<5x16xi32, #tpu.memory_space<hbm>>
        %dma_start3A_774 = arith.constant 0 : i32
        %dma_start3A_775 = arith.constant 0 : i32
        %dma_start3A_776 = tpu.memref_slice %arg2[%add3A_769, %dma_start3A_774, %dma_start3A_775] : memref<4000x5x16xi32, #tpu.memory_space<hbm>> -> memref<1x5x16xi32, #tpu.memory_space<hbm>>
        %dma_start3A_777 = tpu.memref_squeeze %dma_start3A_776 : memref<1x5x16xi32, #tpu.memory_space<hbm>> -> memref<5x16xi32, #tpu.memory_space<hbm>>
        tpu.enqueue_dma source(%dma_start3A_777 : memref<5x16xi32, #tpu.memory_space<hbm>>) target(%arg15 : memref<5x16xi32, #tpu.memory_space<vmem>>) target_semaphore(%arg22 : memref<!tpu.dma_semaphore, #tpu.memory_space<semaphore_mem>>)
        %dma_start3A_778 = arith.constant 0 : i32
        %dma_start3A_779 = arith.constant 0 : i32
        %dma_start3A_780 = tpu.memref_slice %arg3[%add3A_769, %dma_start3A_778, %dma_start3A_779] : memref<4000x5x16xi32, #tpu.memory_space<hbm>> -> memref<1x5x16xi32, #tpu.memory_space<hbm>>
        %dma_start3A_781 = tpu.memref_squeeze %dma_start3A_780 : memref<1x5x16xi32, #tpu.memory_space<hbm>> -> memref<5x16xi32, #tpu.memory_space<hbm>>
        %dma_start3A_782 = arith.constant 0 : i32
        %dma_start3A_783 = arith.constant 0 : i32
        %dma_start3A_784 = tpu.memref_slice %arg3[%add3A_769, %dma_start3A_782, %dma_start3A_783] : memref<4000x5x16xi32, #tpu.memory_space<hbm>> -> memref<1x5x16xi32, #tpu.memory_space<hbm>>
        %dma_start3A_785 = tpu.memref_squeeze %dma_start3A_784 : memref<1x5x16xi32, #tpu.memory_space<hbm>> -> memref<5x16xi32, #tpu.memory_space<hbm>>
        tpu.enqueue_dma source(%dma_start3A_785 : memref<5x16xi32, #tpu.memory_space<hbm>>) target(%arg17 : memref<5x16xi32, #tpu.memory_space<vmem>>) target_semaphore(%arg22 : memref<!tpu.dma_semaphore, #tpu.memory_space<semaphore_mem>>)
      } else {
      }
      %mul3A_433 = arith.constant 2 : i32
      %mul3A_434 = arith.muli %mul3A_433, %scan3A_107 : i32
      %add3A_435 = arith.constant 1 : i32
      %add3A_436 = arith.addi %mul3A_434, %add3A_435 : i32
      %mul3A_437 = arith.constant 250 : i32
      %mul3A_438 = arith.muli %arg1, %mul3A_437 : i32
      %add3A_439 = arith.addi %mul3A_438, %add3A_436 : i32
      %mul3A_440 = arith.constant 80 : i32
      %mul3A_441 = arith.muli %add3A_439, %mul3A_440 : i32
      "tpu.region"() ({
        %run_scoped3A = tpu.sem_alloc : memref<!tpu.dma_semaphore, #tpu.memory_space<semaphore_mem>>
        %dma_start3A_765 = arith.constant 0 : i32
        %dma_start3A_766 = tpu.memref_slice %arg7[%mul3A_441, %dma_start3A_765] : memref<320000x3xf32, #tpu.memory_space<hbm>> -> memref<80x3xf32, #tpu.memory_space<hbm>>
        %dma_start3A_767 = arith.constant 0 : i32
        %dma_start3A_768 = tpu.memref_slice %arg7[%mul3A_441, %dma_start3A_767] : memref<320000x3xf32, #tpu.memory_space<hbm>> -> memref<80x3xf32, #tpu.memory_space<hbm>>
        tpu.enqueue_dma source(%dma_start3A_768 : memref<80x3xf32, #tpu.memory_space<hbm>>) target(%arg19 : memref<80x3xf32, #tpu.memory_space<vmem>>) target_semaphore(%run_scoped3A : memref<!tpu.dma_semaphore, #tpu.memory_space<semaphore_mem>>)
        %dma_wait3A_769 = arith.constant 0 : i32
        %dma_wait3A_770 = tpu.memref_slice %arg7[%mul3A_441, %dma_wait3A_769] : memref<320000x3xf32, #tpu.memory_space<hbm>> -> memref<80x3xf32, #tpu.memory_space<hbm>>
        %dma_wait3A_771 = arith.constant 0 : i32
        %dma_wait3A_772 = tpu.memref_slice %arg7[%mul3A_441, %dma_wait3A_771] : memref<320000x3xf32, #tpu.memory_space<hbm>> -> memref<80x3xf32, #tpu.memory_space<hbm>>
        tpu.wait_dma2 semaphore(%run_scoped3A : memref<!tpu.dma_semaphore, #tpu.memory_space<semaphore_mem>>) src(%dma_wait3A_772 : memref<80x3xf32, #tpu.memory_space<hbm>>) dst(%arg19 : memref<80x3xf32, #tpu.memory_space<vmem>>)
        tpu.yield
      }) : () -> ()
      %mul3A_442 = arith.constant 5 : i32
      %mul3A_443 = arith.muli %add3A_436, %mul3A_442 : i32
      %add3A_444 = arith.constant 0 : i32
      %add3A_445 = arith.addi %mul3A_443, %add3A_444 : i32
      %ge3A_446 = arith.constant 1 : i32
      %ge3A_447 = arith.cmpi sge, %add3A_445, %ge3A_446 : i32
      %convert_element_type3A_448 = arith.extui %ge3A_447 : i1 to i32
      %cond3A_449 = arith.constant 0 : i32
      %cond3A_450 = arith.cmpi ne, %convert_element_type3A_448, %cond3A_449 : i32
      scf.if %cond3A_450 {
        %dma_wait3A_765 = arith.constant 0 : i32
        %dma_wait3A_766 = arith.constant 0 : i32
        %dma_wait3A_767 = arith.constant 0 : i32
        %dma_wait3A_768 = tpu.memref_slice %arg10[%dma_wait3A_765, %dma_wait3A_766, %dma_wait3A_767] : memref<10000x3x64xf32, #tpu.memory_space<vmem_shared>> -> memref<10000x3x64xf32, #tpu.memory_space<vmem_shared>>
        tpu.wait_indirect_dma semaphore(%arg26 : memref<!tpu.dma_semaphore, #tpu.memory_space<semaphore_mem>>) src(%arg11 : memref<16x3x64xf32, #tpu.memory_space<vmem>>) dst(%dma_wait3A_768 : memref<10000x3x64xf32, #tpu.memory_space<vmem_shared>>)
      } else {
      }
      %add3A_451 = arith.constant 1 : i32
      %add3A_452 = arith.addi %add3A_445, %add3A_451 : i32
      %mul3A_453 = arith.constant 1250 : i32
      %mul3A_454 = arith.muli %arg1, %mul3A_453 : i32
      %add3A_455 = arith.addi %mul3A_454, %add3A_452 : i32
      %mul3A_456 = arith.constant 16 : i32
      %mul3A_457 = arith.muli %add3A_455, %mul3A_456 : i32
      %eq3A_458 = arith.constant 0 : i32
      %eq3A_459 = arith.cmpi eq, %arg0, %eq3A_458 : i32
      %convert_element_type3A_460 = arith.extui %eq3A_459 : i1 to i32
      %cond3A_461 = arith.constant 1 : i32
      %cond3A_462 = arith.constant 0 : i32
      %cond3A_463 = arith.cmpi ne, %convert_element_type3A_460, %cond3A_462 : i32
      scf.if %cond3A_463 {
        %dma_start3A_765 = arith.constant 0 : i32
        %dma_start3A_766 = tpu.memref_slice %arg18[%cond3A_461, %dma_start3A_765] : memref<5x16xi32, #tpu.memory_space<vmem>> -> memref<1x16xi32, #tpu.memory_space<vmem>>
        %dma_start3A_767 = tpu.memref_squeeze %dma_start3A_766 : memref<1x16xi32, #tpu.memory_space<vmem>> -> memref<16xi32, #tpu.memory_space<vmem>>
        %dma_start3A_768 = arith.constant 0 : i32
        %dma_start3A_769 = arith.constant 0 : i32
        %dma_start3A_770 = arith.constant 0 : i32
        %dma_start3A_771 = tpu.memref_slice %arg4[%dma_start3A_768, %dma_start3A_769, %dma_start3A_770] : memref<10000x3x64xf32, #tpu.memory_space<hbm>> -> memref<10000x3x64xf32, #tpu.memory_space<hbm>>
        tpu.enqueue_indirect_dma source(%dma_start3A_771 : memref<10000x3x64xf32, #tpu.memory_space<hbm>>) target(%arg11 : memref<16x3x64xf32, #tpu.memory_space<vmem>>) offsets(%dma_start3A_767 : memref<16xi32, #tpu.memory_space<vmem>>) semaphore(%arg24 : memref<!tpu.dma_semaphore, #tpu.memory_space<semaphore_mem>>)
      } else {
      }
      %eq3A_464 = arith.constant 1 : i32
      %eq3A_465 = arith.cmpi eq, %arg0, %eq3A_464 : i32
      %convert_element_type3A_466 = arith.extui %eq3A_465 : i1 to i32
      %cond3A_467 = arith.constant 1 : i32
      %cond3A_468 = arith.constant 0 : i32
      %cond3A_469 = arith.cmpi ne, %convert_element_type3A_466, %cond3A_468 : i32
      scf.if %cond3A_469 {
        %dma_start3A_765 = arith.constant 0 : i32
        %dma_start3A_766 = tpu.memref_slice %arg18[%cond3A_467, %dma_start3A_765] : memref<5x16xi32, #tpu.memory_space<vmem>> -> memref<1x16xi32, #tpu.memory_space<vmem>>
        %dma_start3A_767 = tpu.memref_squeeze %dma_start3A_766 : memref<1x16xi32, #tpu.memory_space<vmem>> -> memref<16xi32, #tpu.memory_space<vmem>>
        %dma_start3A_768 = arith.constant 0 : i32
        %dma_start3A_769 = arith.constant 0 : i32
        %dma_start3A_770 = arith.constant 0 : i32
        %dma_start3A_771 = tpu.memref_slice %arg5[%dma_start3A_768, %dma_start3A_769, %dma_start3A_770] : memref<10000x3x64xf32, #tpu.memory_space<hbm>> -> memref<10000x3x64xf32, #tpu.memory_space<hbm>>
        tpu.enqueue_indirect_dma source(%dma_start3A_771 : memref<10000x3x64xf32, #tpu.memory_space<hbm>>) target(%arg11 : memref<16x3x64xf32, #tpu.memory_space<vmem>>) offsets(%dma_start3A_767 : memref<16xi32, #tpu.memory_space<vmem>>) semaphore(%arg24 : memref<!tpu.dma_semaphore, #tpu.memory_space<semaphore_mem>>)
      } else {
      }
      %dma_start3A_470 = arith.constant 0 : i32
      %dma_start3A_471 = tpu.memref_slice %arg6[%mul3A_457, %arg0, %dma_start3A_470] : memref<320000x2x64xf32, #tpu.memory_space<hbm>> -> memref<16x1x64xf32, #tpu.memory_space<hbm>>
      %dma_start3A_472 = tpu.memref_squeeze %dma_start3A_471 : memref<16x1x64xf32, #tpu.memory_space<hbm>> -> memref<16x64xf32, #tpu.memory_space<hbm>>
      %dma_start3A_473 = arith.constant 0 : i32
      %dma_start3A_474 = tpu.memref_slice %arg6[%mul3A_457, %arg0, %dma_start3A_473] : memref<320000x2x64xf32, #tpu.memory_space<hbm>> -> memref<16x1x64xf32, #tpu.memory_space<hbm>>
      %dma_start3A_475 = tpu.memref_squeeze %dma_start3A_474 : memref<16x1x64xf32, #tpu.memory_space<hbm>> -> memref<16x64xf32, #tpu.memory_space<hbm>>
      tpu.enqueue_dma source(%dma_start3A_475 : memref<16x64xf32, #tpu.memory_space<hbm>>) target(%arg13 : memref<16x64xf32, #tpu.memory_space<vmem>>) target_semaphore(%arg24 : memref<!tpu.dma_semaphore, #tpu.memory_space<semaphore_mem>>)
      %eq3A_476 = arith.constant 0 : i32
      %eq3A_477 = arith.cmpi eq, %arg0, %eq3A_476 : i32
      %convert_element_type3A_478 = arith.extui %eq3A_477 : i1 to i32
      %cond3A_479 = arith.constant 0 : i32
      %cond3A_480 = arith.cmpi ne, %convert_element_type3A_478, %cond3A_479 : i32
      scf.if %cond3A_480 {
        %dma_wait3A_765 = arith.constant 0 : i32
        %dma_wait3A_766 = arith.constant 0 : i32
        %dma_wait3A_767 = tpu.memref_slice %arg17[%dma_wait3A_765, %dma_wait3A_766] : memref<5x16xi32, #tpu.memory_space<vmem>> -> memref<1x16xi32, #tpu.memory_space<vmem>>
        %dma_wait3A_768 = tpu.memref_squeeze %dma_wait3A_767 : memref<1x16xi32, #tpu.memory_space<vmem>> -> memref<16xi32, #tpu.memory_space<vmem>>
        %dma_wait3A_769 = arith.constant 0 : i32
        %dma_wait3A_770 = arith.constant 0 : i32
        %dma_wait3A_771 = arith.constant 0 : i32
        %dma_wait3A_772 = tpu.memref_slice %arg4[%dma_wait3A_769, %dma_wait3A_770, %dma_wait3A_771] : memref<10000x3x64xf32, #tpu.memory_space<hbm>> -> memref<10000x3x64xf32, #tpu.memory_space<hbm>>
        tpu.wait_indirect_dma semaphore(%arg25 : memref<!tpu.dma_semaphore, #tpu.memory_space<semaphore_mem>>) src(%dma_wait3A_772 : memref<10000x3x64xf32, #tpu.memory_space<hbm>>) dst(%arg12 : memref<16x3x64xf32, #tpu.memory_space<vmem>>)
      } else {
      }
      %eq3A_481 = arith.constant 1 : i32
      %eq3A_482 = arith.cmpi eq, %arg0, %eq3A_481 : i32
      %convert_element_type3A_483 = arith.extui %eq3A_482 : i1 to i32
      %cond3A_484 = arith.constant 0 : i32
      %cond3A_485 = arith.cmpi ne, %convert_element_type3A_483, %cond3A_484 : i32
      scf.if %cond3A_485 {
        %dma_wait3A_765 = arith.constant 0 : i32
        %dma_wait3A_766 = arith.constant 0 : i32
        %dma_wait3A_767 = tpu.memref_slice %arg17[%dma_wait3A_765, %dma_wait3A_766] : memref<5x16xi32, #tpu.memory_space<vmem>> -> memref<1x16xi32, #tpu.memory_space<vmem>>
        %dma_wait3A_768 = tpu.memref_squeeze %dma_wait3A_767 : memref<1x16xi32, #tpu.memory_space<vmem>> -> memref<16xi32, #tpu.memory_space<vmem>>
        %dma_wait3A_769 = arith.constant 0 : i32
        %dma_wait3A_770 = arith.constant 0 : i32
        %dma_wait3A_771 = arith.constant 0 : i32
        %dma_wait3A_772 = tpu.memref_slice %arg5[%dma_wait3A_769, %dma_wait3A_770, %dma_wait3A_771] : memref<10000x3x64xf32, #tpu.memory_space<hbm>> -> memref<10000x3x64xf32, #tpu.memory_space<hbm>>
        tpu.wait_indirect_dma semaphore(%arg25 : memref<!tpu.dma_semaphore, #tpu.memory_space<semaphore_mem>>) src(%dma_wait3A_772 : memref<10000x3x64xf32, #tpu.memory_space<hbm>>) dst(%arg12 : memref<16x3x64xf32, #tpu.memory_space<vmem>>)
      } else {
      }
      %dma_wait3A_486 = arith.constant 0 : i32
      %dma_wait3A_487 = arith.constant 0 : i32
      %dma_wait3A_488 = tpu.memref_slice %arg6[%dma_wait3A_486, %arg0, %dma_wait3A_487] : memref<320000x2x64xf32, #tpu.memory_space<hbm>> -> memref<16x1x64xf32, #tpu.memory_space<hbm>>
      %dma_wait3A_489 = tpu.memref_squeeze %dma_wait3A_488 : memref<16x1x64xf32, #tpu.memory_space<hbm>> -> memref<16x64xf32, #tpu.memory_space<hbm>>
      %dma_wait3A_490 = arith.constant 0 : i32
      %dma_wait3A_491 = arith.constant 0 : i32
      %dma_wait3A_492 = tpu.memref_slice %arg6[%dma_wait3A_490, %arg0, %dma_wait3A_491] : memref<320000x2x64xf32, #tpu.memory_space<hbm>> -> memref<16x1x64xf32, #tpu.memory_space<hbm>>
      %dma_wait3A_493 = tpu.memref_squeeze %dma_wait3A_492 : memref<16x1x64xf32, #tpu.memory_space<hbm>> -> memref<16x64xf32, #tpu.memory_space<hbm>>
      tpu.wait_dma2 semaphore(%arg25 : memref<!tpu.dma_semaphore, #tpu.memory_space<semaphore_mem>>) src(%dma_wait3A_493 : memref<16x64xf32, #tpu.memory_space<hbm>>) dst(%arg14 : memref<16x64xf32, #tpu.memory_space<vmem>>)
      %scan3A_494 = arith.constant 0 : i32
      %scan3A_495 = arith.constant 0 : i32
      %scan3A_496 = arith.constant 16 : i32
      %scan3A_497 = arith.addi %scan3A_495, %scan3A_496 : i32
      %scan3A_498 = arith.constant 1 : i32
      scf.for %scan3A_765 = %scan3A_495 to %scan3A_497 step %scan3A_498  : i32 {
        %get3A_766 = arith.index_cast %scan3A_765 : i32 to index
        %get3A_767 = arith.constant 0 : index
        %get3A_768 = tpu.vector_load %arg14[%get3A_766, %get3A_767] {strides = array<i32>} : memref<16x64xf32, #tpu.memory_space<vmem>>, vector<16xf32>,
        %get3A_769 = arith.index_cast %scan3A_765 : i32 to index
        %get3A_770 = arith.constant 16 : index
        %get3A_771 = tpu.vector_load %arg14[%get3A_769, %get3A_770] {strides = array<i32>} : memref<16x64xf32, #tpu.memory_space<vmem>>, vector<16xf32>,
        %get3A_772 = arith.index_cast %scan3A_765 : i32 to index
        %get3A_773 = arith.constant 32 : index
        %get3A_774 = tpu.vector_load %arg14[%get3A_772, %get3A_773] {strides = array<i32>} : memref<16x64xf32, #tpu.memory_space<vmem>>, vector<16xf32>,
        %get3A_775 = arith.index_cast %scan3A_765 : i32 to index
        %get3A_776 = arith.constant 48 : index
        %get3A_777 = tpu.vector_load %arg14[%get3A_775, %get3A_776] {strides = array<i32>} : memref<16x64xf32, #tpu.memory_space<vmem>>, vector<16xf32>,
        %add3A_778 = arith.constant 0 : i32
        %add3A_779 = arith.addi %add3A_778, %scan3A_765 : i32
        %broadcast_in_dim3A = vector.broadcast %add3A_779 : i32 to vector<16xi32>
        %broadcast_in_dim3A_780 = arith.constant 0 : i32
        %broadcast_in_dim3A_781 = vector.broadcast %broadcast_in_dim3A_780 : i32 to vector<16xi32>
        %gather3A = tpu.vector_load_idx %arg19[%broadcast_in_dim3A, %broadcast_in_dim3A_781] : memref<80x3xf32, #tpu.memory_space<vmem>>[vector<16xi32>, vector<16xi32>], vector<16xf32>,
        %get3A_782 = arith.constant 0 : i32
        %get3A_783 = arith.index_cast %scan3A_765 : i32 to index
        %get3A_784 = arith.index_cast %get3A_782 : i32 to index
        %get3A_785 = arith.constant 0 : index
        %get3A_786 = tpu.vector_load %arg12[%get3A_783, %get3A_784, %get3A_785] {strides = array<i32>} : memref<16x3x64xf32, #tpu.memory_space<vmem>>, vector<16xf32>,
        %add3A_787 = arith.addf %get3A_786, %gather3A : vector<16xf32>
        %mul3A_788 = arith.mulf %get3A_768, %add3A_787 : vector<16xf32>
        %swap3A_789 = arith.constant 0 : i32
        %swap3A_790 = arith.index_cast %scan3A_765 : i32 to index
        %swap3A_791 = arith.index_cast %swap3A_789 : i32 to index
        %swap3A_792 = arith.constant 0 : index
        %swap3A_793 = tpu.vector_load %arg12[%swap3A_790, %swap3A_791, %swap3A_792] {strides = array<i32>} : memref<16x3x64xf32, #tpu.memory_space<vmem>>, vector<16xf32>,
        tpu.vector_store %arg12[%swap3A_790, %swap3A_791, %swap3A_792], %mul3A_788 {strides = array<i32>} : memref<16x3x64xf32, #tpu.memory_space<vmem>>, vector<16xf32>,
        %get3A_794 = arith.constant 0 : i32
        %get3A_795 = arith.index_cast %scan3A_765 : i32 to index
        %get3A_796 = arith.index_cast %get3A_794 : i32 to index
        %get3A_797 = arith.constant 16 : index
        %get3A_798 = tpu.vector_load %arg12[%get3A_795, %get3A_796, %get3A_797] {strides = array<i32>} : memref<16x3x64xf32, #tpu.memory_space<vmem>>, vector<16xf32>,
        %add3A_799 = arith.addf %get3A_798, %gather3A : vector<16xf32>
        %mul3A_800 = arith.mulf %get3A_771, %add3A_799 : vector<16xf32>
        %swap3A_801 = arith.constant 0 : i32
        %swap3A_802 = arith.index_cast %scan3A_765 : i32 to index
        %swap3A_803 = arith.index_cast %swap3A_801 : i32 to index
        %swap3A_804 = arith.constant 16 : index
        %swap3A_805 = tpu.vector_load %arg12[%swap3A_802, %swap3A_803, %swap3A_804] {strides = array<i32>} : memref<16x3x64xf32, #tpu.memory_space<vmem>>, vector<16xf32>,
        tpu.vector_store %arg12[%swap3A_802, %swap3A_803, %swap3A_804], %mul3A_800 {strides = array<i32>} : memref<16x3x64xf32, #tpu.memory_space<vmem>>, vector<16xf32>,
        %get3A_806 = arith.constant 0 : i32
        %get3A_807 = arith.index_cast %scan3A_765 : i32 to index
        %get3A_808 = arith.index_cast %get3A_806 : i32 to index
        %get3A_809 = arith.constant 32 : index
        %get3A_810 = tpu.vector_load %arg12[%get3A_807, %get3A_808, %get3A_809] {strides = array<i32>} : memref<16x3x64xf32, #tpu.memory_space<vmem>>, vector<16xf32>,
        %add3A_811 = arith.addf %get3A_810, %gather3A : vector<16xf32>
        %mul3A_812 = arith.mulf %get3A_774, %add3A_811 : vector<16xf32>
        %swap3A_813 = arith.constant 0 : i32
        %swap3A_814 = arith.index_cast %scan3A_765 : i32 to index
        %swap3A_815 = arith.index_cast %swap3A_813 : i32 to index
        %swap3A_816 = arith.constant 32 : index
        %swap3A_817 = tpu.vector_load %arg12[%swap3A_814, %swap3A_815, %swap3A_816] {strides = array<i32>} : memref<16x3x64xf32, #tpu.memory_space<vmem>>, vector<16xf32>,
        tpu.vector_store %arg12[%swap3A_814, %swap3A_815, %swap3A_816], %mul3A_812 {strides = array<i32>} : memref<16x3x64xf32, #tpu.memory_space<vmem>>, vector<16xf32>,
        %get3A_818 = arith.constant 0 : i32
        %get3A_819 = arith.index_cast %scan3A_765 : i32 to index
        %get3A_820 = arith.index_cast %get3A_818 : i32 to index
        %get3A_821 = arith.constant 48 : index
        %get3A_822 = tpu.vector_load %arg12[%get3A_819, %get3A_820, %get3A_821] {strides = array<i32>} : memref<16x3x64xf32, #tpu.memory_space<vmem>>, vector<16xf32>,
        %add3A_823 = arith.addf %get3A_822, %gather3A : vector<16xf32>
        %mul3A_824 = arith.mulf %get3A_777, %add3A_823 : vector<16xf32>
        %swap3A_825 = arith.constant 0 : i32
        %swap3A_826 = arith.index_cast %scan3A_765 : i32 to index
        %swap3A_827 = arith.index_cast %swap3A_825 : i32 to index
        %swap3A_828 = arith.constant 48 : index
        %swap3A_829 = tpu.vector_load %arg12[%swap3A_826, %swap3A_827, %swap3A_828] {strides = array<i32>} : memref<16x3x64xf32, #tpu.memory_space<vmem>>, vector<16xf32>,
        tpu.vector_store %arg12[%swap3A_826, %swap3A_827, %swap3A_828], %mul3A_824 {strides = array<i32>} : memref<16x3x64xf32, #tpu.memory_space<vmem>>, vector<16xf32>,
        %broadcast_in_dim3A_830 = arith.constant 1 : i32
        %broadcast_in_dim3A_831 = vector.broadcast %broadcast_in_dim3A_830 : i32 to vector<16xi32>
        %gather3A_832 = tpu.vector_load_idx %arg19[%broadcast_in_dim3A, %broadcast_in_dim3A_831] : memref<80x3xf32, #tpu.memory_space<vmem>>[vector<16xi32>, vector<16xi32>], vector<16xf32>,
        %get3A_833 = arith.constant 1 : i32
        %get3A_834 = arith.index_cast %scan3A_765 : i32 to index
        %get3A_835 = arith.index_cast %get3A_833 : i32 to index
        %get3A_836 = arith.constant 0 : index
        %get3A_837 = tpu.vector_load %arg12[%get3A_834, %get3A_835, %get3A_836] {strides = array<i32>} : memref<16x3x64xf32, #tpu.memory_space<vmem>>, vector<16xf32>,
        %add3A_838 = arith.addf %get3A_837, %gather3A_832 : vector<16xf32>
        %mul3A_839 = arith.mulf %get3A_768, %add3A_838 : vector<16xf32>
        %swap3A_840 = arith.constant 1 : i32
        %swap3A_841 = arith.index_cast %scan3A_765 : i32 to index
        %swap3A_842 = arith.index_cast %swap3A_840 : i32 to index
        %swap3A_843 = arith.constant 0 : index
        %swap3A_844 = tpu.vector_load %arg12[%swap3A_841, %swap3A_842, %swap3A_843] {strides = array<i32>} : memref<16x3x64xf32, #tpu.memory_space<vmem>>, vector<16xf32>,
        tpu.vector_store %arg12[%swap3A_841, %swap3A_842, %swap3A_843], %mul3A_839 {strides = array<i32>} : memref<16x3x64xf32, #tpu.memory_space<vmem>>, vector<16xf32>,
        %get3A_845 = arith.constant 1 : i32
        %get3A_846 = arith.index_cast %scan3A_765 : i32 to index
        %get3A_847 = arith.index_cast %get3A_845 : i32 to index
        %get3A_848 = arith.constant 16 : index
        %get3A_849 = tpu.vector_load %arg12[%get3A_846, %get3A_847, %get3A_848] {strides = array<i32>} : memref<16x3x64xf32, #tpu.memory_space<vmem>>, vector<16xf32>,
        %add3A_850 = arith.addf %get3A_849, %gather3A_832 : vector<16xf32>
        %mul3A_851 = arith.mulf %get3A_771, %add3A_850 : vector<16xf32>
        %swap3A_852 = arith.constant 1 : i32
        %swap3A_853 = arith.index_cast %scan3A_765 : i32 to index
        %swap3A_854 = arith.index_cast %swap3A_852 : i32 to index
        %swap3A_855 = arith.constant 16 : index
        %swap3A_856 = tpu.vector_load %arg12[%swap3A_853, %swap3A_854, %swap3A_855] {strides = array<i32>} : memref<16x3x64xf32, #tpu.memory_space<vmem>>, vector<16xf32>,
        tpu.vector_store %arg12[%swap3A_853, %swap3A_854, %swap3A_855], %mul3A_851 {strides = array<i32>} : memref<16x3x64xf32, #tpu.memory_space<vmem>>, vector<16xf32>,
        %get3A_857 = arith.constant 1 : i32
        %get3A_858 = arith.index_cast %scan3A_765 : i32 to index
        %get3A_859 = arith.index_cast %get3A_857 : i32 to index
        %get3A_860 = arith.constant 32 : index
        %get3A_861 = tpu.vector_load %arg12[%get3A_858, %get3A_859, %get3A_860] {strides = array<i32>} : memref<16x3x64xf32, #tpu.memory_space<vmem>>, vector<16xf32>,
        %add3A_862 = arith.addf %get3A_861, %gather3A_832 : vector<16xf32>
        %mul3A_863 = arith.mulf %get3A_774, %add3A_862 : vector<16xf32>
        %swap3A_864 = arith.constant 1 : i32
        %swap3A_865 = arith.index_cast %scan3A_765 : i32 to index
        %swap3A_866 = arith.index_cast %swap3A_864 : i32 to index
        %swap3A_867 = arith.constant 32 : index
        %swap3A_868 = tpu.vector_load %arg12[%swap3A_865, %swap3A_866, %swap3A_867] {strides = array<i32>} : memref<16x3x64xf32, #tpu.memory_space<vmem>>, vector<16xf32>,
        tpu.vector_store %arg12[%swap3A_865, %swap3A_866, %swap3A_867], %mul3A_863 {strides = array<i32>} : memref<16x3x64xf32, #tpu.memory_space<vmem>>, vector<16xf32>,
        %get3A_869 = arith.constant 1 : i32
        %get3A_870 = arith.index_cast %scan3A_765 : i32 to index
        %get3A_871 = arith.index_cast %get3A_869 : i32 to index
        %get3A_872 = arith.constant 48 : index
        %get3A_873 = tpu.vector_load %arg12[%get3A_870, %get3A_871, %get3A_872] {strides = array<i32>} : memref<16x3x64xf32, #tpu.memory_space<vmem>>, vector<16xf32>,
        %add3A_874 = arith.addf %get3A_873, %gather3A_832 : vector<16xf32>
        %mul3A_875 = arith.mulf %get3A_777, %add3A_874 : vector<16xf32>
        %swap3A_876 = arith.constant 1 : i32
        %swap3A_877 = arith.index_cast %scan3A_765 : i32 to index
        %swap3A_878 = arith.index_cast %swap3A_876 : i32 to index
        %swap3A_879 = arith.constant 48 : index
        %swap3A_880 = tpu.vector_load %arg12[%swap3A_877, %swap3A_878, %swap3A_879] {strides = array<i32>} : memref<16x3x64xf32, #tpu.memory_space<vmem>>, vector<16xf32>,
        tpu.vector_store %arg12[%swap3A_877, %swap3A_878, %swap3A_879], %mul3A_875 {strides = array<i32>} : memref<16x3x64xf32, #tpu.memory_space<vmem>>, vector<16xf32>,
        %broadcast_in_dim3A_881 = arith.constant 2 : i32
        %broadcast_in_dim3A_882 = vector.broadcast %broadcast_in_dim3A_881 : i32 to vector<16xi32>
        %gather3A_883 = tpu.vector_load_idx %arg19[%broadcast_in_dim3A, %broadcast_in_dim3A_882] : memref<80x3xf32, #tpu.memory_space<vmem>>[vector<16xi32>, vector<16xi32>], vector<16xf32>,
        %get3A_884 = arith.constant 2 : i32
        %get3A_885 = arith.index_cast %scan3A_765 : i32 to index
        %get3A_886 = arith.index_cast %get3A_884 : i32 to index
        %get3A_887 = arith.constant 0 : index
        %get3A_888 = tpu.vector_load %arg12[%get3A_885, %get3A_886, %get3A_887] {strides = array<i32>} : memref<16x3x64xf32, #tpu.memory_space<vmem>>, vector<16xf32>,
        %add3A_889 = arith.addf %get3A_888, %gather3A_883 : vector<16xf32>
        %mul3A_890 = arith.mulf %get3A_768, %add3A_889 : vector<16xf32>
        %swap3A_891 = arith.constant 2 : i32
        %swap3A_892 = arith.index_cast %scan3A_765 : i32 to index
        %swap3A_893 = arith.index_cast %swap3A_891 : i32 to index
        %swap3A_894 = arith.constant 0 : index
        %swap3A_895 = tpu.vector_load %arg12[%swap3A_892, %swap3A_893, %swap3A_894] {strides = array<i32>} : memref<16x3x64xf32, #tpu.memory_space<vmem>>, vector<16xf32>,
        tpu.vector_store %arg12[%swap3A_892, %swap3A_893, %swap3A_894], %mul3A_890 {strides = array<i32>} : memref<16x3x64xf32, #tpu.memory_space<vmem>>, vector<16xf32>,
        %get3A_896 = arith.constant 2 : i32
        %get3A_897 = arith.index_cast %scan3A_765 : i32 to index
        %get3A_898 = arith.index_cast %get3A_896 : i32 to index
        %get3A_899 = arith.constant 16 : index
        %get3A_900 = tpu.vector_load %arg12[%get3A_897, %get3A_898, %get3A_899] {strides = array<i32>} : memref<16x3x64xf32, #tpu.memory_space<vmem>>, vector<16xf32>,
        %add3A_901 = arith.addf %get3A_900, %gather3A_883 : vector<16xf32>
        %mul3A_902 = arith.mulf %get3A_771, %add3A_901 : vector<16xf32>
        %swap3A_903 = arith.constant 2 : i32
        %swap3A_904 = arith.index_cast %scan3A_765 : i32 to index
        %swap3A_905 = arith.index_cast %swap3A_903 : i32 to index
        %swap3A_906 = arith.constant 16 : index
        %swap3A_907 = tpu.vector_load %arg12[%swap3A_904, %swap3A_905, %swap3A_906] {strides = array<i32>} : memref<16x3x64xf32, #tpu.memory_space<vmem>>, vector<16xf32>,
        tpu.vector_store %arg12[%swap3A_904, %swap3A_905, %swap3A_906], %mul3A_902 {strides = array<i32>} : memref<16x3x64xf32, #tpu.memory_space<vmem>>, vector<16xf32>,
        %get3A_908 = arith.constant 2 : i32
        %get3A_909 = arith.index_cast %scan3A_765 : i32 to index
        %get3A_910 = arith.index_cast %get3A_908 : i32 to index
        %get3A_911 = arith.constant 32 : index
        %get3A_912 = tpu.vector_load %arg12[%get3A_909, %get3A_910, %get3A_911] {strides = array<i32>} : memref<16x3x64xf32, #tpu.memory_space<vmem>>, vector<16xf32>,
        %add3A_913 = arith.addf %get3A_912, %gather3A_883 : vector<16xf32>
        %mul3A_914 = arith.mulf %get3A_774, %add3A_913 : vector<16xf32>
        %swap3A_915 = arith.constant 2 : i32
        %swap3A_916 = arith.index_cast %scan3A_765 : i32 to index
        %swap3A_917 = arith.index_cast %swap3A_915 : i32 to index
        %swap3A_918 = arith.constant 32 : index
        %swap3A_919 = tpu.vector_load %arg12[%swap3A_916, %swap3A_917, %swap3A_918] {strides = array<i32>} : memref<16x3x64xf32, #tpu.memory_space<vmem>>, vector<16xf32>,
        tpu.vector_store %arg12[%swap3A_916, %swap3A_917, %swap3A_918], %mul3A_914 {strides = array<i32>} : memref<16x3x64xf32, #tpu.memory_space<vmem>>, vector<16xf32>,
        %get3A_920 = arith.constant 2 : i32
        %get3A_921 = arith.index_cast %scan3A_765 : i32 to index
        %get3A_922 = arith.index_cast %get3A_920 : i32 to index
        %get3A_923 = arith.constant 48 : index
        %get3A_924 = tpu.vector_load %arg12[%get3A_921, %get3A_922, %get3A_923] {strides = array<i32>} : memref<16x3x64xf32, #tpu.memory_space<vmem>>, vector<16xf32>,
        %add3A_925 = arith.addf %get3A_924, %gather3A_883 : vector<16xf32>
        %mul3A_926 = arith.mulf %get3A_777, %add3A_925 : vector<16xf32>
        %swap3A_927 = arith.constant 2 : i32
        %swap3A_928 = arith.index_cast %scan3A_765 : i32 to index
        %swap3A_929 = arith.index_cast %swap3A_927 : i32 to index
        %swap3A_930 = arith.constant 48 : index
        %swap3A_931 = tpu.vector_load %arg12[%swap3A_928, %swap3A_929, %swap3A_930] {strides = array<i32>} : memref<16x3x64xf32, #tpu.memory_space<vmem>>, vector<16xf32>,
        tpu.vector_store %arg12[%swap3A_928, %swap3A_929, %swap3A_930], %mul3A_926 {strides = array<i32>} : memref<16x3x64xf32, #tpu.memory_space<vmem>>, vector<16xf32>,
      }
      %scan3A_499 = arith.constant 16 : i32
      %get3A_500 = arith.constant 0 : i32
      %get3A_501 = arith.index_cast %get3A_500 : i32 to index
      %get3A_502 = arith.constant 0 : index
      %get3A_503 = tpu.vector_load %arg16[%get3A_501, %get3A_502] {strides = array<i32>} : memref<5x16xi32, #tpu.memory_space<vmem>>, vector<16xi32>,
      %swap3A_504 = arith.constant 0 : index
      %swap3A_505 = tpu.vector_load %arg21[%swap3A_504] {strides = array<i32>} : memref<16xi32, #tpu.memory_space<vmem>>, vector<16xi32>,
      tpu.vector_store %arg21[%swap3A_504], %get3A_503 {strides = array<i32>} : memref<16xi32, #tpu.memory_space<vmem>>, vector<16xi32>,
      %dma_start3A_506 = arith.constant 0 : i32
      %dma_start3A_507 = arith.constant 0 : i32
      %dma_start3A_508 = arith.constant 0 : i32
      %dma_start3A_509 = tpu.memref_slice %arg10[%dma_start3A_506, %dma_start3A_507, %dma_start3A_508] : memref<10000x3x64xf32, #tpu.memory_space<vmem_shared>> -> memref<10000x3x64xf32, #tpu.memory_space<vmem_shared>>
      tpu.enqueue_indirect_dma source(%arg12 : memref<16x3x64xf32, #tpu.memory_space<vmem>>) target(%dma_start3A_509 : memref<10000x3x64xf32, #tpu.memory_space<vmem_shared>>) offsets(%arg21 : memref<16xi32, #tpu.memory_space<vmem>>) semaphore(%arg27 : memref<!tpu.dma_semaphore, #tpu.memory_space<semaphore_mem>>) {add = true}
      %mul3A_510 = arith.constant 5 : i32
      %mul3A_511 = arith.muli %add3A_436, %mul3A_510 : i32
      %add3A_512 = arith.constant 1 : i32
      %add3A_513 = arith.addi %mul3A_511, %add3A_512 : i32
      %dma_wait3A_514 = arith.constant 0 : i32
      %dma_wait3A_515 = arith.constant 0 : i32
      %dma_wait3A_516 = arith.constant 0 : i32
      %dma_wait3A_517 = tpu.memref_slice %arg10[%dma_wait3A_514, %dma_wait3A_515, %dma_wait3A_516] : memref<10000x3x64xf32, #tpu.memory_space<vmem_shared>> -> memref<10000x3x64xf32, #tpu.memory_space<vmem_shared>>
      tpu.wait_indirect_dma semaphore(%arg27 : memref<!tpu.dma_semaphore, #tpu.memory_space<semaphore_mem>>) src(%arg12 : memref<16x3x64xf32, #tpu.memory_space<vmem>>) dst(%dma_wait3A_517 : memref<10000x3x64xf32, #tpu.memory_space<vmem_shared>>)
      %add3A_518 = arith.constant 1 : i32
      %add3A_519 = arith.addi %add3A_513, %add3A_518 : i32
      %mul3A_520 = arith.constant 1250 : i32
      %mul3A_521 = arith.muli %arg1, %mul3A_520 : i32
      %add3A_522 = arith.addi %mul3A_521, %add3A_519 : i32
      %mul3A_523 = arith.constant 16 : i32
      %mul3A_524 = arith.muli %add3A_522, %mul3A_523 : i32
      %eq3A_525 = arith.constant 0 : i32
      %eq3A_526 = arith.cmpi eq, %arg0, %eq3A_525 : i32
      %convert_element_type3A_527 = arith.extui %eq3A_526 : i1 to i32
      %cond3A_528 = arith.constant 2 : i32
      %cond3A_529 = arith.constant 0 : i32
      %cond3A_530 = arith.cmpi ne, %convert_element_type3A_527, %cond3A_529 : i32
      scf.if %cond3A_530 {
        %dma_start3A_765 = arith.constant 0 : i32
        %dma_start3A_766 = tpu.memref_slice %arg18[%cond3A_528, %dma_start3A_765] : memref<5x16xi32, #tpu.memory_space<vmem>> -> memref<1x16xi32, #tpu.memory_space<vmem>>
        %dma_start3A_767 = tpu.memref_squeeze %dma_start3A_766 : memref<1x16xi32, #tpu.memory_space<vmem>> -> memref<16xi32, #tpu.memory_space<vmem>>
        %dma_start3A_768 = arith.constant 0 : i32
        %dma_start3A_769 = arith.constant 0 : i32
        %dma_start3A_770 = arith.constant 0 : i32
        %dma_start3A_771 = tpu.memref_slice %arg4[%dma_start3A_768, %dma_start3A_769, %dma_start3A_770] : memref<10000x3x64xf32, #tpu.memory_space<hbm>> -> memref<10000x3x64xf32, #tpu.memory_space<hbm>>
        tpu.enqueue_indirect_dma source(%dma_start3A_771 : memref<10000x3x64xf32, #tpu.memory_space<hbm>>) target(%arg12 : memref<16x3x64xf32, #tpu.memory_space<vmem>>) offsets(%dma_start3A_767 : memref<16xi32, #tpu.memory_space<vmem>>) semaphore(%arg25 : memref<!tpu.dma_semaphore, #tpu.memory_space<semaphore_mem>>)
      } else {
      }
      %eq3A_531 = arith.constant 1 : i32
      %eq3A_532 = arith.cmpi eq, %arg0, %eq3A_531 : i32
      %convert_element_type3A_533 = arith.extui %eq3A_532 : i1 to i32
      %cond3A_534 = arith.constant 2 : i32
      %cond3A_535 = arith.constant 0 : i32
      %cond3A_536 = arith.cmpi ne, %convert_element_type3A_533, %cond3A_535 : i32
      scf.if %cond3A_536 {
        %dma_start3A_765 = arith.constant 0 : i32
        %dma_start3A_766 = tpu.memref_slice %arg18[%cond3A_534, %dma_start3A_765] : memref<5x16xi32, #tpu.memory_space<vmem>> -> memref<1x16xi32, #tpu.memory_space<vmem>>
        %dma_start3A_767 = tpu.memref_squeeze %dma_start3A_766 : memref<1x16xi32, #tpu.memory_space<vmem>> -> memref<16xi32, #tpu.memory_space<vmem>>
        %dma_start3A_768 = arith.constant 0 : i32
        %dma_start3A_769 = arith.constant 0 : i32
        %dma_start3A_770 = arith.constant 0 : i32
        %dma_start3A_771 = tpu.memref_slice %arg5[%dma_start3A_768, %dma_start3A_769, %dma_start3A_770] : memref<10000x3x64xf32, #tpu.memory_space<hbm>> -> memref<10000x3x64xf32, #tpu.memory_space<hbm>>
        tpu.enqueue_indirect_dma source(%dma_start3A_771 : memref<10000x3x64xf32, #tpu.memory_space<hbm>>) target(%arg12 : memref<16x3x64xf32, #tpu.memory_space<vmem>>) offsets(%dma_start3A_767 : memref<16xi32, #tpu.memory_space<vmem>>) semaphore(%arg25 : memref<!tpu.dma_semaphore, #tpu.memory_space<semaphore_mem>>)
      } else {
      }
      %dma_start3A_537 = arith.constant 0 : i32
      %dma_start3A_538 = tpu.memref_slice %arg6[%mul3A_524, %arg0, %dma_start3A_537] : memref<320000x2x64xf32, #tpu.memory_space<hbm>> -> memref<16x1x64xf32, #tpu.memory_space<hbm>>
      %dma_start3A_539 = tpu.memref_squeeze %dma_start3A_538 : memref<16x1x64xf32, #tpu.memory_space<hbm>> -> memref<16x64xf32, #tpu.memory_space<hbm>>
      %dma_start3A_540 = arith.constant 0 : i32
      %dma_start3A_541 = tpu.memref_slice %arg6[%mul3A_524, %arg0, %dma_start3A_540] : memref<320000x2x64xf32, #tpu.memory_space<hbm>> -> memref<16x1x64xf32, #tpu.memory_space<hbm>>
      %dma_start3A_542 = tpu.memref_squeeze %dma_start3A_541 : memref<16x1x64xf32, #tpu.memory_space<hbm>> -> memref<16x64xf32, #tpu.memory_space<hbm>>
      tpu.enqueue_dma source(%dma_start3A_542 : memref<16x64xf32, #tpu.memory_space<hbm>>) target(%arg14 : memref<16x64xf32, #tpu.memory_space<vmem>>) target_semaphore(%arg25 : memref<!tpu.dma_semaphore, #tpu.memory_space<semaphore_mem>>)
      %eq3A_543 = arith.constant 0 : i32
      %eq3A_544 = arith.cmpi eq, %arg0, %eq3A_543 : i32
      %convert_element_type3A_545 = arith.extui %eq3A_544 : i1 to i32
      %cond3A_546 = arith.constant 0 : i32
      %cond3A_547 = arith.cmpi ne, %convert_element_type3A_545, %cond3A_546 : i32
      scf.if %cond3A_547 {
        %dma_wait3A_765 = arith.constant 0 : i32
        %dma_wait3A_766 = arith.constant 0 : i32
        %dma_wait3A_767 = tpu.memref_slice %arg17[%dma_wait3A_765, %dma_wait3A_766] : memref<5x16xi32, #tpu.memory_space<vmem>> -> memref<1x16xi32, #tpu.memory_space<vmem>>
        %dma_wait3A_768 = tpu.memref_squeeze %dma_wait3A_767 : memref<1x16xi32, #tpu.memory_space<vmem>> -> memref<16xi32, #tpu.memory_space<vmem>>
        %dma_wait3A_769 = arith.constant 0 : i32
        %dma_wait3A_770 = arith.constant 0 : i32
        %dma_wait3A_771 = arith.constant 0 : i32
        %dma_wait3A_772 = tpu.memref_slice %arg4[%dma_wait3A_769, %dma_wait3A_770, %dma_wait3A_771] : memref<10000x3x64xf32, #tpu.memory_space<hbm>> -> memref<10000x3x64xf32, #tpu.memory_space<hbm>>
        tpu.wait_indirect_dma semaphore(%arg24 : memref<!tpu.dma_semaphore, #tpu.memory_space<semaphore_mem>>) src(%dma_wait3A_772 : memref<10000x3x64xf32, #tpu.memory_space<hbm>>) dst(%arg11 : memref<16x3x64xf32, #tpu.memory_space<vmem>>)
      } else {
      }
      %eq3A_548 = arith.constant 1 : i32
      %eq3A_549 = arith.cmpi eq, %arg0, %eq3A_548 : i32
      %convert_element_type3A_550 = arith.extui %eq3A_549 : i1 to i32
      %cond3A_551 = arith.constant 0 : i32
      %cond3A_552 = arith.cmpi ne, %convert_element_type3A_550, %cond3A_551 : i32
      scf.if %cond3A_552 {
        %dma_wait3A_765 = arith.constant 0 : i32
        %dma_wait3A_766 = arith.constant 0 : i32
        %dma_wait3A_767 = tpu.memref_slice %arg17[%dma_wait3A_765, %dma_wait3A_766] : memref<5x16xi32, #tpu.memory_space<vmem>> -> memref<1x16xi32, #tpu.memory_space<vmem>>
        %dma_wait3A_768 = tpu.memref_squeeze %dma_wait3A_767 : memref<1x16xi32, #tpu.memory_space<vmem>> -> memref<16xi32, #tpu.memory_space<vmem>>
        %dma_wait3A_769 = arith.constant 0 : i32
        %dma_wait3A_770 = arith.constant 0 : i32
        %dma_wait3A_771 = arith.constant 0 : i32
        %dma_wait3A_772 = tpu.memref_slice %arg5[%dma_wait3A_769, %dma_wait3A_770, %dma_wait3A_771] : memref<10000x3x64xf32, #tpu.memory_space<hbm>> -> memref<10000x3x64xf32, #tpu.memory_space<hbm>>
        tpu.wait_indirect_dma semaphore(%arg24 : memref<!tpu.dma_semaphore, #tpu.memory_space<semaphore_mem>>) src(%dma_wait3A_772 : memref<10000x3x64xf32, #tpu.memory_space<hbm>>) dst(%arg11 : memref<16x3x64xf32, #tpu.memory_space<vmem>>)
      } else {
      }
      %dma_wait3A_553 = arith.constant 0 : i32
      %dma_wait3A_554 = arith.constant 0 : i32
      %dma_wait3A_555 = tpu.memref_slice %arg6[%dma_wait3A_553, %arg0, %dma_wait3A_554] : memref<320000x2x64xf32, #tpu.memory_space<hbm>> -> memref<16x1x64xf32, #tpu.memory_space<hbm>>
      %dma_wait3A_556 = tpu.memref_squeeze %dma_wait3A_555 : memref<16x1x64xf32, #tpu.memory_space<hbm>> -> memref<16x64xf32, #tpu.memory_space<hbm>>
      %dma_wait3A_557 = arith.constant 0 : i32
      %dma_wait3A_558 = arith.constant 0 : i32
      %dma_wait3A_559 = tpu.memref_slice %arg6[%dma_wait3A_557, %arg0, %dma_wait3A_558] : memref<320000x2x64xf32, #tpu.memory_space<hbm>> -> memref<16x1x64xf32, #tpu.memory_space<hbm>>
      %dma_wait3A_560 = tpu.memref_squeeze %dma_wait3A_559 : memref<16x1x64xf32, #tpu.memory_space<hbm>> -> memref<16x64xf32, #tpu.memory_space<hbm>>
      tpu.wait_dma2 semaphore(%arg24 : memref<!tpu.dma_semaphore, #tpu.memory_space<semaphore_mem>>) src(%dma_wait3A_560 : memref<16x64xf32, #tpu.memory_space<hbm>>) dst(%arg13 : memref<16x64xf32, #tpu.memory_space<vmem>>)
      %scan3A_561 = arith.constant 0 : i32
      %scan3A_562 = arith.constant 0 : i32
      %scan3A_563 = arith.constant 16 : i32
      %scan3A_564 = arith.addi %scan3A_562, %scan3A_563 : i32
      %scan3A_565 = arith.constant 1 : i32
      scf.for %scan3A_765 = %scan3A_562 to %scan3A_564 step %scan3A_565  : i32 {
        %get3A_766 = arith.index_cast %scan3A_765 : i32 to index
        %get3A_767 = arith.constant 0 : index
        %get3A_768 = tpu.vector_load %arg13[%get3A_766, %get3A_767] {strides = array<i32>} : memref<16x64xf32, #tpu.memory_space<vmem>>, vector<16xf32>,
        %get3A_769 = arith.index_cast %scan3A_765 : i32 to index
        %get3A_770 = arith.constant 16 : index
        %get3A_771 = tpu.vector_load %arg13[%get3A_769, %get3A_770] {strides = array<i32>} : memref<16x64xf32, #tpu.memory_space<vmem>>, vector<16xf32>,
        %get3A_772 = arith.index_cast %scan3A_765 : i32 to index
        %get3A_773 = arith.constant 32 : index
        %get3A_774 = tpu.vector_load %arg13[%get3A_772, %get3A_773] {strides = array<i32>} : memref<16x64xf32, #tpu.memory_space<vmem>>, vector<16xf32>,
        %get3A_775 = arith.index_cast %scan3A_765 : i32 to index
        %get3A_776 = arith.constant 48 : index
        %get3A_777 = tpu.vector_load %arg13[%get3A_775, %get3A_776] {strides = array<i32>} : memref<16x64xf32, #tpu.memory_space<vmem>>, vector<16xf32>,
        %add3A_778 = arith.constant 16 : i32
        %add3A_779 = arith.addi %add3A_778, %scan3A_765 : i32
        %broadcast_in_dim3A = vector.broadcast %add3A_779 : i32 to vector<16xi32>
        %broadcast_in_dim3A_780 = arith.constant 0 : i32
        %broadcast_in_dim3A_781 = vector.broadcast %broadcast_in_dim3A_780 : i32 to vector<16xi32>
        %gather3A = tpu.vector_load_idx %arg19[%broadcast_in_dim3A, %broadcast_in_dim3A_781] : memref<80x3xf32, #tpu.memory_space<vmem>>[vector<16xi32>, vector<16xi32>], vector<16xf32>,
        %get3A_782 = arith.constant 0 : i32
        %get3A_783 = arith.index_cast %scan3A_765 : i32 to index
        %get3A_784 = arith.index_cast %get3A_782 : i32 to index
        %get3A_785 = arith.constant 0 : index
        %get3A_786 = tpu.vector_load %arg11[%get3A_783, %get3A_784, %get3A_785] {strides = array<i32>} : memref<16x3x64xf32, #tpu.memory_space<vmem>>, vector<16xf32>,
        %add3A_787 = arith.addf %get3A_786, %gather3A : vector<16xf32>
        %mul3A_788 = arith.mulf %get3A_768, %add3A_787 : vector<16xf32>
        %swap3A_789 = arith.constant 0 : i32
        %swap3A_790 = arith.index_cast %scan3A_765 : i32 to index
        %swap3A_791 = arith.index_cast %swap3A_789 : i32 to index
        %swap3A_792 = arith.constant 0 : index
        %swap3A_793 = tpu.vector_load %arg11[%swap3A_790, %swap3A_791, %swap3A_792] {strides = array<i32>} : memref<16x3x64xf32, #tpu.memory_space<vmem>>, vector<16xf32>,
        tpu.vector_store %arg11[%swap3A_790, %swap3A_791, %swap3A_792], %mul3A_788 {strides = array<i32>} : memref<16x3x64xf32, #tpu.memory_space<vmem>>, vector<16xf32>,
        %get3A_794 = arith.constant 0 : i32
        %get3A_795 = arith.index_cast %scan3A_765 : i32 to index
        %get3A_796 = arith.index_cast %get3A_794 : i32 to index
        %get3A_797 = arith.constant 16 : index
        %get3A_798 = tpu.vector_load %arg11[%get3A_795, %get3A_796, %get3A_797] {strides = array<i32>} : memref<16x3x64xf32, #tpu.memory_space<vmem>>, vector<16xf32>,
        %add3A_799 = arith.addf %get3A_798, %gather3A : vector<16xf32>
        %mul3A_800 = arith.mulf %get3A_771, %add3A_799 : vector<16xf32>
        %swap3A_801 = arith.constant 0 : i32
        %swap3A_802 = arith.index_cast %scan3A_765 : i32 to index
        %swap3A_803 = arith.index_cast %swap3A_801 : i32 to index
        %swap3A_804 = arith.constant 16 : index
        %swap3A_805 = tpu.vector_load %arg11[%swap3A_802, %swap3A_803, %swap3A_804] {strides = array<i32>} : memref<16x3x64xf32, #tpu.memory_space<vmem>>, vector<16xf32>,
        tpu.vector_store %arg11[%swap3A_802, %swap3A_803, %swap3A_804], %mul3A_800 {strides = array<i32>} : memref<16x3x64xf32, #tpu.memory_space<vmem>>, vector<16xf32>,
        %get3A_806 = arith.constant 0 : i32
        %get3A_807 = arith.index_cast %scan3A_765 : i32 to index
        %get3A_808 = arith.index_cast %get3A_806 : i32 to index
        %get3A_809 = arith.constant 32 : index
        %get3A_810 = tpu.vector_load %arg11[%get3A_807, %get3A_808, %get3A_809] {strides = array<i32>} : memref<16x3x64xf32, #tpu.memory_space<vmem>>, vector<16xf32>,
        %add3A_811 = arith.addf %get3A_810, %gather3A : vector<16xf32>
        %mul3A_812 = arith.mulf %get3A_774, %add3A_811 : vector<16xf32>
        %swap3A_813 = arith.constant 0 : i32
        %swap3A_814 = arith.index_cast %scan3A_765 : i32 to index
        %swap3A_815 = arith.index_cast %swap3A_813 : i32 to index
        %swap3A_816 = arith.constant 32 : index
        %swap3A_817 = tpu.vector_load %arg11[%swap3A_814, %swap3A_815, %swap3A_816] {strides = array<i32>} : memref<16x3x64xf32, #tpu.memory_space<vmem>>, vector<16xf32>,
        tpu.vector_store %arg11[%swap3A_814, %swap3A_815, %swap3A_816], %mul3A_812 {strides = array<i32>} : memref<16x3x64xf32, #tpu.memory_space<vmem>>, vector<16xf32>,
        %get3A_818 = arith.constant 0 : i32
        %get3A_819 = arith.index_cast %scan3A_765 : i32 to index
        %get3A_820 = arith.index_cast %get3A_818 : i32 to index
        %get3A_821 = arith.constant 48 : index
        %get3A_822 = tpu.vector_load %arg11[%get3A_819, %get3A_820, %get3A_821] {strides = array<i32>} : memref<16x3x64xf32, #tpu.memory_space<vmem>>, vector<16xf32>,
        %add3A_823 = arith.addf %get3A_822, %gather3A : vector<16xf32>
        %mul3A_824 = arith.mulf %get3A_777, %add3A_823 : vector<16xf32>
        %swap3A_825 = arith.constant 0 : i32
        %swap3A_826 = arith.index_cast %scan3A_765 : i32 to index
        %swap3A_827 = arith.index_cast %swap3A_825 : i32 to index
        %swap3A_828 = arith.constant 48 : index
        %swap3A_829 = tpu.vector_load %arg11[%swap3A_826, %swap3A_827, %swap3A_828] {strides = array<i32>} : memref<16x3x64xf32, #tpu.memory_space<vmem>>, vector<16xf32>,
        tpu.vector_store %arg11[%swap3A_826, %swap3A_827, %swap3A_828], %mul3A_824 {strides = array<i32>} : memref<16x3x64xf32, #tpu.memory_space<vmem>>, vector<16xf32>,
        %broadcast_in_dim3A_830 = arith.constant 1 : i32
        %broadcast_in_dim3A_831 = vector.broadcast %broadcast_in_dim3A_830 : i32 to vector<16xi32>
        %gather3A_832 = tpu.vector_load_idx %arg19[%broadcast_in_dim3A, %broadcast_in_dim3A_831] : memref<80x3xf32, #tpu.memory_space<vmem>>[vector<16xi32>, vector<16xi32>], vector<16xf32>,
        %get3A_833 = arith.constant 1 : i32
        %get3A_834 = arith.index_cast %scan3A_765 : i32 to index
        %get3A_835 = arith.index_cast %get3A_833 : i32 to index
        %get3A_836 = arith.constant 0 : index
        %get3A_837 = tpu.vector_load %arg11[%get3A_834, %get3A_835, %get3A_836] {strides = array<i32>} : memref<16x3x64xf32, #tpu.memory_space<vmem>>, vector<16xf32>,
        %add3A_838 = arith.addf %get3A_837, %gather3A_832 : vector<16xf32>
        %mul3A_839 = arith.mulf %get3A_768, %add3A_838 : vector<16xf32>
        %swap3A_840 = arith.constant 1 : i32
        %swap3A_841 = arith.index_cast %scan3A_765 : i32 to index
        %swap3A_842 = arith.index_cast %swap3A_840 : i32 to index
        %swap3A_843 = arith.constant 0 : index
        %swap3A_844 = tpu.vector_load %arg11[%swap3A_841, %swap3A_842, %swap3A_843] {strides = array<i32>} : memref<16x3x64xf32, #tpu.memory_space<vmem>>, vector<16xf32>,
        tpu.vector_store %arg11[%swap3A_841, %swap3A_842, %swap3A_843], %mul3A_839 {strides = array<i32>} : memref<16x3x64xf32, #tpu.memory_space<vmem>>, vector<16xf32>,
        %get3A_845 = arith.constant 1 : i32
        %get3A_846 = arith.index_cast %scan3A_765 : i32 to index
        %get3A_847 = arith.index_cast %get3A_845 : i32 to index
        %get3A_848 = arith.constant 16 : index
        %get3A_849 = tpu.vector_load %arg11[%get3A_846, %get3A_847, %get3A_848] {strides = array<i32>} : memref<16x3x64xf32, #tpu.memory_space<vmem>>, vector<16xf32>,
        %add3A_850 = arith.addf %get3A_849, %gather3A_832 : vector<16xf32>
        %mul3A_851 = arith.mulf %get3A_771, %add3A_850 : vector<16xf32>
        %swap3A_852 = arith.constant 1 : i32
        %swap3A_853 = arith.index_cast %scan3A_765 : i32 to index
        %swap3A_854 = arith.index_cast %swap3A_852 : i32 to index
        %swap3A_855 = arith.constant 16 : index
        %swap3A_856 = tpu.vector_load %arg11[%swap3A_853, %swap3A_854, %swap3A_855] {strides = array<i32>} : memref<16x3x64xf32, #tpu.memory_space<vmem>>, vector<16xf32>,
        tpu.vector_store %arg11[%swap3A_853, %swap3A_854, %swap3A_855], %mul3A_851 {strides = array<i32>} : memref<16x3x64xf32, #tpu.memory_space<vmem>>, vector<16xf32>,
        %get3A_857 = arith.constant 1 : i32
        %get3A_858 = arith.index_cast %scan3A_765 : i32 to index
        %get3A_859 = arith.index_cast %get3A_857 : i32 to index
        %get3A_860 = arith.constant 32 : index
        %get3A_861 = tpu.vector_load %arg11[%get3A_858, %get3A_859, %get3A_860] {strides = array<i32>} : memref<16x3x64xf32, #tpu.memory_space<vmem>>, vector<16xf32>,
        %add3A_862 = arith.addf %get3A_861, %gather3A_832 : vector<16xf32>
        %mul3A_863 = arith.mulf %get3A_774, %add3A_862 : vector<16xf32>
        %swap3A_864 = arith.constant 1 : i32
        %swap3A_865 = arith.index_cast %scan3A_765 : i32 to index
        %swap3A_866 = arith.index_cast %swap3A_864 : i32 to index
        %swap3A_867 = arith.constant 32 : index
        %swap3A_868 = tpu.vector_load %arg11[%swap3A_865, %swap3A_866, %swap3A_867] {strides = array<i32>} : memref<16x3x64xf32, #tpu.memory_space<vmem>>, vector<16xf32>,
        tpu.vector_store %arg11[%swap3A_865, %swap3A_866, %swap3A_867], %mul3A_863 {strides = array<i32>} : memref<16x3x64xf32, #tpu.memory_space<vmem>>, vector<16xf32>,
        %get3A_869 = arith.constant 1 : i32
        %get3A_870 = arith.index_cast %scan3A_765 : i32 to index
        %get3A_871 = arith.index_cast %get3A_869 : i32 to index
        %get3A_872 = arith.constant 48 : index
        %get3A_873 = tpu.vector_load %arg11[%get3A_870, %get3A_871, %get3A_872] {strides = array<i32>} : memref<16x3x64xf32, #tpu.memory_space<vmem>>, vector<16xf32>,
        %add3A_874 = arith.addf %get3A_873, %gather3A_832 : vector<16xf32>
        %mul3A_875 = arith.mulf %get3A_777, %add3A_874 : vector<16xf32>
        %swap3A_876 = arith.constant 1 : i32
        %swap3A_877 = arith.index_cast %scan3A_765 : i32 to index
        %swap3A_878 = arith.index_cast %swap3A_876 : i32 to index
        %swap3A_879 = arith.constant 48 : index
        %swap3A_880 = tpu.vector_load %arg11[%swap3A_877, %swap3A_878, %swap3A_879] {strides = array<i32>} : memref<16x3x64xf32, #tpu.memory_space<vmem>>, vector<16xf32>,
        tpu.vector_store %arg11[%swap3A_877, %swap3A_878, %swap3A_879], %mul3A_875 {strides = array<i32>} : memref<16x3x64xf32, #tpu.memory_space<vmem>>, vector<16xf32>,
        %broadcast_in_dim3A_881 = arith.constant 2 : i32
        %broadcast_in_dim3A_882 = vector.broadcast %broadcast_in_dim3A_881 : i32 to vector<16xi32>
        %gather3A_883 = tpu.vector_load_idx %arg19[%broadcast_in_dim3A, %broadcast_in_dim3A_882] : memref<80x3xf32, #tpu.memory_space<vmem>>[vector<16xi32>, vector<16xi32>], vector<16xf32>,
        %get3A_884 = arith.constant 2 : i32
        %get3A_885 = arith.index_cast %scan3A_765 : i32 to index
        %get3A_886 = arith.index_cast %get3A_884 : i32 to index
        %get3A_887 = arith.constant 0 : index
        %get3A_888 = tpu.vector_load %arg11[%get3A_885, %get3A_886, %get3A_887] {strides = array<i32>} : memref<16x3x64xf32, #tpu.memory_space<vmem>>, vector<16xf32>,
        %add3A_889 = arith.addf %get3A_888, %gather3A_883 : vector<16xf32>
        %mul3A_890 = arith.mulf %get3A_768, %add3A_889 : vector<16xf32>
        %swap3A_891 = arith.constant 2 : i32
        %swap3A_892 = arith.index_cast %scan3A_765 : i32 to index
        %swap3A_893 = arith.index_cast %swap3A_891 : i32 to index
        %swap3A_894 = arith.constant 0 : index
        %swap3A_895 = tpu.vector_load %arg11[%swap3A_892, %swap3A_893, %swap3A_894] {strides = array<i32>} : memref<16x3x64xf32, #tpu.memory_space<vmem>>, vector<16xf32>,
        tpu.vector_store %arg11[%swap3A_892, %swap3A_893, %swap3A_894], %mul3A_890 {strides = array<i32>} : memref<16x3x64xf32, #tpu.memory_space<vmem>>, vector<16xf32>,
        %get3A_896 = arith.constant 2 : i32
        %get3A_897 = arith.index_cast %scan3A_765 : i32 to index
        %get3A_898 = arith.index_cast %get3A_896 : i32 to index
        %get3A_899 = arith.constant 16 : index
        %get3A_900 = tpu.vector_load %arg11[%get3A_897, %get3A_898, %get3A_899] {strides = array<i32>} : memref<16x3x64xf32, #tpu.memory_space<vmem>>, vector<16xf32>,
        %add3A_901 = arith.addf %get3A_900, %gather3A_883 : vector<16xf32>
        %mul3A_902 = arith.mulf %get3A_771, %add3A_901 : vector<16xf32>
        %swap3A_903 = arith.constant 2 : i32
        %swap3A_904 = arith.index_cast %scan3A_765 : i32 to index
        %swap3A_905 = arith.index_cast %swap3A_903 : i32 to index
        %swap3A_906 = arith.constant 16 : index
        %swap3A_907 = tpu.vector_load %arg11[%swap3A_904, %swap3A_905, %swap3A_906] {strides = array<i32>} : memref<16x3x64xf32, #tpu.memory_space<vmem>>, vector<16xf32>,
        tpu.vector_store %arg11[%swap3A_904, %swap3A_905, %swap3A_906], %mul3A_902 {strides = array<i32>} : memref<16x3x64xf32, #tpu.memory_space<vmem>>, vector<16xf32>,
        %get3A_908 = arith.constant 2 : i32
        %get3A_909 = arith.index_cast %scan3A_765 : i32 to index
        %get3A_910 = arith.index_cast %get3A_908 : i32 to index
        %get3A_911 = arith.constant 32 : index
        %get3A_912 = tpu.vector_load %arg11[%get3A_909, %get3A_910, %get3A_911] {strides = array<i32>} : memref<16x3x64xf32, #tpu.memory_space<vmem>>, vector<16xf32>,
        %add3A_913 = arith.addf %get3A_912, %gather3A_883 : vector<16xf32>
        %mul3A_914 = arith.mulf %get3A_774, %add3A_913 : vector<16xf32>
        %swap3A_915 = arith.constant 2 : i32
        %swap3A_916 = arith.index_cast %scan3A_765 : i32 to index
        %swap3A_917 = arith.index_cast %swap3A_915 : i32 to index
        %swap3A_918 = arith.constant 32 : index
        %swap3A_919 = tpu.vector_load %arg11[%swap3A_916, %swap3A_917, %swap3A_918] {strides = array<i32>} : memref<16x3x64xf32, #tpu.memory_space<vmem>>, vector<16xf32>,
        tpu.vector_store %arg11[%swap3A_916, %swap3A_917, %swap3A_918], %mul3A_914 {strides = array<i32>} : memref<16x3x64xf32, #tpu.memory_space<vmem>>, vector<16xf32>,
        %get3A_920 = arith.constant 2 : i32
        %get3A_921 = arith.index_cast %scan3A_765 : i32 to index
        %get3A_922 = arith.index_cast %get3A_920 : i32 to index
        %get3A_923 = arith.constant 48 : index
        %get3A_924 = tpu.vector_load %arg11[%get3A_921, %get3A_922, %get3A_923] {strides = array<i32>} : memref<16x3x64xf32, #tpu.memory_space<vmem>>, vector<16xf32>,
        %add3A_925 = arith.addf %get3A_924, %gather3A_883 : vector<16xf32>
        %mul3A_926 = arith.mulf %get3A_777, %add3A_925 : vector<16xf32>
        %swap3A_927 = arith.constant 2 : i32
        %swap3A_928 = arith.index_cast %scan3A_765 : i32 to index
        %swap3A_929 = arith.index_cast %swap3A_927 : i32 to index
        %swap3A_930 = arith.constant 48 : index
        %swap3A_931 = tpu.vector_load %arg11[%swap3A_928, %swap3A_929, %swap3A_930] {strides = array<i32>} : memref<16x3x64xf32, #tpu.memory_space<vmem>>, vector<16xf32>,
        tpu.vector_store %arg11[%swap3A_928, %swap3A_929, %swap3A_930], %mul3A_926 {strides = array<i32>} : memref<16x3x64xf32, #tpu.memory_space<vmem>>, vector<16xf32>,
      }
      %scan3A_566 = arith.constant 16 : i32
      %get3A_567 = arith.constant 1 : i32
      %get3A_568 = arith.index_cast %get3A_567 : i32 to index
      %get3A_569 = arith.constant 0 : index
      %get3A_570 = tpu.vector_load %arg16[%get3A_568, %get3A_569] {strides = array<i32>} : memref<5x16xi32, #tpu.memory_space<vmem>>, vector<16xi32>,
      %swap3A_571 = arith.constant 0 : index
      %swap3A_572 = tpu.vector_load %arg20[%swap3A_571] {strides = array<i32>} : memref<16xi32, #tpu.memory_space<vmem>>, vector<16xi32>,
      tpu.vector_store %arg20[%swap3A_571], %get3A_570 {strides = array<i32>} : memref<16xi32, #tpu.memory_space<vmem>>, vector<16xi32>,
      %dma_start3A_573 = arith.constant 0 : i32
      %dma_start3A_574 = arith.constant 0 : i32
      %dma_start3A_575 = arith.constant 0 : i32
      %dma_start3A_576 = tpu.memref_slice %arg10[%dma_start3A_573, %dma_start3A_574, %dma_start3A_575] : memref<10000x3x64xf32, #tpu.memory_space<vmem_shared>> -> memref<10000x3x64xf32, #tpu.memory_space<vmem_shared>>
      tpu.enqueue_indirect_dma source(%arg11 : memref<16x3x64xf32, #tpu.memory_space<vmem>>) target(%dma_start3A_576 : memref<10000x3x64xf32, #tpu.memory_space<vmem_shared>>) offsets(%arg20 : memref<16xi32, #tpu.memory_space<vmem>>) semaphore(%arg26 : memref<!tpu.dma_semaphore, #tpu.memory_space<semaphore_mem>>) {add = true}
      %mul3A_577 = arith.constant 5 : i32
      %mul3A_578 = arith.muli %add3A_436, %mul3A_577 : i32
      %add3A_579 = arith.constant 2 : i32
      %add3A_580 = arith.addi %mul3A_578, %add3A_579 : i32
      %dma_wait3A_581 = arith.constant 0 : i32
      %dma_wait3A_582 = arith.constant 0 : i32
      %dma_wait3A_583 = arith.constant 0 : i32
      %dma_wait3A_584 = tpu.memref_slice %arg10[%dma_wait3A_581, %dma_wait3A_582, %dma_wait3A_583] : memref<10000x3x64xf32, #tpu.memory_space<vmem_shared>> -> memref<10000x3x64xf32, #tpu.memory_space<vmem_shared>>
      tpu.wait_indirect_dma semaphore(%arg26 : memref<!tpu.dma_semaphore, #tpu.memory_space<semaphore_mem>>) src(%arg11 : memref<16x3x64xf32, #tpu.memory_space<vmem>>) dst(%dma_wait3A_584 : memref<10000x3x64xf32, #tpu.memory_space<vmem_shared>>)
      %add3A_585 = arith.constant 1 : i32
      %add3A_586 = arith.addi %add3A_580, %add3A_585 : i32
      %mul3A_587 = arith.constant 1250 : i32
      %mul3A_588 = arith.muli %arg1, %mul3A_587 : i32
      %add3A_589 = arith.addi %mul3A_588, %add3A_586 : i32
      %mul3A_590 = arith.constant 16 : i32
      %mul3A_591 = arith.muli %add3A_589, %mul3A_590 : i32
      %eq3A_592 = arith.constant 0 : i32
      %eq3A_593 = arith.cmpi eq, %arg0, %eq3A_592 : i32
      %convert_element_type3A_594 = arith.extui %eq3A_593 : i1 to i32
      %cond3A_595 = arith.constant 3 : i32
      %cond3A_596 = arith.constant 0 : i32
      %cond3A_597 = arith.cmpi ne, %convert_element_type3A_594, %cond3A_596 : i32
      scf.if %cond3A_597 {
        %dma_start3A_765 = arith.constant 0 : i32
        %dma_start3A_766 = tpu.memref_slice %arg18[%cond3A_595, %dma_start3A_765] : memref<5x16xi32, #tpu.memory_space<vmem>> -> memref<1x16xi32, #tpu.memory_space<vmem>>
        %dma_start3A_767 = tpu.memref_squeeze %dma_start3A_766 : memref<1x16xi32, #tpu.memory_space<vmem>> -> memref<16xi32, #tpu.memory_space<vmem>>
        %dma_start3A_768 = arith.constant 0 : i32
        %dma_start3A_769 = arith.constant 0 : i32
        %dma_start3A_770 = arith.constant 0 : i32
        %dma_start3A_771 = tpu.memref_slice %arg4[%dma_start3A_768, %dma_start3A_769, %dma_start3A_770] : memref<10000x3x64xf32, #tpu.memory_space<hbm>> -> memref<10000x3x64xf32, #tpu.memory_space<hbm>>
        tpu.enqueue_indirect_dma source(%dma_start3A_771 : memref<10000x3x64xf32, #tpu.memory_space<hbm>>) target(%arg11 : memref<16x3x64xf32, #tpu.memory_space<vmem>>) offsets(%dma_start3A_767 : memref<16xi32, #tpu.memory_space<vmem>>) semaphore(%arg24 : memref<!tpu.dma_semaphore, #tpu.memory_space<semaphore_mem>>)
      } else {
      }
      %eq3A_598 = arith.constant 1 : i32
      %eq3A_599 = arith.cmpi eq, %arg0, %eq3A_598 : i32
      %convert_element_type3A_600 = arith.extui %eq3A_599 : i1 to i32
      %cond3A_601 = arith.constant 3 : i32
      %cond3A_602 = arith.constant 0 : i32
      %cond3A_603 = arith.cmpi ne, %convert_element_type3A_600, %cond3A_602 : i32
      scf.if %cond3A_603 {
        %dma_start3A_765 = arith.constant 0 : i32
        %dma_start3A_766 = tpu.memref_slice %arg18[%cond3A_601, %dma_start3A_765] : memref<5x16xi32, #tpu.memory_space<vmem>> -> memref<1x16xi32, #tpu.memory_space<vmem>>
        %dma_start3A_767 = tpu.memref_squeeze %dma_start3A_766 : memref<1x16xi32, #tpu.memory_space<vmem>> -> memref<16xi32, #tpu.memory_space<vmem>>
        %dma_start3A_768 = arith.constant 0 : i32
        %dma_start3A_769 = arith.constant 0 : i32
        %dma_start3A_770 = arith.constant 0 : i32
        %dma_start3A_771 = tpu.memref_slice %arg5[%dma_start3A_768, %dma_start3A_769, %dma_start3A_770] : memref<10000x3x64xf32, #tpu.memory_space<hbm>> -> memref<10000x3x64xf32, #tpu.memory_space<hbm>>
        tpu.enqueue_indirect_dma source(%dma_start3A_771 : memref<10000x3x64xf32, #tpu.memory_space<hbm>>) target(%arg11 : memref<16x3x64xf32, #tpu.memory_space<vmem>>) offsets(%dma_start3A_767 : memref<16xi32, #tpu.memory_space<vmem>>) semaphore(%arg24 : memref<!tpu.dma_semaphore, #tpu.memory_space<semaphore_mem>>)
      } else {
      }
      %dma_start3A_604 = arith.constant 0 : i32
      %dma_start3A_605 = tpu.memref_slice %arg6[%mul3A_591, %arg0, %dma_start3A_604] : memref<320000x2x64xf32, #tpu.memory_space<hbm>> -> memref<16x1x64xf32, #tpu.memory_space<hbm>>
      %dma_start3A_606 = tpu.memref_squeeze %dma_start3A_605 : memref<16x1x64xf32, #tpu.memory_space<hbm>> -> memref<16x64xf32, #tpu.memory_space<hbm>>
      %dma_start3A_607 = arith.constant 0 : i32
      %dma_start3A_608 = tpu.memref_slice %arg6[%mul3A_591, %arg0, %dma_start3A_607] : memref<320000x2x64xf32, #tpu.memory_space<hbm>> -> memref<16x1x64xf32, #tpu.memory_space<hbm>>
      %dma_start3A_609 = tpu.memref_squeeze %dma_start3A_608 : memref<16x1x64xf32, #tpu.memory_space<hbm>> -> memref<16x64xf32, #tpu.memory_space<hbm>>
      tpu.enqueue_dma source(%dma_start3A_609 : memref<16x64xf32, #tpu.memory_space<hbm>>) target(%arg13 : memref<16x64xf32, #tpu.memory_space<vmem>>) target_semaphore(%arg24 : memref<!tpu.dma_semaphore, #tpu.memory_space<semaphore_mem>>)
      %eq3A_610 = arith.constant 0 : i32
      %eq3A_611 = arith.cmpi eq, %arg0, %eq3A_610 : i32
      %convert_element_type3A_612 = arith.extui %eq3A_611 : i1 to i32
      %cond3A_613 = arith.constant 0 : i32
      %cond3A_614 = arith.cmpi ne, %convert_element_type3A_612, %cond3A_613 : i32
      scf.if %cond3A_614 {
        %dma_wait3A_765 = arith.constant 0 : i32
        %dma_wait3A_766 = arith.constant 0 : i32
        %dma_wait3A_767 = tpu.memref_slice %arg17[%dma_wait3A_765, %dma_wait3A_766] : memref<5x16xi32, #tpu.memory_space<vmem>> -> memref<1x16xi32, #tpu.memory_space<vmem>>
        %dma_wait3A_768 = tpu.memref_squeeze %dma_wait3A_767 : memref<1x16xi32, #tpu.memory_space<vmem>> -> memref<16xi32, #tpu.memory_space<vmem>>
        %dma_wait3A_769 = arith.constant 0 : i32
        %dma_wait3A_770 = arith.constant 0 : i32
        %dma_wait3A_771 = arith.constant 0 : i32
        %dma_wait3A_772 = tpu.memref_slice %arg4[%dma_wait3A_769, %dma_wait3A_770, %dma_wait3A_771] : memref<10000x3x64xf32, #tpu.memory_space<hbm>> -> memref<10000x3x64xf32, #tpu.memory_space<hbm>>
        tpu.wait_indirect_dma semaphore(%arg25 : memref<!tpu.dma_semaphore, #tpu.memory_space<semaphore_mem>>) src(%dma_wait3A_772 : memref<10000x3x64xf32, #tpu.memory_space<hbm>>) dst(%arg12 : memref<16x3x64xf32, #tpu.memory_space<vmem>>)
      } else {
      }
      %eq3A_615 = arith.constant 1 : i32
      %eq3A_616 = arith.cmpi eq, %arg0, %eq3A_615 : i32
      %convert_element_type3A_617 = arith.extui %eq3A_616 : i1 to i32
      %cond3A_618 = arith.constant 0 : i32
      %cond3A_619 = arith.cmpi ne, %convert_element_type3A_617, %cond3A_618 : i32
      scf.if %cond3A_619 {
        %dma_wait3A_765 = arith.constant 0 : i32
        %dma_wait3A_766 = arith.constant 0 : i32
        %dma_wait3A_767 = tpu.memref_slice %arg17[%dma_wait3A_765, %dma_wait3A_766] : memref<5x16xi32, #tpu.memory_space<vmem>> -> memref<1x16xi32, #tpu.memory_space<vmem>>
        %dma_wait3A_768 = tpu.memref_squeeze %dma_wait3A_767 : memref<1x16xi32, #tpu.memory_space<vmem>> -> memref<16xi32, #tpu.memory_space<vmem>>
        %dma_wait3A_769 = arith.constant 0 : i32
        %dma_wait3A_770 = arith.constant 0 : i32
        %dma_wait3A_771 = arith.constant 0 : i32
        %dma_wait3A_772 = tpu.memref_slice %arg5[%dma_wait3A_769, %dma_wait3A_770, %dma_wait3A_771] : memref<10000x3x64xf32, #tpu.memory_space<hbm>> -> memref<10000x3x64xf32, #tpu.memory_space<hbm>>
        tpu.wait_indirect_dma semaphore(%arg25 : memref<!tpu.dma_semaphore, #tpu.memory_space<semaphore_mem>>) src(%dma_wait3A_772 : memref<10000x3x64xf32, #tpu.memory_space<hbm>>) dst(%arg12 : memref<16x3x64xf32, #tpu.memory_space<vmem>>)
      } else {
      }
      %dma_wait3A_620 = arith.constant 0 : i32
      %dma_wait3A_621 = arith.constant 0 : i32
      %dma_wait3A_622 = tpu.memref_slice %arg6[%dma_wait3A_620, %arg0, %dma_wait3A_621] : memref<320000x2x64xf32, #tpu.memory_space<hbm>> -> memref<16x1x64xf32, #tpu.memory_space<hbm>>
      %dma_wait3A_623 = tpu.memref_squeeze %dma_wait3A_622 : memref<16x1x64xf32, #tpu.memory_space<hbm>> -> memref<16x64xf32, #tpu.memory_space<hbm>>
      %dma_wait3A_624 = arith.constant 0 : i32
      %dma_wait3A_625 = arith.constant 0 : i32
      %dma_wait3A_626 = tpu.memref_slice %arg6[%dma_wait3A_624, %arg0, %dma_wait3A_625] : memref<320000x2x64xf32, #tpu.memory_space<hbm>> -> memref<16x1x64xf32, #tpu.memory_space<hbm>>
      %dma_wait3A_627 = tpu.memref_squeeze %dma_wait3A_626 : memref<16x1x64xf32, #tpu.memory_space<hbm>> -> memref<16x64xf32, #tpu.memory_space<hbm>>
      tpu.wait_dma2 semaphore(%arg25 : memref<!tpu.dma_semaphore, #tpu.memory_space<semaphore_mem>>) src(%dma_wait3A_627 : memref<16x64xf32, #tpu.memory_space<hbm>>) dst(%arg14 : memref<16x64xf32, #tpu.memory_space<vmem>>)
      %scan3A_628 = arith.constant 0 : i32
      %scan3A_629 = arith.constant 0 : i32
      %scan3A_630 = arith.constant 16 : i32
      %scan3A_631 = arith.addi %scan3A_629, %scan3A_630 : i32
      %scan3A_632 = arith.constant 1 : i32
      scf.for %scan3A_765 = %scan3A_629 to %scan3A_631 step %scan3A_632  : i32 {
        %get3A_766 = arith.index_cast %scan3A_765 : i32 to index
        %get3A_767 = arith.constant 0 : index
        %get3A_768 = tpu.vector_load %arg14[%get3A_766, %get3A_767] {strides = array<i32>} : memref<16x64xf32, #tpu.memory_space<vmem>>, vector<16xf32>,
        %get3A_769 = arith.index_cast %scan3A_765 : i32 to index
        %get3A_770 = arith.constant 16 : index
        %get3A_771 = tpu.vector_load %arg14[%get3A_769, %get3A_770] {strides = array<i32>} : memref<16x64xf32, #tpu.memory_space<vmem>>, vector<16xf32>,
        %get3A_772 = arith.index_cast %scan3A_765 : i32 to index
        %get3A_773 = arith.constant 32 : index
        %get3A_774 = tpu.vector_load %arg14[%get3A_772, %get3A_773] {strides = array<i32>} : memref<16x64xf32, #tpu.memory_space<vmem>>, vector<16xf32>,
        %get3A_775 = arith.index_cast %scan3A_765 : i32 to index
        %get3A_776 = arith.constant 48 : index
        %get3A_777 = tpu.vector_load %arg14[%get3A_775, %get3A_776] {strides = array<i32>} : memref<16x64xf32, #tpu.memory_space<vmem>>, vector<16xf32>,
        %add3A_778 = arith.constant 32 : i32
        %add3A_779 = arith.addi %add3A_778, %scan3A_765 : i32
        %broadcast_in_dim3A = vector.broadcast %add3A_779 : i32 to vector<16xi32>
        %broadcast_in_dim3A_780 = arith.constant 0 : i32
        %broadcast_in_dim3A_781 = vector.broadcast %broadcast_in_dim3A_780 : i32 to vector<16xi32>
        %gather3A = tpu.vector_load_idx %arg19[%broadcast_in_dim3A, %broadcast_in_dim3A_781] : memref<80x3xf32, #tpu.memory_space<vmem>>[vector<16xi32>, vector<16xi32>], vector<16xf32>,
        %get3A_782 = arith.constant 0 : i32
        %get3A_783 = arith.index_cast %scan3A_765 : i32 to index
        %get3A_784 = arith.index_cast %get3A_782 : i32 to index
        %get3A_785 = arith.constant 0 : index
        %get3A_786 = tpu.vector_load %arg12[%get3A_783, %get3A_784, %get3A_785] {strides = array<i32>} : memref<16x3x64xf32, #tpu.memory_space<vmem>>, vector<16xf32>,
        %add3A_787 = arith.addf %get3A_786, %gather3A : vector<16xf32>
        %mul3A_788 = arith.mulf %get3A_768, %add3A_787 : vector<16xf32>
        %swap3A_789 = arith.constant 0 : i32
        %swap3A_790 = arith.index_cast %scan3A_765 : i32 to index
        %swap3A_791 = arith.index_cast %swap3A_789 : i32 to index
        %swap3A_792 = arith.constant 0 : index
        %swap3A_793 = tpu.vector_load %arg12[%swap3A_790, %swap3A_791, %swap3A_792] {strides = array<i32>} : memref<16x3x64xf32, #tpu.memory_space<vmem>>, vector<16xf32>,
        tpu.vector_store %arg12[%swap3A_790, %swap3A_791, %swap3A_792], %mul3A_788 {strides = array<i32>} : memref<16x3x64xf32, #tpu.memory_space<vmem>>, vector<16xf32>,
        %get3A_794 = arith.constant 0 : i32
        %get3A_795 = arith.index_cast %scan3A_765 : i32 to index
        %get3A_796 = arith.index_cast %get3A_794 : i32 to index
        %get3A_797 = arith.constant 16 : index
        %get3A_798 = tpu.vector_load %arg12[%get3A_795, %get3A_796, %get3A_797] {strides = array<i32>} : memref<16x3x64xf32, #tpu.memory_space<vmem>>, vector<16xf32>,
        %add3A_799 = arith.addf %get3A_798, %gather3A : vector<16xf32>
        %mul3A_800 = arith.mulf %get3A_771, %add3A_799 : vector<16xf32>
        %swap3A_801 = arith.constant 0 : i32
        %swap3A_802 = arith.index_cast %scan3A_765 : i32 to index
        %swap3A_803 = arith.index_cast %swap3A_801 : i32 to index
        %swap3A_804 = arith.constant 16 : index
        %swap3A_805 = tpu.vector_load %arg12[%swap3A_802, %swap3A_803, %swap3A_804] {strides = array<i32>} : memref<16x3x64xf32, #tpu.memory_space<vmem>>, vector<16xf32>,
        tpu.vector_store %arg12[%swap3A_802, %swap3A_803, %swap3A_804], %mul3A_800 {strides = array<i32>} : memref<16x3x64xf32, #tpu.memory_space<vmem>>, vector<16xf32>,
        %get3A_806 = arith.constant 0 : i32
        %get3A_807 = arith.index_cast %scan3A_765 : i32 to index
        %get3A_808 = arith.index_cast %get3A_806 : i32 to index
        %get3A_809 = arith.constant 32 : index
        %get3A_810 = tpu.vector_load %arg12[%get3A_807, %get3A_808, %get3A_809] {strides = array<i32>} : memref<16x3x64xf32, #tpu.memory_space<vmem>>, vector<16xf32>,
        %add3A_811 = arith.addf %get3A_810, %gather3A : vector<16xf32>
        %mul3A_812 = arith.mulf %get3A_774, %add3A_811 : vector<16xf32>
        %swap3A_813 = arith.constant 0 : i32
        %swap3A_814 = arith.index_cast %scan3A_765 : i32 to index
        %swap3A_815 = arith.index_cast %swap3A_813 : i32 to index
        %swap3A_816 = arith.constant 32 : index
        %swap3A_817 = tpu.vector_load %arg12[%swap3A_814, %swap3A_815, %swap3A_816] {strides = array<i32>} : memref<16x3x64xf32, #tpu.memory_space<vmem>>, vector<16xf32>,
        tpu.vector_store %arg12[%swap3A_814, %swap3A_815, %swap3A_816], %mul3A_812 {strides = array<i32>} : memref<16x3x64xf32, #tpu.memory_space<vmem>>, vector<16xf32>,
        %get3A_818 = arith.constant 0 : i32
        %get3A_819 = arith.index_cast %scan3A_765 : i32 to index
        %get3A_820 = arith.index_cast %get3A_818 : i32 to index
        %get3A_821 = arith.constant 48 : index
        %get3A_822 = tpu.vector_load %arg12[%get3A_819, %get3A_820, %get3A_821] {strides = array<i32>} : memref<16x3x64xf32, #tpu.memory_space<vmem>>, vector<16xf32>,
        %add3A_823 = arith.addf %get3A_822, %gather3A : vector<16xf32>
        %mul3A_824 = arith.mulf %get3A_777, %add3A_823 : vector<16xf32>
        %swap3A_825 = arith.constant 0 : i32
        %swap3A_826 = arith.index_cast %scan3A_765 : i32 to index
        %swap3A_827 = arith.index_cast %swap3A_825 : i32 to index
        %swap3A_828 = arith.constant 48 : index
        %swap3A_829 = tpu.vector_load %arg12[%swap3A_826, %swap3A_827, %swap3A_828] {strides = array<i32>} : memref<16x3x64xf32, #tpu.memory_space<vmem>>, vector<16xf32>,
        tpu.vector_store %arg12[%swap3A_826, %swap3A_827, %swap3A_828], %mul3A_824 {strides = array<i32>} : memref<16x3x64xf32, #tpu.memory_space<vmem>>, vector<16xf32>,
        %broadcast_in_dim3A_830 = arith.constant 1 : i32
        %broadcast_in_dim3A_831 = vector.broadcast %broadcast_in_dim3A_830 : i32 to vector<16xi32>
        %gather3A_832 = tpu.vector_load_idx %arg19[%broadcast_in_dim3A, %broadcast_in_dim3A_831] : memref<80x3xf32, #tpu.memory_space<vmem>>[vector<16xi32>, vector<16xi32>], vector<16xf32>,
        %get3A_833 = arith.constant 1 : i32
        %get3A_834 = arith.index_cast %scan3A_765 : i32 to index
        %get3A_835 = arith.index_cast %get3A_833 : i32 to index
        %get3A_836 = arith.constant 0 : index
        %get3A_837 = tpu.vector_load %arg12[%get3A_834, %get3A_835, %get3A_836] {strides = array<i32>} : memref<16x3x64xf32, #tpu.memory_space<vmem>>, vector<16xf32>,
        %add3A_838 = arith.addf %get3A_837, %gather3A_832 : vector<16xf32>
        %mul3A_839 = arith.mulf %get3A_768, %add3A_838 : vector<16xf32>
        %swap3A_840 = arith.constant 1 : i32
        %swap3A_841 = arith.index_cast %scan3A_765 : i32 to index
        %swap3A_842 = arith.index_cast %swap3A_840 : i32 to index
        %swap3A_843 = arith.constant 0 : index
        %swap3A_844 = tpu.vector_load %arg12[%swap3A_841, %swap3A_842, %swap3A_843] {strides = array<i32>} : memref<16x3x64xf32, #tpu.memory_space<vmem>>, vector<16xf32>,
        tpu.vector_store %arg12[%swap3A_841, %swap3A_842, %swap3A_843], %mul3A_839 {strides = array<i32>} : memref<16x3x64xf32, #tpu.memory_space<vmem>>, vector<16xf32>,
        %get3A_845 = arith.constant 1 : i32
        %get3A_846 = arith.index_cast %scan3A_765 : i32 to index
        %get3A_847 = arith.index_cast %get3A_845 : i32 to index
        %get3A_848 = arith.constant 16 : index
        %get3A_849 = tpu.vector_load %arg12[%get3A_846, %get3A_847, %get3A_848] {strides = array<i32>} : memref<16x3x64xf32, #tpu.memory_space<vmem>>, vector<16xf32>,
        %add3A_850 = arith.addf %get3A_849, %gather3A_832 : vector<16xf32>
        %mul3A_851 = arith.mulf %get3A_771, %add3A_850 : vector<16xf32>
        %swap3A_852 = arith.constant 1 : i32
        %swap3A_853 = arith.index_cast %scan3A_765 : i32 to index
        %swap3A_854 = arith.index_cast %swap3A_852 : i32 to index
        %swap3A_855 = arith.constant 16 : index
        %swap3A_856 = tpu.vector_load %arg12[%swap3A_853, %swap3A_854, %swap3A_855] {strides = array<i32>} : memref<16x3x64xf32, #tpu.memory_space<vmem>>, vector<16xf32>,
        tpu.vector_store %arg12[%swap3A_853, %swap3A_854, %swap3A_855], %mul3A_851 {strides = array<i32>} : memref<16x3x64xf32, #tpu.memory_space<vmem>>, vector<16xf32>,
        %get3A_857 = arith.constant 1 : i32
        %get3A_858 = arith.index_cast %scan3A_765 : i32 to index
        %get3A_859 = arith.index_cast %get3A_857 : i32 to index
        %get3A_860 = arith.constant 32 : index
        %get3A_861 = tpu.vector_load %arg12[%get3A_858, %get3A_859, %get3A_860] {strides = array<i32>} : memref<16x3x64xf32, #tpu.memory_space<vmem>>, vector<16xf32>,
        %add3A_862 = arith.addf %get3A_861, %gather3A_832 : vector<16xf32>
        %mul3A_863 = arith.mulf %get3A_774, %add3A_862 : vector<16xf32>
        %swap3A_864 = arith.constant 1 : i32
        %swap3A_865 = arith.index_cast %scan3A_765 : i32 to index
        %swap3A_866 = arith.index_cast %swap3A_864 : i32 to index
        %swap3A_867 = arith.constant 32 : index
        %swap3A_868 = tpu.vector_load %arg12[%swap3A_865, %swap3A_866, %swap3A_867] {strides = array<i32>} : memref<16x3x64xf32, #tpu.memory_space<vmem>>, vector<16xf32>,
        tpu.vector_store %arg12[%swap3A_865, %swap3A_866, %swap3A_867], %mul3A_863 {strides = array<i32>} : memref<16x3x64xf32, #tpu.memory_space<vmem>>, vector<16xf32>,
        %get3A_869 = arith.constant 1 : i32
        %get3A_870 = arith.index_cast %scan3A_765 : i32 to index
        %get3A_871 = arith.index_cast %get3A_869 : i32 to index
        %get3A_872 = arith.constant 48 : index
        %get3A_873 = tpu.vector_load %arg12[%get3A_870, %get3A_871, %get3A_872] {strides = array<i32>} : memref<16x3x64xf32, #tpu.memory_space<vmem>>, vector<16xf32>,
        %add3A_874 = arith.addf %get3A_873, %gather3A_832 : vector<16xf32>
        %mul3A_875 = arith.mulf %get3A_777, %add3A_874 : vector<16xf32>
        %swap3A_876 = arith.constant 1 : i32
        %swap3A_877 = arith.index_cast %scan3A_765 : i32 to index
        %swap3A_878 = arith.index_cast %swap3A_876 : i32 to index
        %swap3A_879 = arith.constant 48 : index
        %swap3A_880 = tpu.vector_load %arg12[%swap3A_877, %swap3A_878, %swap3A_879] {strides = array<i32>} : memref<16x3x64xf32, #tpu.memory_space<vmem>>, vector<16xf32>,
        tpu.vector_store %arg12[%swap3A_877, %swap3A_878, %swap3A_879], %mul3A_875 {strides = array<i32>} : memref<16x3x64xf32, #tpu.memory_space<vmem>>, vector<16xf32>,
        %broadcast_in_dim3A_881 = arith.constant 2 : i32
        %broadcast_in_dim3A_882 = vector.broadcast %broadcast_in_dim3A_881 : i32 to vector<16xi32>
        %gather3A_883 = tpu.vector_load_idx %arg19[%broadcast_in_dim3A, %broadcast_in_dim3A_882] : memref<80x3xf32, #tpu.memory_space<vmem>>[vector<16xi32>, vector<16xi32>], vector<16xf32>,
        %get3A_884 = arith.constant 2 : i32
        %get3A_885 = arith.index_cast %scan3A_765 : i32 to index
        %get3A_886 = arith.index_cast %get3A_884 : i32 to index
        %get3A_887 = arith.constant 0 : index
        %get3A_888 = tpu.vector_load %arg12[%get3A_885, %get3A_886, %get3A_887] {strides = array<i32>} : memref<16x3x64xf32, #tpu.memory_space<vmem>>, vector<16xf32>,
        %add3A_889 = arith.addf %get3A_888, %gather3A_883 : vector<16xf32>
        %mul3A_890 = arith.mulf %get3A_768, %add3A_889 : vector<16xf32>
        %swap3A_891 = arith.constant 2 : i32
        %swap3A_892 = arith.index_cast %scan3A_765 : i32 to index
        %swap3A_893 = arith.index_cast %swap3A_891 : i32 to index
        %swap3A_894 = arith.constant 0 : index
        %swap3A_895 = tpu.vector_load %arg12[%swap3A_892, %swap3A_893, %swap3A_894] {strides = array<i32>} : memref<16x3x64xf32, #tpu.memory_space<vmem>>, vector<16xf32>,
        tpu.vector_store %arg12[%swap3A_892, %swap3A_893, %swap3A_894], %mul3A_890 {strides = array<i32>} : memref<16x3x64xf32, #tpu.memory_space<vmem>>, vector<16xf32>,
        %get3A_896 = arith.constant 2 : i32
        %get3A_897 = arith.index_cast %scan3A_765 : i32 to index
        %get3A_898 = arith.index_cast %get3A_896 : i32 to index
        %get3A_899 = arith.constant 16 : index
        %get3A_900 = tpu.vector_load %arg12[%get3A_897, %get3A_898, %get3A_899] {strides = array<i32>} : memref<16x3x64xf32, #tpu.memory_space<vmem>>, vector<16xf32>,
        %add3A_901 = arith.addf %get3A_900, %gather3A_883 : vector<16xf32>
        %mul3A_902 = arith.mulf %get3A_771, %add3A_901 : vector<16xf32>
        %swap3A_903 = arith.constant 2 : i32
        %swap3A_904 = arith.index_cast %scan3A_765 : i32 to index
        %swap3A_905 = arith.index_cast %swap3A_903 : i32 to index
        %swap3A_906 = arith.constant 16 : index
        %swap3A_907 = tpu.vector_load %arg12[%swap3A_904, %swap3A_905, %swap3A_906] {strides = array<i32>} : memref<16x3x64xf32, #tpu.memory_space<vmem>>, vector<16xf32>,
        tpu.vector_store %arg12[%swap3A_904, %swap3A_905, %swap3A_906], %mul3A_902 {strides = array<i32>} : memref<16x3x64xf32, #tpu.memory_space<vmem>>, vector<16xf32>,
        %get3A_908 = arith.constant 2 : i32
        %get3A_909 = arith.index_cast %scan3A_765 : i32 to index
        %get3A_910 = arith.index_cast %get3A_908 : i32 to index
        %get3A_911 = arith.constant 32 : index
        %get3A_912 = tpu.vector_load %arg12[%get3A_909, %get3A_910, %get3A_911] {strides = array<i32>} : memref<16x3x64xf32, #tpu.memory_space<vmem>>, vector<16xf32>,
        %add3A_913 = arith.addf %get3A_912, %gather3A_883 : vector<16xf32>
        %mul3A_914 = arith.mulf %get3A_774, %add3A_913 : vector<16xf32>
        %swap3A_915 = arith.constant 2 : i32
        %swap3A_916 = arith.index_cast %scan3A_765 : i32 to index
        %swap3A_917 = arith.index_cast %swap3A_915 : i32 to index
        %swap3A_918 = arith.constant 32 : index
        %swap3A_919 = tpu.vector_load %arg12[%swap3A_916, %swap3A_917, %swap3A_918] {strides = array<i32>} : memref<16x3x64xf32, #tpu.memory_space<vmem>>, vector<16xf32>,
        tpu.vector_store %arg12[%swap3A_916, %swap3A_917, %swap3A_918], %mul3A_914 {strides = array<i32>} : memref<16x3x64xf32, #tpu.memory_space<vmem>>, vector<16xf32>,
        %get3A_920 = arith.constant 2 : i32
        %get3A_921 = arith.index_cast %scan3A_765 : i32 to index
        %get3A_922 = arith.index_cast %get3A_920 : i32 to index
        %get3A_923 = arith.constant 48 : index
        %get3A_924 = tpu.vector_load %arg12[%get3A_921, %get3A_922, %get3A_923] {strides = array<i32>} : memref<16x3x64xf32, #tpu.memory_space<vmem>>, vector<16xf32>,
        %add3A_925 = arith.addf %get3A_924, %gather3A_883 : vector<16xf32>
        %mul3A_926 = arith.mulf %get3A_777, %add3A_925 : vector<16xf32>
        %swap3A_927 = arith.constant 2 : i32
        %swap3A_928 = arith.index_cast %scan3A_765 : i32 to index
        %swap3A_929 = arith.index_cast %swap3A_927 : i32 to index
        %swap3A_930 = arith.constant 48 : index
        %swap3A_931 = tpu.vector_load %arg12[%swap3A_928, %swap3A_929, %swap3A_930] {strides = array<i32>} : memref<16x3x64xf32, #tpu.memory_space<vmem>>, vector<16xf32>,
        tpu.vector_store %arg12[%swap3A_928, %swap3A_929, %swap3A_930], %mul3A_926 {strides = array<i32>} : memref<16x3x64xf32, #tpu.memory_space<vmem>>, vector<16xf32>,
      }
      %scan3A_633 = arith.constant 16 : i32
      %get3A_634 = arith.constant 2 : i32
      %get3A_635 = arith.index_cast %get3A_634 : i32 to index
      %get3A_636 = arith.constant 0 : index
      %get3A_637 = tpu.vector_load %arg16[%get3A_635, %get3A_636] {strides = array<i32>} : memref<5x16xi32, #tpu.memory_space<vmem>>, vector<16xi32>,
      %swap3A_638 = arith.constant 0 : index
      %swap3A_639 = tpu.vector_load %arg21[%swap3A_638] {strides = array<i32>} : memref<16xi32, #tpu.memory_space<vmem>>, vector<16xi32>,
      tpu.vector_store %arg21[%swap3A_638], %get3A_637 {strides = array<i32>} : memref<16xi32, #tpu.memory_space<vmem>>, vector<16xi32>,
      %dma_start3A_640 = arith.constant 0 : i32
      %dma_start3A_641 = arith.constant 0 : i32
      %dma_start3A_642 = arith.constant 0 : i32
      %dma_start3A_643 = tpu.memref_slice %arg10[%dma_start3A_640, %dma_start3A_641, %dma_start3A_642] : memref<10000x3x64xf32, #tpu.memory_space<vmem_shared>> -> memref<10000x3x64xf32, #tpu.memory_space<vmem_shared>>
      tpu.enqueue_indirect_dma source(%arg12 : memref<16x3x64xf32, #tpu.memory_space<vmem>>) target(%dma_start3A_643 : memref<10000x3x64xf32, #tpu.memory_space<vmem_shared>>) offsets(%arg21 : memref<16xi32, #tpu.memory_space<vmem>>) semaphore(%arg27 : memref<!tpu.dma_semaphore, #tpu.memory_space<semaphore_mem>>) {add = true}
      %mul3A_644 = arith.constant 5 : i32
      %mul3A_645 = arith.muli %add3A_436, %mul3A_644 : i32
      %add3A_646 = arith.constant 3 : i32
      %add3A_647 = arith.addi %mul3A_645, %add3A_646 : i32
      %dma_wait3A_648 = arith.constant 0 : i32
      %dma_wait3A_649 = arith.constant 0 : i32
      %dma_wait3A_650 = arith.constant 0 : i32
      %dma_wait3A_651 = tpu.memref_slice %arg10[%dma_wait3A_648, %dma_wait3A_649, %dma_wait3A_650] : memref<10000x3x64xf32, #tpu.memory_space<vmem_shared>> -> memref<10000x3x64xf32, #tpu.memory_space<vmem_shared>>
      tpu.wait_indirect_dma semaphore(%arg27 : memref<!tpu.dma_semaphore, #tpu.memory_space<semaphore_mem>>) src(%arg12 : memref<16x3x64xf32, #tpu.memory_space<vmem>>) dst(%dma_wait3A_651 : memref<10000x3x64xf32, #tpu.memory_space<vmem_shared>>)
      %add3A_652 = arith.constant 1 : i32
      %add3A_653 = arith.addi %add3A_647, %add3A_652 : i32
      %mul3A_654 = arith.constant 1250 : i32
      %mul3A_655 = arith.muli %arg1, %mul3A_654 : i32
      %add3A_656 = arith.addi %mul3A_655, %add3A_653 : i32
      %mul3A_657 = arith.constant 16 : i32
      %mul3A_658 = arith.muli %add3A_656, %mul3A_657 : i32
      %eq3A_659 = arith.constant 0 : i32
      %eq3A_660 = arith.cmpi eq, %arg0, %eq3A_659 : i32
      %convert_element_type3A_661 = arith.extui %eq3A_660 : i1 to i32
      %cond3A_662 = arith.constant 4 : i32
      %cond3A_663 = arith.constant 0 : i32
      %cond3A_664 = arith.cmpi ne, %convert_element_type3A_661, %cond3A_663 : i32
      scf.if %cond3A_664 {
        %dma_start3A_765 = arith.constant 0 : i32
        %dma_start3A_766 = tpu.memref_slice %arg18[%cond3A_662, %dma_start3A_765] : memref<5x16xi32, #tpu.memory_space<vmem>> -> memref<1x16xi32, #tpu.memory_space<vmem>>
        %dma_start3A_767 = tpu.memref_squeeze %dma_start3A_766 : memref<1x16xi32, #tpu.memory_space<vmem>> -> memref<16xi32, #tpu.memory_space<vmem>>
        %dma_start3A_768 = arith.constant 0 : i32
        %dma_start3A_769 = arith.constant 0 : i32
        %dma_start3A_770 = arith.constant 0 : i32
        %dma_start3A_771 = tpu.memref_slice %arg4[%dma_start3A_768, %dma_start3A_769, %dma_start3A_770] : memref<10000x3x64xf32, #tpu.memory_space<hbm>> -> memref<10000x3x64xf32, #tpu.memory_space<hbm>>
        tpu.enqueue_indirect_dma source(%dma_start3A_771 : memref<10000x3x64xf32, #tpu.memory_space<hbm>>) target(%arg12 : memref<16x3x64xf32, #tpu.memory_space<vmem>>) offsets(%dma_start3A_767 : memref<16xi32, #tpu.memory_space<vmem>>) semaphore(%arg25 : memref<!tpu.dma_semaphore, #tpu.memory_space<semaphore_mem>>)
      } else {
      }
      %eq3A_665 = arith.constant 1 : i32
      %eq3A_666 = arith.cmpi eq, %arg0, %eq3A_665 : i32
      %convert_element_type3A_667 = arith.extui %eq3A_666 : i1 to i32
      %cond3A_668 = arith.constant 4 : i32
      %cond3A_669 = arith.constant 0 : i32
      %cond3A_670 = arith.cmpi ne, %convert_element_type3A_667, %cond3A_669 : i32
      scf.if %cond3A_670 {
        %dma_start3A_765 = arith.constant 0 : i32
        %dma_start3A_766 = tpu.memref_slice %arg18[%cond3A_668, %dma_start3A_765] : memref<5x16xi32, #tpu.memory_space<vmem>> -> memref<1x16xi32, #tpu.memory_space<vmem>>
        %dma_start3A_767 = tpu.memref_squeeze %dma_start3A_766 : memref<1x16xi32, #tpu.memory_space<vmem>> -> memref<16xi32, #tpu.memory_space<vmem>>
        %dma_start3A_768 = arith.constant 0 : i32
        %dma_start3A_769 = arith.constant 0 : i32
        %dma_start3A_770 = arith.constant 0 : i32
        %dma_start3A_771 = tpu.memref_slice %arg5[%dma_start3A_768, %dma_start3A_769, %dma_start3A_770] : memref<10000x3x64xf32, #tpu.memory_space<hbm>> -> memref<10000x3x64xf32, #tpu.memory_space<hbm>>
        tpu.enqueue_indirect_dma source(%dma_start3A_771 : memref<10000x3x64xf32, #tpu.memory_space<hbm>>) target(%arg12 : memref<16x3x64xf32, #tpu.memory_space<vmem>>) offsets(%dma_start3A_767 : memref<16xi32, #tpu.memory_space<vmem>>) semaphore(%arg25 : memref<!tpu.dma_semaphore, #tpu.memory_space<semaphore_mem>>)
      } else {
      }
      %dma_start3A_671 = arith.constant 0 : i32
      %dma_start3A_672 = tpu.memref_slice %arg6[%mul3A_658, %arg0, %dma_start3A_671] : memref<320000x2x64xf32, #tpu.memory_space<hbm>> -> memref<16x1x64xf32, #tpu.memory_space<hbm>>
      %dma_start3A_673 = tpu.memref_squeeze %dma_start3A_672 : memref<16x1x64xf32, #tpu.memory_space<hbm>> -> memref<16x64xf32, #tpu.memory_space<hbm>>
      %dma_start3A_674 = arith.constant 0 : i32
      %dma_start3A_675 = tpu.memref_slice %arg6[%mul3A_658, %arg0, %dma_start3A_674] : memref<320000x2x64xf32, #tpu.memory_space<hbm>> -> memref<16x1x64xf32, #tpu.memory_space<hbm>>
      %dma_start3A_676 = tpu.memref_squeeze %dma_start3A_675 : memref<16x1x64xf32, #tpu.memory_space<hbm>> -> memref<16x64xf32, #tpu.memory_space<hbm>>
      tpu.enqueue_dma source(%dma_start3A_676 : memref<16x64xf32, #tpu.memory_space<hbm>>) target(%arg14 : memref<16x64xf32, #tpu.memory_space<vmem>>) target_semaphore(%arg25 : memref<!tpu.dma_semaphore, #tpu.memory_space<semaphore_mem>>)
      %eq3A_677 = arith.constant 0 : i32
      %eq3A_678 = arith.cmpi eq, %arg0, %eq3A_677 : i32
      %convert_element_type3A_679 = arith.extui %eq3A_678 : i1 to i32
      %cond3A_680 = arith.constant 0 : i32
      %cond3A_681 = arith.cmpi ne, %convert_element_type3A_679, %cond3A_680 : i32
      scf.if %cond3A_681 {
        %dma_wait3A_765 = arith.constant 0 : i32
        %dma_wait3A_766 = arith.constant 0 : i32
        %dma_wait3A_767 = tpu.memref_slice %arg17[%dma_wait3A_765, %dma_wait3A_766] : memref<5x16xi32, #tpu.memory_space<vmem>> -> memref<1x16xi32, #tpu.memory_space<vmem>>
        %dma_wait3A_768 = tpu.memref_squeeze %dma_wait3A_767 : memref<1x16xi32, #tpu.memory_space<vmem>> -> memref<16xi32, #tpu.memory_space<vmem>>
        %dma_wait3A_769 = arith.constant 0 : i32
        %dma_wait3A_770 = arith.constant 0 : i32
        %dma_wait3A_771 = arith.constant 0 : i32
        %dma_wait3A_772 = tpu.memref_slice %arg4[%dma_wait3A_769, %dma_wait3A_770, %dma_wait3A_771] : memref<10000x3x64xf32, #tpu.memory_space<hbm>> -> memref<10000x3x64xf32, #tpu.memory_space<hbm>>
        tpu.wait_indirect_dma semaphore(%arg24 : memref<!tpu.dma_semaphore, #tpu.memory_space<semaphore_mem>>) src(%dma_wait3A_772 : memref<10000x3x64xf32, #tpu.memory_space<hbm>>) dst(%arg11 : memref<16x3x64xf32, #tpu.memory_space<vmem>>)
      } else {
      }
      %eq3A_682 = arith.constant 1 : i32
      %eq3A_683 = arith.cmpi eq, %arg0, %eq3A_682 : i32
      %convert_element_type3A_684 = arith.extui %eq3A_683 : i1 to i32
      %cond3A_685 = arith.constant 0 : i32
      %cond3A_686 = arith.cmpi ne, %convert_element_type3A_684, %cond3A_685 : i32
      scf.if %cond3A_686 {
        %dma_wait3A_765 = arith.constant 0 : i32
        %dma_wait3A_766 = arith.constant 0 : i32
        %dma_wait3A_767 = tpu.memref_slice %arg17[%dma_wait3A_765, %dma_wait3A_766] : memref<5x16xi32, #tpu.memory_space<vmem>> -> memref<1x16xi32, #tpu.memory_space<vmem>>
        %dma_wait3A_768 = tpu.memref_squeeze %dma_wait3A_767 : memref<1x16xi32, #tpu.memory_space<vmem>> -> memref<16xi32, #tpu.memory_space<vmem>>
        %dma_wait3A_769 = arith.constant 0 : i32
        %dma_wait3A_770 = arith.constant 0 : i32
        %dma_wait3A_771 = arith.constant 0 : i32
        %dma_wait3A_772 = tpu.memref_slice %arg5[%dma_wait3A_769, %dma_wait3A_770, %dma_wait3A_771] : memref<10000x3x64xf32, #tpu.memory_space<hbm>> -> memref<10000x3x64xf32, #tpu.memory_space<hbm>>
        tpu.wait_indirect_dma semaphore(%arg24 : memref<!tpu.dma_semaphore, #tpu.memory_space<semaphore_mem>>) src(%dma_wait3A_772 : memref<10000x3x64xf32, #tpu.memory_space<hbm>>) dst(%arg11 : memref<16x3x64xf32, #tpu.memory_space<vmem>>)
      } else {
      }
      %dma_wait3A_687 = arith.constant 0 : i32
      %dma_wait3A_688 = arith.constant 0 : i32
      %dma_wait3A_689 = tpu.memref_slice %arg6[%dma_wait3A_687, %arg0, %dma_wait3A_688] : memref<320000x2x64xf32, #tpu.memory_space<hbm>> -> memref<16x1x64xf32, #tpu.memory_space<hbm>>
      %dma_wait3A_690 = tpu.memref_squeeze %dma_wait3A_689 : memref<16x1x64xf32, #tpu.memory_space<hbm>> -> memref<16x64xf32, #tpu.memory_space<hbm>>
      %dma_wait3A_691 = arith.constant 0 : i32
      %dma_wait3A_692 = arith.constant 0 : i32
      %dma_wait3A_693 = tpu.memref_slice %arg6[%dma_wait3A_691, %arg0, %dma_wait3A_692] : memref<320000x2x64xf32, #tpu.memory_space<hbm>> -> memref<16x1x64xf32, #tpu.memory_space<hbm>>
      %dma_wait3A_694 = tpu.memref_squeeze %dma_wait3A_693 : memref<16x1x64xf32, #tpu.memory_space<hbm>> -> memref<16x64xf32, #tpu.memory_space<hbm>>
      tpu.wait_dma2 semaphore(%arg24 : memref<!tpu.dma_semaphore, #tpu.memory_space<semaphore_mem>>) src(%dma_wait3A_694 : memref<16x64xf32, #tpu.memory_space<hbm>>) dst(%arg13 : memref<16x64xf32, #tpu.memory_space<vmem>>)
      %scan3A_695 = arith.constant 0 : i32
      %scan3A_696 = arith.constant 0 : i32
      %scan3A_697 = arith.constant 16 : i32
      %scan3A_698 = arith.addi %scan3A_696, %scan3A_697 : i32
      %scan3A_699 = arith.constant 1 : i32
      scf.for %scan3A_765 = %scan3A_696 to %scan3A_698 step %scan3A_699  : i32 {
        %get3A_766 = arith.index_cast %scan3A_765 : i32 to index
        %get3A_767 = arith.constant 0 : index
        %get3A_768 = tpu.vector_load %arg13[%get3A_766, %get3A_767] {strides = array<i32>} : memref<16x64xf32, #tpu.memory_space<vmem>>, vector<16xf32>,
        %get3A_769 = arith.index_cast %scan3A_765 : i32 to index
        %get3A_770 = arith.constant 16 : index
        %get3A_771 = tpu.vector_load %arg13[%get3A_769, %get3A_770] {strides = array<i32>} : memref<16x64xf32, #tpu.memory_space<vmem>>, vector<16xf32>,
        %get3A_772 = arith.index_cast %scan3A_765 : i32 to index
        %get3A_773 = arith.constant 32 : index
        %get3A_774 = tpu.vector_load %arg13[%get3A_772, %get3A_773] {strides = array<i32>} : memref<16x64xf32, #tpu.memory_space<vmem>>, vector<16xf32>,
        %get3A_775 = arith.index_cast %scan3A_765 : i32 to index
        %get3A_776 = arith.constant 48 : index
        %get3A_777 = tpu.vector_load %arg13[%get3A_775, %get3A_776] {strides = array<i32>} : memref<16x64xf32, #tpu.memory_space<vmem>>, vector<16xf32>,
        %add3A_778 = arith.constant 48 : i32
        %add3A_779 = arith.addi %add3A_778, %scan3A_765 : i32
        %broadcast_in_dim3A = vector.broadcast %add3A_779 : i32 to vector<16xi32>
        %broadcast_in_dim3A_780 = arith.constant 0 : i32
        %broadcast_in_dim3A_781 = vector.broadcast %broadcast_in_dim3A_780 : i32 to vector<16xi32>
        %gather3A = tpu.vector_load_idx %arg19[%broadcast_in_dim3A, %broadcast_in_dim3A_781] : memref<80x3xf32, #tpu.memory_space<vmem>>[vector<16xi32>, vector<16xi32>], vector<16xf32>,
        %get3A_782 = arith.constant 0 : i32
        %get3A_783 = arith.index_cast %scan3A_765 : i32 to index
        %get3A_784 = arith.index_cast %get3A_782 : i32 to index
        %get3A_785 = arith.constant 0 : index
        %get3A_786 = tpu.vector_load %arg11[%get3A_783, %get3A_784, %get3A_785] {strides = array<i32>} : memref<16x3x64xf32, #tpu.memory_space<vmem>>, vector<16xf32>,
        %add3A_787 = arith.addf %get3A_786, %gather3A : vector<16xf32>
        %mul3A_788 = arith.mulf %get3A_768, %add3A_787 : vector<16xf32>
        %swap3A_789 = arith.constant 0 : i32
        %swap3A_790 = arith.index_cast %scan3A_765 : i32 to index
        %swap3A_791 = arith.index_cast %swap3A_789 : i32 to index
        %swap3A_792 = arith.constant 0 : index
        %swap3A_793 = tpu.vector_load %arg11[%swap3A_790, %swap3A_791, %swap3A_792] {strides = array<i32>} : memref<16x3x64xf32, #tpu.memory_space<vmem>>, vector<16xf32>,
        tpu.vector_store %arg11[%swap3A_790, %swap3A_791, %swap3A_792], %mul3A_788 {strides = array<i32>} : memref<16x3x64xf32, #tpu.memory_space<vmem>>, vector<16xf32>,
        %get3A_794 = arith.constant 0 : i32
        %get3A_795 = arith.index_cast %scan3A_765 : i32 to index
        %get3A_796 = arith.index_cast %get3A_794 : i32 to index
        %get3A_797 = arith.constant 16 : index
        %get3A_798 = tpu.vector_load %arg11[%get3A_795, %get3A_796, %get3A_797] {strides = array<i32>} : memref<16x3x64xf32, #tpu.memory_space<vmem>>, vector<16xf32>,
        %add3A_799 = arith.addf %get3A_798, %gather3A : vector<16xf32>
        %mul3A_800 = arith.mulf %get3A_771, %add3A_799 : vector<16xf32>
        %swap3A_801 = arith.constant 0 : i32
        %swap3A_802 = arith.index_cast %scan3A_765 : i32 to index
        %swap3A_803 = arith.index_cast %swap3A_801 : i32 to index
        %swap3A_804 = arith.constant 16 : index
        %swap3A_805 = tpu.vector_load %arg11[%swap3A_802, %swap3A_803, %swap3A_804] {strides = array<i32>} : memref<16x3x64xf32, #tpu.memory_space<vmem>>, vector<16xf32>,
        tpu.vector_store %arg11[%swap3A_802, %swap3A_803, %swap3A_804], %mul3A_800 {strides = array<i32>} : memref<16x3x64xf32, #tpu.memory_space<vmem>>, vector<16xf32>,
        %get3A_806 = arith.constant 0 : i32
        %get3A_807 = arith.index_cast %scan3A_765 : i32 to index
        %get3A_808 = arith.index_cast %get3A_806 : i32 to index
        %get3A_809 = arith.constant 32 : index
        %get3A_810 = tpu.vector_load %arg11[%get3A_807, %get3A_808, %get3A_809] {strides = array<i32>} : memref<16x3x64xf32, #tpu.memory_space<vmem>>, vector<16xf32>,
        %add3A_811 = arith.addf %get3A_810, %gather3A : vector<16xf32>
        %mul3A_812 = arith.mulf %get3A_774, %add3A_811 : vector<16xf32>
        %swap3A_813 = arith.constant 0 : i32
        %swap3A_814 = arith.index_cast %scan3A_765 : i32 to index
        %swap3A_815 = arith.index_cast %swap3A_813 : i32 to index
        %swap3A_816 = arith.constant 32 : index
        %swap3A_817 = tpu.vector_load %arg11[%swap3A_814, %swap3A_815, %swap3A_816] {strides = array<i32>} : memref<16x3x64xf32, #tpu.memory_space<vmem>>, vector<16xf32>,
        tpu.vector_store %arg11[%swap3A_814, %swap3A_815, %swap3A_816], %mul3A_812 {strides = array<i32>} : memref<16x3x64xf32, #tpu.memory_space<vmem>>, vector<16xf32>,
        %get3A_818 = arith.constant 0 : i32
        %get3A_819 = arith.index_cast %scan3A_765 : i32 to index
        %get3A_820 = arith.index_cast %get3A_818 : i32 to index
        %get3A_821 = arith.constant 48 : index
        %get3A_822 = tpu.vector_load %arg11[%get3A_819, %get3A_820, %get3A_821] {strides = array<i32>} : memref<16x3x64xf32, #tpu.memory_space<vmem>>, vector<16xf32>,
        %add3A_823 = arith.addf %get3A_822, %gather3A : vector<16xf32>
        %mul3A_824 = arith.mulf %get3A_777, %add3A_823 : vector<16xf32>
        %swap3A_825 = arith.constant 0 : i32
        %swap3A_826 = arith.index_cast %scan3A_765 : i32 to index
        %swap3A_827 = arith.index_cast %swap3A_825 : i32 to index
        %swap3A_828 = arith.constant 48 : index
        %swap3A_829 = tpu.vector_load %arg11[%swap3A_826, %swap3A_827, %swap3A_828] {strides = array<i32>} : memref<16x3x64xf32, #tpu.memory_space<vmem>>, vector<16xf32>,
        tpu.vector_store %arg11[%swap3A_826, %swap3A_827, %swap3A_828], %mul3A_824 {strides = array<i32>} : memref<16x3x64xf32, #tpu.memory_space<vmem>>, vector<16xf32>,
        %broadcast_in_dim3A_830 = arith.constant 1 : i32
        %broadcast_in_dim3A_831 = vector.broadcast %broadcast_in_dim3A_830 : i32 to vector<16xi32>
        %gather3A_832 = tpu.vector_load_idx %arg19[%broadcast_in_dim3A, %broadcast_in_dim3A_831] : memref<80x3xf32, #tpu.memory_space<vmem>>[vector<16xi32>, vector<16xi32>], vector<16xf32>,
        %get3A_833 = arith.constant 1 : i32
        %get3A_834 = arith.index_cast %scan3A_765 : i32 to index
        %get3A_835 = arith.index_cast %get3A_833 : i32 to index
        %get3A_836 = arith.constant 0 : index
        %get3A_837 = tpu.vector_load %arg11[%get3A_834, %get3A_835, %get3A_836] {strides = array<i32>} : memref<16x3x64xf32, #tpu.memory_space<vmem>>, vector<16xf32>,
        %add3A_838 = arith.addf %get3A_837, %gather3A_832 : vector<16xf32>
        %mul3A_839 = arith.mulf %get3A_768, %add3A_838 : vector<16xf32>
        %swap3A_840 = arith.constant 1 : i32
        %swap3A_841 = arith.index_cast %scan3A_765 : i32 to index
        %swap3A_842 = arith.index_cast %swap3A_840 : i32 to index
        %swap3A_843 = arith.constant 0 : index
        %swap3A_844 = tpu.vector_load %arg11[%swap3A_841, %swap3A_842, %swap3A_843] {strides = array<i32>} : memref<16x3x64xf32, #tpu.memory_space<vmem>>, vector<16xf32>,
        tpu.vector_store %arg11[%swap3A_841, %swap3A_842, %swap3A_843], %mul3A_839 {strides = array<i32>} : memref<16x3x64xf32, #tpu.memory_space<vmem>>, vector<16xf32>,
        %get3A_845 = arith.constant 1 : i32
        %get3A_846 = arith.index_cast %scan3A_765 : i32 to index
        %get3A_847 = arith.index_cast %get3A_845 : i32 to index
        %get3A_848 = arith.constant 16 : index
        %get3A_849 = tpu.vector_load %arg11[%get3A_846, %get3A_847, %get3A_848] {strides = array<i32>} : memref<16x3x64xf32, #tpu.memory_space<vmem>>, vector<16xf32>,
        %add3A_850 = arith.addf %get3A_849, %gather3A_832 : vector<16xf32>
        %mul3A_851 = arith.mulf %get3A_771, %add3A_850 : vector<16xf32>
        %swap3A_852 = arith.constant 1 : i32
        %swap3A_853 = arith.index_cast %scan3A_765 : i32 to index
        %swap3A_854 = arith.index_cast %swap3A_852 : i32 to index
        %swap3A_855 = arith.constant 16 : index
        %swap3A_856 = tpu.vector_load %arg11[%swap3A_853, %swap3A_854, %swap3A_855] {strides = array<i32>} : memref<16x3x64xf32, #tpu.memory_space<vmem>>, vector<16xf32>,
        tpu.vector_store %arg11[%swap3A_853, %swap3A_854, %swap3A_855], %mul3A_851 {strides = array<i32>} : memref<16x3x64xf32, #tpu.memory_space<vmem>>, vector<16xf32>,
        %get3A_857 = arith.constant 1 : i32
        %get3A_858 = arith.index_cast %scan3A_765 : i32 to index
        %get3A_859 = arith.index_cast %get3A_857 : i32 to index
        %get3A_860 = arith.constant 32 : index
        %get3A_861 = tpu.vector_load %arg11[%get3A_858, %get3A_859, %get3A_860] {strides = array<i32>} : memref<16x3x64xf32, #tpu.memory_space<vmem>>, vector<16xf32>,
        %add3A_862 = arith.addf %get3A_861, %gather3A_832 : vector<16xf32>
        %mul3A_863 = arith.mulf %get3A_774, %add3A_862 : vector<16xf32>
        %swap3A_864 = arith.constant 1 : i32
        %swap3A_865 = arith.index_cast %scan3A_765 : i32 to index
        %swap3A_866 = arith.index_cast %swap3A_864 : i32 to index
        %swap3A_867 = arith.constant 32 : index
        %swap3A_868 = tpu.vector_load %arg11[%swap3A_865, %swap3A_866, %swap3A_867] {strides = array<i32>} : memref<16x3x64xf32, #tpu.memory_space<vmem>>, vector<16xf32>,
        tpu.vector_store %arg11[%swap3A_865, %swap3A_866, %swap3A_867], %mul3A_863 {strides = array<i32>} : memref<16x3x64xf32, #tpu.memory_space<vmem>>, vector<16xf32>,
        %get3A_869 = arith.constant 1 : i32
        %get3A_870 = arith.index_cast %scan3A_765 : i32 to index
        %get3A_871 = arith.index_cast %get3A_869 : i32 to index
        %get3A_872 = arith.constant 48 : index
        %get3A_873 = tpu.vector_load %arg11[%get3A_870, %get3A_871, %get3A_872] {strides = array<i32>} : memref<16x3x64xf32, #tpu.memory_space<vmem>>, vector<16xf32>,
        %add3A_874 = arith.addf %get3A_873, %gather3A_832 : vector<16xf32>
        %mul3A_875 = arith.mulf %get3A_777, %add3A_874 : vector<16xf32>
        %swap3A_876 = arith.constant 1 : i32
        %swap3A_877 = arith.index_cast %scan3A_765 : i32 to index
        %swap3A_878 = arith.index_cast %swap3A_876 : i32 to index
        %swap3A_879 = arith.constant 48 : index
        %swap3A_880 = tpu.vector_load %arg11[%swap3A_877, %swap3A_878, %swap3A_879] {strides = array<i32>} : memref<16x3x64xf32, #tpu.memory_space<vmem>>, vector<16xf32>,
        tpu.vector_store %arg11[%swap3A_877, %swap3A_878, %swap3A_879], %mul3A_875 {strides = array<i32>} : memref<16x3x64xf32, #tpu.memory_space<vmem>>, vector<16xf32>,
        %broadcast_in_dim3A_881 = arith.constant 2 : i32
        %broadcast_in_dim3A_882 = vector.broadcast %broadcast_in_dim3A_881 : i32 to vector<16xi32>
        %gather3A_883 = tpu.vector_load_idx %arg19[%broadcast_in_dim3A, %broadcast_in_dim3A_882] : memref<80x3xf32, #tpu.memory_space<vmem>>[vector<16xi32>, vector<16xi32>], vector<16xf32>,
        %get3A_884 = arith.constant 2 : i32
        %get3A_885 = arith.index_cast %scan3A_765 : i32 to index
        %get3A_886 = arith.index_cast %get3A_884 : i32 to index
        %get3A_887 = arith.constant 0 : index
        %get3A_888 = tpu.vector_load %arg11[%get3A_885, %get3A_886, %get3A_887] {strides = array<i32>} : memref<16x3x64xf32, #tpu.memory_space<vmem>>, vector<16xf32>,
        %add3A_889 = arith.addf %get3A_888, %gather3A_883 : vector<16xf32>
        %mul3A_890 = arith.mulf %get3A_768, %add3A_889 : vector<16xf32>
        %swap3A_891 = arith.constant 2 : i32
        %swap3A_892 = arith.index_cast %scan3A_765 : i32 to index
        %swap3A_893 = arith.index_cast %swap3A_891 : i32 to index
        %swap3A_894 = arith.constant 0 : index
        %swap3A_895 = tpu.vector_load %arg11[%swap3A_892, %swap3A_893, %swap3A_894] {strides = array<i32>} : memref<16x3x64xf32, #tpu.memory_space<vmem>>, vector<16xf32>,
        tpu.vector_store %arg11[%swap3A_892, %swap3A_893, %swap3A_894], %mul3A_890 {strides = array<i32>} : memref<16x3x64xf32, #tpu.memory_space<vmem>>, vector<16xf32>,
        %get3A_896 = arith.constant 2 : i32
        %get3A_897 = arith.index_cast %scan3A_765 : i32 to index
        %get3A_898 = arith.index_cast %get3A_896 : i32 to index
        %get3A_899 = arith.constant 16 : index
        %get3A_900 = tpu.vector_load %arg11[%get3A_897, %get3A_898, %get3A_899] {strides = array<i32>} : memref<16x3x64xf32, #tpu.memory_space<vmem>>, vector<16xf32>,
        %add3A_901 = arith.addf %get3A_900, %gather3A_883 : vector<16xf32>
        %mul3A_902 = arith.mulf %get3A_771, %add3A_901 : vector<16xf32>
        %swap3A_903 = arith.constant 2 : i32
        %swap3A_904 = arith.index_cast %scan3A_765 : i32 to index
        %swap3A_905 = arith.index_cast %swap3A_903 : i32 to index
        %swap3A_906 = arith.constant 16 : index
        %swap3A_907 = tpu.vector_load %arg11[%swap3A_904, %swap3A_905, %swap3A_906] {strides = array<i32>} : memref<16x3x64xf32, #tpu.memory_space<vmem>>, vector<16xf32>,
        tpu.vector_store %arg11[%swap3A_904, %swap3A_905, %swap3A_906], %mul3A_902 {strides = array<i32>} : memref<16x3x64xf32, #tpu.memory_space<vmem>>, vector<16xf32>,
        %get3A_908 = arith.constant 2 : i32
        %get3A_909 = arith.index_cast %scan3A_765 : i32 to index
        %get3A_910 = arith.index_cast %get3A_908 : i32 to index
        %get3A_911 = arith.constant 32 : index
        %get3A_912 = tpu.vector_load %arg11[%get3A_909, %get3A_910, %get3A_911] {strides = array<i32>} : memref<16x3x64xf32, #tpu.memory_space<vmem>>, vector<16xf32>,
        %add3A_913 = arith.addf %get3A_912, %gather3A_883 : vector<16xf32>
        %mul3A_914 = arith.mulf %get3A_774, %add3A_913 : vector<16xf32>
        %swap3A_915 = arith.constant 2 : i32
        %swap3A_916 = arith.index_cast %scan3A_765 : i32 to index
        %swap3A_917 = arith.index_cast %swap3A_915 : i32 to index
        %swap3A_918 = arith.constant 32 : index
        %swap3A_919 = tpu.vector_load %arg11[%swap3A_916, %swap3A_917, %swap3A_918] {strides = array<i32>} : memref<16x3x64xf32, #tpu.memory_space<vmem>>, vector<16xf32>,
        tpu.vector_store %arg11[%swap3A_916, %swap3A_917, %swap3A_918], %mul3A_914 {strides = array<i32>} : memref<16x3x64xf32, #tpu.memory_space<vmem>>, vector<16xf32>,
        %get3A_920 = arith.constant 2 : i32
        %get3A_921 = arith.index_cast %scan3A_765 : i32 to index
        %get3A_922 = arith.index_cast %get3A_920 : i32 to index
        %get3A_923 = arith.constant 48 : index
        %get3A_924 = tpu.vector_load %arg11[%get3A_921, %get3A_922, %get3A_923] {strides = array<i32>} : memref<16x3x64xf32, #tpu.memory_space<vmem>>, vector<16xf32>,
        %add3A_925 = arith.addf %get3A_924, %gather3A_883 : vector<16xf32>
        %mul3A_926 = arith.mulf %get3A_777, %add3A_925 : vector<16xf32>
        %swap3A_927 = arith.constant 2 : i32
        %swap3A_928 = arith.index_cast %scan3A_765 : i32 to index
        %swap3A_929 = arith.index_cast %swap3A_927 : i32 to index
        %swap3A_930 = arith.constant 48 : index
        %swap3A_931 = tpu.vector_load %arg11[%swap3A_928, %swap3A_929, %swap3A_930] {strides = array<i32>} : memref<16x3x64xf32, #tpu.memory_space<vmem>>, vector<16xf32>,
        tpu.vector_store %arg11[%swap3A_928, %swap3A_929, %swap3A_930], %mul3A_926 {strides = array<i32>} : memref<16x3x64xf32, #tpu.memory_space<vmem>>, vector<16xf32>,
      }
      %scan3A_700 = arith.constant 16 : i32
      %get3A_701 = arith.constant 3 : i32
      %get3A_702 = arith.index_cast %get3A_701 : i32 to index
      %get3A_703 = arith.constant 0 : index
      %get3A_704 = tpu.vector_load %arg16[%get3A_702, %get3A_703] {strides = array<i32>} : memref<5x16xi32, #tpu.memory_space<vmem>>, vector<16xi32>,
      %swap3A_705 = arith.constant 0 : index
      %swap3A_706 = tpu.vector_load %arg20[%swap3A_705] {strides = array<i32>} : memref<16xi32, #tpu.memory_space<vmem>>, vector<16xi32>,
      tpu.vector_store %arg20[%swap3A_705], %get3A_704 {strides = array<i32>} : memref<16xi32, #tpu.memory_space<vmem>>, vector<16xi32>,
      %dma_start3A_707 = arith.constant 0 : i32
      %dma_start3A_708 = arith.constant 0 : i32
      %dma_start3A_709 = arith.constant 0 : i32
      %dma_start3A_710 = tpu.memref_slice %arg10[%dma_start3A_707, %dma_start3A_708, %dma_start3A_709] : memref<10000x3x64xf32, #tpu.memory_space<vmem_shared>> -> memref<10000x3x64xf32, #tpu.memory_space<vmem_shared>>
      tpu.enqueue_indirect_dma source(%arg11 : memref<16x3x64xf32, #tpu.memory_space<vmem>>) target(%dma_start3A_710 : memref<10000x3x64xf32, #tpu.memory_space<vmem_shared>>) offsets(%arg20 : memref<16xi32, #tpu.memory_space<vmem>>) semaphore(%arg26 : memref<!tpu.dma_semaphore, #tpu.memory_space<semaphore_mem>>) {add = true}
      %mul3A_711 = arith.constant 5 : i32
      %mul3A_712 = arith.muli %add3A_436, %mul3A_711 : i32
      %add3A_713 = arith.constant 4 : i32
      %add3A_714 = arith.addi %mul3A_712, %add3A_713 : i32
      %dma_wait3A_715 = arith.constant 0 : i32
      %dma_wait3A_716 = arith.constant 0 : i32
      %dma_wait3A_717 = arith.constant 0 : i32
      %dma_wait3A_718 = tpu.memref_slice %arg10[%dma_wait3A_715, %dma_wait3A_716, %dma_wait3A_717] : memref<10000x3x64xf32, #tpu.memory_space<vmem_shared>> -> memref<10000x3x64xf32, #tpu.memory_space<vmem_shared>>
      tpu.wait_indirect_dma semaphore(%arg26 : memref<!tpu.dma_semaphore, #tpu.memory_space<semaphore_mem>>) src(%arg11 : memref<16x3x64xf32, #tpu.memory_space<vmem>>) dst(%dma_wait3A_718 : memref<10000x3x64xf32, #tpu.memory_space<vmem_shared>>)
      %lt3A_719 = arith.constant 1249 : i32
      %lt3A_720 = arith.cmpi slt, %add3A_714, %lt3A_719 : i32
      %convert_element_type3A_721 = arith.extui %lt3A_720 : i1 to i32
      %cond3A_722 = arith.constant 0 : i32
      %cond3A_723 = arith.cmpi ne, %convert_element_type3A_721, %cond3A_722 : i32
      scf.if %cond3A_723 {
        %dma_wait3A_765 = arith.constant 0 : i32
        %dma_wait3A_766 = arith.constant 0 : i32
        %dma_wait3A_767 = arith.constant 0 : i32
        %dma_wait3A_768 = tpu.memref_slice %arg2[%dma_wait3A_765, %dma_wait3A_766, %dma_wait3A_767] : memref<4000x5x16xi32, #tpu.memory_space<hbm>> -> memref<1x5x16xi32, #tpu.memory_space<hbm>>
        %dma_wait3A_769 = tpu.memref_squeeze %dma_wait3A_768 : memref<1x5x16xi32, #tpu.memory_space<hbm>> -> memref<5x16xi32, #tpu.memory_space<hbm>>
        %dma_wait3A_770 = arith.constant 0 : i32
        %dma_wait3A_771 = arith.constant 0 : i32
        %dma_wait3A_772 = tpu.memref_slice %arg2[%dma_wait3A_765, %dma_wait3A_770, %dma_wait3A_771] : memref<4000x5x16xi32, #tpu.memory_space<hbm>> -> memref<1x5x16xi32, #tpu.memory_space<hbm>>
        %dma_wait3A_773 = tpu.memref_squeeze %dma_wait3A_772 : memref<1x5x16xi32, #tpu.memory_space<hbm>> -> memref<5x16xi32, #tpu.memory_space<hbm>>
        tpu.wait_dma2 semaphore(%arg22 : memref<!tpu.dma_semaphore, #tpu.memory_space<semaphore_mem>>) src(%dma_wait3A_773 : memref<5x16xi32, #tpu.memory_space<hbm>>) dst(%arg15 : memref<5x16xi32, #tpu.memory_space<vmem>>)
        %dma_wait3A_774 = arith.constant 0 : i32
        %dma_wait3A_775 = arith.constant 0 : i32
        %dma_wait3A_776 = arith.constant 0 : i32
        %dma_wait3A_777 = tpu.memref_slice %arg3[%dma_wait3A_774, %dma_wait3A_775, %dma_wait3A_776] : memref<4000x5x16xi32, #tpu.memory_space<hbm>> -> memref<1x5x16xi32, #tpu.memory_space<hbm>>
        %dma_wait3A_778 = tpu.memref_squeeze %dma_wait3A_777 : memref<1x5x16xi32, #tpu.memory_space<hbm>> -> memref<5x16xi32, #tpu.memory_space<hbm>>
        %dma_wait3A_779 = arith.constant 0 : i32
        %dma_wait3A_780 = arith.constant 0 : i32
        %dma_wait3A_781 = tpu.memref_slice %arg3[%dma_wait3A_774, %dma_wait3A_779, %dma_wait3A_780] : memref<4000x5x16xi32, #tpu.memory_space<hbm>> -> memref<1x5x16xi32, #tpu.memory_space<hbm>>
        %dma_wait3A_782 = tpu.memref_squeeze %dma_wait3A_781 : memref<1x5x16xi32, #tpu.memory_space<hbm>> -> memref<5x16xi32, #tpu.memory_space<hbm>>
        tpu.wait_dma2 semaphore(%arg22 : memref<!tpu.dma_semaphore, #tpu.memory_space<semaphore_mem>>) src(%dma_wait3A_782 : memref<5x16xi32, #tpu.memory_space<hbm>>) dst(%arg17 : memref<5x16xi32, #tpu.memory_space<vmem>>)
        %add3A_783 = arith.constant 1 : i32
        %add3A_784 = arith.addi %add3A_714, %add3A_783 : i32
        %mul3A_785 = arith.constant 1250 : i32
        %mul3A_786 = arith.muli %arg1, %mul3A_785 : i32
        %add3A_787 = arith.addi %mul3A_786, %add3A_784 : i32
        %mul3A_788 = arith.constant 16 : i32
        %mul3A_789 = arith.muli %add3A_787, %mul3A_788 : i32
        %eq3A_790 = arith.constant 0 : i32
        %eq3A_791 = arith.cmpi eq, %arg0, %eq3A_790 : i32
        %convert_element_type3A_792 = arith.extui %eq3A_791 : i1 to i32
        %cond3A_793 = arith.constant 0 : i32
        %cond3A_794 = arith.constant 0 : i32
        %cond3A_795 = arith.cmpi ne, %convert_element_type3A_792, %cond3A_794 : i32
        scf.if %cond3A_795 {
          %dma_start3A_808 = arith.constant 0 : i32
          %dma_start3A_809 = tpu.memref_slice %arg17[%cond3A_793, %dma_start3A_808] : memref<5x16xi32, #tpu.memory_space<vmem>> -> memref<1x16xi32, #tpu.memory_space<vmem>>
          %dma_start3A_810 = tpu.memref_squeeze %dma_start3A_809 : memref<1x16xi32, #tpu.memory_space<vmem>> -> memref<16xi32, #tpu.memory_space<vmem>>
          %dma_start3A_811 = arith.constant 0 : i32
          %dma_start3A_812 = arith.constant 0 : i32
          %dma_start3A_813 = arith.constant 0 : i32
          %dma_start3A_814 = tpu.memref_slice %arg4[%dma_start3A_811, %dma_start3A_812, %dma_start3A_813] : memref<10000x3x64xf32, #tpu.memory_space<hbm>> -> memref<10000x3x64xf32, #tpu.memory_space<hbm>>
          tpu.enqueue_indirect_dma source(%dma_start3A_814 : memref<10000x3x64xf32, #tpu.memory_space<hbm>>) target(%arg11 : memref<16x3x64xf32, #tpu.memory_space<vmem>>) offsets(%dma_start3A_810 : memref<16xi32, #tpu.memory_space<vmem>>) semaphore(%arg24 : memref<!tpu.dma_semaphore, #tpu.memory_space<semaphore_mem>>)
        } else {
        }
        %eq3A_796 = arith.constant 1 : i32
        %eq3A_797 = arith.cmpi eq, %arg0, %eq3A_796 : i32
        %convert_element_type3A_798 = arith.extui %eq3A_797 : i1 to i32
        %cond3A_799 = arith.constant 0 : i32
        %cond3A_800 = arith.constant 0 : i32
        %cond3A_801 = arith.cmpi ne, %convert_element_type3A_798, %cond3A_800 : i32
        scf.if %cond3A_801 {
          %dma_start3A_808 = arith.constant 0 : i32
          %dma_start3A_809 = tpu.memref_slice %arg17[%cond3A_799, %dma_start3A_808] : memref<5x16xi32, #tpu.memory_space<vmem>> -> memref<1x16xi32, #tpu.memory_space<vmem>>
          %dma_start3A_810 = tpu.memref_squeeze %dma_start3A_809 : memref<1x16xi32, #tpu.memory_space<vmem>> -> memref<16xi32, #tpu.memory_space<vmem>>
          %dma_start3A_811 = arith.constant 0 : i32
          %dma_start3A_812 = arith.constant 0 : i32
          %dma_start3A_813 = arith.constant 0 : i32
          %dma_start3A_814 = tpu.memref_slice %arg5[%dma_start3A_811, %dma_start3A_812, %dma_start3A_813] : memref<10000x3x64xf32, #tpu.memory_space<hbm>> -> memref<10000x3x64xf32, #tpu.memory_space<hbm>>
          tpu.enqueue_indirect_dma source(%dma_start3A_814 : memref<10000x3x64xf32, #tpu.memory_space<hbm>>) target(%arg11 : memref<16x3x64xf32, #tpu.memory_space<vmem>>) offsets(%dma_start3A_810 : memref<16xi32, #tpu.memory_space<vmem>>) semaphore(%arg24 : memref<!tpu.dma_semaphore, #tpu.memory_space<semaphore_mem>>)
        } else {
        }
        %dma_start3A_802 = arith.constant 0 : i32
        %dma_start3A_803 = tpu.memref_slice %arg6[%mul3A_789, %arg0, %dma_start3A_802] : memref<320000x2x64xf32, #tpu.memory_space<hbm>> -> memref<16x1x64xf32, #tpu.memory_space<hbm>>
        %dma_start3A_804 = tpu.memref_squeeze %dma_start3A_803 : memref<16x1x64xf32, #tpu.memory_space<hbm>> -> memref<16x64xf32, #tpu.memory_space<hbm>>
        %dma_start3A_805 = arith.constant 0 : i32
        %dma_start3A_806 = tpu.memref_slice %arg6[%mul3A_789, %arg0, %dma_start3A_805] : memref<320000x2x64xf32, #tpu.memory_space<hbm>> -> memref<16x1x64xf32, #tpu.memory_space<hbm>>
        %dma_start3A_807 = tpu.memref_squeeze %dma_start3A_806 : memref<16x1x64xf32, #tpu.memory_space<hbm>> -> memref<16x64xf32, #tpu.memory_space<hbm>>
        tpu.enqueue_dma source(%dma_start3A_807 : memref<16x64xf32, #tpu.memory_space<hbm>>) target(%arg13 : memref<16x64xf32, #tpu.memory_space<vmem>>) target_semaphore(%arg24 : memref<!tpu.dma_semaphore, #tpu.memory_space<semaphore_mem>>)
      } else {
      }
      %eq3A_724 = arith.constant 0 : i32
      %eq3A_725 = arith.cmpi eq, %arg0, %eq3A_724 : i32
      %convert_element_type3A_726 = arith.extui %eq3A_725 : i1 to i32
      %cond3A_727 = arith.constant 0 : i32
      %cond3A_728 = arith.cmpi ne, %convert_element_type3A_726, %cond3A_727 : i32
      scf.if %cond3A_728 {
        %dma_wait3A_765 = arith.constant 0 : i32
        %dma_wait3A_766 = arith.constant 0 : i32
        %dma_wait3A_767 = tpu.memref_slice %arg17[%dma_wait3A_765, %dma_wait3A_766] : memref<5x16xi32, #tpu.memory_space<vmem>> -> memref<1x16xi32, #tpu.memory_space<vmem>>
        %dma_wait3A_768 = tpu.memref_squeeze %dma_wait3A_767 : memref<1x16xi32, #tpu.memory_space<vmem>> -> memref<16xi32, #tpu.memory_space<vmem>>
        %dma_wait3A_769 = arith.constant 0 : i32
        %dma_wait3A_770 = arith.constant 0 : i32
        %dma_wait3A_771 = arith.constant 0 : i32
        %dma_wait3A_772 = tpu.memref_slice %arg4[%dma_wait3A_769, %dma_wait3A_770, %dma_wait3A_771] : memref<10000x3x64xf32, #tpu.memory_space<hbm>> -> memref<10000x3x64xf32, #tpu.memory_space<hbm>>
        tpu.wait_indirect_dma semaphore(%arg25 : memref<!tpu.dma_semaphore, #tpu.memory_space<semaphore_mem>>) src(%dma_wait3A_772 : memref<10000x3x64xf32, #tpu.memory_space<hbm>>) dst(%arg12 : memref<16x3x64xf32, #tpu.memory_space<vmem>>)
      } else {
      }
      %eq3A_729 = arith.constant 1 : i32
      %eq3A_730 = arith.cmpi eq, %arg0, %eq3A_729 : i32
      %convert_element_type3A_731 = arith.extui %eq3A_730 : i1 to i32
      %cond3A_732 = arith.constant 0 : i32
      %cond3A_733 = arith.cmpi ne, %convert_element_type3A_731, %cond3A_732 : i32
      scf.if %cond3A_733 {
        %dma_wait3A_765 = arith.constant 0 : i32
        %dma_wait3A_766 = arith.constant 0 : i32
        %dma_wait3A_767 = tpu.memref_slice %arg17[%dma_wait3A_765, %dma_wait3A_766] : memref<5x16xi32, #tpu.memory_space<vmem>> -> memref<1x16xi32, #tpu.memory_space<vmem>>
        %dma_wait3A_768 = tpu.memref_squeeze %dma_wait3A_767 : memref<1x16xi32, #tpu.memory_space<vmem>> -> memref<16xi32, #tpu.memory_space<vmem>>
        %dma_wait3A_769 = arith.constant 0 : i32
        %dma_wait3A_770 = arith.constant 0 : i32
        %dma_wait3A_771 = arith.constant 0 : i32
        %dma_wait3A_772 = tpu.memref_slice %arg5[%dma_wait3A_769, %dma_wait3A_770, %dma_wait3A_771] : memref<10000x3x64xf32, #tpu.memory_space<hbm>> -> memref<10000x3x64xf32, #tpu.memory_space<hbm>>
        tpu.wait_indirect_dma semaphore(%arg25 : memref<!tpu.dma_semaphore, #tpu.memory_space<semaphore_mem>>) src(%dma_wait3A_772 : memref<10000x3x64xf32, #tpu.memory_space<hbm>>) dst(%arg12 : memref<16x3x64xf32, #tpu.memory_space<vmem>>)
      } else {
      }
      %dma_wait3A_734 = arith.constant 0 : i32
      %dma_wait3A_735 = arith.constant 0 : i32
      %dma_wait3A_736 = tpu.memref_slice %arg6[%dma_wait3A_734, %arg0, %dma_wait3A_735] : memref<320000x2x64xf32, #tpu.memory_space<hbm>> -> memref<16x1x64xf32, #tpu.memory_space<hbm>>
      %dma_wait3A_737 = tpu.memref_squeeze %dma_wait3A_736 : memref<16x1x64xf32, #tpu.memory_space<hbm>> -> memref<16x64xf32, #tpu.memory_space<hbm>>
      %dma_wait3A_738 = arith.constant 0 : i32
      %dma_wait3A_739 = arith.constant 0 : i32
      %dma_wait3A_740 = tpu.memref_slice %arg6[%dma_wait3A_738, %arg0, %dma_wait3A_739] : memref<320000x2x64xf32, #tpu.memory_space<hbm>> -> memref<16x1x64xf32, #tpu.memory_space<hbm>>
      %dma_wait3A_741 = tpu.memref_squeeze %dma_wait3A_740 : memref<16x1x64xf32, #tpu.memory_space<hbm>> -> memref<16x64xf32, #tpu.memory_space<hbm>>
      tpu.wait_dma2 semaphore(%arg25 : memref<!tpu.dma_semaphore, #tpu.memory_space<semaphore_mem>>) src(%dma_wait3A_741 : memref<16x64xf32, #tpu.memory_space<hbm>>) dst(%arg14 : memref<16x64xf32, #tpu.memory_space<vmem>>)
      %scan3A_742 = arith.constant 0 : i32
      %scan3A_743 = arith.constant 0 : i32
      %scan3A_744 = arith.constant 16 : i32
      %scan3A_745 = arith.addi %scan3A_743, %scan3A_744 : i32
      %scan3A_746 = arith.constant 1 : i32
      scf.for %scan3A_765 = %scan3A_743 to %scan3A_745 step %scan3A_746  : i32 {
        %get3A_766 = arith.index_cast %scan3A_765 : i32 to index
        %get3A_767 = arith.constant 0 : index
        %get3A_768 = tpu.vector_load %arg14[%get3A_766, %get3A_767] {strides = array<i32>} : memref<16x64xf32, #tpu.memory_space<vmem>>, vector<16xf32>,
        %get3A_769 = arith.index_cast %scan3A_765 : i32 to index
        %get3A_770 = arith.constant 16 : index
        %get3A_771 = tpu.vector_load %arg14[%get3A_769, %get3A_770] {strides = array<i32>} : memref<16x64xf32, #tpu.memory_space<vmem>>, vector<16xf32>,
        %get3A_772 = arith.index_cast %scan3A_765 : i32 to index
        %get3A_773 = arith.constant 32 : index
        %get3A_774 = tpu.vector_load %arg14[%get3A_772, %get3A_773] {strides = array<i32>} : memref<16x64xf32, #tpu.memory_space<vmem>>, vector<16xf32>,
        %get3A_775 = arith.index_cast %scan3A_765 : i32 to index
        %get3A_776 = arith.constant 48 : index
        %get3A_777 = tpu.vector_load %arg14[%get3A_775, %get3A_776] {strides = array<i32>} : memref<16x64xf32, #tpu.memory_space<vmem>>, vector<16xf32>,
        %add3A_778 = arith.constant 64 : i32
        %add3A_779 = arith.addi %add3A_778, %scan3A_765 : i32
        %broadcast_in_dim3A = vector.broadcast %add3A_779 : i32 to vector<16xi32>
        %broadcast_in_dim3A_780 = arith.constant 0 : i32
        %broadcast_in_dim3A_781 = vector.broadcast %broadcast_in_dim3A_780 : i32 to vector<16xi32>
        %gather3A = tpu.vector_load_idx %arg19[%broadcast_in_dim3A, %broadcast_in_dim3A_781] : memref<80x3xf32, #tpu.memory_space<vmem>>[vector<16xi32>, vector<16xi32>], vector<16xf32>,
        %get3A_782 = arith.constant 0 : i32
        %get3A_783 = arith.index_cast %scan3A_765 : i32 to index
        %get3A_784 = arith.index_cast %get3A_782 : i32 to index
        %get3A_785 = arith.constant 0 : index
        %get3A_786 = tpu.vector_load %arg12[%get3A_783, %get3A_784, %get3A_785] {strides = array<i32>} : memref<16x3x64xf32, #tpu.memory_space<vmem>>, vector<16xf32>,
        %add3A_787 = arith.addf %get3A_786, %gather3A : vector<16xf32>
        %mul3A_788 = arith.mulf %get3A_768, %add3A_787 : vector<16xf32>
        %swap3A_789 = arith.constant 0 : i32
        %swap3A_790 = arith.index_cast %scan3A_765 : i32 to index
        %swap3A_791 = arith.index_cast %swap3A_789 : i32 to index
        %swap3A_792 = arith.constant 0 : index
        %swap3A_793 = tpu.vector_load %arg12[%swap3A_790, %swap3A_791, %swap3A_792] {strides = array<i32>} : memref<16x3x64xf32, #tpu.memory_space<vmem>>, vector<16xf32>,
        tpu.vector_store %arg12[%swap3A_790, %swap3A_791, %swap3A_792], %mul3A_788 {strides = array<i32>} : memref<16x3x64xf32, #tpu.memory_space<vmem>>, vector<16xf32>,
        %get3A_794 = arith.constant 0 : i32
        %get3A_795 = arith.index_cast %scan3A_765 : i32 to index
        %get3A_796 = arith.index_cast %get3A_794 : i32 to index
        %get3A_797 = arith.constant 16 : index
        %get3A_798 = tpu.vector_load %arg12[%get3A_795, %get3A_796, %get3A_797] {strides = array<i32>} : memref<16x3x64xf32, #tpu.memory_space<vmem>>, vector<16xf32>,
        %add3A_799 = arith.addf %get3A_798, %gather3A : vector<16xf32>
        %mul3A_800 = arith.mulf %get3A_771, %add3A_799 : vector<16xf32>
        %swap3A_801 = arith.constant 0 : i32
        %swap3A_802 = arith.index_cast %scan3A_765 : i32 to index
        %swap3A_803 = arith.index_cast %swap3A_801 : i32 to index
        %swap3A_804 = arith.constant 16 : index
        %swap3A_805 = tpu.vector_load %arg12[%swap3A_802, %swap3A_803, %swap3A_804] {strides = array<i32>} : memref<16x3x64xf32, #tpu.memory_space<vmem>>, vector<16xf32>,
        tpu.vector_store %arg12[%swap3A_802, %swap3A_803, %swap3A_804], %mul3A_800 {strides = array<i32>} : memref<16x3x64xf32, #tpu.memory_space<vmem>>, vector<16xf32>,
        %get3A_806 = arith.constant 0 : i32
        %get3A_807 = arith.index_cast %scan3A_765 : i32 to index
        %get3A_808 = arith.index_cast %get3A_806 : i32 to index
        %get3A_809 = arith.constant 32 : index
        %get3A_810 = tpu.vector_load %arg12[%get3A_807, %get3A_808, %get3A_809] {strides = array<i32>} : memref<16x3x64xf32, #tpu.memory_space<vmem>>, vector<16xf32>,
        %add3A_811 = arith.addf %get3A_810, %gather3A : vector<16xf32>
        %mul3A_812 = arith.mulf %get3A_774, %add3A_811 : vector<16xf32>
        %swap3A_813 = arith.constant 0 : i32
        %swap3A_814 = arith.index_cast %scan3A_765 : i32 to index
        %swap3A_815 = arith.index_cast %swap3A_813 : i32 to index
        %swap3A_816 = arith.constant 32 : index
        %swap3A_817 = tpu.vector_load %arg12[%swap3A_814, %swap3A_815, %swap3A_816] {strides = array<i32>} : memref<16x3x64xf32, #tpu.memory_space<vmem>>, vector<16xf32>,
        tpu.vector_store %arg12[%swap3A_814, %swap3A_815, %swap3A_816], %mul3A_812 {strides = array<i32>} : memref<16x3x64xf32, #tpu.memory_space<vmem>>, vector<16xf32>,
        %get3A_818 = arith.constant 0 : i32
        %get3A_819 = arith.index_cast %scan3A_765 : i32 to index
        %get3A_820 = arith.index_cast %get3A_818 : i32 to index
        %get3A_821 = arith.constant 48 : index
        %get3A_822 = tpu.vector_load %arg12[%get3A_819, %get3A_820, %get3A_821] {strides = array<i32>} : memref<16x3x64xf32, #tpu.memory_space<vmem>>, vector<16xf32>,
        %add3A_823 = arith.addf %get3A_822, %gather3A : vector<16xf32>
        %mul3A_824 = arith.mulf %get3A_777, %add3A_823 : vector<16xf32>
        %swap3A_825 = arith.constant 0 : i32
        %swap3A_826 = arith.index_cast %scan3A_765 : i32 to index
        %swap3A_827 = arith.index_cast %swap3A_825 : i32 to index
        %swap3A_828 = arith.constant 48 : index
        %swap3A_829 = tpu.vector_load %arg12[%swap3A_826, %swap3A_827, %swap3A_828] {strides = array<i32>} : memref<16x3x64xf32, #tpu.memory_space<vmem>>, vector<16xf32>,
        tpu.vector_store %arg12[%swap3A_826, %swap3A_827, %swap3A_828], %mul3A_824 {strides = array<i32>} : memref<16x3x64xf32, #tpu.memory_space<vmem>>, vector<16xf32>,
        %broadcast_in_dim3A_830 = arith.constant 1 : i32
        %broadcast_in_dim3A_831 = vector.broadcast %broadcast_in_dim3A_830 : i32 to vector<16xi32>
        %gather3A_832 = tpu.vector_load_idx %arg19[%broadcast_in_dim3A, %broadcast_in_dim3A_831] : memref<80x3xf32, #tpu.memory_space<vmem>>[vector<16xi32>, vector<16xi32>], vector<16xf32>,
        %get3A_833 = arith.constant 1 : i32
        %get3A_834 = arith.index_cast %scan3A_765 : i32 to index
        %get3A_835 = arith.index_cast %get3A_833 : i32 to index
        %get3A_836 = arith.constant 0 : index
        %get3A_837 = tpu.vector_load %arg12[%get3A_834, %get3A_835, %get3A_836] {strides = array<i32>} : memref<16x3x64xf32, #tpu.memory_space<vmem>>, vector<16xf32>,
        %add3A_838 = arith.addf %get3A_837, %gather3A_832 : vector<16xf32>
        %mul3A_839 = arith.mulf %get3A_768, %add3A_838 : vector<16xf32>
        %swap3A_840 = arith.constant 1 : i32
        %swap3A_841 = arith.index_cast %scan3A_765 : i32 to index
        %swap3A_842 = arith.index_cast %swap3A_840 : i32 to index
        %swap3A_843 = arith.constant 0 : index
        %swap3A_844 = tpu.vector_load %arg12[%swap3A_841, %swap3A_842, %swap3A_843] {strides = array<i32>} : memref<16x3x64xf32, #tpu.memory_space<vmem>>, vector<16xf32>,
        tpu.vector_store %arg12[%swap3A_841, %swap3A_842, %swap3A_843], %mul3A_839 {strides = array<i32>} : memref<16x3x64xf32, #tpu.memory_space<vmem>>, vector<16xf32>,
        %get3A_845 = arith.constant 1 : i32
        %get3A_846 = arith.index_cast %scan3A_765 : i32 to index
        %get3A_847 = arith.index_cast %get3A_845 : i32 to index
        %get3A_848 = arith.constant 16 : index
        %get3A_849 = tpu.vector_load %arg12[%get3A_846, %get3A_847, %get3A_848] {strides = array<i32>} : memref<16x3x64xf32, #tpu.memory_space<vmem>>, vector<16xf32>,
        %add3A_850 = arith.addf %get3A_849, %gather3A_832 : vector<16xf32>
        %mul3A_851 = arith.mulf %get3A_771, %add3A_850 : vector<16xf32>
        %swap3A_852 = arith.constant 1 : i32
        %swap3A_853 = arith.index_cast %scan3A_765 : i32 to index
        %swap3A_854 = arith.index_cast %swap3A_852 : i32 to index
        %swap3A_855 = arith.constant 16 : index
        %swap3A_856 = tpu.vector_load %arg12[%swap3A_853, %swap3A_854, %swap3A_855] {strides = array<i32>} : memref<16x3x64xf32, #tpu.memory_space<vmem>>, vector<16xf32>,
        tpu.vector_store %arg12[%swap3A_853, %swap3A_854, %swap3A_855], %mul3A_851 {strides = array<i32>} : memref<16x3x64xf32, #tpu.memory_space<vmem>>, vector<16xf32>,
        %get3A_857 = arith.constant 1 : i32
        %get3A_858 = arith.index_cast %scan3A_765 : i32 to index
        %get3A_859 = arith.index_cast %get3A_857 : i32 to index
        %get3A_860 = arith.constant 32 : index
        %get3A_861 = tpu.vector_load %arg12[%get3A_858, %get3A_859, %get3A_860] {strides = array<i32>} : memref<16x3x64xf32, #tpu.memory_space<vmem>>, vector<16xf32>,
        %add3A_862 = arith.addf %get3A_861, %gather3A_832 : vector<16xf32>
        %mul3A_863 = arith.mulf %get3A_774, %add3A_862 : vector<16xf32>
        %swap3A_864 = arith.constant 1 : i32
        %swap3A_865 = arith.index_cast %scan3A_765 : i32 to index
        %swap3A_866 = arith.index_cast %swap3A_864 : i32 to index
        %swap3A_867 = arith.constant 32 : index
        %swap3A_868 = tpu.vector_load %arg12[%swap3A_865, %swap3A_866, %swap3A_867] {strides = array<i32>} : memref<16x3x64xf32, #tpu.memory_space<vmem>>, vector<16xf32>,
        tpu.vector_store %arg12[%swap3A_865, %swap3A_866, %swap3A_867], %mul3A_863 {strides = array<i32>} : memref<16x3x64xf32, #tpu.memory_space<vmem>>, vector<16xf32>,
        %get3A_869 = arith.constant 1 : i32
        %get3A_870 = arith.index_cast %scan3A_765 : i32 to index
        %get3A_871 = arith.index_cast %get3A_869 : i32 to index
        %get3A_872 = arith.constant 48 : index
        %get3A_873 = tpu.vector_load %arg12[%get3A_870, %get3A_871, %get3A_872] {strides = array<i32>} : memref<16x3x64xf32, #tpu.memory_space<vmem>>, vector<16xf32>,
        %add3A_874 = arith.addf %get3A_873, %gather3A_832 : vector<16xf32>
        %mul3A_875 = arith.mulf %get3A_777, %add3A_874 : vector<16xf32>
        %swap3A_876 = arith.constant 1 : i32
        %swap3A_877 = arith.index_cast %scan3A_765 : i32 to index
        %swap3A_878 = arith.index_cast %swap3A_876 : i32 to index
        %swap3A_879 = arith.constant 48 : index
        %swap3A_880 = tpu.vector_load %arg12[%swap3A_877, %swap3A_878, %swap3A_879] {strides = array<i32>} : memref<16x3x64xf32, #tpu.memory_space<vmem>>, vector<16xf32>,
        tpu.vector_store %arg12[%swap3A_877, %swap3A_878, %swap3A_879], %mul3A_875 {strides = array<i32>} : memref<16x3x64xf32, #tpu.memory_space<vmem>>, vector<16xf32>,
        %broadcast_in_dim3A_881 = arith.constant 2 : i32
        %broadcast_in_dim3A_882 = vector.broadcast %broadcast_in_dim3A_881 : i32 to vector<16xi32>
        %gather3A_883 = tpu.vector_load_idx %arg19[%broadcast_in_dim3A, %broadcast_in_dim3A_882] : memref<80x3xf32, #tpu.memory_space<vmem>>[vector<16xi32>, vector<16xi32>], vector<16xf32>,
        %get3A_884 = arith.constant 2 : i32
        %get3A_885 = arith.index_cast %scan3A_765 : i32 to index
        %get3A_886 = arith.index_cast %get3A_884 : i32 to index
        %get3A_887 = arith.constant 0 : index
        %get3A_888 = tpu.vector_load %arg12[%get3A_885, %get3A_886, %get3A_887] {strides = array<i32>} : memref<16x3x64xf32, #tpu.memory_space<vmem>>, vector<16xf32>,
        %add3A_889 = arith.addf %get3A_888, %gather3A_883 : vector<16xf32>
        %mul3A_890 = arith.mulf %get3A_768, %add3A_889 : vector<16xf32>
        %swap3A_891 = arith.constant 2 : i32
        %swap3A_892 = arith.index_cast %scan3A_765 : i32 to index
        %swap3A_893 = arith.index_cast %swap3A_891 : i32 to index
        %swap3A_894 = arith.constant 0 : index
        %swap3A_895 = tpu.vector_load %arg12[%swap3A_892, %swap3A_893, %swap3A_894] {strides = array<i32>} : memref<16x3x64xf32, #tpu.memory_space<vmem>>, vector<16xf32>,
        tpu.vector_store %arg12[%swap3A_892, %swap3A_893, %swap3A_894], %mul3A_890 {strides = array<i32>} : memref<16x3x64xf32, #tpu.memory_space<vmem>>, vector<16xf32>,
        %get3A_896 = arith.constant 2 : i32
        %get3A_897 = arith.index_cast %scan3A_765 : i32 to index
        %get3A_898 = arith.index_cast %get3A_896 : i32 to index
        %get3A_899 = arith.constant 16 : index
        %get3A_900 = tpu.vector_load %arg12[%get3A_897, %get3A_898, %get3A_899] {strides = array<i32>} : memref<16x3x64xf32, #tpu.memory_space<vmem>>, vector<16xf32>,
        %add3A_901 = arith.addf %get3A_900, %gather3A_883 : vector<16xf32>
        %mul3A_902 = arith.mulf %get3A_771, %add3A_901 : vector<16xf32>
        %swap3A_903 = arith.constant 2 : i32
        %swap3A_904 = arith.index_cast %scan3A_765 : i32 to index
        %swap3A_905 = arith.index_cast %swap3A_903 : i32 to index
        %swap3A_906 = arith.constant 16 : index
        %swap3A_907 = tpu.vector_load %arg12[%swap3A_904, %swap3A_905, %swap3A_906] {strides = array<i32>} : memref<16x3x64xf32, #tpu.memory_space<vmem>>, vector<16xf32>,
        tpu.vector_store %arg12[%swap3A_904, %swap3A_905, %swap3A_906], %mul3A_902 {strides = array<i32>} : memref<16x3x64xf32, #tpu.memory_space<vmem>>, vector<16xf32>,
        %get3A_908 = arith.constant 2 : i32
        %get3A_909 = arith.index_cast %scan3A_765 : i32 to index
        %get3A_910 = arith.index_cast %get3A_908 : i32 to index
        %get3A_911 = arith.constant 32 : index
        %get3A_912 = tpu.vector_load %arg12[%get3A_909, %get3A_910, %get3A_911] {strides = array<i32>} : memref<16x3x64xf32, #tpu.memory_space<vmem>>, vector<16xf32>,
        %add3A_913 = arith.addf %get3A_912, %gather3A_883 : vector<16xf32>
        %mul3A_914 = arith.mulf %get3A_774, %add3A_913 : vector<16xf32>
        %swap3A_915 = arith.constant 2 : i32
        %swap3A_916 = arith.index_cast %scan3A_765 : i32 to index
        %swap3A_917 = arith.index_cast %swap3A_915 : i32 to index
        %swap3A_918 = arith.constant 32 : index
        %swap3A_919 = tpu.vector_load %arg12[%swap3A_916, %swap3A_917, %swap3A_918] {strides = array<i32>} : memref<16x3x64xf32, #tpu.memory_space<vmem>>, vector<16xf32>,
        tpu.vector_store %arg12[%swap3A_916, %swap3A_917, %swap3A_918], %mul3A_914 {strides = array<i32>} : memref<16x3x64xf32, #tpu.memory_space<vmem>>, vector<16xf32>,
        %get3A_920 = arith.constant 2 : i32
        %get3A_921 = arith.index_cast %scan3A_765 : i32 to index
        %get3A_922 = arith.index_cast %get3A_920 : i32 to index
        %get3A_923 = arith.constant 48 : index
        %get3A_924 = tpu.vector_load %arg12[%get3A_921, %get3A_922, %get3A_923] {strides = array<i32>} : memref<16x3x64xf32, #tpu.memory_space<vmem>>, vector<16xf32>,
        %add3A_925 = arith.addf %get3A_924, %gather3A_883 : vector<16xf32>
        %mul3A_926 = arith.mulf %get3A_777, %add3A_925 : vector<16xf32>
        %swap3A_927 = arith.constant 2 : i32
        %swap3A_928 = arith.index_cast %scan3A_765 : i32 to index
        %swap3A_929 = arith.index_cast %swap3A_927 : i32 to index
        %swap3A_930 = arith.constant 48 : index
        %swap3A_931 = tpu.vector_load %arg12[%swap3A_928, %swap3A_929, %swap3A_930] {strides = array<i32>} : memref<16x3x64xf32, #tpu.memory_space<vmem>>, vector<16xf32>,
        tpu.vector_store %arg12[%swap3A_928, %swap3A_929, %swap3A_930], %mul3A_926 {strides = array<i32>} : memref<16x3x64xf32, #tpu.memory_space<vmem>>, vector<16xf32>,
      }
      %scan3A_747 = arith.constant 16 : i32
      %get3A_748 = arith.constant 4 : i32
      %get3A_749 = arith.index_cast %get3A_748 : i32 to index
      %get3A_750 = arith.constant 0 : index
      %get3A_751 = tpu.vector_load %arg16[%get3A_749, %get3A_750] {strides = array<i32>} : memref<5x16xi32, #tpu.memory_space<vmem>>, vector<16xi32>,
      %swap3A_752 = arith.constant 0 : index
      %swap3A_753 = tpu.vector_load %arg21[%swap3A_752] {strides = array<i32>} : memref<16xi32, #tpu.memory_space<vmem>>, vector<16xi32>,
      tpu.vector_store %arg21[%swap3A_752], %get3A_751 {strides = array<i32>} : memref<16xi32, #tpu.memory_space<vmem>>, vector<16xi32>,
      %dma_start3A_754 = arith.constant 0 : i32
      %dma_start3A_755 = arith.constant 0 : i32
      %dma_start3A_756 = arith.constant 0 : i32
      %dma_start3A_757 = tpu.memref_slice %arg10[%dma_start3A_754, %dma_start3A_755, %dma_start3A_756] : memref<10000x3x64xf32, #tpu.memory_space<vmem_shared>> -> memref<10000x3x64xf32, #tpu.memory_space<vmem_shared>>
      tpu.enqueue_indirect_dma source(%arg12 : memref<16x3x64xf32, #tpu.memory_space<vmem>>) target(%dma_start3A_757 : memref<10000x3x64xf32, #tpu.memory_space<vmem_shared>>) offsets(%arg21 : memref<16xi32, #tpu.memory_space<vmem>>) semaphore(%arg27 : memref<!tpu.dma_semaphore, #tpu.memory_space<semaphore_mem>>) {add = true}
      %add3A_758 = arith.constant 2 : i32
      %add3A_759 = arith.addi %add3A_436, %add3A_758 : i32
      %le3A_760 = arith.constant 249 : i32
      %le3A_761 = arith.cmpi sle, %add3A_759, %le3A_760 : i32
      %convert_element_type3A_762 = arith.extui %le3A_761 : i1 to i32
      %cond3A_763 = arith.constant 0 : i32
      %cond3A_764 = arith.cmpi ne, %convert_element_type3A_762, %cond3A_763 : i32
      scf.if %cond3A_764 {
        %add3A_765 = arith.constant 2 : i32
        %add3A_766 = arith.addi %add3A_436, %add3A_765 : i32
        %mul3A_767 = arith.constant 250 : i32
        %mul3A_768 = arith.muli %arg1, %mul3A_767 : i32
        %add3A_769 = arith.addi %mul3A_768, %add3A_766 : i32
        %dma_start3A_770 = arith.constant 0 : i32
        %dma_start3A_771 = arith.constant 0 : i32
        %dma_start3A_772 = tpu.memref_slice %arg2[%add3A_769, %dma_start3A_770, %dma_start3A_771] : memref<4000x5x16xi32, #tpu.memory_space<hbm>> -> memref<1x5x16xi32, #tpu.memory_space<hbm>>
        %dma_start3A_773 = tpu.memref_squeeze %dma_start3A_772 : memref<1x5x16xi32, #tpu.memory_space<hbm>> -> memref<5x16xi32, #tpu.memory_space<hbm>>
        %dma_start3A_774 = arith.constant 0 : i32
        %dma_start3A_775 = arith.constant 0 : i32
        %dma_start3A_776 = tpu.memref_slice %arg2[%add3A_769, %dma_start3A_774, %dma_start3A_775] : memref<4000x5x16xi32, #tpu.memory_space<hbm>> -> memref<1x5x16xi32, #tpu.memory_space<hbm>>
        %dma_start3A_777 = tpu.memref_squeeze %dma_start3A_776 : memref<1x5x16xi32, #tpu.memory_space<hbm>> -> memref<5x16xi32, #tpu.memory_space<hbm>>
        tpu.enqueue_dma source(%dma_start3A_777 : memref<5x16xi32, #tpu.memory_space<hbm>>) target(%arg16 : memref<5x16xi32, #tpu.memory_space<vmem>>) target_semaphore(%arg23 : memref<!tpu.dma_semaphore, #tpu.memory_space<semaphore_mem>>)
        %dma_start3A_778 = arith.constant 0 : i32
        %dma_start3A_779 = arith.constant 0 : i32
        %dma_start3A_780 = tpu.memref_slice %arg3[%add3A_769, %dma_start3A_778, %dma_start3A_779] : memref<4000x5x16xi32, #tpu.memory_space<hbm>> -> memref<1x5x16xi32, #tpu.memory_space<hbm>>
        %dma_start3A_781 = tpu.memref_squeeze %dma_start3A_780 : memref<1x5x16xi32, #tpu.memory_space<hbm>> -> memref<5x16xi32, #tpu.memory_space<hbm>>
        %dma_start3A_782 = arith.constant 0 : i32
        %dma_start3A_783 = arith.constant 0 : i32
        %dma_start3A_784 = tpu.memref_slice %arg3[%add3A_769, %dma_start3A_782, %dma_start3A_783] : memref<4000x5x16xi32, #tpu.memory_space<hbm>> -> memref<1x5x16xi32, #tpu.memory_space<hbm>>
        %dma_start3A_785 = tpu.memref_squeeze %dma_start3A_784 : memref<1x5x16xi32, #tpu.memory_space<hbm>> -> memref<5x16xi32, #tpu.memory_space<hbm>>
        tpu.enqueue_dma source(%dma_start3A_785 : memref<5x16xi32, #tpu.memory_space<hbm>>) target(%arg18 : memref<5x16xi32, #tpu.memory_space<vmem>>) target_semaphore(%arg23 : memref<!tpu.dma_semaphore, #tpu.memory_space<semaphore_mem>>)
      } else {
      }
    }
    %scan3A_95 = arith.constant 125 : i32
    %dma_wait3A_96 = arith.constant 0 : i32
    %dma_wait3A_97 = arith.constant 0 : i32
    %dma_wait3A_98 = arith.constant 0 : i32
    %dma_wait3A_99 = tpu.memref_slice %arg10[%dma_wait3A_96, %dma_wait3A_97, %dma_wait3A_98] : memref<10000x3x64xf32, #tpu.memory_space<vmem_shared>> -> memref<10000x3x64xf32, #tpu.memory_space<vmem_shared>>
    tpu.wait_indirect_dma semaphore(%arg27 : memref<!tpu.dma_semaphore, #tpu.memory_space<semaphore_mem>>) src(%arg12 : memref<16x3x64xf32, #tpu.memory_space<vmem>>) dst(%dma_wait3A_99 : memref<10000x3x64xf32, #tpu.memory_space<vmem_shared>>)
    %barrier3A_100 = arith.constant 0 : index
    tpu.barrier barrier_id(%barrier3A_100)
    %scan3A_101 = arith.constant 0 : i32
    %scan3A_102 = arith.constant 0 : i32
    %scan3A_103 = arith.constant 125 : i32
    %scan3A_104 = arith.addi %scan3A_102, %scan3A_103 : i32
    %scan3A_105 = arith.constant 1 : i32
    scf.for %scan3A_107 = %scan3A_102 to %scan3A_104 step %scan3A_105  : i32 {
      %mul3A_108 = arith.constant 625 : i32
      %mul3A_109 = arith.muli %arg1, %mul3A_108 : i32
      %mul3A_110 = arith.constant 5 : i32
      %mul3A_111 = arith.muli %scan3A_107, %mul3A_110 : i32
      %add3A_112 = arith.addi %mul3A_109, %mul3A_111 : i32
      "tpu.region"() ({
        %run_scoped3A = tpu.sem_alloc : memref<!tpu.dma_semaphore, #tpu.memory_space<semaphore_mem>>
        %dma_start3A_119 = arith.constant 0 : i32
        %dma_start3A_120 = arith.constant 0 : i32
        %dma_start3A_121 = arith.constant 0 : i32
        %dma_start3A_122 = tpu.memref_slice %arg11[%dma_start3A_119, %dma_start3A_120, %dma_start3A_121] : memref<16x3x64xf32, #tpu.memory_space<vmem>> -> memref<5x3x64xf32, #tpu.memory_space<vmem>>
        %dma_start3A_123 = arith.constant 0 : i32
        %dma_start3A_124 = arith.constant 0 : i32
        %dma_start3A_125 = tpu.memref_slice %arg10[%add3A_112, %dma_start3A_123, %dma_start3A_124] : memref<10000x3x64xf32, #tpu.memory_space<vmem_shared>> -> memref<5x3x64xf32, #tpu.memory_space<vmem_shared>>
        %dma_start3A_126 = arith.constant 0 : i32
        %dma_start3A_127 = arith.constant 0 : i32
        %dma_start3A_128 = arith.constant 0 : i32
        %dma_start3A_129 = tpu.memref_slice %arg11[%dma_start3A_126, %dma_start3A_127, %dma_start3A_128] : memref<16x3x64xf32, #tpu.memory_space<vmem>> -> memref<5x3x64xf32, #tpu.memory_space<vmem>>
        %dma_start3A_130 = arith.constant 0 : i32
        %dma_start3A_131 = arith.constant 0 : i32
        %dma_start3A_132 = tpu.memref_slice %arg10[%add3A_112, %dma_start3A_130, %dma_start3A_131] : memref<10000x3x64xf32, #tpu.memory_space<vmem_shared>> -> memref<5x3x64xf32, #tpu.memory_space<vmem_shared>>
        tpu.enqueue_dma source(%dma_start3A_132 : memref<5x3x64xf32, #tpu.memory_space<vmem_shared>>) target(%dma_start3A_129 : memref<5x3x64xf32, #tpu.memory_space<vmem>>) target_semaphore(%run_scoped3A : memref<!tpu.dma_semaphore, #tpu.memory_space<semaphore_mem>>)
        %dma_wait3A_133 = arith.constant 0 : i32
        %dma_wait3A_134 = arith.constant 0 : i32
        %dma_wait3A_135 = arith.constant 0 : i32
        %dma_wait3A_136 = tpu.memref_slice %arg11[%dma_wait3A_133, %dma_wait3A_134, %dma_wait3A_135] : memref<16x3x64xf32, #tpu.memory_space<vmem>> -> memref<5x3x64xf32, #tpu.memory_space<vmem>>
        %dma_wait3A_137 = arith.constant 0 : i32
        %dma_wait3A_138 = arith.constant 0 : i32
        %dma_wait3A_139 = tpu.memref_slice %arg10[%add3A_112, %dma_wait3A_137, %dma_wait3A_138] : memref<10000x3x64xf32, #tpu.memory_space<vmem_shared>> -> memref<5x3x64xf32, #tpu.memory_space<vmem_shared>>
        %dma_wait3A_140 = arith.constant 0 : i32
        %dma_wait3A_141 = arith.constant 0 : i32
        %dma_wait3A_142 = arith.constant 0 : i32
        %dma_wait3A_143 = tpu.memref_slice %arg11[%dma_wait3A_140, %dma_wait3A_141, %dma_wait3A_142] : memref<16x3x64xf32, #tpu.memory_space<vmem>> -> memref<5x3x64xf32, #tpu.memory_space<vmem>>
        %dma_wait3A_144 = arith.constant 0 : i32
        %dma_wait3A_145 = arith.constant 0 : i32
        %dma_wait3A_146 = tpu.memref_slice %arg10[%add3A_112, %dma_wait3A_144, %dma_wait3A_145] : memref<10000x3x64xf32, #tpu.memory_space<vmem_shared>> -> memref<5x3x64xf32, #tpu.memory_space<vmem_shared>>
        tpu.wait_dma2 semaphore(%run_scoped3A : memref<!tpu.dma_semaphore, #tpu.memory_space<semaphore_mem>>) src(%dma_wait3A_146 : memref<5x3x64xf32, #tpu.memory_space<vmem_shared>>) dst(%dma_wait3A_143 : memref<5x3x64xf32, #tpu.memory_space<vmem>>)
        tpu.yield
      }) : () -> ()
      "tpu.region"() ({
        %run_scoped3A = tpu.sem_alloc : memref<!tpu.dma_semaphore, #tpu.memory_space<semaphore_mem>>
        %dma_start3A_119 = arith.constant 0 : i32
        %dma_start3A_120 = arith.constant 0 : i32
        %dma_start3A_121 = arith.constant 0 : i32
        %dma_start3A_122 = tpu.memref_slice %arg11[%dma_start3A_119, %dma_start3A_120, %dma_start3A_121] : memref<16x3x64xf32, #tpu.memory_space<vmem>> -> memref<5x3x64xf32, #tpu.memory_space<vmem>>
        %dma_start3A_123 = arith.constant 0 : i32
        %dma_start3A_124 = arith.constant 0 : i32
        %dma_start3A_125 = tpu.memref_slice %arg8[%arg0, %add3A_112, %dma_start3A_123, %dma_start3A_124] : memref<2x10000x3x64xf32, #tpu.memory_space<hbm>> -> memref<1x5x3x64xf32, #tpu.memory_space<hbm>>
        %dma_start3A_126 = tpu.memref_squeeze %dma_start3A_125 : memref<1x5x3x64xf32, #tpu.memory_space<hbm>> -> memref<5x3x64xf32, #tpu.memory_space<hbm>>
        %dma_start3A_127 = arith.constant 0 : i32
        %dma_start3A_128 = arith.constant 0 : i32
        %dma_start3A_129 = tpu.memref_slice %arg8[%arg0, %add3A_112, %dma_start3A_127, %dma_start3A_128] : memref<2x10000x3x64xf32, #tpu.memory_space<hbm>> -> memref<1x5x3x64xf32, #tpu.memory_space<hbm>>
        %dma_start3A_130 = tpu.memref_squeeze %dma_start3A_129 : memref<1x5x3x64xf32, #tpu.memory_space<hbm>> -> memref<5x3x64xf32, #tpu.memory_space<hbm>>
        %dma_start3A_131 = arith.constant 0 : i32
        %dma_start3A_132 = arith.constant 0 : i32
        %dma_start3A_133 = arith.constant 0 : i32
        %dma_start3A_134 = tpu.memref_slice %arg11[%dma_start3A_131, %dma_start3A_132, %dma_start3A_133] : memref<16x3x64xf32, #tpu.memory_space<vmem>> -> memref<5x3x64xf32, #tpu.memory_space<vmem>>
        tpu.enqueue_dma source(%dma_start3A_134 : memref<5x3x64xf32, #tpu.memory_space<vmem>>) target(%dma_start3A_130 : memref<5x3x64xf32, #tpu.memory_space<hbm>>) target_semaphore(%run_scoped3A : memref<!tpu.dma_semaphore, #tpu.memory_space<semaphore_mem>>)
        %dma_wait3A_135 = arith.constant 0 : i32
        %dma_wait3A_136 = arith.constant 0 : i32
        %dma_wait3A_137 = arith.constant 0 : i32
        %dma_wait3A_138 = tpu.memref_slice %arg11[%dma_wait3A_135, %dma_wait3A_136, %dma_wait3A_137] : memref<16x3x64xf32, #tpu.memory_space<vmem>> -> memref<5x3x64xf32, #tpu.memory_space<vmem>>
        %dma_wait3A_139 = arith.constant 0 : i32
        %dma_wait3A_140 = arith.constant 0 : i32
        %dma_wait3A_141 = tpu.memref_slice %arg8[%arg0, %add3A_112, %dma_wait3A_139, %dma_wait3A_140] : memref<2x10000x3x64xf32, #tpu.memory_space<hbm>> -> memref<1x5x3x64xf32, #tpu.memory_space<hbm>>
        %dma_wait3A_142 = tpu.memref_squeeze %dma_wait3A_141 : memref<1x5x3x64xf32, #tpu.memory_space<hbm>> -> memref<5x3x64xf32, #tpu.memory_space<hbm>>
        %dma_wait3A_143 = arith.constant 0 : i32
        %dma_wait3A_144 = arith.constant 0 : i32
        %dma_wait3A_145 = tpu.memref_slice %arg8[%arg0, %add3A_112, %dma_wait3A_143, %dma_wait3A_144] : memref<2x10000x3x64xf32, #tpu.memory_space<hbm>> -> memref<1x5x3x64xf32, #tpu.memory_space<hbm>>
        %dma_wait3A_146 = tpu.memref_squeeze %dma_wait3A_145 : memref<1x5x3x64xf32, #tpu.memory_space<hbm>> -> memref<5x3x64xf32, #tpu.memory_space<hbm>>
        %dma_wait3A_147 = arith.constant 0 : i32
        %dma_wait3A_148 = arith.constant 0 : i32
        %dma_wait3A_149 = arith.constant 0 : i32
        %dma_wait3A_150 = tpu.memref_slice %arg11[%dma_wait3A_147, %dma_wait3A_148, %dma_wait3A_149] : memref<16x3x64xf32, #tpu.memory_space<vmem>> -> memref<5x3x64xf32, #tpu.memory_space<vmem>>
        tpu.wait_dma2 semaphore(%run_scoped3A : memref<!tpu.dma_semaphore, #tpu.memory_space<semaphore_mem>>) src(%dma_wait3A_150 : memref<5x3x64xf32, #tpu.memory_space<vmem>>) dst(%dma_wait3A_146 : memref<5x3x64xf32, #tpu.memory_space<hbm>>)
        tpu.yield
      }) : () -> ()
      %scan3A_113 = arith.constant 0 : i32
      %scan3A_114 = arith.constant 0 : i32
      %scan3A_115 = arith.constant 5 : i32
      %scan3A_116 = arith.addi %scan3A_114, %scan3A_115 : i32
      %scan3A_117 = arith.constant 1 : i32
      scf.for %scan3A_119 = %scan3A_114 to %scan3A_116 step %scan3A_117  : i32 {
        %get3A = arith.constant 0 : i32
        %get3A_120 = arith.index_cast %scan3A_119 : i32 to index
        %get3A_121 = arith.index_cast %get3A : i32 to index
        %get3A_122 = arith.constant 0 : index
        %get3A_123 = tpu.vector_load %arg11[%get3A_120, %get3A_121, %get3A_122] {strides = array<i32>} : memref<16x3x64xf32, #tpu.memory_space<vmem>>, vector<16xf32>,
        %get3A_124 = arith.constant 1 : i32
        %get3A_125 = arith.index_cast %scan3A_119 : i32 to index
        %get3A_126 = arith.index_cast %get3A_124 : i32 to index
        %get3A_127 = arith.constant 0 : index
        %get3A_128 = tpu.vector_load %arg11[%get3A_125, %get3A_126, %get3A_127] {strides = array<i32>} : memref<16x3x64xf32, #tpu.memory_space<vmem>>, vector<16xf32>,
        %get3A_129 = arith.constant 2 : i32
        %get3A_130 = arith.index_cast %scan3A_119 : i32 to index
        %get3A_131 = arith.index_cast %get3A_129 : i32 to index
        %get3A_132 = arith.constant 0 : index
        %get3A_133 = tpu.vector_load %arg11[%get3A_130, %get3A_131, %get3A_132] {strides = array<i32>} : memref<16x3x64xf32, #tpu.memory_space<vmem>>, vector<16xf32>,
        %mul3A_134 = arith.mulf %get3A_123, %get3A_123 : vector<16xf32>
        %mul3A_135 = arith.mulf %get3A_128, %get3A_128 : vector<16xf32>
        %add3A_136 = arith.addf %mul3A_134, %mul3A_135 : vector<16xf32>
        %mul3A_137 = arith.mulf %get3A_133, %get3A_133 : vector<16xf32>
        %add3A_138 = arith.addf %add3A_136, %mul3A_137 : vector<16xf32>
        %swap3A = arith.index_cast %scan3A_119 : i32 to index
        %swap3A_139 = arith.constant 0 : index
        %swap3A_140 = tpu.vector_load %arg13[%swap3A, %swap3A_139] {strides = array<i32>} : memref<16x64xf32, #tpu.memory_space<vmem>>, vector<16xf32>,
        tpu.vector_store %arg13[%swap3A, %swap3A_139], %add3A_138 {strides = array<i32>} : memref<16x64xf32, #tpu.memory_space<vmem>>, vector<16xf32>,
        %get3A_141 = arith.constant 0 : i32
        %get3A_142 = arith.index_cast %scan3A_119 : i32 to index
        %get3A_143 = arith.index_cast %get3A_141 : i32 to index
        %get3A_144 = arith.constant 16 : index
        %get3A_145 = tpu.vector_load %arg11[%get3A_142, %get3A_143, %get3A_144] {strides = array<i32>} : memref<16x3x64xf32, #tpu.memory_space<vmem>>, vector<16xf32>,
        %get3A_146 = arith.constant 1 : i32
        %get3A_147 = arith.index_cast %scan3A_119 : i32 to index
        %get3A_148 = arith.index_cast %get3A_146 : i32 to index
        %get3A_149 = arith.constant 16 : index
        %get3A_150 = tpu.vector_load %arg11[%get3A_147, %get3A_148, %get3A_149] {strides = array<i32>} : memref<16x3x64xf32, #tpu.memory_space<vmem>>, vector<16xf32>,
        %get3A_151 = arith.constant 2 : i32
        %get3A_152 = arith.index_cast %scan3A_119 : i32 to index
        %get3A_153 = arith.index_cast %get3A_151 : i32 to index
        %get3A_154 = arith.constant 16 : index
        %get3A_155 = tpu.vector_load %arg11[%get3A_152, %get3A_153, %get3A_154] {strides = array<i32>} : memref<16x3x64xf32, #tpu.memory_space<vmem>>, vector<16xf32>,
        %mul3A_156 = arith.mulf %get3A_145, %get3A_145 : vector<16xf32>
        %mul3A_157 = arith.mulf %get3A_150, %get3A_150 : vector<16xf32>
        %add3A_158 = arith.addf %mul3A_156, %mul3A_157 : vector<16xf32>
        %mul3A_159 = arith.mulf %get3A_155, %get3A_155 : vector<16xf32>
        %add3A_160 = arith.addf %add3A_158, %mul3A_159 : vector<16xf32>
        %swap3A_161 = arith.index_cast %scan3A_119 : i32 to index
        %swap3A_162 = arith.constant 16 : index
        %swap3A_163 = tpu.vector_load %arg13[%swap3A_161, %swap3A_162] {strides = array<i32>} : memref<16x64xf32, #tpu.memory_space<vmem>>, vector<16xf32>,
        tpu.vector_store %arg13[%swap3A_161, %swap3A_162], %add3A_160 {strides = array<i32>} : memref<16x64xf32, #tpu.memory_space<vmem>>, vector<16xf32>,
        %get3A_164 = arith.constant 0 : i32
        %get3A_165 = arith.index_cast %scan3A_119 : i32 to index
        %get3A_166 = arith.index_cast %get3A_164 : i32 to index
        %get3A_167 = arith.constant 32 : index
        %get3A_168 = tpu.vector_load %arg11[%get3A_165, %get3A_166, %get3A_167] {strides = array<i32>} : memref<16x3x64xf32, #tpu.memory_space<vmem>>, vector<16xf32>,
        %get3A_169 = arith.constant 1 : i32
        %get3A_170 = arith.index_cast %scan3A_119 : i32 to index
        %get3A_171 = arith.index_cast %get3A_169 : i32 to index
        %get3A_172 = arith.constant 32 : index
        %get3A_173 = tpu.vector_load %arg11[%get3A_170, %get3A_171, %get3A_172] {strides = array<i32>} : memref<16x3x64xf32, #tpu.memory_space<vmem>>, vector<16xf32>,
        %get3A_174 = arith.constant 2 : i32
        %get3A_175 = arith.index_cast %scan3A_119 : i32 to index
        %get3A_176 = arith.index_cast %get3A_174 : i32 to index
        %get3A_177 = arith.constant 32 : index
        %get3A_178 = tpu.vector_load %arg11[%get3A_175, %get3A_176, %get3A_177] {strides = array<i32>} : memref<16x3x64xf32, #tpu.memory_space<vmem>>, vector<16xf32>,
        %mul3A_179 = arith.mulf %get3A_168, %get3A_168 : vector<16xf32>
        %mul3A_180 = arith.mulf %get3A_173, %get3A_173 : vector<16xf32>
        %add3A_181 = arith.addf %mul3A_179, %mul3A_180 : vector<16xf32>
        %mul3A_182 = arith.mulf %get3A_178, %get3A_178 : vector<16xf32>
        %add3A_183 = arith.addf %add3A_181, %mul3A_182 : vector<16xf32>
        %swap3A_184 = arith.index_cast %scan3A_119 : i32 to index
        %swap3A_185 = arith.constant 32 : index
        %swap3A_186 = tpu.vector_load %arg13[%swap3A_184, %swap3A_185] {strides = array<i32>} : memref<16x64xf32, #tpu.memory_space<vmem>>, vector<16xf32>,
        tpu.vector_store %arg13[%swap3A_184, %swap3A_185], %add3A_183 {strides = array<i32>} : memref<16x64xf32, #tpu.memory_space<vmem>>, vector<16xf32>,
        %get3A_187 = arith.constant 0 : i32
        %get3A_188 = arith.index_cast %scan3A_119 : i32 to index
        %get3A_189 = arith.index_cast %get3A_187 : i32 to index
        %get3A_190 = arith.constant 48 : index
        %get3A_191 = tpu.vector_load %arg11[%get3A_188, %get3A_189, %get3A_190] {strides = array<i32>} : memref<16x3x64xf32, #tpu.memory_space<vmem>>, vector<16xf32>,
        %get3A_192 = arith.constant 1 : i32
        %get3A_193 = arith.index_cast %scan3A_119 : i32 to index
        %get3A_194 = arith.index_cast %get3A_192 : i32 to index
        %get3A_195 = arith.constant 48 : index
        %get3A_196 = tpu.vector_load %arg11[%get3A_193, %get3A_194, %get3A_195] {strides = array<i32>} : memref<16x3x64xf32, #tpu.memory_space<vmem>>, vector<16xf32>,
        %get3A_197 = arith.constant 2 : i32
        %get3A_198 = arith.index_cast %scan3A_119 : i32 to index
        %get3A_199 = arith.index_cast %get3A_197 : i32 to index
        %get3A_200 = arith.constant 48 : index
        %get3A_201 = tpu.vector_load %arg11[%get3A_198, %get3A_199, %get3A_200] {strides = array<i32>} : memref<16x3x64xf32, #tpu.memory_space<vmem>>, vector<16xf32>,
        %mul3A_202 = arith.mulf %get3A_191, %get3A_191 : vector<16xf32>
        %mul3A_203 = arith.mulf %get3A_196, %get3A_196 : vector<16xf32>
        %add3A_204 = arith.addf %mul3A_202, %mul3A_203 : vector<16xf32>
        %mul3A_205 = arith.mulf %get3A_201, %get3A_201 : vector<16xf32>
        %add3A_206 = arith.addf %add3A_204, %mul3A_205 : vector<16xf32>
        %swap3A_207 = arith.index_cast %scan3A_119 : i32 to index
        %swap3A_208 = arith.constant 48 : index
        %swap3A_209 = tpu.vector_load %arg13[%swap3A_207, %swap3A_208] {strides = array<i32>} : memref<16x64xf32, #tpu.memory_space<vmem>>, vector<16xf32>,
        tpu.vector_store %arg13[%swap3A_207, %swap3A_208], %add3A_206 {strides = array<i32>} : memref<16x64xf32, #tpu.memory_space<vmem>>, vector<16xf32>,
      }
      %scan3A_118 = arith.constant 5 : i32
      "tpu.region"() ({
        %run_scoped3A = tpu.sem_alloc : memref<!tpu.dma_semaphore, #tpu.memory_space<semaphore_mem>>
        %dma_start3A_119 = arith.constant 0 : i32
        %dma_start3A_120 = arith.constant 0 : i32
        %dma_start3A_121 = tpu.memref_slice %arg13[%dma_start3A_119, %dma_start3A_120] : memref<16x64xf32, #tpu.memory_space<vmem>> -> memref<5x64xf32, #tpu.memory_space<vmem>>
        %dma_start3A_122 = arith.constant 0 : i32
        %dma_start3A_123 = tpu.memref_slice %arg9[%arg0, %add3A_112, %dma_start3A_122] : memref<2x10000x64xf32, #tpu.memory_space<hbm>> -> memref<1x5x64xf32, #tpu.memory_space<hbm>>
        %dma_start3A_124 = tpu.memref_squeeze %dma_start3A_123 : memref<1x5x64xf32, #tpu.memory_space<hbm>> -> memref<5x64xf32, #tpu.memory_space<hbm>>
        %dma_start3A_125 = arith.constant 0 : i32
        %dma_start3A_126 = tpu.memref_slice %arg9[%arg0, %add3A_112, %dma_start3A_125] : memref<2x10000x64xf32, #tpu.memory_space<hbm>> -> memref<1x5x64xf32, #tpu.memory_space<hbm>>
        %dma_start3A_127 = tpu.memref_squeeze %dma_start3A_126 : memref<1x5x64xf32, #tpu.memory_space<hbm>> -> memref<5x64xf32, #tpu.memory_space<hbm>>
        %dma_start3A_128 = arith.constant 0 : i32
        %dma_start3A_129 = arith.constant 0 : i32
        %dma_start3A_130 = tpu.memref_slice %arg13[%dma_start3A_128, %dma_start3A_129] : memref<16x64xf32, #tpu.memory_space<vmem>> -> memref<5x64xf32, #tpu.memory_space<vmem>>
        tpu.enqueue_dma source(%dma_start3A_130 : memref<5x64xf32, #tpu.memory_space<vmem>>) target(%dma_start3A_127 : memref<5x64xf32, #tpu.memory_space<hbm>>) target_semaphore(%run_scoped3A : memref<!tpu.dma_semaphore, #tpu.memory_space<semaphore_mem>>)
        %dma_wait3A_131 = arith.constant 0 : i32
        %dma_wait3A_132 = arith.constant 0 : i32
        %dma_wait3A_133 = tpu.memref_slice %arg13[%dma_wait3A_131, %dma_wait3A_132] : memref<16x64xf32, #tpu.memory_space<vmem>> -> memref<5x64xf32, #tpu.memory_space<vmem>>
        %dma_wait3A_134 = arith.constant 0 : i32
        %dma_wait3A_135 = tpu.memref_slice %arg9[%arg0, %add3A_112, %dma_wait3A_134] : memref<2x10000x64xf32, #tpu.memory_space<hbm>> -> memref<1x5x64xf32, #tpu.memory_space<hbm>>
        %dma_wait3A_136 = tpu.memref_squeeze %dma_wait3A_135 : memref<1x5x64xf32, #tpu.memory_space<hbm>> -> memref<5x64xf32, #tpu.memory_space<hbm>>
        %dma_wait3A_137 = arith.constant 0 : i32
        %dma_wait3A_138 = tpu.memref_slice %arg9[%arg0, %add3A_112, %dma_wait3A_137] : memref<2x10000x64xf32, #tpu.memory_space<hbm>> -> memref<1x5x64xf32, #tpu.memory_space<hbm>>
        %dma_wait3A_139 = tpu.memref_squeeze %dma_wait3A_138 : memref<1x5x64xf32, #tpu.memory_space<hbm>> -> memref<5x64xf32, #tpu.memory_space<hbm>>
        %dma_wait3A_140 = arith.constant 0 : i32
        %dma_wait3A_141 = arith.constant 0 : i32
        %dma_wait3A_142 = tpu.memref_slice %arg13[%dma_wait3A_140, %dma_wait3A_141] : memref<16x64xf32, #tpu.memory_space<vmem>> -> memref<5x64xf32, #tpu.memory_space<vmem>>
        tpu.wait_dma2 semaphore(%run_scoped3A : memref<!tpu.dma_semaphore, #tpu.memory_space<semaphore_mem>>) src(%dma_wait3A_142 : memref<5x64xf32, #tpu.memory_space<vmem>>) dst(%dma_wait3A_139 : memref<5x64xf32, #tpu.memory_space<hbm>>)
        tpu.yield
      }) : () -> ()
    }
    %scan3A_106 = arith.constant 125 : i32
    return
  }
}

</mosaic_0001>

<sc_bundles>
// kernel: kernel.3.cloned.1.call-start
scs
__scs_entry_jumppad:
0x0: {  	(pc) =	sbr.rel $0x88, $3  }
0x1: {  	(tag) =	ssettag $0x0;
	lr =	simm.s32 $0x1  }
0x2: {  	[smem:$0x3F9D] =	sst lr;
	_ =	strace $0xD0000000  }
0x3: {  	_ = 	snop  }
0x4: {  	_ = 	snop  }
0x5: {  	_ = 	snop  }
0x6: {  	_ = 	snop  }
0x7: {  	_ = 	snop  }
__scs_overlays_trampoline_lowered:
0x8: {  	[smem:$0x3FAC] =	sst s0  }
0x9: {  	[smem:$0x3FAD] =	sst s1  }
0xa: {  	[smem:$0x3FAE] =	sst s2  }
0xb: {  	[smem:$0x3FAF] =	sst s3  }
0xc: {  	[smem:$0x3FB0] =	sst s4  }
0xd: {  	[smem:$0x3FB1] =	sst s5  }
0xe: {  	[smem:$0x3FB2] =	sst s6  }
0xf: {  	[smem:$0x3FB3] =	sst s7  }
0x10: {  	[smem:$0x3FB4] =	sst s8  }
0x11: {  	[smem:$0x3FB5] =	sst s9;
	s0 =	simm.s32 @!p0 $0x0  }
0x12: {  	s1 =	sld [smem:$0x3F9B];
	s0 =	simm.s32 @p0 $0x1  }
0x13: {  	[smem:$0x3FB6] =	sst s0;
	s0 =	simm.s32 @!p1 $0x0  }
0x14: {  	s2 =	sld [smem:$0x3F9A];
	s0 =	simm.s32 @p1 $0x1  }
0x15: {  	[smem:$0x3FB7] =	sst s0;
	s0 =	simm.s32 @!p2 $0x0  }
0x16: {  	s3 =	sld [smem:$0x3FDB];
	s0 =	simm.s32 @p2 $0x1  }
0x17: {  	s4 =	simm.s32 $0x1BF5;
	[smem:$0x3FB9] =	sst s0  }
0x18: {  	s0 =	sld [smem:$0x3F9C];
	_ =	swait.ge [sflag:s4], $0x0  }
0x19: {  	s7 =	sld [smem:$0x3F9D]  }
0x1a: {  	s8 =	sadd.s32 $0xFFFFE003, lr  }
0x1b: {  	s9 =	sadd.s32 $0xFFFFFEF7, lr;
	s5 =	simm.s32 $0xFFFFFFFF;
	p2 =	slt.u32 s8, $0xFFFFF086  }
0x1c: {  	p1 =	slt.u32 s9, $0xF7A;
	s5 =	simm.s32 @!p2 $0x0  }
0x1d: {  	s5 =	simm.s32 @p1 $0x1;
	p0 =	seq.s32 s7, s2  }
0x1e: {  	s7 =	smul.u32 @!p0 $0xF7A, s2;
	p2 =	seq.s32 @!p0 s5, $0x0  }
0x1f: {  	s9 =	smul.u32 $0xF7A, s1;
	s8 =	simm.s32 @!p0 $0x1BF5;
	p2 =	por !p2, p0  }
0x20: {  	[sflag:s8] =	ssyncset.s32 @!p0 $0xFFFFF086;
	s6 =	sadd.s32 @!p0 s3, s7;
	s7 =	simm.s32 @!p0 $0x108  }
0x21: {  	s3 =	sadd.s32 s3, s9;
	s6 =	sadd.s32 @!p0 $0x88, s6;
	s7 =	simm.s32 @p2 $0x1082  }
0x22: {  	[simem:s7], [sflag:s8] =	dma.local @!p0 [hbm:s6], $0xF7A  }
0x23: {  	s9 =	sor.u32 $0xD0000000, s2;
	s6 =	simm.s32 $0x108;
	_ =	swait.ge @!p0 [sflag:s8], $0x0  }
0x24: {  	s3 =	sadd.s32 $0x88, s3;
	s6 =	simm.s32 @!p1 $0x1082;
	[sflag:s4] =	ssyncset.s32 $0xFFFFF086  }
0x25: {  	[simem:s6], [sflag:s4] =	dma.local [hbm:s3], $0xF7A  }
0x26: {  	[smem:$0x3F9D] =	sst s1;
	(tag) =	ssettag s2;
	_ =	strace s9  }
0x27: {  	s1 =	sld [smem:$0x3FAD]  }
0x28: {  	s2 =	sld [smem:$0x3FAE]  }
0x29: {  	s4 =	sld [smem:$0x3FB0]  }
0x2a: {  	p0 =	seq.s32 s5, $0x0;
	s5 =	sld [smem:$0x3FB1]  }
0x2b: {  	s6 =	sld [smem:$0x3FB2]  }
0x2c: {  	s7 =	sld [smem:$0x3FB3]  }
0x2d: {  	s3 =	simm.s32 $0x108;
	s8 =	sld [smem:$0x3FB4]  }
0x2e: {  	s3 =	simm.s32 @!p0 $0x1082;
	s9 =	sld [smem:$0x3FB5]  }
0x2f: {  	lr =	sadd.s32 s0, s3;
	s0 =	sld [smem:$0x3FAC]  }
0x30: {  	s3 =	sld [smem:$0x3FAF]  }
0x31: {  	[smem:$0x3FB8] =	sst s10  }
0x32: {  	s10 =	sld [smem:$0x3FB6];
	_ =	sdelay $0x3  }
0x33: {  	p0 =	seq.s32 s10, $0x1;
	s10 =	sld [smem:$0x3FB8];
	_ =	sdelay $0x3  }
0x34: {  	[smem:$0x3FB8] =	sst s10  }
0x35: {  	s10 =	sld [smem:$0x3FB7];
	_ =	sdelay $0x3  }
0x36: {  	p1 =	seq.s32 s10, $0x1;
	s10 =	sld [smem:$0x3FB8];
	_ =	sdelay $0x3  }
0x37: {  	[smem:$0x3FB8] =	sst s10  }
0x38: {  	s10 =	sld [smem:$0x3FB9]  }
0x39: {  	_ = 	snop;
	(pc) =	sbr.ind lr, $3  }
0x3a: {  	_ = 	snop  }
0x3b: {  	_ = 	snop  }
0x3c: {  	p2 =	seq.s32 s10, $0x1;
	s10 =	sld [smem:$0x3FB8]  }
0x3d: {  	_ =	shalt  }
0x3e: {  	_ =	shalt  }
0x3f: {  	_ =	shalt  }
0x40: {  	_ =	shalt  }
0x41: {  	_ =	shalt  }
0x42: {  	_ =	shalt  }
0x43: {  	_ =	shalt  }
0x44: {  	_ =	shalt  }
0x45: {  	_ =	shalt  }
0x46: {  	_ =	shalt  }
0x47: {  	_ =	shalt  }
0x48: {  	_ =	shalt  }
0x49: {  	_ =	shalt  }
0x4a: {  	_ =	shalt  }
0x4b: {  	_ =	shalt  }
0x4c: {  	_ =	shalt  }
0x4d: {  	_ =	shalt  }
0x4e: {  	_ =	shalt  }
0x4f: {  	_ =	shalt  }
0x50: {  	_ =	shalt  }
0x51: {  	_ =	shalt  }
0x52: {  	_ =	shalt  }
0x53: {  	_ =	shalt  }
0x54: {  	_ =	shalt  }
0x55: {  	_ =	shalt  }
0x56: {  	_ =	shalt  }
0x57: {  	_ =	shalt  }
0x58: {  	_ =	shalt  }
0x59: {  	_ =	shalt  }
0x5a: {  	_ =	shalt  }
0x5b: {  	_ =	shalt  }
0x5c: {  	_ =	shalt  }
0x5d: {  	_ =	shalt  }
0x5e: {  	_ =	shalt  }
0x5f: {  	_ =	shalt  }
0x60: {  	_ =	shalt  }
0x61: {  	_ =	shalt  }
0x62: {  	_ =	shalt  }
0x63: {  	_ =	shalt  }
0x64: {  	_ =	shalt  }
0x65: {  	_ =	shalt  }
0x66: {  	_ =	shalt  }
0x67: {  	_ =	shalt  }
0x68: {  	_ =	shalt  }
0x69: {  	_ =	shalt  }
0x6a: {  	_ =	shalt  }
0x6b: {  	_ =	shalt  }
0x6c: {  	_ =	shalt  }
0x6d: {  	_ =	shalt  }
0x6e: {  	_ =	shalt  }
0x6f: {  	_ =	shalt  }
0x70: {  	_ =	shalt  }
0x71: {  	_ =	shalt  }
0x72: {  	_ =	shalt  }
0x73: {  	_ =	shalt  }
0x74: {  	_ =	shalt  }
0x75: {  	_ =	shalt  }
0x76: {  	_ =	shalt  }
0x77: {  	_ =	shalt  }
0x78: {  	_ =	shalt  }
0x79: {  	_ =	shalt  }
0x7a: {  	_ =	shalt  }
0x7b: {  	_ =	shalt  }
0x7c: {  	_ =	shalt  }
0x7d: {  	_ =	shalt  }
0x7e: {  	_ =	shalt  }
0x7f: {  	_ =	shalt  }
0x80: {  	_ =	shalt  }
0x81: {  	_ =	shalt  }
0x82: {  	_ =	shalt  }
0x83: {  	_ =	shalt  }
0x84: {  	_ =	shalt  }
0x85: {  	_ =	shalt  }
0x86: {  	_ =	shalt  }
0x87: {  	_ =	shalt  }
.Lfunc_end0:
.L_simem_size_0:
called_computation.1_lowered:
.L_overlay_start_0:
0x88: {  	s2 =	sld [smem:$0x3FD9]  }
0x89: {  	s3 =	sld [smem:$0x3FFE];
	_ =	sdelay $0x1  }
0x8a: {  	s1 =	srdreg.scid  }
0x8b: {  	s0 =	sand.u32 $0x1, s1  }
0x8c: {  	s14 =	sshll.u32 s0, $0xA;
	s2 =	sadd.s32 s3, s2  }
0x8d: {  	s2 =	sadd.s32 s2, s14  }
0x8e: {  	[smem:$0x3FC4] =	sst s2  }
0x8f: {  	_ = 	snop  }
0x90: {  	s2 =	sld [smem:$0x3FD0];
	_ =	sdelay $0x2  }
0x91: {  	s15 =	simm.s32 $0xA;
	s4 =	simm.s32 $0x10  }
0x92: {  	[smem:s4], [sflag:s15] =	dma.local [hbm:s2], $0x1  }
0x93: {  	_ =	swait.eq [sflag:s15], $0x1  }
0x94: {  	[sflag:s15] =	ssyncset.done $0x0  }
0x95: {  	s16 =	sld [smem:$0x10];
	[sflag:s15] =	ssyncadd.s32 $0xFFFFFFFF  }
0x96: {  	s17 =	sld [smem:$0x11];
	(tm) =	ssettm $0x1  }
0x97: {  	s18 =	sld [smem:$0x3FFB];
	_ =	sdelay $0x3  }
0x98: {  	_ =	strace s18  }
0x99: {  	s4 =	sld [smem:$0x3FFC];
	_ =	sdelay $0x3  }
0x9a: {  	_ =	strace s4  }
0x9b: {  	s4 =	sld [smem:$0x3FFD];
	_ =	sdelay $0x3  }
0x9c: {  	_ =	strace s4  }
0x9d: {  	_ =	strace $0x8FFFFFFF  }
0x9e: {  	s19 =	sld [smem:$0x3FDB];
	_ =	sdelay $0x1  }
0x9f: {  	s5 =	simm.s32 $_scs_section_size  }
0xa0: {  	s6 =	simm.s32 $_size__tile_overlayer_lowered;
	s7 =	simm.s32 $_tile_overlayer_lowered  }
0xa1: {  	s22 =	simm.s32 $0x1BFF;
	s21 =	sshll.u32 s7, $0x1;
	s4 =	sadd.s32 s5, s19  }
0xa2: {  	s8 =	simm.s32 $0x0;
	s20 =	sshll.u32 s6, $0x1;
	s6 =	sadd.s32 s21, s4  }
0xa3: {  	[timem:s8], [sflag:s22] =	dma.local [hbm:s6], s20  }
0xa4: {  	_ =	swait.ge [sflag:s22], s20  }
0xa5: {  	s5 =	ssub.s32 $0x0, s20;
	[sflag:s22] =	ssyncset.done $0x0  }
0xa6: {  	[sflag:s22] =	ssyncadd.s32 s5;
	_ =	sdelay $0x1  }
0xa7: {  	s23 =	simm.s32 $0x1B8B  }
0xa8: {  	_ =	swait.ge [sflag:s23], $0x1  }
0xa9: {  	[sflag:s23] =	ssyncset.done $0x0  }
0xaa: {  	s25 =	simm.s32 $0x1B8E;
	s24 =	sld [smem:$0x3FFE];
	[sflag:s23] =	ssyncadd.s32 $0xFFFFFFFF  }
0xab: {  	s26 =	simm.s32 $execute0_lowered;
	[smem:$0x3FD2] =	sst s25  }
0xac: {  	s6 =	sshll.u32 s26, $0x1;
	_ =	strace $0x80000049;
	[dreg:$0x1] =	wrdreg $0xFFFFFFFF  }
0xad: {  	s28 =	simm.s32 $_size_execute0_lowered;
	s4 =	sadd.s32 s4, s6;
	[dreg:$0x0] =	wrdreg $0x0  }
0xae: {  	s6 =	sshll.u32 s28, $0x1;
	[dreg:$0x2] =	wrdreg s4  }
0xaf: {  	[dreg:$0x3] =	wrdreg s6  }
0xb0: {  	[dreg:$0x4] =	wrdreg $0xC0  }
0xb1: {  	_ =	task [dreg:s8], $0x5FFFF  }
0xb2: {  	[dreg:$0x1] =	wrdreg $0xFFFFFFFF  }
0xb3: {  	[dreg:$0x0] =	wrdreg $0x60  }
0xb4: {  	[dreg:$0x2] =	wrdreg s24  }
0xb5: {  	[dreg:$0x3] =	wrdreg s16  }
0xb6: {  	[dreg:$0x4] =	wrdreg s17  }
0xb7: {  	[dreg:$0x5] =	wrdreg $0x0  }
0xb8: {  	[dreg:$0x6] =	wrdreg $0x9  }
0xb9: {  	_ =	task.clear_ibuf [dreg:s8], $0x7FFFF;
	_ =	strace $0x90000049  }
0xba: {  	s29 =	simm.s32 $0x9;
	_ =	strace $0x8000004B  }
0xbb: {  	_ =	swait.ge [sflag:s29], $0x1  }
0xbc: {  	[sflag:s29] =	ssyncadd.s32 $0xFFFFFFFF  }
0xbd: {  	_ =	strace $0x9000004B  }
0xbe: {  	_ =	sfence  }
0xbf: {  	s30 =	sld [smem:$0x0];
	_ =	sdelay $0x2  }
0xc0: {  	s31 =	sshll.u32 s1, $0xD;
	s1 =	sshrl.u32 s1, $0x2  }
0xc1: {  	s3 =	sand.u32 $0x4000, s31;
	s1 =	sadd.s32 s1, s30  }
0xc2: {  	s0 =	sor.u32 s3, s0;
	s1 =	sshll.u32 s1, $0x11  }
0xc3: {  	s0 =	sor.u32 s1, s0  }
0xc4: {  	s0 =	sadd.s32 $0x8F2B, s0  }
0xc5: {  	[sflag:s0] =	ssyncadd.remote.s32 $0x1  }
0xc6: {  	_ =	sfence.sel $0xFFFF  }
0xc7: {  	[dreg:$0x0] =	wrdreg $0xFFFFFFFF;
	(pc) =	sbr.abs _section_cstart, $3  }
0xc8: {  	[dreg:$0x1] =	wrdreg $0xFFFFFFFF  }
0xc9: {  	_ =	task.clear_ibuf [dreg:s8], $0x2FFFF;
	_ =	strace $0x9FFFFFFF  }
0xca: {  	(tm) =	ssettm $0x7FFFFFFF  }
0xcb: {  	_ =	shalt  }
tec
execute0_lowered:
.L_overlay_start_1:
0x0: {  	(tag) =	ssettag $0x1  }
0x1: {  	s0 =	rddreg [dreg:$0x0]  }
0x2: {  	s3 =	rddreg [dreg:$0x3];
	s7 =	stileid.u32  }
0x3: {  	s22 =	simm.s32 $0x0;
	s1 =	srdreg.scid;
	s4 =	smul.u32 $0x75300, s7  }
0x4: {  	s29 =	simm.s32 $0x1ECC0;
	s31 =	simm.s32 $0x1F880;
	s6 =	smul.u32 $0x4E20, s7  }
0x5: {  	s28 =	simm.s32 $0x1F890;
	s30 =	simm.s32 $0x6;
	s17 =	smul.u32 $0x9C4, s7  }
0x6: {  	[smem:$0x7FF] =	sst s22;
	s9 =	sadd.s32 $0xF74A00, s0;
	s25 =	smul.u32 $0xFA, s7  }
0x7: {  	s11 =	sadd.s32 $0xF6AC00, s0;
	s1 =	sand.u32 $0x1, s1;
	s20 =	smul.u32 $0x271000, s7  }
0x8: {  	s8 =	sadd.s32 $0x1600, s0;
	s24 =	sadd.s32 $0xF1CA00, s0;
	s26 =	smul.u32 $0x4E2, s7  }
0x9: {  	_ =	strace $0x8000004A;
	s2 =	ssub.s32 $0x2, s1;
	[dreg:$0x5] =	wrdreg s9  }
0xa: {  	s15 =	sshll.u32 s1, $0x6;
	[dreg:$0x6] =	wrdreg s11;
	s12 =	smul.u32 $0x1D4C00, s1  }
0xb: {  	p0 =	seq.s32 s1, $0x0;
	s14 =	smul.u32 $0x9C400, s1;
	s1 =	simm.s32 $0x3  }
0xc: {  	s5 =	sshrl.u32 s2, $0x1;
	s4 =	sshrl.u32 s4, $0x2;
	s19 =	sadd.s32 s9, s17  }
0xd: {  	s18 =	sshrl.u32 s6, $0x3;
	s23 =	sor.u32 s15, s20;
	[dreg:$0x7] =	wrdreg s19  }
0xe: {  	s6 =	simm.s32 $0xEA7600;
	s13 =	sadd.s32 $0x3, s26;
	[dreg:$0xe] =	wrdreg s12  }
0xf: {  	s16 =	sadd.s32 $0x4, s26;
	s2 =	ssub.s32 s2, s5;
	[dreg:$0xf] =	wrdreg s13  }
0x10: {  	s10 =	sadd.s32 s4, s3;
	s4 =	sadd.s32 $0xA, s18;
	[dreg:$0x10] =	wrdreg s14  }
0x11: {  	s5 =	sadd.s32 s11, s17;
	s6 =	simm.s32 @!p0 $0xEE2000;
	[dreg:$0x11] =	wrdreg s16  }
0x12: {  	s17 =	sadd.s32 $0x5, s26;
	s19 =	smul.u32 $0x271, s7;
	[dreg:$0x8] =	wrdreg s5  }
0x13: {  	s16 =	simm.s32 $0x10;
	s21 =	sadd.s32 s9, s4;
	[dreg:$0x12] =	wrdreg s17  }
0x14: {  	s14 =	simm.s32 $0x1F600;
	s4 =	sadd.s32 s11, s4;
	[dreg:$0x9] =	wrdreg s21  }
0x15: {  	s13 =	simm.s32 $0x2;
	s9 =	sor.u32 $0x1, s26;
	[dreg:$0xa] =	wrdreg s4  }
0x16: {  	s11 =	sadd.s32 $0x2, s26;
	s18 =	smax.u32 s2, $0x1;
	[dreg:$0xc] =	wrdreg s9  }
0x17: {  	s20 =	sadd.s32 $0x1D400, s10;
	s26 =	sadd.s32 $0x3, s25;
	[dreg:$0xd] =	wrdreg s11  }
0x18: {  	s5 =	simm.s32 $0x7;
	s17 =	simm.s32 $0x40;
	[dreg:$0x13] =	wrdreg s18  }
0x19: {  	s2 =	simm.s32 $0x1E0C0;
	s4 =	sshrl.u32 s23, $0x3;
	[dreg:$0x14] =	wrdreg s19  }
0x1a: {  	s21 =	sadd.s32 s6, s0;
	[dreg:$0x15] =	wrdreg s20;
	s23 =	sadd.s32 $0x2, s25  }
0x1b: {  	[dreg:$0x17] =	wrdreg s26;
	s0 =	simm.s32 $0x1D4C0;
	s26 =	simm.s32 $0x80  }
0x1c: {  	s20 =	simm.s32 $0x5;
	s4 =	sadd.s32 s8, s4;
	[dreg:$0x16] =	wrdreg s23  }
0x1d: {  	v0 =	vimm.f32 $0.0e+00;
	s6 =	simm.s32 $0x0;
	s23 =	simm.s32 $0x4;
	[dreg:$0xb] =	wrdreg s4  }
.LBB2_1:
0x1e: {  	[dreg:$0x18] =	wrdreg s6;
	s4 =	simm.s32 $0x0;
	s6 =	simm.s32 $0x300  }
.LBB2_2:
0x1f: {  	p0 =	sne.s32 s6, $0x2D00;
	[tilespmem:s4+$0x1D570] =	vst v0  }
0x20: {  	[tilespmem:s4+$0x1D4C0] =	vst v0  }
0x21: {  	[tilespmem:s4+$0x1D4D0] =	vst v0  }
0x22: {  	[tilespmem:s4+$0x1D4E0] =	vst v0  }
0x23: {  	[tilespmem:s4+$0x1D4F0] =	vst v0  }
0x24: {  	[tilespmem:s4+$0x1D500] =	vst v0  }
0x25: {  	[tilespmem:s4+$0x1D510] =	vst v0  }
.Ltmp0:
0x26: {  	[tilespmem:s4+$0x1D520] =	vst v0;
	(pc) =	sbr.rel @p0 .LBB2_2-.Ltmp0, $4  }
0x27: {  	[tilespmem:s4+$0x1D530] =	vst v0  }
0x28: {  	[tilespmem:s4+$0x1D540] =	vst v0  }
0x29: {  	[tilespmem:s4+$0x1D550] =	vst v0  }
0x2a: {  	[tilespmem:s4+$0x1D560] =	vst v0;
	s4 =	sshra.s32 s6, $0x2;
	s6 =	sadd.s32 $0x300, s6  }
0x2b: {  	[tilespmem:s4+$0x1D570] =	vst v0  }
0x2c: {  	[tilespmem:s4+$0x1D4C0] =	vst v0  }
0x2d: {  	[tilespmem:s4+$0x1D4D0] =	vst v0  }
0x2e: {  	[tilespmem:s4+$0x1D4E0] =	vst v0  }
0x2f: {  	[tilespmem:s4+$0x1D4F0] =	vst v0  }
0x30: {  	[tilespmem:s4+$0x1D500] =	vst v0  }
0x31: {  	[tilespmem:s4+$0x1D510] =	vst v0  }
0x32: {  	[tilespmem:s4+$0x1D520] =	vst v0  }
0x33: {  	[tilespmem:s4+$0x1D530] =	vst v0  }
0x34: {  	[tilespmem:s4+$0x1D540] =	vst v0  }
0x35: {  	[tilespmem:s4+$0x1D550] =	vst v0  }
0x36: {  	[tilespmem:s4+$0x1D560] =	vst v0;
	s19 =	sadd.s32 $0x0, s10  }
0x37: {  	[spmem:s19] =	stream.linear.scatter [tilespmem:s0], [sflag:$0x7], $0xC00, $0x38;
	[tilespmem:$0x1F8A0] =	vst v63  }
0x38: {  	s4 =	simm.s32 $0x3000;
	_ =	swait.ge [sflag:s5], $0xC00  }
.LBB2_4:
0x39: {  	s6 =	sshra.s32 s4, $0x2;
	[sflag:s5] =	ssyncset.done $0x0;
	p0 =	sne.s32 s4, $0x72000  }
.Ltmp1:
0x3a: {  	s6 =	sadd.s32 s6, s10;
	[sflag:s5] =	ssyncadd.s32 $0xFFFFF400;
	(pc) =	sbr.rel @p0 .LBB2_4-.Ltmp1, $3  }
0x3b: {  	[spmem:s6] =	stream.linear.scatter [tilespmem:s0], [sflag:$0x7], $0xC00, $0x38;
	[tilespmem:$0x1F8A0] =	vst v63  }
0x3c: {  	s4 =	sadd.s32 $0x3000, s4;
	_ =	sdelay $0x1  }
0x3d: {  	_ =	swait.ge [sflag:s5], $0xC00  }
0x3e: {  	[sflag:s5] =	ssyncset.done $0x0  }
0x3f: {  	s4 =	rddreg [dreg:$0x15];
	[sflag:s5] =	ssyncadd.s32 $0xFFFFF400  }
0x40: {  	[spmem:s4] =	stream.linear.scatter [tilespmem:s0], [sflag:$0x7], $0xC0, $0x38;
	[tilespmem:$0x1F8A0] =	vst v63  }
0x41: {  	_ =	swait.ge [sflag:s5], $0xC0  }
0x42: {  	[sflag:s5] =	ssyncset.done $0x0  }
0x43: {  	[sflag:s5] =	ssyncadd.s32 $0xFFFFFF40  }
0x44: {  	[bflag:$0x0] =	sbarrier.arrive $0xFFFF  }
0x45: {  	s7 =	simm.s32 $0x1F4C0;
	s4 =	simm.s32 $0x0;
	s6 =	rddreg [dreg:$0x7]  }
0x46: {  	[tilespmem:s7], [sflag:$0x1] =	stream.linear.gather [hbm4b:s6+s4], $0x50, $0x38;
	[tilespmem:$0x1F8A0] =	vst v63  }
0x47: {  	s18 =	rddreg [dreg:$0x8];
	s7 =	simm.s32 $0x1F560  }
0x48: {  	[tilespmem:s7], [sflag:$0x1] =	stream.linear.gather [hbm4b:s18+s4], $0x50, $0x38;
	[tilespmem:$0x1F8A0] =	vst v63  }
0x49: {  	s9 =	simm.s32 $0x1F510;
	s19 =	rddreg [dreg:$0x9]  }
0x4a: {  	[tilespmem:s9], [sflag:$0x2] =	stream.linear.gather [hbm4b:s19+s4], $0x50, $0x38;
	[tilespmem:$0x1F8A0] =	vst v63  }
0x4b: {  	s12 =	simm.s32 $0x1F5B0;
	s11 =	rddreg [dreg:$0xa];
	s18 =	simm.s32 $0x1  }
0x4c: {  	[tilespmem:s12], [sflag:$0x2] =	stream.linear.gather [hbm4b:s11+s4], $0x50, $0x38;
	[tilespmem:$0x1F8A0] =	vst v63  }
0x4d: {  	_ =	swait.ge [sflag:s18], $0x50  }
0x4e: {  	[sflag:s18] =	ssyncset.done $0x0  }
0x4f: {  	[sflag:s18] =	ssyncadd.s32 $0xFFFFFFB0  }
0x50: {  	_ =	swait.ge [sflag:s18], $0x50  }
0x51: {  	[sflag:s18] =	ssyncset.done $0x0  }
0x52: {  	[sflag:s18] =	ssyncadd.s32 $0xFFFFFFB0  }
0x53: {  	[tilespmem:s0], [sflag:$0x3] =	stream.indirect.gather [hbm4b:s21+s16], $0xC0, s7, s16, $0xb8;
	[tilespmem:$0x1F8A0] =	vst v63  }
0x54: {  	s19 =	rddreg [dreg:$0xb]  }
0x55: {  	[tilespmem:s29], [sflag:$0x3] =	stream.strided.gather [hbm4b:s19+s17], $0x400, s26, s17, $0x38;
	[tilespmem:$0x1F8A0] =	vst v63  }
.LBB2_6:
0x56: {  	s6 =	sshll.u32 s4, $0x1  }
0x57: {  	s7 =	sadd.s32 s25, s6  }
0x58: {  	s7 =	smul.u32 $0x50, s7;
	_ =	sdelay $0x1  }
0x59: {  	s7 =	sadd.s32 s24, s7  }
0x5a: {  	[tilespmem:s14], [sflag:$0x7] =	stream.linear.gather [hbm4b:s7+s22], $0x280, $0x38;
	[tilespmem:$0x1F8A0] =	vst v63  }
0x5b: {  	_ =	swait.ge [sflag:s5], $0x280  }
0x5c: {  	p0 =	seq.s32 s4, $0x0;
	[sflag:s5] =	ssyncset.done $0x0  }
0x5d: {  	s9 =	simm.s32 @!p0 $0x6;
	[sflag:s5] =	ssyncadd.s32 $0xFFFFFD80  }
0x5e: {  	s7 =	smul.u32 $0xA, s4;
	_ =	swait.ge @!p0 [sflag:s9], $0xC00  }
0x5f: {  	[sflag:s9] =	ssyncset.done @!p0 $0x0;
	s18 =	rddreg [dreg:$0xc]  }
0x60: {  	s11 =	simm.s32 $0x1F570;
	[sflag:s9] =	ssyncadd.s32 @!p0 $0xFFFFF400;
	s9 =	sadd.s32 s7, s18  }
0x61: {  	[tilespmem:s2], [sflag:$0x4] =	stream.indirect.gather [hbm4b:s21+s16], $0xC0, s11, s16, $0xb8;
	[tilespmem:$0x1F8A0] =	vst v63  }
0x62: {  	s9 =	sshll.u32 s9, $0xB  }
0x63: {  	s9 =	sor.u32 s15, s9  }
0x64: {  	s9 =	sshrl.u32 s9, $0x3  }
0x65: {  	s19 =	simm.s32 $0x1F0C0;
	s9 =	sadd.s32 s8, s9  }
0x66: {  	[tilespmem:s19], [sflag:$0x4] =	stream.strided.gather [hbm4b:s9+s17], $0x400, s26, s17, $0x38;
	[tilespmem:$0x1F8A0] =	vst v63  }
0x67: {  	_ =	swait.ge [sflag:s1], $0xC00  }
0x68: {  	[sflag:s1] =	ssyncset.done $0x0  }
0x69: {  	[sflag:s1] =	ssyncadd.s32 $0xFFFFF400  }
0x6a: {  	s22 =	simm.s32 $0x0;
	_ =	swait.ge [sflag:s1], $0x400  }
0x6b: {  	v5 =	vmov s22;
	[sflag:s1] =	ssyncset.done $0x0  }
0x6c: {  	s9 =	simm.s32 $0x1D520;
	[sflag:s1] =	ssyncadd.s32 $0xFFFFFC00  }
0x6d: {  	v6 =	vld [tilespmem:s9+$0xFFFFFFC0]  }
0x6e: {  	v7 =	vld [tilespmem:s9+$0xFFFFFFB0]  }
0x6f: {  	v8 =	vld [tilespmem:s9+$0xFFFFFFD0]  }
0x70: {  	v9 =	vld.idx.msk [tilespmem:v5+s14+$0x0], $0xffff  }
0x71: {  	s11 =	simm.s32 $0x1ECE0;
	v10 =	vld [tilespmem:s9+$0xFFFFFFA0]  }
0x72: {  	v2 =	vld [tilespmem:s11+$0x10]  }
0x73: {  	v3 =	vld [tilespmem:s11+$0xFFFFFFE0]  }
0x74: {  	v4 =	vld [tilespmem:s11+$0xFFFFFFF0]  }
0x75: {  	v1 =	vld [tilespmem:s11+$0x0];
	v8 =	vadd.f32 v8, v9  }
0x76: {  	v10 =	vadd.f32 v10, v9  }
0x77: {  	v7 =	vadd.f32 v7, v9;
	v8 =	vmul.f32 v8, v2  }
0x78: {  	v6 =	vadd.f32 v6, v9;
	v9 =	vmul.f32 v10, v3;
	v10 =	vor.u32 $0x1, v5  }
0x79: {  	v7 =	vmul.f32 v7, v4;
	[tilespmem:s9+$0xFFFFFFD0] =	vst v8  }
0x7a: {  	v6 =	vmul.f32 v6, v1;
	[tilespmem:s9+$0xFFFFFFA0] =	vst v9  }
0x7b: {  	[tilespmem:s9+$0xFFFFFFB0] =	vst v7;
	v7 =	vld [tilespmem:s9+$0xFFFFFFE0]  }
0x7c: {  	[tilespmem:s9+$0xFFFFFFC0] =	vst v6;
	v8 =	vld [tilespmem:s9+$0x10]  }
0x7d: {  	v6 =	vld.idx.msk [tilespmem:v10+s14+$0x0], $0xffff  }
0x7e: {  	v9 =	vld [tilespmem:s9+$0x0]  }
0x7f: {  	v10 =	vld [tilespmem:s9+$0xFFFFFFF0];
	_ =	sdelay $0x2  }
0x80: {  	v7 =	vadd.f32 v7, v6  }
0x81: {  	v8 =	vadd.f32 v8, v6  }
0x82: {  	v9 =	vadd.f32 v9, v6;
	v6 =	vadd.f32 v10, v6;
	v7 =	vmul.f32 v7, v3  }
0x83: {  	v10 =	vor.u32 $0x2, v5;
	v8 =	vmul.f32 v8, v2  }
0x84: {  	v5 =	vmul.f32 v6, v4;
	[tilespmem:s9+$0xFFFFFFE0] =	vst v7  }
0x85: {  	v9 =	vmul.f32 v9, v1;
	[tilespmem:s9+$0x10] =	vst v8;
	v7 =	vld [tilespmem:s9+$0x20]  }
0x86: {  	[tilespmem:s9+$0xFFFFFFF0] =	vst v5;
	v5 =	vld [tilespmem:s9+$0x50]  }
0x87: {  	[tilespmem:s9+$0x0] =	vst v9;
	v9 =	vld [tilespmem:s9+$0x30]  }
0x88: {  	v6 =	vld.idx.msk [tilespmem:v10+s14+$0x0], $0xffff  }
0x89: {  	s18 =	simm.s32 $0x1D520;
	s19 =	simm.s32 $0x1;
	v8 =	vld [tilespmem:s9+$0x40]  }
.LBB2_7:
0x8a: {  	_ = 	snop  }
0x8b: {  	p0 =	sne.s32 s19, $0xF;
	s9 =	sadd.s32 $0xC0, s9;
	s11 =	sadd.s32 $0x40, s11  }
0x8c: {  	s22 =	smov.u32 s19;
	s19 =	sadd.s32 $0x1, s19  }
0x8d: {  	v7 =	vadd.f32 v7, v6;
	v9 =	vadd.f32 v9, v6  }
0x8e: {  	v5 =	vadd.f32 v5, v6;
	v8 =	vadd.f32 v8, v6  }
0x8f: {  	s22 =	sshll.u32 s22, $0x3;
	v3 =	vmul.f32 v7, v3;
	v4 =	vmul.f32 v9, v4  }
0x90: {  	v6 =	vmov s22;
	v2 =	vmul.f32 v5, v2;
	v1 =	vmul.f32 v8, v1  }
0x91: {  	v5 =	vld [tilespmem:s9+$0xFFFFFFC0];
	[tilespmem:s18+$0x20] =	vst v3  }
0x92: {  	v7 =	vld [tilespmem:s9+$0xFFFFFFB0];
	[tilespmem:s18+$0x30] =	vst v4  }
0x93: {  	v8 =	vld [tilespmem:s9+$0xFFFFFFD0];
	[tilespmem:s18+$0x50] =	vst v2  }
0x94: {  	v9 =	vld [tilespmem:s9+$0xFFFFFFA0];
	[tilespmem:s18+$0x40] =	vst v1;
	s18 =	smov.u32 s9  }
0x95: {  	v10 =	vld.idx.msk [tilespmem:v6+s14+$0x0], $0xffff  }
0x96: {  	v1 =	vld [tilespmem:s11+$0x0]  }
0x97: {  	v3 =	vld [tilespmem:s11+$0xFFFFFFE0]  }
0x98: {  	v2 =	vld [tilespmem:s11+$0x10]  }
0x99: {  	v4 =	vld [tilespmem:s11+$0xFFFFFFF0];
	_ =	sdelay $0x1  }
0x9a: {  	v9 =	vadd.f32 v9, v10;
	v8 =	vadd.f32 v8, v10  }
0x9b: {  	v7 =	vadd.f32 v7, v10;
	v5 =	vadd.f32 v5, v10  }
0x9c: {  	v9 =	vmul.f32 v9, v3;
	v8 =	vmul.f32 v8, v2  }
0x9d: {  	v10 =	vor.u32 $0x1, v6;
	v5 =	vmul.f32 v5, v1;
	v7 =	vmul.f32 v7, v4  }
0x9e: {  	[tilespmem:s9+$0xFFFFFFD0] =	vst v8  }
0x9f: {  	[tilespmem:s9+$0xFFFFFFA0] =	vst v9  }
0xa0: {  	[tilespmem:s9+$0xFFFFFFB0] =	vst v7;
	v7 =	vld [tilespmem:s9+$0x10]  }
0xa1: {  	[tilespmem:s9+$0xFFFFFFC0] =	vst v5;
	v5 =	vld [tilespmem:s9+$0xFFFFFFF0]  }
0xa2: {  	v8 =	vld.idx.msk [tilespmem:v10+s14+$0x0], $0xffff  }
0xa3: {  	v9 =	vld [tilespmem:s9+$0xFFFFFFE0]  }
0xa4: {  	v10 =	vld [tilespmem:s9+$0x0];
	_ =	sdelay $0x3  }
0xa5: {  	v5 =	vadd.f32 v5, v8;
	v9 =	vadd.f32 v9, v8  }
0xa6: {  	v7 =	vadd.f32 v7, v8;
	v10 =	vadd.f32 v10, v8  }
0xa7: {  	v5 =	vmul.f32 v5, v4;
	v8 =	vmul.f32 v9, v3  }
0xa8: {  	v6 =	vor.u32 $0x2, v6;
	v7 =	vmul.f32 v7, v2;
	v9 =	vmul.f32 v10, v1  }
0xa9: {  	[tilespmem:s9+$0xFFFFFFE0] =	vst v8  }
0xaa: {  	[tilespmem:s9+$0x10] =	vst v7  }
.Ltmp2:
0xab: {  	[tilespmem:s9+$0x0] =	vst v9;
	v7 =	vld [tilespmem:s9+$0x20];
	(pc) =	sbr.rel @p0 .LBB2_7-.Ltmp2, $4  }
0xac: {  	[tilespmem:s9+$0xFFFFFFF0] =	vst v5;
	v5 =	vld [tilespmem:s9+$0x50]  }
0xad: {  	v6 =	vld.idx.msk [tilespmem:v6+s14+$0x0], $0xffff  }
0xae: {  	v9 =	vld [tilespmem:s9+$0x30]  }
0xaf: {  	v8 =	vld [tilespmem:s9+$0x40]  }
0xb0: {  	_ =	sdelay $0x1  }
0xb1: {  	v7 =	vadd.f32 v7, v6  }
0xb2: {  	v5 =	vadd.f32 v5, v6  }
0xb3: {  	v9 =	vadd.f32 v9, v6;
	v3 =	vmul.f32 v7, v3  }
0xb4: {  	v6 =	vadd.f32 v8, v6;
	v2 =	vmul.f32 v5, v2  }
0xb5: {  	v4 =	vmul.f32 v9, v4;
	[tilespmem:s18+$0x20] =	vst v3  }
0xb6: {  	v1 =	vmul.f32 v6, v1;
	[tilespmem:s18+$0x50] =	vst v2  }
0xb7: {  	[tilespmem:s18+$0x30] =	vst v4  }
0xb8: {  	[tilespmem:s18+$0x40] =	vst v1  }
0xb9: {  	v1 =	vld [tilespmem:$0x1F4C0];
	_ =	sdelay $0x4  }
0xba: {  	s9 =	simm.s32 $0x10;
	[tilespmem:$0x1F880] =	vst v1  }
0xbb: {  	[spmem:s3] =	stream.indirect.scatter.add.f32 [tilespmem:s0], [sflag:$0x5], $0xC0, s31, s9, $0xb8;
	[tilespmem:$0x1F8A0] =	vst v63  }
0xbc: {  	_ =	swait.ge [sflag:s20], $0xC00  }
0xbd: {  	[sflag:s20] =	ssyncset.done $0x0;
	s11 =	rddreg [dreg:$0xd]  }
0xbe: {  	s12 =	simm.s32 $0x1F580;
	[sflag:s20] =	ssyncadd.s32 $0xFFFFF400;
	s11 =	sadd.s32 s7, s11  }
0xbf: {  	[tilespmem:s0], [sflag:$0x3] =	stream.indirect.gather [hbm4b:s21+s9], $0xC0, s12, s9, $0xb8;
	[tilespmem:$0x1F8A0] =	vst v63  }
0xc0: {  	s19 =	sshll.u32 s11, $0xB  }
0xc1: {  	s9 =	sor.u32 s15, s19  }
0xc2: {  	s9 =	sshrl.u32 s9, $0x3  }
0xc3: {  	s9 =	sadd.s32 s8, s9  }
0xc4: {  	[tilespmem:s29], [sflag:$0x3] =	stream.strided.gather [hbm4b:s9+s17], $0x400, s26, s17, $0x38;
	[tilespmem:$0x1F8A0] =	vst v63  }
0xc5: {  	_ =	swait.ge [sflag:s23], $0xC00  }
0xc6: {  	[sflag:s23] =	ssyncset.done $0x0  }
0xc7: {  	[sflag:s23] =	ssyncadd.s32 $0xFFFFF400  }
0xc8: {  	s22 =	simm.s32 $0x80;
	_ =	swait.ge [sflag:s23], $0x400  }
0xc9: {  	v5 =	vmov s22;
	[sflag:s23] =	ssyncset.done $0x0  }
0xca: {  	s9 =	simm.s32 $0x1E120;
	[sflag:s23] =	ssyncadd.s32 $0xFFFFFC00  }
0xcb: {  	v6 =	vld [tilespmem:s9+$0xFFFFFFC0]  }
0xcc: {  	v7 =	vld [tilespmem:s9+$0xFFFFFFB0]  }
0xcd: {  	v8 =	vld [tilespmem:s9+$0xFFFFFFD0]  }
0xce: {  	v9 =	vld.idx.msk [tilespmem:v5+s14+$0x0], $0xffff  }
0xcf: {  	s11 =	simm.s32 $0x1F0E0;
	v10 =	vld [tilespmem:s9+$0xFFFFFFA0]  }
0xd0: {  	v2 =	vld [tilespmem:s11+$0x10]  }
0xd1: {  	v3 =	vld [tilespmem:s11+$0xFFFFFFE0]  }
0xd2: {  	v4 =	vld [tilespmem:s11+$0xFFFFFFF0]  }
0xd3: {  	v1 =	vld [tilespmem:s11+$0x0];
	v8 =	vadd.f32 v8, v9  }
0xd4: {  	v10 =	vadd.f32 v10, v9  }
0xd5: {  	v7 =	vadd.f32 v7, v9;
	v8 =	vmul.f32 v8, v2  }
0xd6: {  	v6 =	vadd.f32 v6, v9;
	v9 =	vmul.f32 v10, v3;
	v10 =	vor.u32 $0x1, v5  }
0xd7: {  	v7 =	vmul.f32 v7, v4;
	[tilespmem:s9+$0xFFFFFFD0] =	vst v8  }
0xd8: {  	v6 =	vmul.f32 v6, v1;
	[tilespmem:s9+$0xFFFFFFA0] =	vst v9  }
0xd9: {  	[tilespmem:s9+$0xFFFFFFB0] =	vst v7;
	v7 =	vld [tilespmem:s9+$0xFFFFFFE0]  }
0xda: {  	[tilespmem:s9+$0xFFFFFFC0] =	vst v6;
	v8 =	vld [tilespmem:s9+$0x10]  }
0xdb: {  	v6 =	vld.idx.msk [tilespmem:v10+s14+$0x0], $0xffff  }
0xdc: {  	v9 =	vld [tilespmem:s9+$0x0]  }
0xdd: {  	v10 =	vld [tilespmem:s9+$0xFFFFFFF0];
	_ =	sdelay $0x2  }
0xde: {  	v7 =	vadd.f32 v7, v6  }
0xdf: {  	v8 =	vadd.f32 v8, v6  }
0xe0: {  	v9 =	vadd.f32 v9, v6;
	v6 =	vadd.f32 v10, v6;
	v7 =	vmul.f32 v7, v3  }
0xe1: {  	v10 =	vor.u32 $0x2, v5;
	v8 =	vmul.f32 v8, v2  }
0xe2: {  	v5 =	vmul.f32 v6, v4;
	[tilespmem:s9+$0xFFFFFFE0] =	vst v7  }
0xe3: {  	v9 =	vmul.f32 v9, v1;
	[tilespmem:s9+$0x10] =	vst v8;
	v7 =	vld [tilespmem:s9+$0x20]  }
0xe4: {  	[tilespmem:s9+$0xFFFFFFF0] =	vst v5;
	v5 =	vld [tilespmem:s9+$0x50]  }
0xe5: {  	[tilespmem:s9+$0x0] =	vst v9;
	v9 =	vld [tilespmem:s9+$0x30]  }
0xe6: {  	v6 =	vld.idx.msk [tilespmem:v10+s14+$0x0], $0xffff  }
0xe7: {  	s18 =	simm.s32 $0x1E120;
	s19 =	simm.s32 $0x11;
	v8 =	vld [tilespmem:s9+$0x40]  }
.LBB2_9:
0xe8: {  	_ = 	snop  }
0xe9: {  	p0 =	sne.s32 s19, $0x1F;
	s9 =	sadd.s32 $0xC0, s9;
	s11 =	sadd.s32 $0x40, s11  }
0xea: {  	s22 =	smov.u32 s19;
	s19 =	sadd.s32 $0x1, s19  }
0xeb: {  	v7 =	vadd.f32 v7, v6;
	v9 =	vadd.f32 v9, v6  }
0xec: {  	v5 =	vadd.f32 v5, v6;
	v8 =	vadd.f32 v8, v6  }
0xed: {  	s22 =	sshll.u32 s22, $0x3;
	v3 =	vmul.f32 v7, v3;
	v4 =	vmul.f32 v9, v4  }
0xee: {  	v6 =	vmov s22;
	v2 =	vmul.f32 v5, v2;
	v1 =	vmul.f32 v8, v1  }
0xef: {  	v5 =	vld [tilespmem:s9+$0xFFFFFFC0];
	[tilespmem:s18+$0x20] =	vst v3  }
0xf0: {  	v7 =	vld [tilespmem:s9+$0xFFFFFFB0];
	[tilespmem:s18+$0x30] =	vst v4  }
0xf1: {  	v8 =	vld [tilespmem:s9+$0xFFFFFFD0];
	[tilespmem:s18+$0x50] =	vst v2  }
0xf2: {  	v9 =	vld [tilespmem:s9+$0xFFFFFFA0];
	[tilespmem:s18+$0x40] =	vst v1;
	s18 =	smov.u32 s9  }
0xf3: {  	v10 =	vld.idx.msk [tilespmem:v6+s14+$0x0], $0xffff  }
0xf4: {  	v1 =	vld [tilespmem:s11+$0x0]  }
0xf5: {  	v3 =	vld [tilespmem:s11+$0xFFFFFFE0]  }
0xf6: {  	v2 =	vld [tilespmem:s11+$0x10]  }
0xf7: {  	v4 =	vld [tilespmem:s11+$0xFFFFFFF0];
	_ =	sdelay $0x1  }
0xf8: {  	v9 =	vadd.f32 v9, v10;
	v8 =	vadd.f32 v8, v10  }
0xf9: {  	v7 =	vadd.f32 v7, v10;
	v5 =	vadd.f32 v5, v10  }
0xfa: {  	v9 =	vmul.f32 v9, v3;
	v8 =	vmul.f32 v8, v2  }
0xfb: {  	v10 =	vor.u32 $0x1, v6;
	v5 =	vmul.f32 v5, v1;
	v7 =	vmul.f32 v7, v4  }
0xfc: {  	[tilespmem:s9+$0xFFFFFFD0] =	vst v8  }
0xfd: {  	[tilespmem:s9+$0xFFFFFFA0] =	vst v9  }
0xfe: {  	[tilespmem:s9+$0xFFFFFFB0] =	vst v7;
	v7 =	vld [tilespmem:s9+$0x10]  }
0xff: {  	[tilespmem:s9+$0xFFFFFFC0] =	vst v5;
	v5 =	vld [tilespmem:s9+$0xFFFFFFF0]  }
0x100: {  	v8 =	vld.idx.msk [tilespmem:v10+s14+$0x0], $0xffff  }
0x101: {  	v9 =	vld [tilespmem:s9+$0xFFFFFFE0]  }
0x102: {  	v10 =	vld [tilespmem:s9+$0x0];
	_ =	sdelay $0x3  }
0x103: {  	v5 =	vadd.f32 v5, v8;
	v9 =	vadd.f32 v9, v8  }
0x104: {  	v7 =	vadd.f32 v7, v8;
	v10 =	vadd.f32 v10, v8  }
0x105: {  	v5 =	vmul.f32 v5, v4;
	v8 =	vmul.f32 v9, v3  }
0x106: {  	v6 =	vor.u32 $0x2, v6;
	v7 =	vmul.f32 v7, v2;
	v9 =	vmul.f32 v10, v1  }
0x107: {  	[tilespmem:s9+$0xFFFFFFE0] =	vst v8  }
0x108: {  	[tilespmem:s9+$0x10] =	vst v7  }
.Ltmp3:
0x109: {  	[tilespmem:s9+$0x0] =	vst v9;
	v7 =	vld [tilespmem:s9+$0x20];
	(pc) =	sbr.rel @p0 .LBB2_9-.Ltmp3, $4  }
0x10a: {  	[tilespmem:s9+$0xFFFFFFF0] =	vst v5;
	v5 =	vld [tilespmem:s9+$0x50]  }
0x10b: {  	v6 =	vld.idx.msk [tilespmem:v6+s14+$0x0], $0xffff  }
0x10c: {  	v9 =	vld [tilespmem:s9+$0x30]  }
0x10d: {  	v8 =	vld [tilespmem:s9+$0x40]  }
0x10e: {  	_ =	sdelay $0x1  }
0x10f: {  	v7 =	vadd.f32 v7, v6  }
0x110: {  	v5 =	vadd.f32 v5, v6  }
0x111: {  	v9 =	vadd.f32 v9, v6;
	v3 =	vmul.f32 v7, v3  }
0x112: {  	v6 =	vadd.f32 v8, v6;
	v2 =	vmul.f32 v5, v2  }
0x113: {  	v4 =	vmul.f32 v9, v4;
	[tilespmem:s18+$0x20] =	vst v3  }
0x114: {  	v1 =	vmul.f32 v6, v1;
	[tilespmem:s18+$0x50] =	vst v2  }
0x115: {  	[tilespmem:s18+$0x30] =	vst v4  }
0x116: {  	[tilespmem:s18+$0x40] =	vst v1  }
0x117: {  	v1 =	vld [tilespmem:$0x1F4D0];
	_ =	sdelay $0x4  }
0x118: {  	[tilespmem:$0x1F890] =	vst v1  }
0x119: {  	[spmem:s3] =	stream.indirect.scatter.add.f32 [tilespmem:s2], [sflag:$0x6], $0xC0, s28, s16, $0xb8;
	[tilespmem:$0x1F8A0] =	vst v63  }
0x11a: {  	_ =	swait.ge [sflag:s30], $0xC00  }
0x11b: {  	[sflag:s30] =	ssyncset.done $0x0;
	s9 =	rddreg [dreg:$0xf]  }
0x11c: {  	s11 =	simm.s32 $0x1F590;
	[sflag:s30] =	ssyncadd.s32 $0xFFFFF400;
	s9 =	sadd.s32 s7, s9  }
0x11d: {  	[tilespmem:s2], [sflag:$0x4] =	stream.indirect.gather [hbm4b:s21+s16], $0xC0, s11, s16, $0xb8;
	[tilespmem:$0x1F8A0] =	vst v63  }
0x11e: {  	s9 =	sshll.u32 s9, $0xB  }
0x11f: {  	s9 =	sor.u32 s15, s9  }
0x120: {  	s9 =	sshrl.u32 s9, $0x3  }
0x121: {  	s19 =	simm.s32 $0x1F0C0;
	s9 =	sadd.s32 s8, s9  }
0x122: {  	[tilespmem:s19], [sflag:$0x4] =	stream.strided.gather [hbm4b:s9+s17], $0x400, s26, s17, $0x38;
	[tilespmem:$0x1F8A0] =	vst v63  }
0x123: {  	_ =	swait.ge [sflag:s1], $0xC00  }
0x124: {  	[sflag:s1] =	ssyncset.done $0x0  }
0x125: {  	[sflag:s1] =	ssyncadd.s32 $0xFFFFF400  }
0x126: {  	s22 =	simm.s32 $0x100;
	_ =	swait.ge [sflag:s1], $0x400  }
0x127: {  	v5 =	vmov s22;
	[sflag:s1] =	ssyncset.done $0x0  }
0x128: {  	s9 =	simm.s32 $0x1D520;
	[sflag:s1] =	ssyncadd.s32 $0xFFFFFC00  }
0x129: {  	v6 =	vld [tilespmem:s9+$0xFFFFFFC0]  }
0x12a: {  	v7 =	vld [tilespmem:s9+$0xFFFFFFB0]  }
0x12b: {  	v8 =	vld [tilespmem:s9+$0xFFFFFFD0]  }
0x12c: {  	v9 =	vld.idx.msk [tilespmem:v5+s14+$0x0], $0xffff  }
0x12d: {  	s11 =	simm.s32 $0x1ECE0;
	v10 =	vld [tilespmem:s9+$0xFFFFFFA0]  }
0x12e: {  	v2 =	vld [tilespmem:s11+$0x10]  }
0x12f: {  	v3 =	vld [tilespmem:s11+$0xFFFFFFE0]  }
0x130: {  	v4 =	vld [tilespmem:s11+$0xFFFFFFF0]  }
0x131: {  	v1 =	vld [tilespmem:s11+$0x0];
	v8 =	vadd.f32 v8, v9  }
0x132: {  	v10 =	vadd.f32 v10, v9  }
0x133: {  	v7 =	vadd.f32 v7, v9;
	v8 =	vmul.f32 v8, v2  }
0x134: {  	v6 =	vadd.f32 v6, v9;
	v9 =	vmul.f32 v10, v3;
	v10 =	vor.u32 $0x1, v5  }
0x135: {  	v7 =	vmul.f32 v7, v4;
	[tilespmem:s9+$0xFFFFFFD0] =	vst v8  }
0x136: {  	v6 =	vmul.f32 v6, v1;
	[tilespmem:s9+$0xFFFFFFA0] =	vst v9  }
0x137: {  	[tilespmem:s9+$0xFFFFFFB0] =	vst v7;
	v7 =	vld [tilespmem:s9+$0xFFFFFFE0]  }
0x138: {  	[tilespmem:s9+$0xFFFFFFC0] =	vst v6;
	v8 =	vld [tilespmem:s9+$0x10]  }
0x139: {  	v6 =	vld.idx.msk [tilespmem:v10+s14+$0x0], $0xffff  }
0x13a: {  	v9 =	vld [tilespmem:s9+$0x0]  }
0x13b: {  	v10 =	vld [tilespmem:s9+$0xFFFFFFF0];
	_ =	sdelay $0x2  }
0x13c: {  	v7 =	vadd.f32 v7, v6  }
0x13d: {  	v8 =	vadd.f32 v8, v6  }
0x13e: {  	v9 =	vadd.f32 v9, v6;
	v6 =	vadd.f32 v10, v6;
	v7 =	vmul.f32 v7, v3  }
0x13f: {  	v10 =	vor.u32 $0x2, v5;
	v8 =	vmul.f32 v8, v2  }
0x140: {  	v5 =	vmul.f32 v6, v4;
	[tilespmem:s9+$0xFFFFFFE0] =	vst v7  }
0x141: {  	v9 =	vmul.f32 v9, v1;
	[tilespmem:s9+$0x10] =	vst v8;
	v7 =	vld [tilespmem:s9+$0x20]  }
0x142: {  	[tilespmem:s9+$0xFFFFFFF0] =	vst v5;
	v5 =	vld [tilespmem:s9+$0x50]  }
0x143: {  	[tilespmem:s9+$0x0] =	vst v9;
	v9 =	vld [tilespmem:s9+$0x30]  }
0x144: {  	v6 =	vld.idx.msk [tilespmem:v10+s14+$0x0], $0xffff  }
0x145: {  	s18 =	simm.s32 $0x1D520;
	s19 =	simm.s32 $0x21;
	v8 =	vld [tilespmem:s9+$0x40]  }
.LBB2_11:
0x146: {  	_ = 	snop  }
0x147: {  	p0 =	sne.s32 s19, $0x2F;
	s9 =	sadd.s32 $0xC0, s9;
	s11 =	sadd.s32 $0x40, s11  }
0x148: {  	s22 =	smov.u32 s19;
	s19 =	sadd.s32 $0x1, s19  }
0x149: {  	v7 =	vadd.f32 v7, v6;
	v9 =	vadd.f32 v9, v6  }
0x14a: {  	v5 =	vadd.f32 v5, v6;
	v8 =	vadd.f32 v8, v6  }
0x14b: {  	s22 =	sshll.u32 s22, $0x3;
	v3 =	vmul.f32 v7, v3;
	v4 =	vmul.f32 v9, v4  }
0x14c: {  	v6 =	vmov s22;
	v2 =	vmul.f32 v5, v2;
	v1 =	vmul.f32 v8, v1  }
0x14d: {  	v5 =	vld [tilespmem:s9+$0xFFFFFFC0];
	[tilespmem:s18+$0x20] =	vst v3  }
0x14e: {  	v7 =	vld [tilespmem:s9+$0xFFFFFFB0];
	[tilespmem:s18+$0x30] =	vst v4  }
0x14f: {  	v8 =	vld [tilespmem:s9+$0xFFFFFFD0];
	[tilespmem:s18+$0x50] =	vst v2  }
0x150: {  	v9 =	vld [tilespmem:s9+$0xFFFFFFA0];
	[tilespmem:s18+$0x40] =	vst v1;
	s18 =	smov.u32 s9  }
0x151: {  	v10 =	vld.idx.msk [tilespmem:v6+s14+$0x0], $0xffff  }
0x152: {  	v1 =	vld [tilespmem:s11+$0x0]  }
0x153: {  	v3 =	vld [tilespmem:s11+$0xFFFFFFE0]  }
0x154: {  	v2 =	vld [tilespmem:s11+$0x10]  }
0x155: {  	v4 =	vld [tilespmem:s11+$0xFFFFFFF0];
	_ =	sdelay $0x1  }
0x156: {  	v9 =	vadd.f32 v9, v10;
	v8 =	vadd.f32 v8, v10  }
0x157: {  	v7 =	vadd.f32 v7, v10;
	v5 =	vadd.f32 v5, v10  }
0x158: {  	v9 =	vmul.f32 v9, v3;
	v8 =	vmul.f32 v8, v2  }
0x159: {  	v10 =	vor.u32 $0x1, v6;
	v5 =	vmul.f32 v5, v1;
	v7 =	vmul.f32 v7, v4  }
0x15a: {  	[tilespmem:s9+$0xFFFFFFD0] =	vst v8  }
0x15b: {  	[tilespmem:s9+$0xFFFFFFA0] =	vst v9  }
0x15c: {  	[tilespmem:s9+$0xFFFFFFB0] =	vst v7;
	v7 =	vld [tilespmem:s9+$0x10]  }
0x15d: {  	[tilespmem:s9+$0xFFFFFFC0] =	vst v5;
	v5 =	vld [tilespmem:s9+$0xFFFFFFF0]  }
0x15e: {  	v8 =	vld.idx.msk [tilespmem:v10+s14+$0x0], $0xffff  }
0x15f: {  	v9 =	vld [tilespmem:s9+$0xFFFFFFE0]  }
0x160: {  	v10 =	vld [tilespmem:s9+$0x0];
	_ =	sdelay $0x3  }
0x161: {  	v5 =	vadd.f32 v5, v8;
	v9 =	vadd.f32 v9, v8  }
0x162: {  	v7 =	vadd.f32 v7, v8;
	v10 =	vadd.f32 v10, v8  }
0x163: {  	v5 =	vmul.f32 v5, v4;
	v8 =	vmul.f32 v9, v3  }
0x164: {  	v6 =	vor.u32 $0x2, v6;
	v7 =	vmul.f32 v7, v2;
	v9 =	vmul.f32 v10, v1  }
0x165: {  	[tilespmem:s9+$0xFFFFFFE0] =	vst v8  }
0x166: {  	[tilespmem:s9+$0x10] =	vst v7  }
.Ltmp4:
0x167: {  	[tilespmem:s9+$0x0] =	vst v9;
	v7 =	vld [tilespmem:s9+$0x20];
	(pc) =	sbr.rel @p0 .LBB2_11-.Ltmp4, $4  }
0x168: {  	[tilespmem:s9+$0xFFFFFFF0] =	vst v5;
	v5 =	vld [tilespmem:s9+$0x50]  }
0x169: {  	v6 =	vld.idx.msk [tilespmem:v6+s14+$0x0], $0xffff  }
0x16a: {  	v9 =	vld [tilespmem:s9+$0x30]  }
0x16b: {  	v8 =	vld [tilespmem:s9+$0x40]  }
0x16c: {  	_ =	sdelay $0x1  }
0x16d: {  	v7 =	vadd.f32 v7, v6  }
0x16e: {  	v5 =	vadd.f32 v5, v6  }
0x16f: {  	v9 =	vadd.f32 v9, v6;
	v3 =	vmul.f32 v7, v3  }
0x170: {  	v6 =	vadd.f32 v8, v6;
	v2 =	vmul.f32 v5, v2  }
0x171: {  	v4 =	vmul.f32 v9, v4;
	[tilespmem:s18+$0x20] =	vst v3  }
0x172: {  	v1 =	vmul.f32 v6, v1;
	[tilespmem:s18+$0x50] =	vst v2  }
0x173: {  	[tilespmem:s18+$0x30] =	vst v4  }
0x174: {  	[tilespmem:s18+$0x40] =	vst v1  }
0x175: {  	v1 =	vld [tilespmem:$0x1F4E0];
	_ =	sdelay $0x4  }
0x176: {  	[tilespmem:$0x1F880] =	vst v1  }
0x177: {  	[spmem:s3] =	stream.indirect.scatter.add.f32 [tilespmem:s0], [sflag:$0x5], $0xC0, s31, s16, $0xb8;
	[tilespmem:$0x1F8A0] =	vst v63  }
0x178: {  	_ =	swait.ge [sflag:s20], $0xC00  }
0x179: {  	[sflag:s20] =	ssyncset.done $0x0;
	s9 =	rddreg [dreg:$0x11]  }
0x17a: {  	s11 =	simm.s32 $0x1F5A0;
	[sflag:s20] =	ssyncadd.s32 $0xFFFFF400;
	s9 =	sadd.s32 s7, s9  }
0x17b: {  	[tilespmem:s0], [sflag:$0x3] =	stream.indirect.gather [hbm4b:s21+s16], $0xC0, s11, s16, $0xb8;
	[tilespmem:$0x1F8A0] =	vst v63  }
0x17c: {  	s9 =	sshll.u32 s9, $0xB  }
0x17d: {  	s9 =	sor.u32 s15, s9  }
0x17e: {  	s9 =	sshrl.u32 s9, $0x3  }
0x17f: {  	s9 =	sadd.s32 s8, s9  }
0x180: {  	[tilespmem:s29], [sflag:$0x3] =	stream.strided.gather [hbm4b:s9+s17], $0x400, s26, s17, $0x38;
	[tilespmem:$0x1F8A0] =	vst v63  }
0x181: {  	_ =	swait.ge [sflag:s23], $0xC00  }
0x182: {  	[sflag:s23] =	ssyncset.done $0x0  }
0x183: {  	[sflag:s23] =	ssyncadd.s32 $0xFFFFF400  }
0x184: {  	s22 =	simm.s32 $0x180;
	_ =	swait.ge [sflag:s23], $0x400  }
0x185: {  	v5 =	vmov s22;
	[sflag:s23] =	ssyncset.done $0x0  }
0x186: {  	s9 =	simm.s32 $0x1E120;
	[sflag:s23] =	ssyncadd.s32 $0xFFFFFC00  }
0x187: {  	v6 =	vld [tilespmem:s9+$0xFFFFFFC0]  }
0x188: {  	v7 =	vld [tilespmem:s9+$0xFFFFFFB0]  }
0x189: {  	v8 =	vld [tilespmem:s9+$0xFFFFFFD0]  }
0x18a: {  	v9 =	vld.idx.msk [tilespmem:v5+s14+$0x0], $0xffff  }
0x18b: {  	s11 =	simm.s32 $0x1F0E0;
	v10 =	vld [tilespmem:s9+$0xFFFFFFA0]  }
0x18c: {  	v2 =	vld [tilespmem:s11+$0x10]  }
0x18d: {  	v3 =	vld [tilespmem:s11+$0xFFFFFFE0]  }
0x18e: {  	v4 =	vld [tilespmem:s11+$0xFFFFFFF0]  }
0x18f: {  	v1 =	vld [tilespmem:s11+$0x0];
	v8 =	vadd.f32 v8, v9  }
0x190: {  	v10 =	vadd.f32 v10, v9  }
0x191: {  	v7 =	vadd.f32 v7, v9;
	v8 =	vmul.f32 v8, v2  }
0x192: {  	v6 =	vadd.f32 v6, v9;
	v9 =	vmul.f32 v10, v3;
	v10 =	vor.u32 $0x1, v5  }
0x193: {  	v7 =	vmul.f32 v7, v4;
	[tilespmem:s9+$0xFFFFFFD0] =	vst v8  }
0x194: {  	v6 =	vmul.f32 v6, v1;
	[tilespmem:s9+$0xFFFFFFA0] =	vst v9  }
0x195: {  	[tilespmem:s9+$0xFFFFFFB0] =	vst v7;
	v7 =	vld [tilespmem:s9+$0xFFFFFFE0]  }
0x196: {  	[tilespmem:s9+$0xFFFFFFC0] =	vst v6;
	v8 =	vld [tilespmem:s9+$0x10]  }
0x197: {  	v6 =	vld.idx.msk [tilespmem:v10+s14+$0x0], $0xffff  }
0x198: {  	v9 =	vld [tilespmem:s9+$0x0]  }
0x199: {  	v10 =	vld [tilespmem:s9+$0xFFFFFFF0];
	_ =	sdelay $0x2  }
0x19a: {  	v7 =	vadd.f32 v7, v6  }
0x19b: {  	v8 =	vadd.f32 v8, v6  }
0x19c: {  	v9 =	vadd.f32 v9, v6;
	v6 =	vadd.f32 v10, v6;
	v7 =	vmul.f32 v7, v3  }
0x19d: {  	v10 =	vor.u32 $0x2, v5;
	v8 =	vmul.f32 v8, v2  }
0x19e: {  	v5 =	vmul.f32 v6, v4;
	[tilespmem:s9+$0xFFFFFFE0] =	vst v7  }
0x19f: {  	v9 =	vmul.f32 v9, v1;
	[tilespmem:s9+$0x10] =	vst v8;
	v7 =	vld [tilespmem:s9+$0x20]  }
0x1a0: {  	[tilespmem:s9+$0xFFFFFFF0] =	vst v5;
	v5 =	vld [tilespmem:s9+$0x50]  }
0x1a1: {  	[tilespmem:s9+$0x0] =	vst v9;
	v9 =	vld [tilespmem:s9+$0x30]  }
0x1a2: {  	v6 =	vld.idx.msk [tilespmem:v10+s14+$0x0], $0xffff  }
0x1a3: {  	s19 =	simm.s32 $0x31;
	s18 =	simm.s32 $0x1E120;
	v8 =	vld [tilespmem:s9+$0x40]  }
.LBB2_13:
0x1a4: {  	_ = 	snop  }
0x1a5: {  	p0 =	sne.s32 s19, $0x3F;
	s9 =	sadd.s32 $0xC0, s9;
	s11 =	sadd.s32 $0x40, s11  }
0x1a6: {  	s22 =	smov.u32 s19;
	s19 =	sadd.s32 $0x1, s19  }
0x1a7: {  	v7 =	vadd.f32 v7, v6;
	v9 =	vadd.f32 v9, v6  }
0x1a8: {  	v5 =	vadd.f32 v5, v6;
	v8 =	vadd.f32 v8, v6  }
0x1a9: {  	s22 =	sshll.u32 s22, $0x3;
	v3 =	vmul.f32 v7, v3;
	v4 =	vmul.f32 v9, v4  }
0x1aa: {  	v6 =	vmov s22;
	v2 =	vmul.f32 v5, v2;
	v1 =	vmul.f32 v8, v1  }
0x1ab: {  	v5 =	vld [tilespmem:s9+$0xFFFFFFC0];
	[tilespmem:s18+$0x20] =	vst v3  }
0x1ac: {  	v7 =	vld [tilespmem:s9+$0xFFFFFFB0];
	[tilespmem:s18+$0x30] =	vst v4  }
0x1ad: {  	v8 =	vld [tilespmem:s9+$0xFFFFFFD0];
	[tilespmem:s18+$0x50] =	vst v2  }
0x1ae: {  	v9 =	vld [tilespmem:s9+$0xFFFFFFA0];
	[tilespmem:s18+$0x40] =	vst v1;
	s18 =	smov.u32 s9  }
0x1af: {  	v10 =	vld.idx.msk [tilespmem:v6+s14+$0x0], $0xffff  }
0x1b0: {  	v1 =	vld [tilespmem:s11+$0x0]  }
0x1b1: {  	v3 =	vld [tilespmem:s11+$0xFFFFFFE0]  }
0x1b2: {  	v2 =	vld [tilespmem:s11+$0x10]  }
0x1b3: {  	v4 =	vld [tilespmem:s11+$0xFFFFFFF0];
	_ =	sdelay $0x1  }
0x1b4: {  	v9 =	vadd.f32 v9, v10;
	v8 =	vadd.f32 v8, v10  }
0x1b5: {  	v7 =	vadd.f32 v7, v10;
	v5 =	vadd.f32 v5, v10  }
0x1b6: {  	v9 =	vmul.f32 v9, v3;
	v8 =	vmul.f32 v8, v2  }
0x1b7: {  	v10 =	vor.u32 $0x1, v6;
	v5 =	vmul.f32 v5, v1;
	v7 =	vmul.f32 v7, v4  }
0x1b8: {  	[tilespmem:s9+$0xFFFFFFD0] =	vst v8  }
0x1b9: {  	[tilespmem:s9+$0xFFFFFFA0] =	vst v9  }
0x1ba: {  	[tilespmem:s9+$0xFFFFFFB0] =	vst v7;
	v7 =	vld [tilespmem:s9+$0x10]  }
0x1bb: {  	[tilespmem:s9+$0xFFFFFFC0] =	vst v5;
	v5 =	vld [tilespmem:s9+$0xFFFFFFF0]  }
0x1bc: {  	v8 =	vld.idx.msk [tilespmem:v10+s14+$0x0], $0xffff  }
0x1bd: {  	v9 =	vld [tilespmem:s9+$0xFFFFFFE0]  }
0x1be: {  	v10 =	vld [tilespmem:s9+$0x0];
	_ =	sdelay $0x3  }
0x1bf: {  	v5 =	vadd.f32 v5, v8;
	v9 =	vadd.f32 v9, v8  }
0x1c0: {  	v7 =	vadd.f32 v7, v8;
	v10 =	vadd.f32 v10, v8  }
0x1c1: {  	v5 =	vmul.f32 v5, v4;
	v8 =	vmul.f32 v9, v3  }
0x1c2: {  	v6 =	vor.u32 $0x2, v6;
	v7 =	vmul.f32 v7, v2;
	v9 =	vmul.f32 v10, v1  }
0x1c3: {  	[tilespmem:s9+$0xFFFFFFE0] =	vst v8  }
0x1c4: {  	[tilespmem:s9+$0x10] =	vst v7  }
.Ltmp5:
0x1c5: {  	[tilespmem:s9+$0x0] =	vst v9;
	v7 =	vld [tilespmem:s9+$0x20];
	(pc) =	sbr.rel @p0 .LBB2_13-.Ltmp5, $4  }
0x1c6: {  	[tilespmem:s9+$0xFFFFFFF0] =	vst v5;
	v5 =	vld [tilespmem:s9+$0x50]  }
0x1c7: {  	v6 =	vld.idx.msk [tilespmem:v6+s14+$0x0], $0xffff  }
0x1c8: {  	v9 =	vld [tilespmem:s9+$0x30]  }
0x1c9: {  	v8 =	vld [tilespmem:s9+$0x40]  }
0x1ca: {  	_ =	sdelay $0x1  }
0x1cb: {  	v7 =	vadd.f32 v7, v6  }
0x1cc: {  	v5 =	vadd.f32 v5, v6  }
0x1cd: {  	v9 =	vadd.f32 v9, v6;
	v3 =	vmul.f32 v7, v3  }
0x1ce: {  	v6 =	vadd.f32 v8, v6;
	v2 =	vmul.f32 v5, v2  }
0x1cf: {  	v4 =	vmul.f32 v9, v4;
	[tilespmem:s18+$0x20] =	vst v3  }
0x1d0: {  	v1 =	vmul.f32 v6, v1;
	[tilespmem:s18+$0x50] =	vst v2  }
0x1d1: {  	[tilespmem:s18+$0x30] =	vst v4  }
0x1d2: {  	[tilespmem:s18+$0x40] =	vst v1  }
0x1d3: {  	v1 =	vld [tilespmem:$0x1F4F0];
	_ =	sdelay $0x4  }
0x1d4: {  	[tilespmem:$0x1F890] =	vst v1  }
0x1d5: {  	[spmem:s3] =	stream.indirect.scatter.add.f32 [tilespmem:s2], [sflag:$0x6], $0xC0, s28, s16, $0xb8;
	[tilespmem:$0x1F8A0] =	vst v63  }
0x1d6: {  	_ =	swait.ge [sflag:s30], $0xC00  }
0x1d7: {  	[sflag:s30] =	ssyncset.done $0x0  }
0x1d8: {  	[sflag:s30] =	ssyncadd.s32 $0xFFFFF400  }
0x1d9: {  	_ =	swait.ge [sflag:s13], $0x50  }
0x1da: {  	[sflag:s13] =	ssyncset.done $0x0  }
0x1db: {  	[sflag:s13] =	ssyncadd.s32 $0xFFFFFFB0  }
0x1dc: {  	_ =	swait.ge [sflag:s13], $0x50  }
0x1dd: {  	[sflag:s13] =	ssyncset.done $0x0;
	s9 =	rddreg [dreg:$0x12]  }
0x1de: {  	s18 =	simm.s32 $0x1F5B0;
	[sflag:s13] =	ssyncadd.s32 $0xFFFFFFB0;
	s7 =	sadd.s32 s7, s9  }
0x1df: {  	[tilespmem:s2], [sflag:$0x4] =	stream.indirect.gather [hbm4b:s21+s16], $0xC0, s18, s16, $0xb8;
	[tilespmem:$0x1F8A0] =	vst v63  }
0x1e0: {  	s7 =	sshll.u32 s7, $0xB  }
0x1e1: {  	s7 =	sor.u32 s15, s7  }
0x1e2: {  	s7 =	sshrl.u32 s7, $0x3  }
0x1e3: {  	s19 =	simm.s32 $0x40;
	s11 =	simm.s32 $0x1F0C0;
	s7 =	sadd.s32 s8, s7  }
0x1e4: {  	[tilespmem:s11], [sflag:$0x4] =	stream.strided.gather [hbm4b:s7+s19], $0x400, s26, s19, $0x38;
	[tilespmem:$0x1F8A0] =	vst v63  }
0x1e5: {  	_ =	swait.ge [sflag:s1], $0xC00  }
0x1e6: {  	[sflag:s1] =	ssyncset.done $0x0  }
0x1e7: {  	[sflag:s1] =	ssyncadd.s32 $0xFFFFF400  }
0x1e8: {  	s22 =	simm.s32 $0x200;
	_ =	swait.ge [sflag:s1], $0x400  }
0x1e9: {  	v5 =	vmov s22;
	[sflag:s1] =	ssyncset.done $0x0  }
0x1ea: {  	s7 =	simm.s32 $0x1D520;
	[sflag:s1] =	ssyncadd.s32 $0xFFFFFC00  }
0x1eb: {  	v6 =	vld [tilespmem:s7+$0xFFFFFFC0]  }
0x1ec: {  	v7 =	vld [tilespmem:s7+$0xFFFFFFB0]  }
0x1ed: {  	v8 =	vld [tilespmem:s7+$0xFFFFFFD0]  }
0x1ee: {  	v9 =	vld.idx.msk [tilespmem:v5+s14+$0x0], $0xffff  }
0x1ef: {  	s9 =	simm.s32 $0x1ECE0;
	v10 =	vld [tilespmem:s7+$0xFFFFFFA0]  }
0x1f0: {  	v2 =	vld [tilespmem:s9+$0x10]  }
0x1f1: {  	v3 =	vld [tilespmem:s9+$0xFFFFFFE0]  }
0x1f2: {  	v4 =	vld [tilespmem:s9+$0xFFFFFFF0]  }
0x1f3: {  	v1 =	vld [tilespmem:s9+$0x0];
	v8 =	vadd.f32 v8, v9  }
0x1f4: {  	v10 =	vadd.f32 v10, v9  }
0x1f5: {  	v7 =	vadd.f32 v7, v9;
	v8 =	vmul.f32 v8, v2  }
0x1f6: {  	v6 =	vadd.f32 v6, v9;
	v9 =	vmul.f32 v10, v3;
	v10 =	vor.u32 $0x1, v5  }
0x1f7: {  	v7 =	vmul.f32 v7, v4;
	[tilespmem:s7+$0xFFFFFFD0] =	vst v8  }
0x1f8: {  	v6 =	vmul.f32 v6, v1;
	[tilespmem:s7+$0xFFFFFFA0] =	vst v9  }
0x1f9: {  	[tilespmem:s7+$0xFFFFFFB0] =	vst v7;
	v7 =	vld [tilespmem:s7+$0xFFFFFFE0]  }
0x1fa: {  	[tilespmem:s7+$0xFFFFFFC0] =	vst v6;
	v8 =	vld [tilespmem:s7+$0x10]  }
0x1fb: {  	v6 =	vld.idx.msk [tilespmem:v10+s14+$0x0], $0xffff  }
0x1fc: {  	v9 =	vld [tilespmem:s7+$0x0]  }
0x1fd: {  	v10 =	vld [tilespmem:s7+$0xFFFFFFF0];
	_ =	sdelay $0x2  }
0x1fe: {  	v7 =	vadd.f32 v7, v6  }
0x1ff: {  	v8 =	vadd.f32 v8, v6  }
0x200: {  	v9 =	vadd.f32 v9, v6;
	v6 =	vadd.f32 v10, v6;
	v7 =	vmul.f32 v7, v3  }
0x201: {  	v10 =	vor.u32 $0x2, v5;
	v8 =	vmul.f32 v8, v2  }
0x202: {  	v5 =	vmul.f32 v6, v4;
	[tilespmem:s7+$0xFFFFFFE0] =	vst v7  }
0x203: {  	v9 =	vmul.f32 v9, v1;
	[tilespmem:s7+$0x10] =	vst v8;
	v7 =	vld [tilespmem:s7+$0x20]  }
0x204: {  	[tilespmem:s7+$0xFFFFFFF0] =	vst v5;
	v5 =	vld [tilespmem:s7+$0x50]  }
0x205: {  	[tilespmem:s7+$0x0] =	vst v9;
	v9 =	vld [tilespmem:s7+$0x30]  }
0x206: {  	v6 =	vld.idx.msk [tilespmem:v10+s14+$0x0], $0xffff  }
0x207: {  	s18 =	simm.s32 $0x41;
	s11 =	simm.s32 $0x1D520;
	v8 =	vld [tilespmem:s7+$0x40]  }
.LBB2_15:
0x208: {  	_ = 	snop  }
0x209: {  	p0 =	sne.s32 s18, $0x4F;
	s7 =	sadd.s32 $0xC0, s7;
	s9 =	sadd.s32 $0x40, s9  }
0x20a: {  	s19 =	smov.u32 s18;
	s18 =	sadd.s32 $0x1, s18  }
0x20b: {  	v7 =	vadd.f32 v7, v6;
	v9 =	vadd.f32 v9, v6  }
0x20c: {  	v5 =	vadd.f32 v5, v6;
	v8 =	vadd.f32 v8, v6  }
0x20d: {  	s19 =	sshll.u32 s19, $0x3;
	v3 =	vmul.f32 v7, v3;
	v4 =	vmul.f32 v9, v4  }
0x20e: {  	v6 =	vmov s19;
	v2 =	vmul.f32 v5, v2;
	v1 =	vmul.f32 v8, v1  }
0x20f: {  	v5 =	vld [tilespmem:s7+$0xFFFFFFC0];
	[tilespmem:s11+$0x20] =	vst v3  }
0x210: {  	v7 =	vld [tilespmem:s7+$0xFFFFFFB0];
	[tilespmem:s11+$0x30] =	vst v4  }
0x211: {  	v8 =	vld [tilespmem:s7+$0xFFFFFFD0];
	[tilespmem:s11+$0x50] =	vst v2  }
0x212: {  	v9 =	vld [tilespmem:s7+$0xFFFFFFA0];
	[tilespmem:s11+$0x40] =	vst v1;
	s11 =	smov.u32 s7  }
0x213: {  	v10 =	vld.idx.msk [tilespmem:v6+s14+$0x0], $0xffff  }
0x214: {  	v1 =	vld [tilespmem:s9+$0x0]  }
0x215: {  	v3 =	vld [tilespmem:s9+$0xFFFFFFE0]  }
0x216: {  	v2 =	vld [tilespmem:s9+$0x10]  }
0x217: {  	v4 =	vld [tilespmem:s9+$0xFFFFFFF0];
	_ =	sdelay $0x1  }
0x218: {  	v9 =	vadd.f32 v9, v10;
	v8 =	vadd.f32 v8, v10  }
0x219: {  	v7 =	vadd.f32 v7, v10;
	v5 =	vadd.f32 v5, v10  }
0x21a: {  	v9 =	vmul.f32 v9, v3;
	v8 =	vmul.f32 v8, v2  }
0x21b: {  	v10 =	vor.u32 $0x1, v6;
	v5 =	vmul.f32 v5, v1;
	v7 =	vmul.f32 v7, v4  }
0x21c: {  	[tilespmem:s7+$0xFFFFFFD0] =	vst v8  }
0x21d: {  	[tilespmem:s7+$0xFFFFFFA0] =	vst v9  }
0x21e: {  	[tilespmem:s7+$0xFFFFFFB0] =	vst v7;
	v7 =	vld [tilespmem:s7+$0x10]  }
0x21f: {  	[tilespmem:s7+$0xFFFFFFC0] =	vst v5;
	v5 =	vld [tilespmem:s7+$0xFFFFFFF0]  }
0x220: {  	v8 =	vld.idx.msk [tilespmem:v10+s14+$0x0], $0xffff  }
0x221: {  	v9 =	vld [tilespmem:s7+$0xFFFFFFE0]  }
0x222: {  	v10 =	vld [tilespmem:s7+$0x0];
	_ =	sdelay $0x3  }
0x223: {  	v5 =	vadd.f32 v5, v8;
	v9 =	vadd.f32 v9, v8  }
0x224: {  	v7 =	vadd.f32 v7, v8;
	v10 =	vadd.f32 v10, v8  }
0x225: {  	v5 =	vmul.f32 v5, v4;
	v8 =	vmul.f32 v9, v3  }
0x226: {  	v6 =	vor.u32 $0x2, v6;
	v7 =	vmul.f32 v7, v2;
	v9 =	vmul.f32 v10, v1  }
0x227: {  	[tilespmem:s7+$0xFFFFFFE0] =	vst v8  }
0x228: {  	[tilespmem:s7+$0x10] =	vst v7  }
.Ltmp6:
0x229: {  	[tilespmem:s7+$0x0] =	vst v9;
	v7 =	vld [tilespmem:s7+$0x20];
	(pc) =	sbr.rel @p0 .LBB2_15-.Ltmp6, $4  }
0x22a: {  	[tilespmem:s7+$0xFFFFFFF0] =	vst v5;
	v5 =	vld [tilespmem:s7+$0x50]  }
0x22b: {  	v6 =	vld.idx.msk [tilespmem:v6+s14+$0x0], $0xffff  }
0x22c: {  	v9 =	vld [tilespmem:s7+$0x30]  }
0x22d: {  	v8 =	vld [tilespmem:s7+$0x40]  }
0x22e: {  	_ =	sdelay $0x1  }
0x22f: {  	v7 =	vadd.f32 v7, v6  }
0x230: {  	v5 =	vadd.f32 v5, v6  }
0x231: {  	v9 =	vadd.f32 v9, v6;
	v3 =	vmul.f32 v7, v3  }
0x232: {  	v6 =	vadd.f32 v8, v6;
	v2 =	vmul.f32 v5, v2  }
0x233: {  	v4 =	vmul.f32 v9, v4;
	[tilespmem:s11+$0x20] =	vst v3  }
0x234: {  	v1 =	vmul.f32 v6, v1;
	[tilespmem:s11+$0x50] =	vst v2  }
0x235: {  	[tilespmem:s11+$0x30] =	vst v4  }
0x236: {  	[tilespmem:s11+$0x40] =	vst v1  }
0x237: {  	v1 =	vld [tilespmem:$0x1F500];
	_ =	sdelay $0x2  }
0x238: {  	p0 =	seq.s32 s4, $0x7C;
	s7 =	rddreg [dreg:$0x16]  }
0x239: {  	s7 =	sadd.s32 @!p0 s6, s7  }
0x23a: {  	s9 =	smul.u32 @!p0 $0xA, s7;
	s7 =	rddreg [dreg:$0x5];
	[tilespmem:$0x1F880] =	vst v1  }
0x23b: {  	[spmem:s3] =	stream.indirect.scatter.add.f32 [tilespmem:s0], [sflag:$0x5], $0xC0, s31, s16, $0xb8;
	[tilespmem:$0x1F8A0] =	vst v63  }
0x23c: {  	s18 =	simm.s32 @!p0 $0x1F4C0;
	s7 =	sadd.s32 @!p0 s7, s9;
	s11 =	simm.s32 @!p0 $0x0  }
0x23d: {  	[tilespmem:s18], [sflag:$0x1] =	stream.linear.gather @!p0 [hbm4b:s7+s11], $0x50, $0x38;
	[tilespmem:$0x1F8A0] =	vst v63  }
0x23e: {  	s7 =	sor.u32 $0x1, s6  }
0x23f: {  	s12 =	smov.u32 s25;
	s19 =	rddreg [dreg:$0x6];
	s25 =	sadd.s32 s25, s7  }
0x240: {  	s9 =	sadd.s32 @!p0 s19, s9;
	s19 =	simm.s32 @!p0 $0x1F560;
	s18 =	smul.u32 $0x50, s25  }
0x241: {  	[tilespmem:s19], [sflag:$0x1] =	stream.linear.gather @!p0 [hbm4b:s9+s11], $0x50, $0x38;
	[tilespmem:$0x1F8A0] =	vst v63  }
0x242: {  	s11 =	sadd.s32 s24, s18;
	s18 =	simm.s32 $0x0  }
0x243: {  	[tilespmem:s14], [sflag:$0x7] =	stream.linear.gather [hbm4b:s11+s18], $0x280, $0x38;
	[tilespmem:$0x1F8A0] =	vst v63  }
0x244: {  	_ =	swait.ge [sflag:s5], $0x280  }
0x245: {  	[sflag:s5] =	ssyncset.done $0x0  }
0x246: {  	[sflag:s5] =	ssyncadd.s32 $0xFFFFFD80  }
0x247: {  	s9 =	smul.u32 $0x5, s7;
	_ =	swait.ge [sflag:s20], $0xC00  }
0x248: {  	[sflag:s20] =	ssyncset.done $0x0;
	s19 =	rddreg [dreg:$0xc]  }
0x249: {  	s22 =	simm.s32 $0x1F5C0;
	[sflag:s20] =	ssyncadd.s32 $0xFFFFF400;
	s11 =	sadd.s32 s9, s19  }
0x24a: {  	[tilespmem:s0], [sflag:$0x3] =	stream.indirect.gather [hbm4b:s21+s16], $0xC0, s22, s16, $0xb8;
	[tilespmem:$0x1F8A0] =	vst v63  }
0x24b: {  	s11 =	sshll.u32 s11, $0xB  }
0x24c: {  	s11 =	sor.u32 s15, s11  }
0x24d: {  	s11 =	sshrl.u32 s11, $0x3  }
0x24e: {  	s11 =	sadd.s32 s8, s11  }
0x24f: {  	[tilespmem:s29], [sflag:$0x3] =	stream.strided.gather [hbm4b:s11+s17], $0x400, s26, s17, $0x38;
	[tilespmem:$0x1F8A0] =	vst v63  }
0x250: {  	_ =	swait.ge [sflag:s23], $0xC00  }
0x251: {  	[sflag:s23] =	ssyncset.done $0x0  }
0x252: {  	[sflag:s23] =	ssyncadd.s32 $0xFFFFF400  }
0x253: {  	s25 =	smov.u32 s24;
	s24 =	simm.s32 $0x0;
	_ =	swait.ge [sflag:s23], $0x400  }
0x254: {  	v5 =	vmov s24;
	[sflag:s23] =	ssyncset.done $0x0  }
0x255: {  	s11 =	simm.s32 $0x1E120;
	[sflag:s23] =	ssyncadd.s32 $0xFFFFFC00  }
0x256: {  	v6 =	vld [tilespmem:s11+$0xFFFFFFC0]  }
0x257: {  	v7 =	vld [tilespmem:s11+$0xFFFFFFB0]  }
0x258: {  	v8 =	vld [tilespmem:s11+$0xFFFFFFD0]  }
0x259: {  	v9 =	vld.idx.msk [tilespmem:v5+s14+$0x0], $0xffff  }
0x25a: {  	s18 =	simm.s32 $0x1F0E0;
	v10 =	vld [tilespmem:s11+$0xFFFFFFA0]  }
0x25b: {  	v2 =	vld [tilespmem:s18+$0x10]  }
0x25c: {  	v3 =	vld [tilespmem:s18+$0xFFFFFFE0]  }
0x25d: {  	v4 =	vld [tilespmem:s18+$0xFFFFFFF0]  }
0x25e: {  	v1 =	vld [tilespmem:s18+$0x0];
	v8 =	vadd.f32 v8, v9  }
0x25f: {  	v10 =	vadd.f32 v10, v9  }
0x260: {  	v7 =	vadd.f32 v7, v9;
	v8 =	vmul.f32 v8, v2  }
0x261: {  	v6 =	vadd.f32 v6, v9;
	v9 =	vmul.f32 v10, v3;
	v10 =	vor.u32 $0x1, v5  }
0x262: {  	v7 =	vmul.f32 v7, v4;
	[tilespmem:s11+$0xFFFFFFD0] =	vst v8  }
0x263: {  	v6 =	vmul.f32 v6, v1;
	[tilespmem:s11+$0xFFFFFFA0] =	vst v9  }
0x264: {  	[tilespmem:s11+$0xFFFFFFB0] =	vst v7;
	v7 =	vld [tilespmem:s11+$0xFFFFFFE0]  }
0x265: {  	[tilespmem:s11+$0xFFFFFFC0] =	vst v6;
	v8 =	vld [tilespmem:s11+$0x10]  }
0x266: {  	v6 =	vld.idx.msk [tilespmem:v10+s14+$0x0], $0xffff  }
0x267: {  	v9 =	vld [tilespmem:s11+$0x0]  }
0x268: {  	v10 =	vld [tilespmem:s11+$0xFFFFFFF0];
	_ =	sdelay $0x2  }
0x269: {  	v7 =	vadd.f32 v7, v6  }
0x26a: {  	v8 =	vadd.f32 v8, v6  }
0x26b: {  	v9 =	vadd.f32 v9, v6;
	v6 =	vadd.f32 v10, v6;
	v7 =	vmul.f32 v7, v3  }
0x26c: {  	v10 =	vor.u32 $0x2, v5;
	v8 =	vmul.f32 v8, v2  }
0x26d: {  	v5 =	vmul.f32 v6, v4;
	[tilespmem:s11+$0xFFFFFFE0] =	vst v7  }
0x26e: {  	v9 =	vmul.f32 v9, v1;
	[tilespmem:s11+$0x10] =	vst v8;
	v7 =	vld [tilespmem:s11+$0x20]  }
0x26f: {  	[tilespmem:s11+$0xFFFFFFF0] =	vst v5;
	v5 =	vld [tilespmem:s11+$0x50]  }
0x270: {  	[tilespmem:s11+$0x0] =	vst v9;
	v9 =	vld [tilespmem:s11+$0x30]  }
0x271: {  	v6 =	vld.idx.msk [tilespmem:v10+s14+$0x0], $0xffff  }
0x272: {  	s19 =	simm.s32 $0x1E120;
	s22 =	simm.s32 $0x1;
	v8 =	vld [tilespmem:s11+$0x40]  }
.LBB2_17:
0x273: {  	_ = 	snop  }
0x274: {  	p1 =	sne.s32 s22, $0xF;
	s11 =	sadd.s32 $0xC0, s11;
	s18 =	sadd.s32 $0x40, s18  }
0x275: {  	s24 =	smov.u32 s22;
	s22 =	sadd.s32 $0x1, s22  }
0x276: {  	v7 =	vadd.f32 v7, v6;
	v9 =	vadd.f32 v9, v6  }
0x277: {  	v5 =	vadd.f32 v5, v6;
	v8 =	vadd.f32 v8, v6  }
0x278: {  	s24 =	sshll.u32 s24, $0x3;
	v3 =	vmul.f32 v7, v3;
	v4 =	vmul.f32 v9, v4  }
0x279: {  	v6 =	vmov s24;
	v2 =	vmul.f32 v5, v2;
	v1 =	vmul.f32 v8, v1  }
0x27a: {  	v5 =	vld [tilespmem:s11+$0xFFFFFFC0];
	[tilespmem:s19+$0x20] =	vst v3  }
0x27b: {  	v7 =	vld [tilespmem:s11+$0xFFFFFFB0];
	[tilespmem:s19+$0x30] =	vst v4  }
0x27c: {  	v8 =	vld [tilespmem:s11+$0xFFFFFFD0];
	[tilespmem:s19+$0x50] =	vst v2  }
0x27d: {  	v9 =	vld [tilespmem:s11+$0xFFFFFFA0];
	[tilespmem:s19+$0x40] =	vst v1;
	s19 =	smov.u32 s11  }
0x27e: {  	v10 =	vld.idx.msk [tilespmem:v6+s14+$0x0], $0xffff  }
0x27f: {  	v1 =	vld [tilespmem:s18+$0x0]  }
0x280: {  	v3 =	vld [tilespmem:s18+$0xFFFFFFE0]  }
0x281: {  	v2 =	vld [tilespmem:s18+$0x10]  }
0x282: {  	v4 =	vld [tilespmem:s18+$0xFFFFFFF0];
	_ =	sdelay $0x1  }
0x283: {  	v9 =	vadd.f32 v9, v10;
	v8 =	vadd.f32 v8, v10  }
0x284: {  	v7 =	vadd.f32 v7, v10;
	v5 =	vadd.f32 v5, v10  }
0x285: {  	v9 =	vmul.f32 v9, v3;
	v8 =	vmul.f32 v8, v2  }
0x286: {  	v10 =	vor.u32 $0x1, v6;
	v5 =	vmul.f32 v5, v1;
	v7 =	vmul.f32 v7, v4  }
0x287: {  	[tilespmem:s11+$0xFFFFFFD0] =	vst v8  }
0x288: {  	[tilespmem:s11+$0xFFFFFFA0] =	vst v9  }
0x289: {  	[tilespmem:s11+$0xFFFFFFB0] =	vst v7;
	v7 =	vld [tilespmem:s11+$0x10]  }
0x28a: {  	[tilespmem:s11+$0xFFFFFFC0] =	vst v5;
	v5 =	vld [tilespmem:s11+$0xFFFFFFF0]  }
0x28b: {  	v8 =	vld.idx.msk [tilespmem:v10+s14+$0x0], $0xffff  }
0x28c: {  	v9 =	vld [tilespmem:s11+$0xFFFFFFE0]  }
0x28d: {  	v10 =	vld [tilespmem:s11+$0x0];
	_ =	sdelay $0x3  }
0x28e: {  	v5 =	vadd.f32 v5, v8;
	v9 =	vadd.f32 v9, v8  }
0x28f: {  	v7 =	vadd.f32 v7, v8;
	v10 =	vadd.f32 v10, v8  }
0x290: {  	v5 =	vmul.f32 v5, v4;
	v8 =	vmul.f32 v9, v3  }
0x291: {  	v6 =	vor.u32 $0x2, v6;
	v7 =	vmul.f32 v7, v2;
	v9 =	vmul.f32 v10, v1  }
0x292: {  	[tilespmem:s11+$0xFFFFFFE0] =	vst v8  }
0x293: {  	[tilespmem:s11+$0x10] =	vst v7  }
.Ltmp7:
0x294: {  	[tilespmem:s11+$0x0] =	vst v9;
	v7 =	vld [tilespmem:s11+$0x20];
	(pc) =	sbr.rel @p1 .LBB2_17-.Ltmp7, $4  }
0x295: {  	[tilespmem:s11+$0xFFFFFFF0] =	vst v5;
	v5 =	vld [tilespmem:s11+$0x50]  }
0x296: {  	v6 =	vld.idx.msk [tilespmem:v6+s14+$0x0], $0xffff  }
0x297: {  	v9 =	vld [tilespmem:s11+$0x30]  }
0x298: {  	v8 =	vld [tilespmem:s11+$0x40]  }
0x299: {  	_ =	sdelay $0x1  }
0x29a: {  	v7 =	vadd.f32 v7, v6  }
0x29b: {  	v5 =	vadd.f32 v5, v6  }
0x29c: {  	v9 =	vadd.f32 v9, v6;
	v3 =	vmul.f32 v7, v3  }
0x29d: {  	v6 =	vadd.f32 v8, v6;
	v2 =	vmul.f32 v5, v2  }
0x29e: {  	v4 =	vmul.f32 v9, v4;
	[tilespmem:s19+$0x20] =	vst v3  }
0x29f: {  	v1 =	vmul.f32 v6, v1;
	[tilespmem:s19+$0x50] =	vst v2  }
0x2a0: {  	[tilespmem:s19+$0x30] =	vst v4  }
0x2a1: {  	[tilespmem:s19+$0x40] =	vst v1  }
0x2a2: {  	v1 =	vld [tilespmem:$0x1F510];
	_ =	sdelay $0x4  }
0x2a3: {  	s11 =	simm.s32 $0x10;
	[tilespmem:$0x1F890] =	vst v1  }
0x2a4: {  	[spmem:s3] =	stream.indirect.scatter.add.f32 [tilespmem:s2], [sflag:$0x6], $0xC0, s28, s11, $0xb8;
	[tilespmem:$0x1F8A0] =	vst v63  }
0x2a5: {  	_ =	swait.ge [sflag:s30], $0xC00  }
0x2a6: {  	[sflag:s30] =	ssyncset.done $0x0;
	s18 =	rddreg [dreg:$0xd]  }
0x2a7: {  	s24 =	simm.s32 $0x1F5D0;
	[sflag:s30] =	ssyncadd.s32 $0xFFFFF400;
	s18 =	sadd.s32 s9, s18  }
0x2a8: {  	[tilespmem:s2], [sflag:$0x4] =	stream.indirect.gather [hbm4b:s21+s11], $0xC0, s24, s11, $0xb8;
	[tilespmem:$0x1F8A0] =	vst v63  }
0x2a9: {  	s19 =	sshll.u32 s18, $0xB  }
0x2aa: {  	s11 =	sor.u32 s15, s19  }
0x2ab: {  	s11 =	sshrl.u32 s11, $0x3  }
0x2ac: {  	s22 =	simm.s32 $0x1F0C0;
	s11 =	sadd.s32 s8, s11  }
0x2ad: {  	[tilespmem:s22], [sflag:$0x4] =	stream.strided.gather [hbm4b:s11+s17], $0x400, s26, s17, $0x38;
	[tilespmem:$0x1F8A0] =	vst v63  }
0x2ae: {  	_ =	swait.ge [sflag:s1], $0xC00  }
0x2af: {  	[sflag:s1] =	ssyncset.done $0x0  }
0x2b0: {  	[sflag:s1] =	ssyncadd.s32 $0xFFFFF400  }
0x2b1: {  	s24 =	simm.s32 $0x80;
	_ =	swait.ge [sflag:s1], $0x400  }
0x2b2: {  	v5 =	vmov s24;
	[sflag:s1] =	ssyncset.done $0x0  }
0x2b3: {  	s11 =	simm.s32 $0x1D520;
	[sflag:s1] =	ssyncadd.s32 $0xFFFFFC00  }
0x2b4: {  	v6 =	vld [tilespmem:s11+$0xFFFFFFC0]  }
0x2b5: {  	v7 =	vld [tilespmem:s11+$0xFFFFFFB0]  }
0x2b6: {  	v8 =	vld [tilespmem:s11+$0xFFFFFFD0]  }
0x2b7: {  	v9 =	vld.idx.msk [tilespmem:v5+s14+$0x0], $0xffff  }
0x2b8: {  	s18 =	simm.s32 $0x1ECE0;
	v10 =	vld [tilespmem:s11+$0xFFFFFFA0]  }
0x2b9: {  	v2 =	vld [tilespmem:s18+$0x10]  }
0x2ba: {  	v3 =	vld [tilespmem:s18+$0xFFFFFFE0]  }
0x2bb: {  	v4 =	vld [tilespmem:s18+$0xFFFFFFF0]  }
0x2bc: {  	v1 =	vld [tilespmem:s18+$0x0];
	v8 =	vadd.f32 v8, v9  }
0x2bd: {  	v10 =	vadd.f32 v10, v9  }
0x2be: {  	v7 =	vadd.f32 v7, v9;
	v8 =	vmul.f32 v8, v2  }
0x2bf: {  	v6 =	vadd.f32 v6, v9;
	v9 =	vmul.f32 v10, v3;
	v10 =	vor.u32 $0x1, v5  }
0x2c0: {  	v7 =	vmul.f32 v7, v4;
	[tilespmem:s11+$0xFFFFFFD0] =	vst v8  }
0x2c1: {  	v6 =	vmul.f32 v6, v1;
	[tilespmem:s11+$0xFFFFFFA0] =	vst v9  }
0x2c2: {  	[tilespmem:s11+$0xFFFFFFB0] =	vst v7;
	v7 =	vld [tilespmem:s11+$0xFFFFFFE0]  }
0x2c3: {  	[tilespmem:s11+$0xFFFFFFC0] =	vst v6;
	v8 =	vld [tilespmem:s11+$0x10]  }
0x2c4: {  	v6 =	vld.idx.msk [tilespmem:v10+s14+$0x0], $0xffff  }
0x2c5: {  	v9 =	vld [tilespmem:s11+$0x0]  }
0x2c6: {  	v10 =	vld [tilespmem:s11+$0xFFFFFFF0];
	_ =	sdelay $0x2  }
0x2c7: {  	v7 =	vadd.f32 v7, v6  }
0x2c8: {  	v8 =	vadd.f32 v8, v6  }
0x2c9: {  	v9 =	vadd.f32 v9, v6;
	v6 =	vadd.f32 v10, v6;
	v7 =	vmul.f32 v7, v3  }
0x2ca: {  	v10 =	vor.u32 $0x2, v5;
	v8 =	vmul.f32 v8, v2  }
0x2cb: {  	v5 =	vmul.f32 v6, v4;
	[tilespmem:s11+$0xFFFFFFE0] =	vst v7  }
0x2cc: {  	v9 =	vmul.f32 v9, v1;
	[tilespmem:s11+$0x10] =	vst v8;
	v7 =	vld [tilespmem:s11+$0x20]  }
0x2cd: {  	[tilespmem:s11+$0xFFFFFFF0] =	vst v5;
	v5 =	vld [tilespmem:s11+$0x50]  }
0x2ce: {  	[tilespmem:s11+$0x0] =	vst v9;
	v9 =	vld [tilespmem:s11+$0x30]  }
0x2cf: {  	v6 =	vld.idx.msk [tilespmem:v10+s14+$0x0], $0xffff  }
0x2d0: {  	s19 =	simm.s32 $0x1D520;
	s22 =	simm.s32 $0x11;
	v8 =	vld [tilespmem:s11+$0x40]  }
.LBB2_19:
0x2d1: {  	_ = 	snop  }
0x2d2: {  	p1 =	sne.s32 s22, $0x1F;
	s11 =	sadd.s32 $0xC0, s11;
	s18 =	sadd.s32 $0x40, s18  }
0x2d3: {  	s24 =	smov.u32 s22;
	s22 =	sadd.s32 $0x1, s22  }
0x2d4: {  	v7 =	vadd.f32 v7, v6;
	v9 =	vadd.f32 v9, v6  }
0x2d5: {  	v5 =	vadd.f32 v5, v6;
	v8 =	vadd.f32 v8, v6  }
0x2d6: {  	s24 =	sshll.u32 s24, $0x3;
	v3 =	vmul.f32 v7, v3;
	v4 =	vmul.f32 v9, v4  }
0x2d7: {  	v6 =	vmov s24;
	v2 =	vmul.f32 v5, v2;
	v1 =	vmul.f32 v8, v1  }
0x2d8: {  	v5 =	vld [tilespmem:s11+$0xFFFFFFC0];
	[tilespmem:s19+$0x20] =	vst v3  }
0x2d9: {  	v7 =	vld [tilespmem:s11+$0xFFFFFFB0];
	[tilespmem:s19+$0x30] =	vst v4  }
0x2da: {  	v8 =	vld [tilespmem:s11+$0xFFFFFFD0];
	[tilespmem:s19+$0x50] =	vst v2  }
0x2db: {  	v9 =	vld [tilespmem:s11+$0xFFFFFFA0];
	[tilespmem:s19+$0x40] =	vst v1;
	s19 =	smov.u32 s11  }
0x2dc: {  	v10 =	vld.idx.msk [tilespmem:v6+s14+$0x0], $0xffff  }
0x2dd: {  	v1 =	vld [tilespmem:s18+$0x0]  }
0x2de: {  	v3 =	vld [tilespmem:s18+$0xFFFFFFE0]  }
0x2df: {  	v2 =	vld [tilespmem:s18+$0x10]  }
0x2e0: {  	v4 =	vld [tilespmem:s18+$0xFFFFFFF0];
	_ =	sdelay $0x1  }
0x2e1: {  	v9 =	vadd.f32 v9, v10;
	v8 =	vadd.f32 v8, v10  }
0x2e2: {  	v7 =	vadd.f32 v7, v10;
	v5 =	vadd.f32 v5, v10  }
0x2e3: {  	v9 =	vmul.f32 v9, v3;
	v8 =	vmul.f32 v8, v2  }
0x2e4: {  	v10 =	vor.u32 $0x1, v6;
	v5 =	vmul.f32 v5, v1;
	v7 =	vmul.f32 v7, v4  }
0x2e5: {  	[tilespmem:s11+$0xFFFFFFD0] =	vst v8  }
0x2e6: {  	[tilespmem:s11+$0xFFFFFFA0] =	vst v9  }
0x2e7: {  	[tilespmem:s11+$0xFFFFFFB0] =	vst v7;
	v7 =	vld [tilespmem:s11+$0x10]  }
0x2e8: {  	[tilespmem:s11+$0xFFFFFFC0] =	vst v5;
	v5 =	vld [tilespmem:s11+$0xFFFFFFF0]  }
0x2e9: {  	v8 =	vld.idx.msk [tilespmem:v10+s14+$0x0], $0xffff  }
0x2ea: {  	v9 =	vld [tilespmem:s11+$0xFFFFFFE0]  }
0x2eb: {  	v10 =	vld [tilespmem:s11+$0x0];
	_ =	sdelay $0x3  }
0x2ec: {  	v5 =	vadd.f32 v5, v8;
	v9 =	vadd.f32 v9, v8  }
0x2ed: {  	v7 =	vadd.f32 v7, v8;
	v10 =	vadd.f32 v10, v8  }
0x2ee: {  	v5 =	vmul.f32 v5, v4;
	v8 =	vmul.f32 v9, v3  }
0x2ef: {  	v6 =	vor.u32 $0x2, v6;
	v7 =	vmul.f32 v7, v2;
	v9 =	vmul.f32 v10, v1  }
0x2f0: {  	[tilespmem:s11+$0xFFFFFFE0] =	vst v8  }
0x2f1: {  	[tilespmem:s11+$0x10] =	vst v7  }
.Ltmp8:
0x2f2: {  	[tilespmem:s11+$0x0] =	vst v9;
	v7 =	vld [tilespmem:s11+$0x20];
	(pc) =	sbr.rel @p1 .LBB2_19-.Ltmp8, $4  }
0x2f3: {  	[tilespmem:s11+$0xFFFFFFF0] =	vst v5;
	v5 =	vld [tilespmem:s11+$0x50]  }
0x2f4: {  	v6 =	vld.idx.msk [tilespmem:v6+s14+$0x0], $0xffff  }
0x2f5: {  	v9 =	vld [tilespmem:s11+$0x30]  }
0x2f6: {  	v8 =	vld [tilespmem:s11+$0x40]  }
0x2f7: {  	_ =	sdelay $0x1  }
0x2f8: {  	v7 =	vadd.f32 v7, v6  }
0x2f9: {  	v5 =	vadd.f32 v5, v6  }
0x2fa: {  	v9 =	vadd.f32 v9, v6;
	v3 =	vmul.f32 v7, v3  }
0x2fb: {  	v6 =	vadd.f32 v8, v6;
	v2 =	vmul.f32 v5, v2  }
0x2fc: {  	v4 =	vmul.f32 v9, v4;
	[tilespmem:s19+$0x20] =	vst v3  }
0x2fd: {  	v1 =	vmul.f32 v6, v1;
	[tilespmem:s19+$0x50] =	vst v2  }
0x2fe: {  	[tilespmem:s19+$0x30] =	vst v4  }
0x2ff: {  	[tilespmem:s19+$0x40] =	vst v1  }
0x300: {  	v1 =	vld [tilespmem:$0x1F520];
	_ =	sdelay $0x4  }
0x301: {  	[tilespmem:$0x1F880] =	vst v1  }
0x302: {  	[spmem:s3] =	stream.indirect.scatter.add.f32 [tilespmem:s0], [sflag:$0x5], $0xC0, s31, s16, $0xb8;
	[tilespmem:$0x1F8A0] =	vst v63  }
0x303: {  	_ =	swait.ge [sflag:s20], $0xC00  }
0x304: {  	[sflag:s20] =	ssyncset.done $0x0;
	s11 =	rddreg [dreg:$0xf]  }
0x305: {  	s18 =	simm.s32 $0x1F5E0;
	[sflag:s20] =	ssyncadd.s32 $0xFFFFF400;
	s11 =	sadd.s32 s9, s11  }
0x306: {  	[tilespmem:s0], [sflag:$0x3] =	stream.indirect.gather [hbm4b:s21+s16], $0xC0, s18, s16, $0xb8;
	[tilespmem:$0x1F8A0] =	vst v63  }
0x307: {  	s11 =	sshll.u32 s11, $0xB  }
0x308: {  	s11 =	sor.u32 s15, s11  }
0x309: {  	s11 =	sshrl.u32 s11, $0x3  }
0x30a: {  	s11 =	sadd.s32 s8, s11  }
0x30b: {  	[tilespmem:s29], [sflag:$0x3] =	stream.strided.gather [hbm4b:s11+s17], $0x400, s26, s17, $0x38;
	[tilespmem:$0x1F8A0] =	vst v63  }
0x30c: {  	_ =	swait.ge [sflag:s23], $0xC00  }
0x30d: {  	[sflag:s23] =	ssyncset.done $0x0  }
0x30e: {  	[sflag:s23] =	ssyncadd.s32 $0xFFFFF400  }
0x30f: {  	s24 =	simm.s32 $0x100;
	_ =	swait.ge [sflag:s23], $0x400  }
0x310: {  	v5 =	vmov s24;
	[sflag:s23] =	ssyncset.done $0x0  }
0x311: {  	s11 =	simm.s32 $0x1E120;
	[sflag:s23] =	ssyncadd.s32 $0xFFFFFC00  }
0x312: {  	v6 =	vld [tilespmem:s11+$0xFFFFFFC0]  }
0x313: {  	v7 =	vld [tilespmem:s11+$0xFFFFFFB0]  }
0x314: {  	v8 =	vld [tilespmem:s11+$0xFFFFFFD0]  }
0x315: {  	v9 =	vld.idx.msk [tilespmem:v5+s14+$0x0], $0xffff  }
0x316: {  	s18 =	simm.s32 $0x1F0E0;
	v10 =	vld [tilespmem:s11+$0xFFFFFFA0]  }
0x317: {  	v2 =	vld [tilespmem:s18+$0x10]  }
0x318: {  	v3 =	vld [tilespmem:s18+$0xFFFFFFE0]  }
0x319: {  	v4 =	vld [tilespmem:s18+$0xFFFFFFF0]  }
0x31a: {  	v1 =	vld [tilespmem:s18+$0x0];
	v8 =	vadd.f32 v8, v9  }
0x31b: {  	v10 =	vadd.f32 v10, v9  }
0x31c: {  	v7 =	vadd.f32 v7, v9;
	v8 =	vmul.f32 v8, v2  }
0x31d: {  	v6 =	vadd.f32 v6, v9;
	v9 =	vmul.f32 v10, v3;
	v10 =	vor.u32 $0x1, v5  }
0x31e: {  	v7 =	vmul.f32 v7, v4;
	[tilespmem:s11+$0xFFFFFFD0] =	vst v8  }
0x31f: {  	v6 =	vmul.f32 v6, v1;
	[tilespmem:s11+$0xFFFFFFA0] =	vst v9  }
0x320: {  	[tilespmem:s11+$0xFFFFFFB0] =	vst v7;
	v7 =	vld [tilespmem:s11+$0xFFFFFFE0]  }
0x321: {  	[tilespmem:s11+$0xFFFFFFC0] =	vst v6;
	v8 =	vld [tilespmem:s11+$0x10]  }
0x322: {  	v6 =	vld.idx.msk [tilespmem:v10+s14+$0x0], $0xffff  }
0x323: {  	v9 =	vld [tilespmem:s11+$0x0]  }
0x324: {  	v10 =	vld [tilespmem:s11+$0xFFFFFFF0];
	_ =	sdelay $0x2  }
0x325: {  	v7 =	vadd.f32 v7, v6  }
0x326: {  	v8 =	vadd.f32 v8, v6  }
0x327: {  	v9 =	vadd.f32 v9, v6;
	v6 =	vadd.f32 v10, v6;
	v7 =	vmul.f32 v7, v3  }
0x328: {  	v10 =	vor.u32 $0x2, v5;
	v8 =	vmul.f32 v8, v2  }
0x329: {  	v5 =	vmul.f32 v6, v4;
	[tilespmem:s11+$0xFFFFFFE0] =	vst v7  }
0x32a: {  	v9 =	vmul.f32 v9, v1;
	[tilespmem:s11+$0x10] =	vst v8;
	v7 =	vld [tilespmem:s11+$0x20]  }
0x32b: {  	[tilespmem:s11+$0xFFFFFFF0] =	vst v5;
	v5 =	vld [tilespmem:s11+$0x50]  }
0x32c: {  	[tilespmem:s11+$0x0] =	vst v9;
	v9 =	vld [tilespmem:s11+$0x30]  }
0x32d: {  	v6 =	vld.idx.msk [tilespmem:v10+s14+$0x0], $0xffff  }
0x32e: {  	s22 =	simm.s32 $0x21;
	s19 =	simm.s32 $0x1E120;
	v8 =	vld [tilespmem:s11+$0x40]  }
.LBB2_21:
0x32f: {  	_ = 	snop  }
0x330: {  	p1 =	sne.s32 s22, $0x2F;
	s11 =	sadd.s32 $0xC0, s11;
	s18 =	sadd.s32 $0x40, s18  }
0x331: {  	s24 =	smov.u32 s22;
	s22 =	sadd.s32 $0x1, s22  }
0x332: {  	v7 =	vadd.f32 v7, v6;
	v9 =	vadd.f32 v9, v6  }
0x333: {  	v5 =	vadd.f32 v5, v6;
	v8 =	vadd.f32 v8, v6  }
0x334: {  	s24 =	sshll.u32 s24, $0x3;
	v3 =	vmul.f32 v7, v3;
	v4 =	vmul.f32 v9, v4  }
0x335: {  	v6 =	vmov s24;
	v2 =	vmul.f32 v5, v2;
	v1 =	vmul.f32 v8, v1  }
0x336: {  	v5 =	vld [tilespmem:s11+$0xFFFFFFC0];
	[tilespmem:s19+$0x20] =	vst v3  }
0x337: {  	v7 =	vld [tilespmem:s11+$0xFFFFFFB0];
	[tilespmem:s19+$0x30] =	vst v4  }
0x338: {  	v8 =	vld [tilespmem:s11+$0xFFFFFFD0];
	[tilespmem:s19+$0x50] =	vst v2  }
0x339: {  	v9 =	vld [tilespmem:s11+$0xFFFFFFA0];
	[tilespmem:s19+$0x40] =	vst v1;
	s19 =	smov.u32 s11  }
0x33a: {  	v10 =	vld.idx.msk [tilespmem:v6+s14+$0x0], $0xffff  }
0x33b: {  	v1 =	vld [tilespmem:s18+$0x0]  }
0x33c: {  	v3 =	vld [tilespmem:s18+$0xFFFFFFE0]  }
0x33d: {  	v2 =	vld [tilespmem:s18+$0x10]  }
0x33e: {  	v4 =	vld [tilespmem:s18+$0xFFFFFFF0];
	_ =	sdelay $0x1  }
0x33f: {  	v9 =	vadd.f32 v9, v10;
	v8 =	vadd.f32 v8, v10  }
0x340: {  	v7 =	vadd.f32 v7, v10;
	v5 =	vadd.f32 v5, v10  }
0x341: {  	v9 =	vmul.f32 v9, v3;
	v8 =	vmul.f32 v8, v2  }
0x342: {  	v10 =	vor.u32 $0x1, v6;
	v5 =	vmul.f32 v5, v1;
	v7 =	vmul.f32 v7, v4  }
0x343: {  	[tilespmem:s11+$0xFFFFFFD0] =	vst v8  }
0x344: {  	[tilespmem:s11+$0xFFFFFFA0] =	vst v9  }
0x345: {  	[tilespmem:s11+$0xFFFFFFB0] =	vst v7;
	v7 =	vld [tilespmem:s11+$0x10]  }
0x346: {  	[tilespmem:s11+$0xFFFFFFC0] =	vst v5;
	v5 =	vld [tilespmem:s11+$0xFFFFFFF0]  }
0x347: {  	v8 =	vld.idx.msk [tilespmem:v10+s14+$0x0], $0xffff  }
0x348: {  	v9 =	vld [tilespmem:s11+$0xFFFFFFE0]  }
0x349: {  	v10 =	vld [tilespmem:s11+$0x0];
	_ =	sdelay $0x3  }
0x34a: {  	v5 =	vadd.f32 v5, v8;
	v9 =	vadd.f32 v9, v8  }
0x34b: {  	v7 =	vadd.f32 v7, v8;
	v10 =	vadd.f32 v10, v8  }
0x34c: {  	v5 =	vmul.f32 v5, v4;
	v8 =	vmul.f32 v9, v3  }
0x34d: {  	v6 =	vor.u32 $0x2, v6;
	v7 =	vmul.f32 v7, v2;
	v9 =	vmul.f32 v10, v1  }
0x34e: {  	[tilespmem:s11+$0xFFFFFFE0] =	vst v8  }
0x34f: {  	[tilespmem:s11+$0x10] =	vst v7  }
.Ltmp9:
0x350: {  	[tilespmem:s11+$0x0] =	vst v9;
	v7 =	vld [tilespmem:s11+$0x20];
	(pc) =	sbr.rel @p1 .LBB2_21-.Ltmp9, $4  }
0x351: {  	[tilespmem:s11+$0xFFFFFFF0] =	vst v5;
	v5 =	vld [tilespmem:s11+$0x50]  }
0x352: {  	v6 =	vld.idx.msk [tilespmem:v6+s14+$0x0], $0xffff  }
0x353: {  	v9 =	vld [tilespmem:s11+$0x30]  }
0x354: {  	v8 =	vld [tilespmem:s11+$0x40]  }
0x355: {  	_ =	sdelay $0x1  }
0x356: {  	v7 =	vadd.f32 v7, v6  }
0x357: {  	v5 =	vadd.f32 v5, v6  }
0x358: {  	v9 =	vadd.f32 v9, v6;
	v3 =	vmul.f32 v7, v3  }
0x359: {  	v6 =	vadd.f32 v8, v6;
	v2 =	vmul.f32 v5, v2  }
0x35a: {  	v4 =	vmul.f32 v9, v4;
	[tilespmem:s19+$0x20] =	vst v3  }
0x35b: {  	v1 =	vmul.f32 v6, v1;
	[tilespmem:s19+$0x50] =	vst v2  }
0x35c: {  	[tilespmem:s19+$0x30] =	vst v4  }
0x35d: {  	[tilespmem:s19+$0x40] =	vst v1  }
0x35e: {  	v1 =	vld [tilespmem:$0x1F530];
	_ =	sdelay $0x4  }
0x35f: {  	[tilespmem:$0x1F890] =	vst v1  }
0x360: {  	[spmem:s3] =	stream.indirect.scatter.add.f32 [tilespmem:s2], [sflag:$0x6], $0xC0, s28, s16, $0xb8;
	[tilespmem:$0x1F8A0] =	vst v63  }
0x361: {  	_ =	swait.ge [sflag:s30], $0xC00  }
0x362: {  	[sflag:s30] =	ssyncset.done $0x0;
	s11 =	rddreg [dreg:$0x11]  }
0x363: {  	s18 =	simm.s32 $0x1F5F0;
	[sflag:s30] =	ssyncadd.s32 $0xFFFFF400;
	s11 =	sadd.s32 s9, s11  }
0x364: {  	[tilespmem:s2], [sflag:$0x4] =	stream.indirect.gather [hbm4b:s21+s16], $0xC0, s18, s16, $0xb8;
	[tilespmem:$0x1F8A0] =	vst v63  }
0x365: {  	s11 =	sshll.u32 s11, $0xB  }
0x366: {  	s11 =	sor.u32 s15, s11  }
0x367: {  	s11 =	sshrl.u32 s11, $0x3  }
0x368: {  	s22 =	simm.s32 $0x1F0C0;
	s11 =	sadd.s32 s8, s11  }
0x369: {  	[tilespmem:s22], [sflag:$0x4] =	stream.strided.gather [hbm4b:s11+s17], $0x400, s26, s17, $0x38;
	[tilespmem:$0x1F8A0] =	vst v63  }
0x36a: {  	_ =	swait.ge [sflag:s1], $0xC00  }
0x36b: {  	[sflag:s1] =	ssyncset.done $0x0  }
0x36c: {  	[sflag:s1] =	ssyncadd.s32 $0xFFFFF400  }
0x36d: {  	s24 =	simm.s32 $0x180;
	_ =	swait.ge [sflag:s1], $0x400  }
0x36e: {  	v5 =	vmov s24;
	[sflag:s1] =	ssyncset.done $0x0  }
0x36f: {  	s11 =	simm.s32 $0x1D520;
	[sflag:s1] =	ssyncadd.s32 $0xFFFFFC00  }
0x370: {  	v6 =	vld [tilespmem:s11+$0xFFFFFFC0]  }
0x371: {  	v7 =	vld [tilespmem:s11+$0xFFFFFFB0]  }
0x372: {  	v8 =	vld [tilespmem:s11+$0xFFFFFFD0]  }
0x373: {  	v9 =	vld.idx.msk [tilespmem:v5+s14+$0x0], $0xffff  }
0x374: {  	s18 =	simm.s32 $0x1ECE0;
	v10 =	vld [tilespmem:s11+$0xFFFFFFA0]  }
0x375: {  	v2 =	vld [tilespmem:s18+$0x10]  }
0x376: {  	v3 =	vld [tilespmem:s18+$0xFFFFFFE0]  }
0x377: {  	v4 =	vld [tilespmem:s18+$0xFFFFFFF0]  }
0x378: {  	v1 =	vld [tilespmem:s18+$0x0];
	v8 =	vadd.f32 v8, v9  }
0x379: {  	v10 =	vadd.f32 v10, v9  }
0x37a: {  	v7 =	vadd.f32 v7, v9;
	v8 =	vmul.f32 v8, v2  }
0x37b: {  	v6 =	vadd.f32 v6, v9;
	v9 =	vmul.f32 v10, v3;
	v10 =	vor.u32 $0x1, v5  }
0x37c: {  	v7 =	vmul.f32 v7, v4;
	[tilespmem:s11+$0xFFFFFFD0] =	vst v8  }
0x37d: {  	v6 =	vmul.f32 v6, v1;
	[tilespmem:s11+$0xFFFFFFA0] =	vst v9  }
0x37e: {  	[tilespmem:s11+$0xFFFFFFB0] =	vst v7;
	v7 =	vld [tilespmem:s11+$0xFFFFFFE0]  }
0x37f: {  	[tilespmem:s11+$0xFFFFFFC0] =	vst v6;
	v8 =	vld [tilespmem:s11+$0x10]  }
0x380: {  	v6 =	vld.idx.msk [tilespmem:v10+s14+$0x0], $0xffff  }
0x381: {  	v9 =	vld [tilespmem:s11+$0x0]  }
0x382: {  	v10 =	vld [tilespmem:s11+$0xFFFFFFF0];
	_ =	sdelay $0x2  }
0x383: {  	v7 =	vadd.f32 v7, v6  }
0x384: {  	v8 =	vadd.f32 v8, v6  }
0x385: {  	v9 =	vadd.f32 v9, v6;
	v6 =	vadd.f32 v10, v6;
	v7 =	vmul.f32 v7, v3  }
0x386: {  	v10 =	vor.u32 $0x2, v5;
	v8 =	vmul.f32 v8, v2  }
0x387: {  	v5 =	vmul.f32 v6, v4;
	[tilespmem:s11+$0xFFFFFFE0] =	vst v7  }
0x388: {  	v9 =	vmul.f32 v9, v1;
	[tilespmem:s11+$0x10] =	vst v8;
	v7 =	vld [tilespmem:s11+$0x20]  }
0x389: {  	[tilespmem:s11+$0xFFFFFFF0] =	vst v5;
	v5 =	vld [tilespmem:s11+$0x50]  }
0x38a: {  	[tilespmem:s11+$0x0] =	vst v9;
	v9 =	vld [tilespmem:s11+$0x30]  }
0x38b: {  	v6 =	vld.idx.msk [tilespmem:v10+s14+$0x0], $0xffff  }
0x38c: {  	s19 =	simm.s32 $0x1D520;
	s22 =	simm.s32 $0x31;
	v8 =	vld [tilespmem:s11+$0x40]  }
.LBB2_23:
0x38d: {  	_ = 	snop  }
0x38e: {  	p1 =	sne.s32 s22, $0x3F;
	s11 =	sadd.s32 $0xC0, s11;
	s18 =	sadd.s32 $0x40, s18  }
0x38f: {  	s24 =	smov.u32 s22;
	s22 =	sadd.s32 $0x1, s22  }
0x390: {  	v7 =	vadd.f32 v7, v6;
	v9 =	vadd.f32 v9, v6  }
0x391: {  	v5 =	vadd.f32 v5, v6;
	v8 =	vadd.f32 v8, v6  }
0x392: {  	s24 =	sshll.u32 s24, $0x3;
	v3 =	vmul.f32 v7, v3;
	v4 =	vmul.f32 v9, v4  }
0x393: {  	v6 =	vmov s24;
	v2 =	vmul.f32 v5, v2;
	v1 =	vmul.f32 v8, v1  }
0x394: {  	v5 =	vld [tilespmem:s11+$0xFFFFFFC0];
	[tilespmem:s19+$0x20] =	vst v3  }
0x395: {  	v7 =	vld [tilespmem:s11+$0xFFFFFFB0];
	[tilespmem:s19+$0x30] =	vst v4  }
0x396: {  	v8 =	vld [tilespmem:s11+$0xFFFFFFD0];
	[tilespmem:s19+$0x50] =	vst v2  }
0x397: {  	v9 =	vld [tilespmem:s11+$0xFFFFFFA0];
	[tilespmem:s19+$0x40] =	vst v1;
	s19 =	smov.u32 s11  }
0x398: {  	v10 =	vld.idx.msk [tilespmem:v6+s14+$0x0], $0xffff  }
0x399: {  	v1 =	vld [tilespmem:s18+$0x0]  }
0x39a: {  	v3 =	vld [tilespmem:s18+$0xFFFFFFE0]  }
0x39b: {  	v2 =	vld [tilespmem:s18+$0x10]  }
0x39c: {  	v4 =	vld [tilespmem:s18+$0xFFFFFFF0];
	_ =	sdelay $0x1  }
0x39d: {  	v9 =	vadd.f32 v9, v10;
	v8 =	vadd.f32 v8, v10  }
0x39e: {  	v7 =	vadd.f32 v7, v10;
	v5 =	vadd.f32 v5, v10  }
0x39f: {  	v9 =	vmul.f32 v9, v3;
	v8 =	vmul.f32 v8, v2  }
0x3a0: {  	v10 =	vor.u32 $0x1, v6;
	v5 =	vmul.f32 v5, v1;
	v7 =	vmul.f32 v7, v4  }
0x3a1: {  	[tilespmem:s11+$0xFFFFFFD0] =	vst v8  }
0x3a2: {  	[tilespmem:s11+$0xFFFFFFA0] =	vst v9  }
0x3a3: {  	[tilespmem:s11+$0xFFFFFFB0] =	vst v7;
	v7 =	vld [tilespmem:s11+$0x10]  }
0x3a4: {  	[tilespmem:s11+$0xFFFFFFC0] =	vst v5;
	v5 =	vld [tilespmem:s11+$0xFFFFFFF0]  }
0x3a5: {  	v8 =	vld.idx.msk [tilespmem:v10+s14+$0x0], $0xffff  }
0x3a6: {  	v9 =	vld [tilespmem:s11+$0xFFFFFFE0]  }
0x3a7: {  	v10 =	vld [tilespmem:s11+$0x0];
	_ =	sdelay $0x3  }
0x3a8: {  	v5 =	vadd.f32 v5, v8;
	v9 =	vadd.f32 v9, v8  }
0x3a9: {  	v7 =	vadd.f32 v7, v8;
	v10 =	vadd.f32 v10, v8  }
0x3aa: {  	v5 =	vmul.f32 v5, v4;
	v8 =	vmul.f32 v9, v3  }
0x3ab: {  	v6 =	vor.u32 $0x2, v6;
	v7 =	vmul.f32 v7, v2;
	v9 =	vmul.f32 v10, v1  }
0x3ac: {  	[tilespmem:s11+$0xFFFFFFE0] =	vst v8  }
0x3ad: {  	[tilespmem:s11+$0x10] =	vst v7  }
.Ltmp10:
0x3ae: {  	[tilespmem:s11+$0x0] =	vst v9;
	v7 =	vld [tilespmem:s11+$0x20];
	(pc) =	sbr.rel @p1 .LBB2_23-.Ltmp10, $4  }
0x3af: {  	[tilespmem:s11+$0xFFFFFFF0] =	vst v5;
	v5 =	vld [tilespmem:s11+$0x50]  }
0x3b0: {  	v6 =	vld.idx.msk [tilespmem:v6+s14+$0x0], $0xffff  }
0x3b1: {  	v9 =	vld [tilespmem:s11+$0x30]  }
0x3b2: {  	v8 =	vld [tilespmem:s11+$0x40]  }
0x3b3: {  	_ =	sdelay $0x1  }
0x3b4: {  	v7 =	vadd.f32 v7, v6  }
0x3b5: {  	v5 =	vadd.f32 v5, v6  }
0x3b6: {  	v9 =	vadd.f32 v9, v6;
	v3 =	vmul.f32 v7, v3  }
0x3b7: {  	v6 =	vadd.f32 v8, v6;
	v2 =	vmul.f32 v5, v2  }
0x3b8: {  	v4 =	vmul.f32 v9, v4;
	[tilespmem:s19+$0x20] =	vst v3  }
0x3b9: {  	v1 =	vmul.f32 v6, v1;
	[tilespmem:s19+$0x50] =	vst v2  }
0x3ba: {  	[tilespmem:s19+$0x30] =	vst v4  }
0x3bb: {  	[tilespmem:s19+$0x40] =	vst v1  }
0x3bc: {  	v1 =	vld [tilespmem:$0x1F540];
	_ =	sdelay $0x4  }
0x3bd: {  	[tilespmem:$0x1F880] =	vst v1  }
0x3be: {  	[spmem:s3] =	stream.indirect.scatter.add.f32 [tilespmem:s0], [sflag:$0x5], $0xC0, s31, s16, $0xb8;
	[tilespmem:$0x1F8A0] =	vst v63  }
0x3bf: {  	_ =	swait.ge [sflag:s20], $0xC00  }
0x3c0: {  	p1 =	sgt.u32 s7, $0xF8;
	[sflag:s20] =	ssyncset.done $0x0  }
0x3c1: {  	s7 =	simm.s32 @!p1 $0x1;
	[sflag:s20] =	ssyncadd.s32 $0xFFFFF400  }
0x3c2: {  	_ =	swait.ge @!p1 [sflag:s7], $0x50  }
0x3c3: {  	[sflag:s7] =	ssyncset.done @!p1 $0x0  }
0x3c4: {  	[sflag:s7] =	ssyncadd.s32 @!p1 $0xFFFFFFB0  }
0x3c5: {  	_ =	swait.ge @!p1 [sflag:s7], $0x50  }
0x3c6: {  	[sflag:s7] =	ssyncset.done @!p1 $0x0  }
0x3c7: {  	s11 =	simm.s32 @!p1 $0x1F560;
	[sflag:s7] =	ssyncadd.s32 @!p1 $0xFFFFFFB0;
	s7 =	rddreg [dreg:$0x12]  }
0x3c8: {  	s18 =	simm.s32 @!p1 $0x1D4C0;
	s7 =	sadd.s32 @!p1 s9, s7;
	s9 =	simm.s32 @!p1 $0x10  }
0x3c9: {  	[tilespmem:s18], [sflag:$0x3] =	stream.indirect.gather @!p1 [hbm4b:s21+s9], $0xC0, s11, s9, $0xb8;
	[tilespmem:$0x1F8A0] =	vst v63  }
0x3ca: {  	s7 =	sshll.u32 @!p1 s7, $0xB  }
0x3cb: {  	s7 =	sor.u32 @!p1 s15, s7  }
0x3cc: {  	s9 =	simm.s32 @!p1 $0x40;
	s7 =	sshrl.u32 @!p1 s7, $0x3  }
0x3cd: {  	s11 =	simm.s32 @!p1 $0x80;
	s18 =	simm.s32 @!p1 $0x1ECC0;
	s7 =	sadd.s32 @!p1 s8, s7  }
0x3ce: {  	[tilespmem:s18], [sflag:$0x3] =	stream.strided.gather @!p1 [hbm4b:s7+s9], $0x400, s11, s9, $0x38;
	[tilespmem:$0x1F8A0] =	vst v63  }
0x3cf: {  	_ =	swait.ge [sflag:s23], $0xC00  }
0x3d0: {  	[sflag:s23] =	ssyncset.done $0x0  }
0x3d1: {  	[sflag:s23] =	ssyncadd.s32 $0xFFFFF400  }
0x3d2: {  	s24 =	simm.s32 $0x200;
	_ =	swait.ge [sflag:s23], $0x400  }
0x3d3: {  	v5 =	vmov s24;
	[sflag:s23] =	ssyncset.done $0x0  }
0x3d4: {  	s7 =	simm.s32 $0x1E120;
	[sflag:s23] =	ssyncadd.s32 $0xFFFFFC00  }
0x3d5: {  	v6 =	vld [tilespmem:s7+$0xFFFFFFC0]  }
0x3d6: {  	v7 =	vld [tilespmem:s7+$0xFFFFFFB0]  }
0x3d7: {  	v8 =	vld [tilespmem:s7+$0xFFFFFFD0]  }
0x3d8: {  	v9 =	vld.idx.msk [tilespmem:v5+s14+$0x0], $0xffff  }
0x3d9: {  	s9 =	simm.s32 $0x1F0E0;
	v10 =	vld [tilespmem:s7+$0xFFFFFFA0]  }
0x3da: {  	v2 =	vld [tilespmem:s9+$0x10]  }
0x3db: {  	v3 =	vld [tilespmem:s9+$0xFFFFFFE0]  }
0x3dc: {  	v4 =	vld [tilespmem:s9+$0xFFFFFFF0]  }
0x3dd: {  	v1 =	vld [tilespmem:s9+$0x0];
	v8 =	vadd.f32 v8, v9  }
0x3de: {  	v10 =	vadd.f32 v10, v9  }
0x3df: {  	v7 =	vadd.f32 v7, v9;
	v8 =	vmul.f32 v8, v2  }
0x3e0: {  	v6 =	vadd.f32 v6, v9;
	v9 =	vmul.f32 v10, v3;
	v10 =	vor.u32 $0x1, v5  }
0x3e1: {  	v7 =	vmul.f32 v7, v4;
	[tilespmem:s7+$0xFFFFFFD0] =	vst v8  }
0x3e2: {  	v6 =	vmul.f32 v6, v1;
	[tilespmem:s7+$0xFFFFFFA0] =	vst v9  }
0x3e3: {  	[tilespmem:s7+$0xFFFFFFB0] =	vst v7;
	v7 =	vld [tilespmem:s7+$0xFFFFFFE0]  }
0x3e4: {  	[tilespmem:s7+$0xFFFFFFC0] =	vst v6;
	v8 =	vld [tilespmem:s7+$0x10]  }
0x3e5: {  	v6 =	vld.idx.msk [tilespmem:v10+s14+$0x0], $0xffff  }
0x3e6: {  	v9 =	vld [tilespmem:s7+$0x0]  }
0x3e7: {  	v10 =	vld [tilespmem:s7+$0xFFFFFFF0];
	_ =	sdelay $0x2  }
0x3e8: {  	v7 =	vadd.f32 v7, v6  }
0x3e9: {  	v8 =	vadd.f32 v8, v6  }
0x3ea: {  	v9 =	vadd.f32 v9, v6;
	v6 =	vadd.f32 v10, v6;
	v7 =	vmul.f32 v7, v3  }
0x3eb: {  	v10 =	vor.u32 $0x2, v5;
	v8 =	vmul.f32 v8, v2  }
0x3ec: {  	v5 =	vmul.f32 v6, v4;
	[tilespmem:s7+$0xFFFFFFE0] =	vst v7  }
0x3ed: {  	v9 =	vmul.f32 v9, v1;
	[tilespmem:s7+$0x10] =	vst v8;
	v7 =	vld [tilespmem:s7+$0x20]  }
0x3ee: {  	[tilespmem:s7+$0xFFFFFFF0] =	vst v5;
	v5 =	vld [tilespmem:s7+$0x50]  }
0x3ef: {  	[tilespmem:s7+$0x0] =	vst v9;
	v9 =	vld [tilespmem:s7+$0x30]  }
0x3f0: {  	v6 =	vld.idx.msk [tilespmem:v10+s14+$0x0], $0xffff  }
0x3f1: {  	s18 =	simm.s32 $0x41;
	s11 =	simm.s32 $0x1E120;
	v8 =	vld [tilespmem:s7+$0x40]  }
.LBB2_25:
0x3f2: {  	_ = 	snop  }
0x3f3: {  	p1 =	sne.s32 s18, $0x4F;
	s7 =	sadd.s32 $0xC0, s7;
	s9 =	sadd.s32 $0x40, s9  }
0x3f4: {  	s19 =	smov.u32 s18;
	s18 =	sadd.s32 $0x1, s18  }
0x3f5: {  	v7 =	vadd.f32 v7, v6;
	v9 =	vadd.f32 v9, v6  }
0x3f6: {  	v5 =	vadd.f32 v5, v6;
	v8 =	vadd.f32 v8, v6  }
0x3f7: {  	s19 =	sshll.u32 s19, $0x3;
	v3 =	vmul.f32 v7, v3;
	v4 =	vmul.f32 v9, v4  }
0x3f8: {  	v6 =	vmov s19;
	v2 =	vmul.f32 v5, v2;
	v1 =	vmul.f32 v8, v1  }
0x3f9: {  	v5 =	vld [tilespmem:s7+$0xFFFFFFC0];
	[tilespmem:s11+$0x20] =	vst v3  }
0x3fa: {  	v7 =	vld [tilespmem:s7+$0xFFFFFFB0];
	[tilespmem:s11+$0x30] =	vst v4  }
0x3fb: {  	v8 =	vld [tilespmem:s7+$0xFFFFFFD0];
	[tilespmem:s11+$0x50] =	vst v2  }
0x3fc: {  	v9 =	vld [tilespmem:s7+$0xFFFFFFA0];
	[tilespmem:s11+$0x40] =	vst v1;
	s11 =	smov.u32 s7  }
0x3fd: {  	v10 =	vld.idx.msk [tilespmem:v6+s14+$0x0], $0xffff  }
0x3fe: {  	v1 =	vld [tilespmem:s9+$0x0]  }
0x3ff: {  	v3 =	vld [tilespmem:s9+$0xFFFFFFE0]  }
0x400: {  	v2 =	vld [tilespmem:s9+$0x10]  }
0x401: {  	v4 =	vld [tilespmem:s9+$0xFFFFFFF0];
	_ =	sdelay $0x1  }
0x402: {  	v9 =	vadd.f32 v9, v10;
	v8 =	vadd.f32 v8, v10  }
0x403: {  	v7 =	vadd.f32 v7, v10;
	v5 =	vadd.f32 v5, v10  }
0x404: {  	v9 =	vmul.f32 v9, v3;
	v8 =	vmul.f32 v8, v2  }
0x405: {  	v10 =	vor.u32 $0x1, v6;
	v5 =	vmul.f32 v5, v1;
	v7 =	vmul.f32 v7, v4  }
0x406: {  	[tilespmem:s7+$0xFFFFFFD0] =	vst v8  }
0x407: {  	[tilespmem:s7+$0xFFFFFFA0] =	vst v9  }
0x408: {  	[tilespmem:s7+$0xFFFFFFB0] =	vst v7;
	v7 =	vld [tilespmem:s7+$0x10]  }
0x409: {  	[tilespmem:s7+$0xFFFFFFC0] =	vst v5;
	v5 =	vld [tilespmem:s7+$0xFFFFFFF0]  }
0x40a: {  	v8 =	vld.idx.msk [tilespmem:v10+s14+$0x0], $0xffff  }
0x40b: {  	v9 =	vld [tilespmem:s7+$0xFFFFFFE0]  }
0x40c: {  	v10 =	vld [tilespmem:s7+$0x0];
	_ =	sdelay $0x3  }
0x40d: {  	v5 =	vadd.f32 v5, v8;
	v9 =	vadd.f32 v9, v8  }
0x40e: {  	v7 =	vadd.f32 v7, v8;
	v10 =	vadd.f32 v10, v8  }
0x40f: {  	v5 =	vmul.f32 v5, v4;
	v8 =	vmul.f32 v9, v3  }
0x410: {  	v6 =	vor.u32 $0x2, v6;
	v7 =	vmul.f32 v7, v2;
	v9 =	vmul.f32 v10, v1  }
0x411: {  	[tilespmem:s7+$0xFFFFFFE0] =	vst v8  }
0x412: {  	[tilespmem:s7+$0x10] =	vst v7  }
.Ltmp11:
0x413: {  	[tilespmem:s7+$0x0] =	vst v9;
	v7 =	vld [tilespmem:s7+$0x20];
	(pc) =	sbr.rel @p1 .LBB2_25-.Ltmp11, $4  }
0x414: {  	[tilespmem:s7+$0xFFFFFFF0] =	vst v5;
	v5 =	vld [tilespmem:s7+$0x50]  }
0x415: {  	v6 =	vld.idx.msk [tilespmem:v6+s14+$0x0], $0xffff  }
0x416: {  	v9 =	vld [tilespmem:s7+$0x30]  }
0x417: {  	v8 =	vld [tilespmem:s7+$0x40]  }
0x418: {  	_ =	sdelay $0x1  }
0x419: {  	v7 =	vadd.f32 v7, v6  }
0x41a: {  	v5 =	vadd.f32 v5, v6  }
0x41b: {  	v9 =	vadd.f32 v9, v6;
	v3 =	vmul.f32 v7, v3  }
0x41c: {  	v63 =	vadd.f32 v8, v6;
	v2 =	vmul.f32 v5, v2  }
0x41d: {  	v4 =	vmul.f32 v9, v4;
	[tilespmem:s11+$0x20] =	vst v3  }
0x41e: {  	v1 =	vmul.f32 v63, v1;
	[tilespmem:s11+$0x50] =	vst v2  }
0x41f: {  	[tilespmem:s11+$0x30] =	vst v4  }
0x420: {  	[tilespmem:s11+$0x40] =	vst v1  }
0x421: {  	v1 =	vld [tilespmem:$0x1F550];
	_ =	sdelay $0x1  }
.Ltmp12:
0x422: {  	_ = 	snop;
	(pc) =	sbr.rel @p0 .LBB2_28-.Ltmp12, $3  }
0x423: {  	_ =	sdelay $0x1  }
0x424: {  	s22 =	simm.s32 $0x0;
	s24 =	smov.u32 s25;
	[tilespmem:$0x1F890] =	vst v1  }
0x425: {  	[spmem:s3] =	stream.indirect.scatter.add.f32 [tilespmem:s2], [sflag:$0x6], $0xC0, s28, s16, $0xb8;
	[tilespmem:$0x1F8A0] =	vst v63  }
0x426: {  	s7 =	rddreg [dreg:$0x17]  }
0x427: {  	s6 =	sadd.s32 s6, s7  }
0x428: {  	s6 =	smul.u32 $0xA, s6  }
0x429: {  	s18 =	rddreg [dreg:$0x5];
	s9 =	simm.s32 $0x1F510  }
.Ltmp13:
0x42a: {  	s19 =	rddreg [dreg:$0x6];
	s7 =	sadd.s32 s18, s6;
	(pc) =	sbr.rel .LBB2_6-.Ltmp13, $4  }
0x42b: {  	[tilespmem:s9], [sflag:$0x2] =	stream.linear.gather [hbm4b:s7+s22], $0x50, $0x38;
	[tilespmem:$0x1F8A0] =	vst v63  }
0x42c: {  	s25 =	simm.s32 $0x1F5B0;
	s6 =	sadd.s32 s19, s6  }
0x42d: {  	[tilespmem:s25], [sflag:$0x2] =	stream.linear.gather [hbm4b:s6+s22], $0x50, $0x38;
	[tilespmem:$0x1F8A0] =	vst v63  }
0x42e: {  	s4 =	sadd.s32 $0x1, s4;
	s25 =	smov.u32 s12  }
.LBB2_28:
0x42f: {  	_ =	swait.ge [sflag:s30], $0xC00  }
0x430: {  	[sflag:s30] =	ssyncset.done $0x0  }
0x431: {  	s4 =	simm.s32 $0x0;
	[sflag:s30] =	ssyncadd.s32 $0xFFFFF400  }
0x432: {  	s6 =	simm.s32 $0x0;
	s25 =	smov.u32 s12;
	[bflag:$0x0] =	sbarrier.arrive $0xFFFF  }
.LBB2_29:
0x433: {  	s7 =	smul.u32 $0x5, s6  }
0x434: {  	s9 =	rddreg [dreg:$0x14]  }
0x435: {  	s7 =	sadd.s32 s9, s7  }
0x436: {  	s9 =	smul.u32 $0xC0, s7;
	_ =	sdelay $0x1  }
0x437: {  	s11 =	sadd.s32 s9, s3  }
0x438: {  	[tilespmem:s0], [sflag:$0x7] =	stream.linear.gather [spmem:s11], $0x3C0, $0x38;
	[tilespmem:$0x1F8A0] =	vst v63  }
0x439: {  	_ =	swait.ge [sflag:s5], $0x3C0  }
0x43a: {  	s18 =	rddreg [dreg:$0xe];
	[sflag:s5] =	ssyncset.done $0x0  }
0x43b: {  	s9 =	sadd.s32 s18, s9;
	[sflag:s5] =	ssyncadd.s32 $0xFFFFFC40  }
0x43c: {  	s9 =	sshrl.u32 s9, $0x3;
	s19 =	rddreg [dreg:$0x1]  }
0x43d: {  	s9 =	sadd.s32 s19, s9  }
0x43e: {  	[hbm4b:s9+s4] =	stream.linear.scatter [tilespmem:s0], [sflag:$0x7], $0x3C0, $0x38;
	[tilespmem:$0x1F8A0] =	vst v63  }
0x43f: {  	_ =	swait.ge [sflag:s5], $0x3C0  }
0x440: {  	[sflag:s5] =	ssyncset.done $0x0  }
0x441: {  	s9 =	simm.s32 $0x1D520;
	[sflag:s5] =	ssyncadd.s32 $0xFFFFFC40  }
0x442: {  	v1 =	vld [tilespmem:s9+$0xFFFFFFE0]  }
0x443: {  	v2 =	vld [tilespmem:s9+$0xFFFFFFA0];
	_ =	sdelay $0x1  }
0x444: {  	v3 =	vld [tilespmem:s9+$0x20];
	_ =	sdelay $0x2  }
0x445: {  	v2 =	vmul.f32 v2, v2;
	v1 =	vmul.f32 v1, v1;
	_ =	sdelay $0x1  }
0x446: {  	v1 =	vadd.f32 v1, v2;
	v2 =	vmul.f32 v3, v3;
	_ =	sdelay $0x1  }
0x447: {  	v1 =	vadd.f32 v2, v1  }
0x448: {  	s11 =	simm.s32 $0x0  }
0x449: {  	[tilespmem:s11+$0x1ECC0] =	vst v1  }
0x44a: {  	v1 =	vld [tilespmem:s9+$0xFFFFFFF0]  }
0x44b: {  	v2 =	vld [tilespmem:s9+$0xFFFFFFB0];
	_ =	sdelay $0x1  }
0x44c: {  	v3 =	vld [tilespmem:s9+$0x30];
	_ =	sdelay $0x2  }
0x44d: {  	v2 =	vmul.f32 v2, v2;
	v1 =	vmul.f32 v1, v1;
	_ =	sdelay $0x1  }
0x44e: {  	v1 =	vadd.f32 v1, v2;
	v2 =	vmul.f32 v3, v3;
	_ =	sdelay $0x1  }
0x44f: {  	v1 =	vadd.f32 v2, v1;
	_ =	sdelay $0x1  }
0x450: {  	[tilespmem:s11+$0x1ECD0] =	vst v1  }
0x451: {  	v1 =	vld [tilespmem:s9+$0xFFFFFFC0]  }
0x452: {  	v2 =	vld [tilespmem:s9+$0x0];
	_ =	sdelay $0x1  }
0x453: {  	v3 =	vld [tilespmem:s9+$0x40];
	_ =	sdelay $0x2  }
0x454: {  	v1 =	vmul.f32 v1, v1;
	v2 =	vmul.f32 v2, v2;
	_ =	sdelay $0x1  }
0x455: {  	v1 =	vadd.f32 v2, v1;
	v2 =	vmul.f32 v3, v3;
	_ =	sdelay $0x1  }
0x456: {  	v1 =	vadd.f32 v2, v1;
	_ =	sdelay $0x1  }
0x457: {  	[tilespmem:s11+$0x1ECE0] =	vst v1  }
0x458: {  	v1 =	vld [tilespmem:s9+$0xFFFFFFD0]  }
0x459: {  	v3 =	vld [tilespmem:s9+$0x10]  }
0x45a: {  	v4 =	vld [tilespmem:s9+$0x50];
	_ =	sdelay $0x3  }
0x45b: {  	v2 =	vmul.f32 v1, v1  }
0x45c: {  	s18 =	simm.s32 $0x100;
	v3 =	vmul.f32 v3, v3;
	v1 =	vmul.f32 v4, v4  }
.LBB2_30:
0x45d: {  	p0 =	sne.s32 s18, $0x400  }
0x45e: {  	v2 =	vadd.f32 v3, v2;
	s9 =	sadd.s32 $0xC0, s9;
	s19 =	smov.u32 s18;
	s18 =	sadd.s32 $0x100, s18  }
0x45f: {  	_ = 	snop  }
0x460: {  	v1 =	vadd.f32 v1, v2;
	_ =	sdelay $0x1  }
0x461: {  	[tilespmem:s11+$0x1ECF0] =	vst v1  }
0x462: {  	v1 =	vld [tilespmem:s9+$0xFFFFFFE0]  }
0x463: {  	v2 =	vld [tilespmem:s9+$0xFFFFFFA0];
	_ =	sdelay $0x1  }
0x464: {  	v3 =	vld [tilespmem:s9+$0x20];
	_ =	sdelay $0x2  }
0x465: {  	v1 =	vmul.f32 v1, v1;
	v2 =	vmul.f32 v2, v2;
	_ =	sdelay $0x1  }
0x466: {  	v1 =	vadd.f32 v1, v2;
	v2 =	vmul.f32 v3, v3;
	_ =	sdelay $0x1  }
0x467: {  	v1 =	vadd.f32 v2, v1  }
0x468: {  	s11 =	sshra.s32 s19, $0x2  }
0x469: {  	[tilespmem:s11+$0x1ECC0] =	vst v1  }
0x46a: {  	v1 =	vld [tilespmem:s9+$0xFFFFFFF0]  }
0x46b: {  	v2 =	vld [tilespmem:s9+$0xFFFFFFB0];
	_ =	sdelay $0x1  }
0x46c: {  	v3 =	vld [tilespmem:s9+$0x30];
	_ =	sdelay $0x2  }
0x46d: {  	v1 =	vmul.f32 v1, v1;
	v2 =	vmul.f32 v2, v2;
	_ =	sdelay $0x1  }
0x46e: {  	v1 =	vadd.f32 v1, v2;
	v2 =	vmul.f32 v3, v3;
	_ =	sdelay $0x1  }
0x46f: {  	v1 =	vadd.f32 v2, v1;
	_ =	sdelay $0x1  }
0x470: {  	[tilespmem:s11+$0x1ECD0] =	vst v1  }
0x471: {  	v1 =	vld [tilespmem:s9+$0xFFFFFFC0]  }
0x472: {  	v2 =	vld [tilespmem:s9+$0x0];
	_ =	sdelay $0x1  }
0x473: {  	v3 =	vld [tilespmem:s9+$0x40];
	_ =	sdelay $0x2  }
0x474: {  	v1 =	vmul.f32 v1, v1;
	v2 =	vmul.f32 v2, v2;
	_ =	sdelay $0x1  }
0x475: {  	v1 =	vadd.f32 v2, v1;
	v2 =	vmul.f32 v3, v3;
	_ =	sdelay $0x1  }
0x476: {  	v1 =	vadd.f32 v2, v1;
	_ =	sdelay $0x1  }
0x477: {  	[tilespmem:s11+$0x1ECE0] =	vst v1  }
0x478: {  	v1 =	vld [tilespmem:s9+$0xFFFFFFD0]  }
0x479: {  	v3 =	vld [tilespmem:s9+$0x10]  }
0x47a: {  	v4 =	vld [tilespmem:s9+$0x50]  }
.Ltmp14:
0x47b: {  	(pc) =	sbr.rel @p0 .LBB2_30-.Ltmp14, $4  }
0x47c: {  	_ = 	snop  }
0x47d: {  	v2 =	vmul.f32 v1, v1  }
0x47e: {  	v3 =	vmul.f32 v3, v3  }
0x47f: {  	v1 =	vmul.f32 v4, v4  }
0x480: {  	v2 =	vadd.f32 v3, v2  }
0x481: {  	s7 =	sshll.u32 s7, $0x6;
	s9 =	rddreg [dreg:$0x10]  }
0x482: {  	s6 =	sadd.s32 $0x1, s6;
	s7 =	sadd.s32 s9, s7;
	v1 =	vadd.f32 v1, v2  }
0x483: {  	s19 =	rddreg [dreg:$0x2];
	p0 =	sne.s32 s6, $0x7D;
	s7 =	sshrl.u32 s7, $0x3  }
.Ltmp15:
0x484: {  	s7 =	sadd.s32 s19, s7;
	[tilespmem:s11+$0x1ECF0] =	vst v1;
	(pc) =	sbr.rel @p0 .LBB2_29-.Ltmp15, $4  }
0x485: {  	[hbm4b:s7+s22] =	stream.linear.scatter [tilespmem:s29], [sflag:$0x7], $0x140, $0x38;
	[tilespmem:$0x1F8A0] =	vst v63  }
0x486: {  	_ =	swait.ge [sflag:s5], $0x140  }
0x487: {  	[sflag:s5] =	ssyncset.done $0x0  }
0x488: {  	[sflag:s5] =	ssyncadd.s32 $0xFFFFFEC0  }
0x489: {  	s6 =	rddreg [dreg:$0x18]  }
0x48a: {  	s4 =	rddreg [dreg:$0x13];
	s6 =	sadd.s32 $0x1, s6  }
0x48b: {  	p0 =	sne.s32 s6, s4  }
.Ltmp16:
0x48c: {  	_ = 	snop;
	(pc) =	sbr.rel @p0 .LBB2_1-.Ltmp16, $1  }
0x48d: {  	_ =	sdelay $0x3  }
0x48e: {  	_ =	sfence.sel $0x180000  }
0x48f: {  	[bflag:$0x0] =	sbarrier.arrive $0xFFFF  }
0x490: {  	_ =	strace $0x9000004A  }
0x491: {  	s0 =	stileid.u32;
	[bflag:$0x2] =	sbarrier.arrive $0xFFFF  }
0x492: {  	p0 =	sne.s32 s0, $0x0;
	s0 =	rddreg [dreg:$0x4]  }
0x493: {  	s0 =	sadd.s32 @!p0 $0x100000, s0  }
0x494: {  	[sflag:s0] =	ssyncadd.tile.s32 @!p0 $0x1;
	_ =	shalt  }
.Lfunc_end2:
_tile_overlayer_lowered:
.L_overlay_start_2:
0x495: {  	(tag) =	ssettag $0x2  }
0x496: {  	s0 =	rddreg [dreg:$0x0];
	s2 =	stileid.u32  }
0x497: {  	s1 =	rddreg [dreg:$0x1];
	p0 =	sne.s32 s2, $0x0  }
0x498: {  	s3 =	rddreg [dreg:$0x2];
	[bflag:$0x3] =	sbarrier.arrive $0xFFFF;
	s2 =	simm.s32 @!p0 $0x1C07  }
0x499: {  	[timem:s3], [sflag:s2] =	dma.local @!p0 [hbm:s0], s1  }
0x49a: {  	s0 =	simm.s32 @!p0 $0x7  }
0x49b: {  	_ =	swait.ge @!p0 [sflag:s0], s1  }
0x49c: {  	s1 =	ssub.s32 @!p0 $0x0, s1;
	[sflag:s0] =	ssyncset.done @!p0 $0x0  }
0x49d: {  	[sflag:s0] =	ssyncadd.s32 @!p0 s1  }
0x49e: {  	[bflag:$0x3] =	sbarrier.arrive $0xFFFF  }
0x49f: {  	_ =	shalt  }

// kernel: sparse-core-data-format-call.cloned.1.call-start
scs
called_computation_lowered:
.L_overlay_start_0:
0x0: {  	s1 =	sld [smem:$0x3FD9]  }
0x1: {  	s2 =	sld [smem:$0x3FFE];
	_ =	sdelay $0x1  }
0x2: {  	s3 =	srdreg.scid  }
0x3: {  	s0 =	sand.u32 $0x1, s3  }
0x4: {  	s17 =	sshll.u32 s0, $0xA;
	s1 =	sadd.s32 s2, s1  }
0x5: {  	s1 =	sadd.s32 s1, s17  }
0x6: {  	[smem:$0x3FC4] =	sst s1  }
0x7: {  	_ = 	snop  }
0x8: {  	(tm) =	ssettm $0x1  }
0x9: {  	s18 =	sld [smem:$0x3FFB];
	_ =	sdelay $0x3  }
0xa: {  	_ =	strace s18  }
0xb: {  	s1 =	sld [smem:$0x3FFC];
	_ =	sdelay $0x3  }
0xc: {  	_ =	strace s1  }
0xd: {  	s1 =	sld [smem:$0x3FFD];
	_ =	sdelay $0x3  }
0xe: {  	_ =	strace s1  }
0xf: {  	_ =	strace $0x8FFFFFFF  }
0x10: {  	s19 =	sld [smem:$0x3FDB];
	_ =	sdelay $0x1  }
0x11: {  	s20 =	simm.s32 $_scs_section_size  }
0x12: {  	s4 =	simm.s32 $_size__tile_overlayer_lowered;
	s5 =	simm.s32 $_tile_overlayer_lowered  }
0x13: {  	s23 =	simm.s32 $0x1BFF;
	s22 =	sshll.u32 s5, $0x1;
	s1 =	sadd.s32 s20, s19  }
0x14: {  	s6 =	simm.s32 $0x0;
	s21 =	sshll.u32 s4, $0x1;
	s4 =	sadd.s32 s22, s1  }
0x15: {  	[timem:s6], [sflag:s23] =	dma.local [hbm:s4], s21  }
0x16: {  	_ =	swait.ge [sflag:s23], s21  }
0x17: {  	s2 =	ssub.s32 $0x0, s21;
	[sflag:s23] =	ssyncset.done $0x0  }
0x18: {  	[sflag:s23] =	ssyncadd.s32 s2;
	_ =	sdelay $0x1  }
0x19: {  	s24 =	simm.s32 $0x1B8B  }
0x1a: {  	_ =	swait.ge [sflag:s24], $0x1  }
0x1b: {  	[sflag:s24] =	ssyncset.done $0x0  }
0x1c: {  	s26 =	simm.s32 $0x1B8E;
	s25 =	sld [smem:$0x3FFE];
	[sflag:s24] =	ssyncadd.s32 $0xFFFFFFFF  }
0x1d: {  	s27 =	simm.s32 $execute0_lowered;
	[smem:$0x3FD2] =	sst s26  }
0x1e: {  	s4 =	sshll.u32 s27, $0x1;
	_ =	strace $0x80000046;
	[dreg:$0x1] =	wrdreg $0xFFFFFFFF  }
0x1f: {  	s28 =	simm.s32 $_size_execute0_lowered;
	s1 =	sadd.s32 s1, s4;
	[dreg:$0x0] =	wrdreg $0x0  }
0x20: {  	s4 =	sshll.u32 s28, $0x1;
	[dreg:$0x2] =	wrdreg s1  }
0x21: {  	[dreg:$0x3] =	wrdreg s4  }
0x22: {  	[dreg:$0x4] =	wrdreg $0xC0  }
0x23: {  	_ =	task [dreg:s6], $0x5FFFF  }
0x24: {  	[dreg:$0x1] =	wrdreg $0xFFFFFFFF  }
0x25: {  	[dreg:$0x0] =	wrdreg $0x60  }
0x26: {  	[dreg:$0x2] =	wrdreg s25  }
0x27: {  	[dreg:$0x3] =	wrdreg $0x9  }
0x28: {  	_ =	task.clear_ibuf [dreg:s6], $0x4FFFF;
	_ =	strace $0x90000046  }
0x29: {  	s29 =	simm.s32 $0x9;
	_ =	strace $0x80000048  }
0x2a: {  	_ =	swait.ge [sflag:s29], $0x1  }
0x2b: {  	[sflag:s29] =	ssyncadd.s32 $0xFFFFFFFF  }
0x2c: {  	_ =	strace $0x90000048  }
0x2d: {  	_ =	sfence  }
0x2e: {  	s30 =	sld [smem:$0x0];
	_ =	sdelay $0x2  }
0x2f: {  	s31 =	sshll.u32 s3, $0xD;
	s3 =	sshrl.u32 s3, $0x2  }
0x30: {  	s2 =	sand.u32 $0x4000, s31;
	s1 =	sadd.s32 s3, s30  }
0x31: {  	s0 =	sor.u32 s2, s0;
	s1 =	sshll.u32 s1, $0x11  }
0x32: {  	s0 =	sor.u32 s1, s0  }
0x33: {  	s0 =	sadd.s32 $0x8F2B, s0  }
0x34: {  	[sflag:s0] =	ssyncadd.remote.s32 $0x1  }
0x35: {  	_ =	sfence.sel $0xFFFF  }
0x36: {  	[dreg:$0x0] =	wrdreg $0xFFFFFFFF;
	(pc) =	sbr.abs _section_cstart, $3  }
0x37: {  	[dreg:$0x1] =	wrdreg $0xFFFFFFFF  }
0x38: {  	_ =	task.clear_ibuf [dreg:s6], $0x2FFFF;
	_ =	strace $0x9FFFFFFF  }
0x39: {  	(tm) =	ssettm $0x7FFFFFFF  }
tec
execute0_lowered:
.L_overlay_start_1:
0x0: {  	(tag) =	ssettag $0x1  }
0x1: {  	s0 =	stileid.u32  }
0x2: {  	s1 =	srdreg.scid;
	s7 =	rddreg [dreg:$0x0]  }
0x3: {  	s31 =	simm.s32 $0x2;
	s15 =	simm.s32 $0x0;
	s9 =	simm.s32 $0x100  }
0x4: {  	s14 =	simm.s32 $0x0;
	s2 =	sshll.u32 s0, $0x7;
	s1 =	sshll.u32 s1, $0xB  }
0x5: {  	s16 =	simm.s32 $0x0;
	s11 =	simm.s32 $0x0;
	s1 =	sor.u32 s2, s1  }
0x6: {  	s13 =	simm.s32 $0x0;
	s3 =	sand.u32 $0x1, s0;
	s2 =	sand.u32 $0xF00, s1  }
0x7: {  	s5 =	ssub.s32 $0x2, s3;
	s1 =	rddreg [dreg:$0x1];
	s4 =	ssub.s32 $0x4E200, s2  }
0x8: {  	s8 =	sshrl.u32 s5, $0x1;
	s5 =	sand.u32 $0x1, s5;
	s6 =	sand.u32 $0xF00, s4  }
0x9: {  	_ =	strace $0x80000047;
	p0 =	sne.s32 s6, $0x0;
	s6 =	simm.s32 $0x1  }
.Ltmp0:
0xa: {  	s4 =	sshrl.u32 s4, $0xC;
	s6 =	simm.s32 @!p0 $0x0;
	(pc) =	sbr.rel .LBB1_1-.Ltmp0, $4  }
0xb: {  	s8 =	sadd.s32 s5, s8;
	s5 =	simm.s32 $0x1;
	s6 =	sadd.s32 s6, s4  }
0xc: {  	s12 =	smov.u32 s3;
	[sflag:s5] =	ssyncpa.u1 $0x0;
	s6 =	smul.u32 s8, s6  }
0xd: {  	s10 =	smov.u32 s2;
	[sflag:s31] =	ssyncpa.u1 $0x0;
	p0 =	por $0x0, $0x0  }
0xe: {  	s4 =	sadd.s32 $0x1600, s7;
	s7 =	sadd.s32 $0x4E3600, s7;
	s8 =	sadd.s32 $0x1, s6  }
.LBB1_4:
0xf: {  	_ = 	snop  }
0x10: {  	[tilespmem:s21+$0x1860 ss:$0x41] =	vst.msk $0xffff, v8  }
0x11: {  	[tilespmem:s21+$0x1C70 ss:$0x41] =	vst.msk $0xffff, v7  }
0x12: {  	[tilespmem:s21+$0x2490 ss:$0x41] =	vst.msk $0xffff, v1  }
0x13: {  	s24 =	sor.u32 s27, s26;
	v47 =	vld.idx.msk [tilespmem:v0+s19+$0x470 ss:$0x1], $0xffff;
	[tilespmem:s21+$0x28A0 ss:$0x41] =	vst.msk $0xffff, v2  }
0x14: {  	[tilespmem:s21+$0x2CB0 ss:$0x41] =	vst.msk $0xffff, v3;
	v57 =	vld.idx.msk [tilespmem:v0+s24+$0x410 ss:$0x1], $0xffff  }
0x15: {  	[tilespmem:s21+$0x30C0 ss:$0x41] =	vst.msk $0xffff, v4;
	v58 =	vld.idx.msk [tilespmem:v0+s24+$0x420 ss:$0x1], $0xffff  }
0x16: {  	[tilespmem:s21+$0x34D0 ss:$0x41] =	vst.msk $0xffff, v5;
	v59 =	vld.idx.msk [tilespmem:v0+s24+$0x430 ss:$0x1], $0xffff  }
0x17: {  	s29 =	sshra.s32 s22, $0x2;
	[tilespmem:s21+$0x38E0 ss:$0x41] =	vst.msk $0xffff, v6;
	v60 =	vld.idx.msk [tilespmem:v0+s24+$0x440 ss:$0x1], $0xffff  }
0x18: {  	s25 =	sand.u32 $0x3B00, s24;
	s19 =	sadd.s32 s29, s20;
	v61 =	vld.idx.msk [tilespmem:v0+s24+$0x450 ss:$0x1], $0xffff;
	[tilespmem:s21+$0x3CF0 ss:$0x41] =	vst.msk $0xffff, v47  }
0x19: {  	s23 =	sand.u32 $0x80, s23;
	v62 =	vld.idx.msk [tilespmem:v0+s24+$0x460 ss:$0x1], $0xffff;
	s18 =	sadd.s32 s25, s18;
	[tilespmem:s19+$0x2490 ss:$0x41] =	vst.msk $0xffff, v57  }
0x1a: {  	v63 =	vld.idx.msk [tilespmem:v0+s24+$0x470 ss:$0x1], $0xffff;
	s18 =	sadd.s32 s23, s18;
	[tilespmem:s19+$0x28A0 ss:$0x41] =	vst.msk $0xffff, v58  }
0x1b: {  	v48 =	vld [tilespmem:s18+$0x400];
	[tilespmem:s19+$0x2CB0 ss:$0x41] =	vst.msk $0xffff, v59  }
0x1c: {  	v49 =	vld [tilespmem:s18+$0x0];
	[tilespmem:s19+$0x30C0 ss:$0x41] =	vst.msk $0xffff, v60  }
0x1d: {  	v50 =	vld [tilespmem:s18+$0x10];
	[tilespmem:s19+$0x34D0 ss:$0x41] =	vst.msk $0xffff, v61  }
0x1e: {  	v51 =	vld [tilespmem:s18+$0x20];
	[tilespmem:s19+$0x38E0 ss:$0x41] =	vst.msk $0xffff, v62  }
0x1f: {  	v52 =	vld [tilespmem:s18+$0x30];
	[tilespmem:s19+$0x3CF0 ss:$0x41] =	vst.msk $0xffff, v63  }
0x20: {  	v53 =	vld [tilespmem:s18+$0x40];
	[tilespmem:s19+$0x2080 ss:$0x41] =	vst.msk $0xffff, v48  }
0x21: {  	v54 =	vld [tilespmem:s18+$0x50];
	[tilespmem:s19+$0x0 ss:$0x41] =	vst.msk $0xffff, v49  }
0x22: {  	v55 =	vld [tilespmem:s18+$0x60];
	[tilespmem:s19+$0x410 ss:$0x41] =	vst.msk $0xffff, v50  }
0x23: {  	v56 =	vld [tilespmem:s18+$0x70];
	[tilespmem:s19+$0x820 ss:$0x41] =	vst.msk $0xffff, v51  }
0x24: {  	s16 =	sshll.u32 s16, $0x4;
	[tilespmem:s19+$0xC30 ss:$0x41] =	vst.msk $0xffff, v52  }
0x25: {  	s15 =	sshll.u32 s15, $0x5;
	s16 =	sand.u32 $0x10, s16;
	[tilespmem:s19+$0x1040 ss:$0x41] =	vst.msk $0xffff, v53  }
0x26: {  	s30 =	sshrl.u32 s14, $0x3;
	s31 =	sand.u32 $0x7, s14;
	s16 =	sadd.s32 s7, s16;
	[tilespmem:s19+$0x1450 ss:$0x41] =	vst.msk $0xffff, v54  }
0x27: {  	s14 =	sshll.u32 s31, $0x12;
	s15 =	sadd.s32 s15, s16;
	s18 =	sand.u32 $0xF, s30;
	[tilespmem:s19+$0x1860 ss:$0x41] =	vst.msk $0xffff, v55  }
0x28: {  	s14 =	sor.u32 $0x40, s14;
	s15 =	sadd.s32 s18, s15;
	[tilespmem:s19+$0x1C70 ss:$0x41] =	vst.msk $0xffff, v56  }
0x29: {  	[hbm4b:s15+s14] =	stream.strided.scatter [tilespmem:s17], [sflag:$0x2], $0x4000, s9, s14, $0x18;
	[tilespmem:$0x10200] =	vst v63  }
.LBB1_5:
0x2a: {  	s17 =	sadd.s32 $0x1000, s10  }
0x2b: {  	s14 =	sadd.s32 $0x40, s11;
	s18 =	smov.u32 s11;
	p2 =	sgt.s32 s17, $0x4E1FF  }
0x2c: {  	s18 =	smov.u32 @p2 s14  }
0x2d: {  	s20 =	smov.u32 s12;
	s14 =	sadd.s32 $0x2, s12;
	p3 =	sgt.s32 s18, $0x3F  }
0x2e: {  	s20 =	smov.u32 @p3 s14  }
0x2f: {  	s17 =	smov.u32 @p2 s2;
	p2 =	sgt.s32 s20, $0x1  }
0x30: {  	p1 =	slt.u32 s13, $0x2;
	s20 =	smov.u32 @p2 s3;
	p2 =	sne.s32 s13, s8  }
.Ltmp1:
0x31: {  	s19 =	simm.s32 @!p1 $0x2;
	(pc) =	sbr.rel @!p2 .LBB1_6-.Ltmp1, $4  }
0x32: {  	s15 =	smov.u32 s10;
	s16 =	smov.u32 s12;
	_ =	swait.ge @!p1 [sflag:s19], $0x4000  }
0x33: {  	p0 =	por !p0, !p0;
	[sflag:s19] =	ssyncset.done @!p1 $0x0;
	s10 =	smov.u32 s17  }
0x34: {  	s18 =	simm.s32 @p3 $0x0;
	s14 =	smov.u32 s11;
	[sflag:s19] =	ssyncadd.s32 @!p1 $0xFFFFC000  }
0x35: {  	s11 =	smov.u32 s18;
	s13 =	sadd.s32 $0x1, s13;
	s12 =	smov.u32 s20  }
.LBB1_1:
0x36: {  	p1 =	sge.u32 s13, s6  }
0x37: {  	s17 =	sshrl.u32 @!p1 s11, $0x3  }
0x38: {  	s18 =	sshll.u32 @!p1 s10, $0x3;
	s17 =	smul.u32 @!p1 $0x271000, s17  }
0x39: {  	s19 =	sshll.u32 @!p1 s11, $0x7;
	s18 =	sand.u32 @!p1 $0xFFFFFC00, s18  }
0x3a: {  	s17 =	sadd.s32 @!p1 s17, s18;
	s18 =	sand.u32 @!p1 $0x380, s19  }
0x3b: {  	s19 =	sand.u32 @!p1 $0x7F, s10;
	s17 =	sor.u32 @!p1 s18, s17  }
0x3c: {  	s18 =	sor.u32 @!p1 s19, s17  }
0x3d: {  	s19 =	smulhi.u32 @!p1 $0xD1B71759, s18  }
0x3e: {  	s17 =	smulhi.u32 @!p1 $0xD1B71759, s17  }
0x3f: {  	s19 =	sshrl.u32 @!p1 s19, $0x12  }
0x40: {  	s31 =	sadd.s32 $0xFFFFFFFF, s13;
	s17 =	sshrl.u32 @!p1 s17, $0x12;
	s19 =	smul.u32 @!p1 $0x4E200, s19  }
0x41: {  	s20 =	sxor.u32 @!p1 $0xFFFFFFFF, s13;
	s21 =	smul.u32 @!p1 $0x271000, s12;
	s17 =	sand.u32 @!p1 $0x3F, s17  }
0x42: {  	s20 =	sshll.u32 @!p1 s20, $0xE;
	s17 =	smul.u32 @!p1 $0x9C40, s17;
	s18 =	ssub.s32 @!p1 s18, s19  }
0x43: {  	s19 =	sand.u32 @!p1 $0x4000, s20;
	s20 =	sadd.s32 @!p1 s4, s21;
	s21 =	sand.u32 @!p1 $0x7, s18  }
0x44: {  	s18 =	sshrl.u32 @!p1 s18, $0x3;
	s17 =	sadd.s32 @!p1 s17, s20;
	s20 =	sshll.u32 @!p1 s21, $0x12  }
0x45: {  	s17 =	sadd.s32 @!p1 s18, s17;
	s18 =	sor.u32 @!p1 $0x800, s20;
	s20 =	simm.s32 @!p1 $0x271000  }
0x46: {  	[tilespmem:s19], [sflag:$0x1] =	stream.strided.gather @!p1 [hbm4b:s17+s18], $0x4000, s20, s18, $0x38;
	[tilespmem:$0x10200] =	vst v63  }
0x47: {  	p1 =	sge.u32 s31, s6  }
.Ltmp2:
0x48: {  	_ = 	snop;
	(pc) =	sbr.rel @p1 .LBB1_5-.Ltmp2, $1  }
0x49: {  	_ =	sdelay $0x3  }
0x4a: {  	s20 =	simm.s32 $0x0  }
0x4b: {  	s19 =	sand.u32 $0x3800, s20;
	s21 =	sand.u32 $0x380, s20  }
0x4c: {  	s17 =	sand.u32 $0x1, s13;
	s19 =	sor.u32 s21, s19  }
0x4d: {  	_ =	swait.ge [sflag:s5], $0x4000;
	s18 =	sshll.u32 s17, $0xE;
	s21 =	sand.u32 $0x3B00, s19  }
0x4e: {  	[sflag:s5] =	ssyncset.done $0x0;
	s20 =	sand.u32 $0x80, s20;
	s21 =	sadd.s32 s21, s18  }
0x4f: {  	[sflag:s5] =	ssyncadd.s32 $0xFFFFC000;
	s23 =	sadd.s32 s20, s21  }
0x50: {  	v4 =	vld [tilespmem:s23+$0x400]  }
0x51: {  	s22 =	simm.s32 $0x1;
	v5 =	vld [tilespmem:s23+$0x0]  }
0x52: {  	s22 =	simm.s32 @!p0 $0x0;
	v6 =	vld [tilespmem:s23+$0x10]  }
0x53: {  	v0 =	vmov s18;
	s31 =	smul.u32 $0x10400, s22;
	v7 =	vld [tilespmem:s23+$0x20]  }
0x54: {  	v9 =	vld [tilespmem:s23+$0x30]  }
0x55: {  	s20 =	sshrl.u32 s31, $0x2;
	v10 =	vld [tilespmem:s23+$0x40]  }
0x56: {  	s20 =	sor.u32 $0x8000, s20;
	v11 =	vld [tilespmem:s23+$0x50]  }
0x57: {  	v8 =	vld [tilespmem:s23+$0x60];
	s21 =	sadd.s32 $0x0, s20  }
0x58: {  	v1 =	vld.idx.msk [tilespmem:v0+s19+$0x410 ss:$0x1], $0xffff;
	[tilespmem:s21+$0x2080 ss:$0x41] =	vst.msk $0xffff, v4  }
0x59: {  	v2 =	vld.idx.msk [tilespmem:v0+s19+$0x420 ss:$0x1], $0xffff;
	[tilespmem:s21+$0x0 ss:$0x41] =	vst.msk $0xffff, v5  }
0x5a: {  	v3 =	vld.idx.msk [tilespmem:v0+s19+$0x430 ss:$0x1], $0xffff;
	[tilespmem:s21+$0x410 ss:$0x41] =	vst.msk $0xffff, v6  }
0x5b: {  	s17 =	smul.u32 $0x10400, s17;
	[tilespmem:s21+$0x820 ss:$0x41] =	vst.msk $0xffff, v7;
	v7 =	vld [tilespmem:s23+$0x70]  }
0x5c: {  	s24 =	simm.s32 $0x100;
	s25 =	simm.s32 $0x8;
	[tilespmem:s21+$0xC30 ss:$0x41] =	vst.msk $0xffff, v9;
	v4 =	vld.idx.msk [tilespmem:v0+s19+$0x440 ss:$0x1], $0xffff  }
0x5d: {  	s26 =	sand.u32 $0x3800, s24;
	s17 =	sshrl.u32 s17, $0x2;
	[tilespmem:s21+$0x1040 ss:$0x41] =	vst.msk $0xffff, v10;
	v5 =	vld.idx.msk [tilespmem:v0+s19+$0x450 ss:$0x1], $0xffff;
	s23 =	simm.s32 $0x80  }
0x5e: {  	s22 =	simm.s32 $0x4;
	s17 =	sor.u32 $0x8000, s17;
	[tilespmem:s21+$0x1450 ss:$0x41] =	vst.msk $0xffff, v11;
	v6 =	vld.idx.msk [tilespmem:v0+s19+$0x460 ss:$0x1], $0xffff;
	s27 =	sand.u32 $0x380, s23  }
.LBB1_3:
0x5f: {  	p1 =	sne.s32 s25, $0xFC;
	[tilespmem:s21+$0x1860 ss:$0x41] =	vst.msk $0xffff, v8;
	v8 =	vld.idx.msk [tilespmem:v0+s19+$0x470 ss:$0x1], $0xffff;
	s19 =	sor.u32 s27, s26  }
0x60: {  	s26 =	sand.u32 $0x3B00, s19;
	v9 =	vld.idx.msk [tilespmem:v0+s19+$0x410 ss:$0x1], $0xffff;
	[tilespmem:s21+$0x1C70 ss:$0x41] =	vst.msk $0xffff, v7  }
0x61: {  	s27 =	sand.u32 $0x80, s23;
	s26 =	sadd.s32 s26, s18;
	v7 =	vld.idx.msk [tilespmem:v0+s19+$0x420 ss:$0x1], $0xffff;
	[tilespmem:s21+$0x2490 ss:$0x41] =	vst.msk $0xffff, v1  }
0x62: {  	s26 =	sadd.s32 s27, s26;
	v10 =	vld.idx.msk [tilespmem:v0+s19+$0x430 ss:$0x1], $0xffff;
	[tilespmem:s21+$0x28A0 ss:$0x41] =	vst.msk $0xffff, v2  }
0x63: {  	v11 =	vld [tilespmem:s26+$0x400];
	[tilespmem:s21+$0x2CB0 ss:$0x41] =	vst.msk $0xffff, v3  }
0x64: {  	v12 =	vld [tilespmem:s26+$0x0];
	[tilespmem:s21+$0x30C0 ss:$0x41] =	vst.msk $0xffff, v4  }
0x65: {  	v4 =	vld [tilespmem:s26+$0x10];
	[tilespmem:s21+$0x34D0 ss:$0x41] =	vst.msk $0xffff, v5  }
0x66: {  	s27 =	sshra.s32 s22, $0x2;
	s22 =	smov.u32 s25;
	v1 =	vmov v9;
	v5 =	vld [tilespmem:s26+$0x20];
	[tilespmem:s21+$0x38E0 ss:$0x41] =	vst.msk $0xffff, v6  }
0x67: {  	v2 =	vmov v7;
	v6 =	vld [tilespmem:s26+$0x30];
	[tilespmem:s21+$0x3CF0 ss:$0x41] =	vst.msk $0xffff, v8;
	s21 =	sadd.s32 s27, s20  }
0x68: {  	v3 =	vmov v10;
	v9 =	vld [tilespmem:s26+$0x40];
	[tilespmem:s21+$0x2080 ss:$0x41] =	vst.msk $0xffff, v11  }
0x69: {  	[tilespmem:s21+$0x0 ss:$0x41] =	vst.msk $0xffff, v12;
	v10 =	vld [tilespmem:s26+$0x50]  }
.Ltmp3:
0x6a: {  	[tilespmem:s21+$0x410 ss:$0x41] =	vst.msk $0xffff, v4;
	v8 =	vld [tilespmem:s26+$0x60];
	(pc) =	sbr.rel @p1 .LBB1_3-.Ltmp3, $4  }
0x6b: {  	[tilespmem:s21+$0x820 ss:$0x41] =	vst.msk $0xffff, v5;
	v7 =	vld [tilespmem:s26+$0x70]  }
0x6c: {  	[tilespmem:s21+$0xC30 ss:$0x41] =	vst.msk $0xffff, v6;
	v4 =	vld.idx.msk [tilespmem:v0+s19+$0x440 ss:$0x1], $0xffff  }
0x6d: {  	s23 =	sadd.s32 $0x80, s23;
	s24 =	sadd.s32 $0x100, s24;
	[tilespmem:s21+$0x1040 ss:$0x41] =	vst.msk $0xffff, v9;
	v5 =	vld.idx.msk [tilespmem:v0+s19+$0x450 ss:$0x1], $0xffff  }
0x6e: {  	s25 =	sadd.s32 $0x4, s25;
	s27 =	sand.u32 $0x380, s23;
	s26 =	sand.u32 $0x3800, s24;
	[tilespmem:s21+$0x1450 ss:$0x41] =	vst.msk $0xffff, v10;
	v6 =	vld.idx.msk [tilespmem:v0+s19+$0x460 ss:$0x1], $0xffff  }
.Ltmp4:
0x6f: {  	_ = 	snop;
	(pc) =	sbr.rel .LBB1_4-.Ltmp4, $1  }
0x70: {  	_ =	sdelay $0x3  }
.LBB1_6:
0x71: {  	_ =	sfence.sel $0x180000  }
0x72: {  	s2 =	simm.s32 $0x1;
	[bflag:$0x0] =	sbarrier.arrive $0xFFFF  }
0x73: {  	s31 =	simm.s32 $0x2;
	[sflag:s2] =	ssyncpa.u1 $0x1  }
0x74: {  	[sflag:s31] =	ssyncpa.u1 $0x1  }
0x75: {  	p0 =	sne.s32 s0, $0x0;
	_ =	strace $0x90000047  }
0x76: {  	s0 =	sadd.s32 @!p0 $0x100000, s1;
	[bflag:$0x2] =	sbarrier.arrive $0xFFFF  }
0x77: {  	[sflag:s0] =	ssyncadd.tile.s32 @!p0 $0x1;
	_ =	shalt  }
.Lfunc_end1:
_tile_overlayer_lowered:
.L_overlay_start_2:
0x78: {  	(tag) =	ssettag $0x2  }
0x79: {  	s0 =	rddreg [dreg:$0x0];
	s2 =	stileid.u32  }
0x7a: {  	s1 =	rddreg [dreg:$0x1];
	p0 =	sne.s32 s2, $0x0  }
0x7b: {  	s3 =	rddreg [dreg:$0x2];
	[bflag:$0x3] =	sbarrier.arrive $0xFFFF;
	s2 =	simm.s32 @!p0 $0x1C01  }
0x7c: {  	[timem:s3], [sflag:s2] =	dma.local @!p0 [hbm:s0], s1  }
0x7d: {  	s0 =	simm.s32 @!p0 $0x1  }
0x7e: {  	_ =	swait.ge @!p0 [sflag:s0], s1  }
0x7f: {  	s1 =	ssub.s32 @!p0 $0x0, s1;
	[sflag:s0] =	ssyncset.done @!p0 $0x0  }
0x80: {  	[sflag:s0] =	ssyncadd.s32 @!p0 s1  }
0x81: {  	[bflag:$0x3] =	sbarrier.arrive $0xFFFF  }
0x82: {  	_ =	shalt  }

</sc_bundles>
